<compile_context>
chip_gen: v7x
topology: tpu7x:2x2x1
jax: 0.10.2.dev20260603
libtpu: 0.0.44.dev20260713+nightly
codegen_flags: <defaults>
</compile_context>

<pallas_src>
import functools

import jax
import jax.numpy as jnp
from jax import lax
from jax.experimental import pallas as pl
from jax.experimental.pallas import tpu as pltpu
from jax.experimental.pallas import tpu_sc as plsc

N = 4096
NC = 2
NS = 16
L = 16
E = 2048
CAP = 2 * E + 160
ZC = 2048
SPAN_FULL = 440
SPAN_TAIL = 288
SLAB = SPAN_FULL * N
WINDOWS = [(0, SPAN_FULL), (880, SPAN_FULL), (1760, SPAN_FULL),
           (2640, SPAN_FULL), (3520, SPAN_TAIL)]


def _sc_body(np_total, rows_hbm, cols_hbm, vals_hbm, out_hbm,
             r_v, c_v, v_v, idxf, valf, idx2d, val2d, zbuf, acc):
    core = lax.axis_index("c")
    tid = lax.axis_index("s")
    S = np_total // NS
    nchunk = S // E

    zvec = jnp.zeros((L,), jnp.float32)

    def zfill(j, _):
        zbuf[pl.ds(j * L, L)] = zvec
        return 0

    lax.fori_loop(0, ZC // L, zfill, 0)
    izero = jnp.zeros((L,), jnp.int32)
    for kk in range(8):
        idxf[pl.ds(kk * L, L)] = izero

    def flush_full_groups(cnt):
        nfull = cnt // 128

        def gbody(g, _):
            gb = g * 128
            for kk in range(8):
                src = pl.ds(gb + kk * L, L)
                idx2d[0, pl.ds(kk * L, L)] = idxf[src]
                val2d[0, pl.ds(kk * L, L)] = valf[src]
            pltpu.sync_copy(val2d.at[0], acc.at[idx2d.at[0]], add=True)
            return 0

        lax.fori_loop(0, nfull, gbody, 0)
        sb = nfull * 128
        for kk in range(8):
            ti = idxf[pl.ds(sb + kk * L, L)]
            tv = valf[pl.ds(sb + kk * L, L)]
            idxf[pl.ds(kk * L, L)] = ti
            valf[pl.ds(kk * L, L)] = tv
        return cnt - sb

    iot = lax.iota(jnp.int32, L)

    def final_flush(cnt):
        for kk in range(8):
            lm = (iot + (kk * L)) < cnt
            idx2d[0, pl.ds(kk * L, L)] = idxf[pl.ds(kk * L, L)]
            val2d[0, pl.ds(kk * L, L)] = jnp.where(lm, valf[pl.ds(kk * L, L)], 0.0)
        pltpu.sync_copy(val2d.at[0], acc.at[idx2d.at[0]], add=True)

    for (LO, SPAN) in WINDOWS:
        words_tec = SPAN * N // NS
        zb = tid * words_tec

        def zero_body(q, _):
            pltpu.sync_copy(zbuf, acc.at[pl.ds(zb + q * ZC, ZC)])
            return 0

        lax.fori_loop(0, words_tec // ZC, zero_body, 0)
        plsc.subcore_barrier()

        lo_sc = LO + core * SPAN
        span_u = jnp.uint32(SPAN)

        def vbody(k, cnt, lo_sc=lo_sc, span_u=span_u):
            b = k * L
            r = r_v[pl.ds(b, L)]
            c = c_v[pl.ds(b, L)]
            v = v_v[pl.ds(b, L)] * 0.5
            da = r - lo_sc
            ma = da.astype(jnp.uint32) < span_u
            offa = (da << 12) | c
            inca = plsc.cumsum(ma.astype(jnp.int32))
            desta = cnt + inca - 1
            plsc.store_scatter(idxf, [desta], offa, mask=ma)
            plsc.store_scatter(valf, [desta], v, mask=ma)
            cnt = cnt + jnp.sum(ma.astype(jnp.int32))
            db = c - lo_sc
            mb = db.astype(jnp.uint32) < span_u
            offb = (db << 12) | r
            incb = plsc.cumsum(mb.astype(jnp.int32))
            destb = cnt + incb - 1
            plsc.store_scatter(idxf, [destb], offb, mask=mb)
            plsc.store_scatter(valf, [destb], v, mask=mb)
            return cnt + jnp.sum(mb.astype(jnp.int32))

        def cbody(j, cnt):
            cb = tid * S + j * E
            pltpu.sync_copy(rows_hbm.at[pl.ds(cb, E)], r_v)
            pltpu.sync_copy(cols_hbm.at[pl.ds(cb, E)], c_v)
            pltpu.sync_copy(vals_hbm.at[pl.ds(cb, E)], v_v)
            cnt = lax.fori_loop(0, E // L, vbody, cnt)
            return flush_full_groups(cnt)

        cnt = lax.fori_loop(0, nchunk, cbody, jnp.int32(0))
        final_flush(cnt)
        plsc.subcore_barrier()

        obase = lo_sc * N + tid * words_tec
        pltpu.sync_copy(acc.at[pl.ds(zb, words_tec)], out_hbm.at[pl.ds(obase, words_tec)])


def kernel(indices, values):
    nnz = values.shape[0]
    np_total = -(-nnz // (NS * E)) * (NS * E)
    pad = np_total - nnz
    rows = indices[0]
    cols = indices[1]
    if pad:
        pidx = (jnp.arange(pad, dtype=jnp.int32) * 37) & (N - 1)
        rows = jnp.concatenate([rows, pidx])
        cols = jnp.concatenate([cols, pidx])
        vals = jnp.concatenate([values, jnp.zeros((pad,), jnp.float32)])
    else:
        vals = values

    mesh = plsc.VectorSubcoreMesh(core_axis_name="c", subcore_axis_name="s")
    run = pl.kernel(
        functools.partial(_sc_body, np_total),
        out_type=jax.ShapeDtypeStruct((N * N,), jnp.float32),
        mesh=mesh,
        compiler_params=pltpu.CompilerParams(needs_layout_passes=False),
        scratch_types=[
            pltpu.VMEM((E,), jnp.int32),
            pltpu.VMEM((E,), jnp.int32),
            pltpu.VMEM((E,), jnp.float32),
            pltpu.VMEM((CAP,), jnp.int32),
            pltpu.VMEM((CAP,), jnp.float32),
            pltpu.VMEM((1, 128), jnp.int32),
            pltpu.VMEM((1, 128), jnp.float32),
            pltpu.VMEM((ZC,), jnp.float32),
            pltpu.VMEM_SHARED((SLAB,), jnp.float32),
        ],
    )
    return run(rows, cols, vals).reshape(N, N)

# --- scband reference (transcript-rebuilt; emitter-appended) ---
"""Pipeline reference for scband-estimate-adj-71545565217420 (READ-ONLY COPY).

The authoritative reference and input builder live on the scoring server;
editing this copy changes nothing except your own understanding.
"""

import jax, jax.numpy as jnp
import numpy as np

N = 4096
NNZ = 1677721


def setup_inputs(seed: int = 0) -> dict:
    key = jax.random.key(seed)
    k1, k2 = jax.random.split(key)
    # COO indices of the (to-be-coalesced) adjacency; values are the learned nn.Parameter
    indices = jax.random.randint(k1, (2, NNZ), 0, N, dtype=jnp.int32)
    values = jax.random.normal(k2, (NNZ,), dtype=jnp.float32)
    return {"indices": indices, "values": values}


def reference(indices, values):
    # EstimateAdj.forward(): rebuild sparse COO A from (indices, values),
    # symmetrize A = 0.5*(A + A^T), then coalesce (sum duplicate entries).
    # We materialize the coalesced result densely: scatter-add IS coalescing.
    rows = indices[0]
    cols = indices[1]
    A = jnp.zeros((N, N), dtype=values.dtype).at[rows, cols].add(values)
    A = 0.5 * (A + A.T)
    return A

if __name__ == "__main__":
    import jax
    _d = setup_inputs()
    print(jax.jit(kernel)(*tuple(_d.values())))

</pallas_src>

<mosaic_0001>
#map = affine_map<(d0, d1) -> (0)>
module attributes {stable_mosaic.version = 14 : i64} {
  func.func @_sc_body(%arg0: i32, %arg1: i32, %arg2: memref<1703936xi32, #tpu.memory_space<hbm>>, %arg3: memref<1703936xi32, #tpu.memory_space<hbm>>, %arg4: memref<1703936xf32, #tpu.memory_space<hbm>>, %arg5: memref<16777216xf32, #tpu.memory_space<hbm>>, %arg6: memref<2048xi32, #tpu.memory_space<vmem>>, %arg7: memref<2048xi32, #tpu.memory_space<vmem>>, %arg8: memref<2048xf32, #tpu.memory_space<vmem>>, %arg9: memref<4256xi32, #tpu.memory_space<vmem>>, %arg10: memref<4256xf32, #tpu.memory_space<vmem>>, %arg11: memref<1x128xi32, #tpu.memory_space<vmem>>, %arg12: memref<1x128xf32, #tpu.memory_space<vmem>>, %arg13: memref<2048xf32, #tpu.memory_space<vmem>>, %arg14: memref<1802240xf32, #tpu.memory_space<vmem_shared>>) attributes {dimension_semantics = [#tpu.dimension_semantics<core_parallel>, #tpu.dimension_semantics<subcore_parallel>], iteration_bounds = array<i64: 2, 16>, scalar_prefetch = 0 : i64, scratch_operands = 9 : i64, tpu.core_type = #tpu.core_type<sc_vector_subcore>, window_params = [{transform_indices = #map}, {transform_indices = #map}, {transform_indices = #map}, {transform_indices = #map}]} {
    %broadcast_in_dim3A = arith.constant 0.000000e+00 : f32
    %broadcast_in_dim3A_0 = vector.broadcast %broadcast_in_dim3A : f32 to vector<16xf32>
    %scan3A = arith.constant 0 : i32
    %scan3A_1 = arith.constant 0 : i32
    %scan3A_2 = arith.constant 128 : i32
    %scan3A_3 = arith.addi %scan3A_1, %scan3A_2 : i32
    %scan3A_4 = arith.constant 1 : i32
    %scan3A_5 = scf.for %scan3A_966 = %scan3A_1 to %scan3A_3 step %scan3A_4 iter_args(%scan3A_967 = %scan3A) -> (i32)  : i32 {
      %mul3A_968 = arith.constant 16 : i32
      %mul3A_969 = arith.muli %scan3A_966, %mul3A_968 : i32
      %swap3A_970 = arith.index_cast %mul3A_969 : i32 to index
      %swap3A_971 = tpu.vector_load %arg13[%swap3A_970] {strides = array<i32>} : memref<2048xf32, #tpu.memory_space<vmem>>, vector<16xf32>,
      tpu.vector_store %arg13[%swap3A_970], %broadcast_in_dim3A_0 {strides = array<i32>} : memref<2048xf32, #tpu.memory_space<vmem>>, vector<16xf32>,
      %scan3A_972 = arith.constant 0 : i32
      scf.yield %scan3A_972 : i32
    }
    %scan3A_6 = arith.constant 128 : i32
    %broadcast_in_dim3A_7 = arith.constant 0 : i32
    %broadcast_in_dim3A_8 = vector.broadcast %broadcast_in_dim3A_7 : i32 to vector<16xi32>
    %swap3A = arith.constant 0 : index
    %swap3A_9 = tpu.vector_load %arg9[%swap3A] {strides = array<i32>} : memref<4256xi32, #tpu.memory_space<vmem>>, vector<16xi32>,
    tpu.vector_store %arg9[%swap3A], %broadcast_in_dim3A_8 {strides = array<i32>} : memref<4256xi32, #tpu.memory_space<vmem>>, vector<16xi32>,
    %swap3A_10 = arith.constant 16 : index
    %swap3A_11 = tpu.vector_load %arg9[%swap3A_10] {strides = array<i32>} : memref<4256xi32, #tpu.memory_space<vmem>>, vector<16xi32>,
    tpu.vector_store %arg9[%swap3A_10], %broadcast_in_dim3A_8 {strides = array<i32>} : memref<4256xi32, #tpu.memory_space<vmem>>, vector<16xi32>,
    %swap3A_12 = arith.constant 32 : index
    %swap3A_13 = tpu.vector_load %arg9[%swap3A_12] {strides = array<i32>} : memref<4256xi32, #tpu.memory_space<vmem>>, vector<16xi32>,
    tpu.vector_store %arg9[%swap3A_12], %broadcast_in_dim3A_8 {strides = array<i32>} : memref<4256xi32, #tpu.memory_space<vmem>>, vector<16xi32>,
    %swap3A_14 = arith.constant 48 : index
    %swap3A_15 = tpu.vector_load %arg9[%swap3A_14] {strides = array<i32>} : memref<4256xi32, #tpu.memory_space<vmem>>, vector<16xi32>,
    tpu.vector_store %arg9[%swap3A_14], %broadcast_in_dim3A_8 {strides = array<i32>} : memref<4256xi32, #tpu.memory_space<vmem>>, vector<16xi32>,
    %swap3A_16 = arith.constant 64 : index
    %swap3A_17 = tpu.vector_load %arg9[%swap3A_16] {strides = array<i32>} : memref<4256xi32, #tpu.memory_space<vmem>>, vector<16xi32>,
    tpu.vector_store %arg9[%swap3A_16], %broadcast_in_dim3A_8 {strides = array<i32>} : memref<4256xi32, #tpu.memory_space<vmem>>, vector<16xi32>,
    %swap3A_18 = arith.constant 80 : index
    %swap3A_19 = tpu.vector_load %arg9[%swap3A_18] {strides = array<i32>} : memref<4256xi32, #tpu.memory_space<vmem>>, vector<16xi32>,
    tpu.vector_store %arg9[%swap3A_18], %broadcast_in_dim3A_8 {strides = array<i32>} : memref<4256xi32, #tpu.memory_space<vmem>>, vector<16xi32>,
    %swap3A_20 = arith.constant 96 : index
    %swap3A_21 = tpu.vector_load %arg9[%swap3A_20] {strides = array<i32>} : memref<4256xi32, #tpu.memory_space<vmem>>, vector<16xi32>,
    tpu.vector_store %arg9[%swap3A_20], %broadcast_in_dim3A_8 {strides = array<i32>} : memref<4256xi32, #tpu.memory_space<vmem>>, vector<16xi32>,
    %swap3A_22 = arith.constant 112 : index
    %swap3A_23 = tpu.vector_load %arg9[%swap3A_22] {strides = array<i32>} : memref<4256xi32, #tpu.memory_space<vmem>>, vector<16xi32>,
    tpu.vector_store %arg9[%swap3A_22], %broadcast_in_dim3A_8 {strides = array<i32>} : memref<4256xi32, #tpu.memory_space<vmem>>, vector<16xi32>,
    %iota3A = tpu.iota {dimensions = array<i32: 0>} : vector<16xi32>
    %mul3A = arith.constant 112640 : i32
    %mul3A_24 = arith.muli %arg1, %mul3A : i32
    %scan3A_25 = arith.constant 0 : i32
    %scan3A_26 = arith.constant 0 : i32
    %scan3A_27 = arith.constant 55 : i32
    %scan3A_28 = arith.addi %scan3A_26, %scan3A_27 : i32
    %scan3A_29 = arith.constant 1 : i32
    %scan3A_30 = scf.for %scan3A_966 = %scan3A_26 to %scan3A_28 step %scan3A_29 iter_args(%scan3A_967 = %scan3A_25) -> (i32)  : i32 {
      %mul3A_968 = arith.constant 2048 : i32
      %mul3A_969 = arith.muli %scan3A_966, %mul3A_968 : i32
      %add3A_970 = arith.addi %mul3A_24, %mul3A_969 : i32
      "tpu.region"() ({
        %run_scoped3A_972 = tpu.sem_alloc : memref<!tpu.dma_semaphore, #tpu.memory_space<semaphore_mem>>
        %dma_start3A = tpu.memref_slice %arg14[%add3A_970] : memref<1802240xf32, #tpu.memory_space<vmem_shared>> -> memref<2048xf32, #tpu.memory_space<vmem_shared>>
        %dma_start3A_973 = tpu.memref_slice %arg14[%add3A_970] : memref<1802240xf32, #tpu.memory_space<vmem_shared>> -> memref<2048xf32, #tpu.memory_space<vmem_shared>>
        tpu.enqueue_dma source(%arg13 : memref<2048xf32, #tpu.memory_space<vmem>>) target(%dma_start3A_973 : memref<2048xf32, #tpu.memory_space<vmem_shared>>) target_semaphore(%run_scoped3A_972 : memref<!tpu.dma_semaphore, #tpu.memory_space<semaphore_mem>>)
        %dma_wait3A = tpu.memref_slice %arg14[%add3A_970] : memref<1802240xf32, #tpu.memory_space<vmem_shared>> -> memref<2048xf32, #tpu.memory_space<vmem_shared>>
        %dma_wait3A_974 = tpu.memref_slice %arg14[%add3A_970] : memref<1802240xf32, #tpu.memory_space<vmem_shared>> -> memref<2048xf32, #tpu.memory_space<vmem_shared>>
        tpu.wait_dma2 semaphore(%run_scoped3A_972 : memref<!tpu.dma_semaphore, #tpu.memory_space<semaphore_mem>>) src(%arg13 : memref<2048xf32, #tpu.memory_space<vmem>>) dst(%dma_wait3A_974 : memref<2048xf32, #tpu.memory_space<vmem_shared>>)
        tpu.yield
      }) : () -> ()
      %scan3A_971 = arith.constant 0 : i32
      scf.yield %scan3A_971 : i32
    }
    %scan3A_31 = arith.constant 55 : i32
    %barrier3A = arith.constant 0 : index
    tpu.barrier barrier_id(%barrier3A)
    %mul3A_32 = arith.constant 440 : i32
    %mul3A_33 = arith.muli %arg0, %mul3A_32 : i32
    %add3A = arith.constant 0 : i32
    %add3A_34 = arith.addi %add3A, %mul3A_33 : i32
    %scan3A_35 = arith.constant 440 : i32
    %scan3A_36 = arith.constant 0 : i32
    %scan3A_37 = arith.constant 0 : i32
    %scan3A_38 = arith.constant 52 : i32
    %scan3A_39 = arith.addi %scan3A_37, %scan3A_38 : i32
    %scan3A_40 = arith.constant 1 : i32
    %scan3A_41 = scf.for %scan3A_966 = %scan3A_37 to %scan3A_39 step %scan3A_40 iter_args(%scan3A_967 = %scan3A_36) -> (i32)  : i32 {
      %mul3A_968 = arith.constant 106496 : i32
      %mul3A_969 = arith.muli %arg1, %mul3A_968 : i32
      %mul3A_970 = arith.constant 2048 : i32
      %mul3A_971 = arith.muli %scan3A_966, %mul3A_970 : i32
      %add3A_972 = arith.addi %mul3A_969, %mul3A_971 : i32
      "tpu.region"() ({
        %run_scoped3A_1107 = tpu.sem_alloc : memref<!tpu.dma_semaphore, #tpu.memory_space<semaphore_mem>>
        %dma_start3A = tpu.memref_slice %arg2[%add3A_972] : memref<1703936xi32, #tpu.memory_space<hbm>> -> memref<2048xi32, #tpu.memory_space<hbm>>
        %dma_start3A_1108 = tpu.memref_slice %arg2[%add3A_972] : memref<1703936xi32, #tpu.memory_space<hbm>> -> memref<2048xi32, #tpu.memory_space<hbm>>
        tpu.enqueue_dma source(%dma_start3A_1108 : memref<2048xi32, #tpu.memory_space<hbm>>) target(%arg6 : memref<2048xi32, #tpu.memory_space<vmem>>) target_semaphore(%run_scoped3A_1107 : memref<!tpu.dma_semaphore, #tpu.memory_space<semaphore_mem>>)
        %dma_wait3A = tpu.memref_slice %arg2[%add3A_972] : memref<1703936xi32, #tpu.memory_space<hbm>> -> memref<2048xi32, #tpu.memory_space<hbm>>
        %dma_wait3A_1109 = tpu.memref_slice %arg2[%add3A_972] : memref<1703936xi32, #tpu.memory_space<hbm>> -> memref<2048xi32, #tpu.memory_space<hbm>>
        tpu.wait_dma2 semaphore(%run_scoped3A_1107 : memref<!tpu.dma_semaphore, #tpu.memory_space<semaphore_mem>>) src(%dma_wait3A_1109 : memref<2048xi32, #tpu.memory_space<hbm>>) dst(%arg6 : memref<2048xi32, #tpu.memory_space<vmem>>)
        tpu.yield
      }) : () -> ()
      "tpu.region"() ({
        %run_scoped3A_1107 = tpu.sem_alloc : memref<!tpu.dma_semaphore, #tpu.memory_space<semaphore_mem>>
        %dma_start3A = tpu.memref_slice %arg3[%add3A_972] : memref<1703936xi32, #tpu.memory_space<hbm>> -> memref<2048xi32, #tpu.memory_space<hbm>>
        %dma_start3A_1108 = tpu.memref_slice %arg3[%add3A_972] : memref<1703936xi32, #tpu.memory_space<hbm>> -> memref<2048xi32, #tpu.memory_space<hbm>>
        tpu.enqueue_dma source(%dma_start3A_1108 : memref<2048xi32, #tpu.memory_space<hbm>>) target(%arg7 : memref<2048xi32, #tpu.memory_space<vmem>>) target_semaphore(%run_scoped3A_1107 : memref<!tpu.dma_semaphore, #tpu.memory_space<semaphore_mem>>)
        %dma_wait3A = tpu.memref_slice %arg3[%add3A_972] : memref<1703936xi32, #tpu.memory_space<hbm>> -> memref<2048xi32, #tpu.memory_space<hbm>>
        %dma_wait3A_1109 = tpu.memref_slice %arg3[%add3A_972] : memref<1703936xi32, #tpu.memory_space<hbm>> -> memref<2048xi32, #tpu.memory_space<hbm>>
        tpu.wait_dma2 semaphore(%run_scoped3A_1107 : memref<!tpu.dma_semaphore, #tpu.memory_space<semaphore_mem>>) src(%dma_wait3A_1109 : memref<2048xi32, #tpu.memory_space<hbm>>) dst(%arg7 : memref<2048xi32, #tpu.memory_space<vmem>>)
        tpu.yield
      }) : () -> ()
      "tpu.region"() ({
        %run_scoped3A_1107 = tpu.sem_alloc : memref<!tpu.dma_semaphore, #tpu.memory_space<semaphore_mem>>
        %dma_start3A = tpu.memref_slice %arg4[%add3A_972] : memref<1703936xf32, #tpu.memory_space<hbm>> -> memref<2048xf32, #tpu.memory_space<hbm>>
        %dma_start3A_1108 = tpu.memref_slice %arg4[%add3A_972] : memref<1703936xf32, #tpu.memory_space<hbm>> -> memref<2048xf32, #tpu.memory_space<hbm>>
        tpu.enqueue_dma source(%dma_start3A_1108 : memref<2048xf32, #tpu.memory_space<hbm>>) target(%arg8 : memref<2048xf32, #tpu.memory_space<vmem>>) target_semaphore(%run_scoped3A_1107 : memref<!tpu.dma_semaphore, #tpu.memory_space<semaphore_mem>>)
        %dma_wait3A = tpu.memref_slice %arg4[%add3A_972] : memref<1703936xf32, #tpu.memory_space<hbm>> -> memref<2048xf32, #tpu.memory_space<hbm>>
        %dma_wait3A_1109 = tpu.memref_slice %arg4[%add3A_972] : memref<1703936xf32, #tpu.memory_space<hbm>> -> memref<2048xf32, #tpu.memory_space<hbm>>
        tpu.wait_dma2 semaphore(%run_scoped3A_1107 : memref<!tpu.dma_semaphore, #tpu.memory_space<semaphore_mem>>) src(%dma_wait3A_1109 : memref<2048xf32, #tpu.memory_space<hbm>>) dst(%arg8 : memref<2048xf32, #tpu.memory_space<vmem>>)
        tpu.yield
      }) : () -> ()
      %scan3A_973 = arith.constant 0 : i32
      %scan3A_974 = arith.constant 128 : i32
      %scan3A_975 = arith.addi %scan3A_973, %scan3A_974 : i32
      %scan3A_976 = arith.constant 1 : i32
      %scan3A_977 = scf.for %scan3A_1107 = %scan3A_973 to %scan3A_975 step %scan3A_976 iter_args(%scan3A_1108 = %scan3A_967) -> (i32)  : i32 {
        %mul3A_1109 = arith.constant 16 : i32
        %mul3A_1110 = arith.muli %scan3A_1107, %mul3A_1109 : i32
        %get3A_1111 = arith.index_cast %mul3A_1110 : i32 to index
        %get3A_1112 = tpu.vector_load %arg6[%get3A_1111] {strides = array<i32>} : memref<2048xi32, #tpu.memory_space<vmem>>, vector<16xi32>,
        %get3A_1113 = arith.index_cast %mul3A_1110 : i32 to index
        %get3A_1114 = tpu.vector_load %arg7[%get3A_1113] {strides = array<i32>} : memref<2048xi32, #tpu.memory_space<vmem>>, vector<16xi32>,
        %get3A_1115 = arith.index_cast %mul3A_1110 : i32 to index
        %get3A_1116 = tpu.vector_load %arg8[%get3A_1115] {strides = array<i32>} : memref<2048xf32, #tpu.memory_space<vmem>>, vector<16xf32>,
        %mul3A_1117 = arith.constant 5.000000e-01 : f32
        %mul3A_1118 = vector.broadcast %mul3A_1117 : f32 to vector<16xf32>
        %mul3A_1119 = arith.mulf %get3A_1116, %mul3A_1118 : vector<16xf32>
        %sub3A_1120 = vector.broadcast %add3A_34 : i32 to vector<16xi32>
        %sub3A_1121 = arith.subi %get3A_1112, %sub3A_1120 : vector<16xi32>
        %lt3A_1122 = vector.broadcast %scan3A_35 : i32 to vector<16xi32>
        %lt3A_1123 = arith.cmpi ult, %sub3A_1121, %lt3A_1122 : vector<16xi32>
        %shift_left3A = arith.constant 12 : i32
        %shift_left3A_1124 = vector.broadcast %shift_left3A : i32 to vector<16xi32>
        %shift_left3A_1125 = arith.shli %sub3A_1121, %shift_left3A_1124 : vector<16xi32>
        %or3A = arith.ori %shift_left3A_1125, %get3A_1114 : vector<16xi32>
        %convert_element_type3A = arith.extui %lt3A_1123 : vector<16xi1> to vector<16xi32>
        %broadcast_in_dim3A_1126 = arith.constant true
        %broadcast_in_dim3A_1127 = vector.broadcast %broadcast_in_dim3A_1126 : i1 to vector<16xi1>
        %masked_cumsum3A = tpu.scan <sum>, %convert_element_type3A masked %broadcast_in_dim3A_1127 : vector<16xi32>, vector<16xi1> -> vector<16xi32>
        %add3A_1128 = vector.broadcast %scan3A_1108 : i32 to vector<16xi32>
        %add3A_1129 = arith.addi %add3A_1128, %masked_cumsum3A : vector<16xi32>
        %sub3A_1130 = arith.constant 1 : i32
        %sub3A_1131 = vector.broadcast %sub3A_1130 : i32 to vector<16xi32>
        %sub3A_1132 = arith.subi %add3A_1129, %sub3A_1131 : vector<16xi32>
        tpu.vector_store_idx %arg9[%sub3A_1132], %or3A masked %lt3A_1123 : memref<4256xi32, #tpu.memory_space<vmem>>[vector<16xi32>], vector<16xi32>, vector<16xi1>
        tpu.vector_store_idx %arg10[%sub3A_1132], %mul3A_1119 masked %lt3A_1123 : memref<4256xf32, #tpu.memory_space<vmem>>[vector<16xi32>], vector<16xf32>, vector<16xi1>
        %convert_element_type3A_1133 = arith.extui %lt3A_1123 : vector<16xi1> to vector<16xi32>
        %reduce_sum3A = arith.constant true
        %reduce_sum3A_1134 = vector.broadcast %reduce_sum3A : i1 to vector<16xi1>
        %reduce_sum3A_1135 = tpu.scan <sum>, %convert_element_type3A_1133 masked %reduce_sum3A_1134 : vector<16xi32>, vector<16xi1> -> vector<16xi32>
        %reduce_sum3A_1136 = vector.extract %reduce_sum3A_1135[15] : i32 from vector<16xi32>
        %add3A_1137 = arith.addi %scan3A_1108, %reduce_sum3A_1136 : i32
        %sub3A_1138 = vector.broadcast %add3A_34 : i32 to vector<16xi32>
        %sub3A_1139 = arith.subi %get3A_1114, %sub3A_1138 : vector<16xi32>
        %lt3A_1140 = vector.broadcast %scan3A_35 : i32 to vector<16xi32>
        %lt3A_1141 = arith.cmpi ult, %sub3A_1139, %lt3A_1140 : vector<16xi32>
        %shift_left3A_1142 = arith.constant 12 : i32
        %shift_left3A_1143 = vector.broadcast %shift_left3A_1142 : i32 to vector<16xi32>
        %shift_left3A_1144 = arith.shli %sub3A_1139, %shift_left3A_1143 : vector<16xi32>
        %or3A_1145 = arith.ori %shift_left3A_1144, %get3A_1112 : vector<16xi32>
        %convert_element_type3A_1146 = arith.extui %lt3A_1141 : vector<16xi1> to vector<16xi32>
        %broadcast_in_dim3A_1147 = arith.constant true
        %broadcast_in_dim3A_1148 = vector.broadcast %broadcast_in_dim3A_1147 : i1 to vector<16xi1>
        %masked_cumsum3A_1149 = tpu.scan <sum>, %convert_element_type3A_1146 masked %broadcast_in_dim3A_1148 : vector<16xi32>, vector<16xi1> -> vector<16xi32>
        %add3A_1150 = vector.broadcast %add3A_1137 : i32 to vector<16xi32>
        %add3A_1151 = arith.addi %add3A_1150, %masked_cumsum3A_1149 : vector<16xi32>
        %sub3A_1152 = arith.constant 1 : i32
        %sub3A_1153 = vector.broadcast %sub3A_1152 : i32 to vector<16xi32>
        %sub3A_1154 = arith.subi %add3A_1151, %sub3A_1153 : vector<16xi32>
        tpu.vector_store_idx %arg9[%sub3A_1154], %or3A_1145 masked %lt3A_1141 : memref<4256xi32, #tpu.memory_space<vmem>>[vector<16xi32>], vector<16xi32>, vector<16xi1>
        tpu.vector_store_idx %arg10[%sub3A_1154], %mul3A_1119 masked %lt3A_1141 : memref<4256xf32, #tpu.memory_space<vmem>>[vector<16xi32>], vector<16xf32>, vector<16xi1>
        %convert_element_type3A_1155 = arith.extui %lt3A_1141 : vector<16xi1> to vector<16xi32>
        %reduce_sum3A_1156 = arith.constant true
        %reduce_sum3A_1157 = vector.broadcast %reduce_sum3A_1156 : i1 to vector<16xi1>
        %reduce_sum3A_1158 = tpu.scan <sum>, %convert_element_type3A_1155 masked %reduce_sum3A_1157 : vector<16xi32>, vector<16xi1> -> vector<16xi32>
        %reduce_sum3A_1159 = vector.extract %reduce_sum3A_1158[15] : i32 from vector<16xi32>
        %add3A_1160 = arith.addi %add3A_1137, %reduce_sum3A_1159 : i32
        scf.yield %add3A_1160 : i32
      }
      %scan3A_978 = arith.constant 128 : i32
      %jit3A_979 = arith.constant 128 : i32
      %div3A = arith.divsi %scan3A_977, %jit3A_979 : i32
      %sign3A = arith.constant 0 : i32
      %sign3A_980 = arith.cmpi sgt, %scan3A_977, %sign3A : i32
      %sign3A_981 = arith.extui %sign3A_980 : i1 to i32
      %sign3A_982 = arith.constant 0 : i32
      %sign3A_983 = arith.cmpi slt, %scan3A_977, %sign3A_982 : i32
      %sign3A_984 = arith.extui %sign3A_983 : i1 to i32
      %sign3A_985 = arith.subi %sign3A_981, %sign3A_984 : i32
      %sign3A_986 = arith.constant 0 : i32
      %sign3A_987 = arith.cmpi sgt, %jit3A_979, %sign3A_986 : i32
      %sign3A_988 = arith.extui %sign3A_987 : i1 to i32
      %sign3A_989 = arith.constant 0 : i32
      %sign3A_990 = arith.cmpi slt, %jit3A_979, %sign3A_989 : i32
      %sign3A_991 = arith.extui %sign3A_990 : i1 to i32
      %sign3A_992 = arith.subi %sign3A_988, %sign3A_991 : i32
      %ne3A = arith.cmpi ne, %sign3A_985, %sign3A_992 : i32
      %rem3A = arith.remsi %scan3A_977, %jit3A_979 : i32
      %ne3A_993 = arith.constant 0 : i32
      %ne3A_994 = arith.cmpi ne, %rem3A, %ne3A_993 : i32
      %and3A = arith.andi %ne3A, %ne3A_994 : i1
      %sub3A = arith.constant 1 : i32
      %sub3A_995 = arith.subi %div3A, %sub3A : i32
      %select_n3A_996 = arith.select %and3A, %sub3A_995, %div3A : i32
      %while3A = arith.constant 0 : i32
      %while3A_997 = arith.constant 0 : i32
      %while3A_998 = arith.subi %select_n3A_996, %while3A : i32
      %while3A_999 = arith.addi %while3A, %while3A_998 : i32
      %while3A_1000 = arith.constant 1 : i32
      %while3A_1001 = arith.divsi %while3A_998, %while3A_1000 : i32
      %while3A_1002 = arith.muli %while3A_1001, %while3A_1000 : i32
      %while3A_1003 = arith.addi %while3A, %while3A_1002 : i32
      %while3A_1004 = arith.constant 1 : i32
      %while3A_1005 = scf.for %while3A_1107 = %while3A to %while3A_1003 step %while3A_1004 iter_args(%while3A_1108 = %while3A_997) -> (i32)  : i32 {
        %mul3A_1109 = arith.constant 128 : i32
        %mul3A_1110 = arith.muli %while3A_1107, %mul3A_1109 : i32
        %add3A_1111 = arith.constant 0 : i32
        %add3A_1112 = arith.addi %mul3A_1110, %add3A_1111 : i32
        %get3A_1113 = arith.index_cast %add3A_1112 : i32 to index
        %get3A_1114 = tpu.vector_load %arg9[%get3A_1113] {strides = array<i32>} : memref<4256xi32, #tpu.memory_space<vmem>>, vector<16xi32>,
        %swap3A_1115 = arith.constant 0 : i32
        %swap3A_1116 = arith.index_cast %swap3A_1115 : i32 to index
        %swap3A_1117 = arith.constant 0 : index
        %swap3A_1118 = tpu.vector_load %arg11[%swap3A_1116, %swap3A_1117] {strides = array<i32>} : memref<1x128xi32, #tpu.memory_space<vmem>>, vector<16xi32>,
        tpu.vector_store %arg11[%swap3A_1116, %swap3A_1117], %get3A_1114 {strides = array<i32>} : memref<1x128xi32, #tpu.memory_space<vmem>>, vector<16xi32>,
        %get3A_1119 = arith.index_cast %add3A_1112 : i32 to index
        %get3A_1120 = tpu.vector_load %arg10[%get3A_1119] {strides = array<i32>} : memref<4256xf32, #tpu.memory_space<vmem>>, vector<16xf32>,
        %swap3A_1121 = arith.constant 0 : i32
        %swap3A_1122 = arith.index_cast %swap3A_1121 : i32 to index
        %swap3A_1123 = arith.constant 0 : index
        %swap3A_1124 = tpu.vector_load %arg12[%swap3A_1122, %swap3A_1123] {strides = array<i32>} : memref<1x128xf32, #tpu.memory_space<vmem>>, vector<16xf32>,
        tpu.vector_store %arg12[%swap3A_1122, %swap3A_1123], %get3A_1120 {strides = array<i32>} : memref<1x128xf32, #tpu.memory_space<vmem>>, vector<16xf32>,
        %add3A_1125 = arith.constant 16 : i32
        %add3A_1126 = arith.addi %mul3A_1110, %add3A_1125 : i32
        %get3A_1127 = arith.index_cast %add3A_1126 : i32 to index
        %get3A_1128 = tpu.vector_load %arg9[%get3A_1127] {strides = array<i32>} : memref<4256xi32, #tpu.memory_space<vmem>>, vector<16xi32>,
        %swap3A_1129 = arith.constant 0 : i32
        %swap3A_1130 = arith.index_cast %swap3A_1129 : i32 to index
        %swap3A_1131 = arith.constant 16 : index
        %swap3A_1132 = tpu.vector_load %arg11[%swap3A_1130, %swap3A_1131] {strides = array<i32>} : memref<1x128xi32, #tpu.memory_space<vmem>>, vector<16xi32>,
        tpu.vector_store %arg11[%swap3A_1130, %swap3A_1131], %get3A_1128 {strides = array<i32>} : memref<1x128xi32, #tpu.memory_space<vmem>>, vector<16xi32>,
        %get3A_1133 = arith.index_cast %add3A_1126 : i32 to index
        %get3A_1134 = tpu.vector_load %arg10[%get3A_1133] {strides = array<i32>} : memref<4256xf32, #tpu.memory_space<vmem>>, vector<16xf32>,
        %swap3A_1135 = arith.constant 0 : i32
        %swap3A_1136 = arith.index_cast %swap3A_1135 : i32 to index
        %swap3A_1137 = arith.constant 16 : index
        %swap3A_1138 = tpu.vector_load %arg12[%swap3A_1136, %swap3A_1137] {strides = array<i32>} : memref<1x128xf32, #tpu.memory_space<vmem>>, vector<16xf32>,
        tpu.vector_store %arg12[%swap3A_1136, %swap3A_1137], %get3A_1134 {strides = array<i32>} : memref<1x128xf32, #tpu.memory_space<vmem>>, vector<16xf32>,
        %add3A_1139 = arith.constant 32 : i32
        %add3A_1140 = arith.addi %mul3A_1110, %add3A_1139 : i32
        %get3A_1141 = arith.index_cast %add3A_1140 : i32 to index
        %get3A_1142 = tpu.vector_load %arg9[%get3A_1141] {strides = array<i32>} : memref<4256xi32, #tpu.memory_space<vmem>>, vector<16xi32>,
        %swap3A_1143 = arith.constant 0 : i32
        %swap3A_1144 = arith.index_cast %swap3A_1143 : i32 to index
        %swap3A_1145 = arith.constant 32 : index
        %swap3A_1146 = tpu.vector_load %arg11[%swap3A_1144, %swap3A_1145] {strides = array<i32>} : memref<1x128xi32, #tpu.memory_space<vmem>>, vector<16xi32>,
        tpu.vector_store %arg11[%swap3A_1144, %swap3A_1145], %get3A_1142 {strides = array<i32>} : memref<1x128xi32, #tpu.memory_space<vmem>>, vector<16xi32>,
        %get3A_1147 = arith.index_cast %add3A_1140 : i32 to index
        %get3A_1148 = tpu.vector_load %arg10[%get3A_1147] {strides = array<i32>} : memref<4256xf32, #tpu.memory_space<vmem>>, vector<16xf32>,
        %swap3A_1149 = arith.constant 0 : i32
        %swap3A_1150 = arith.index_cast %swap3A_1149 : i32 to index
        %swap3A_1151 = arith.constant 32 : index
        %swap3A_1152 = tpu.vector_load %arg12[%swap3A_1150, %swap3A_1151] {strides = array<i32>} : memref<1x128xf32, #tpu.memory_space<vmem>>, vector<16xf32>,
        tpu.vector_store %arg12[%swap3A_1150, %swap3A_1151], %get3A_1148 {strides = array<i32>} : memref<1x128xf32, #tpu.memory_space<vmem>>, vector<16xf32>,
        %add3A_1153 = arith.constant 48 : i32
        %add3A_1154 = arith.addi %mul3A_1110, %add3A_1153 : i32
        %get3A_1155 = arith.index_cast %add3A_1154 : i32 to index
        %get3A_1156 = tpu.vector_load %arg9[%get3A_1155] {strides = array<i32>} : memref<4256xi32, #tpu.memory_space<vmem>>, vector<16xi32>,
        %swap3A_1157 = arith.constant 0 : i32
        %swap3A_1158 = arith.index_cast %swap3A_1157 : i32 to index
        %swap3A_1159 = arith.constant 48 : index
        %swap3A_1160 = tpu.vector_load %arg11[%swap3A_1158, %swap3A_1159] {strides = array<i32>} : memref<1x128xi32, #tpu.memory_space<vmem>>, vector<16xi32>,
        tpu.vector_store %arg11[%swap3A_1158, %swap3A_1159], %get3A_1156 {strides = array<i32>} : memref<1x128xi32, #tpu.memory_space<vmem>>, vector<16xi32>,
        %get3A_1161 = arith.index_cast %add3A_1154 : i32 to index
        %get3A_1162 = tpu.vector_load %arg10[%get3A_1161] {strides = array<i32>} : memref<4256xf32, #tpu.memory_space<vmem>>, vector<16xf32>,
        %swap3A_1163 = arith.constant 0 : i32
        %swap3A_1164 = arith.index_cast %swap3A_1163 : i32 to index
        %swap3A_1165 = arith.constant 48 : index
        %swap3A_1166 = tpu.vector_load %arg12[%swap3A_1164, %swap3A_1165] {strides = array<i32>} : memref<1x128xf32, #tpu.memory_space<vmem>>, vector<16xf32>,
        tpu.vector_store %arg12[%swap3A_1164, %swap3A_1165], %get3A_1162 {strides = array<i32>} : memref<1x128xf32, #tpu.memory_space<vmem>>, vector<16xf32>,
        %add3A_1167 = arith.constant 64 : i32
        %add3A_1168 = arith.addi %mul3A_1110, %add3A_1167 : i32
        %get3A_1169 = arith.index_cast %add3A_1168 : i32 to index
        %get3A_1170 = tpu.vector_load %arg9[%get3A_1169] {strides = array<i32>} : memref<4256xi32, #tpu.memory_space<vmem>>, vector<16xi32>,
        %swap3A_1171 = arith.constant 0 : i32
        %swap3A_1172 = arith.index_cast %swap3A_1171 : i32 to index
        %swap3A_1173 = arith.constant 64 : index
        %swap3A_1174 = tpu.vector_load %arg11[%swap3A_1172, %swap3A_1173] {strides = array<i32>} : memref<1x128xi32, #tpu.memory_space<vmem>>, vector<16xi32>,
        tpu.vector_store %arg11[%swap3A_1172, %swap3A_1173], %get3A_1170 {strides = array<i32>} : memref<1x128xi32, #tpu.memory_space<vmem>>, vector<16xi32>,
        %get3A_1175 = arith.index_cast %add3A_1168 : i32 to index
        %get3A_1176 = tpu.vector_load %arg10[%get3A_1175] {strides = array<i32>} : memref<4256xf32, #tpu.memory_space<vmem>>, vector<16xf32>,
        %swap3A_1177 = arith.constant 0 : i32
        %swap3A_1178 = arith.index_cast %swap3A_1177 : i32 to index
        %swap3A_1179 = arith.constant 64 : index
        %swap3A_1180 = tpu.vector_load %arg12[%swap3A_1178, %swap3A_1179] {strides = array<i32>} : memref<1x128xf32, #tpu.memory_space<vmem>>, vector<16xf32>,
        tpu.vector_store %arg12[%swap3A_1178, %swap3A_1179], %get3A_1176 {strides = array<i32>} : memref<1x128xf32, #tpu.memory_space<vmem>>, vector<16xf32>,
        %add3A_1181 = arith.constant 80 : i32
        %add3A_1182 = arith.addi %mul3A_1110, %add3A_1181 : i32
        %get3A_1183 = arith.index_cast %add3A_1182 : i32 to index
        %get3A_1184 = tpu.vector_load %arg9[%get3A_1183] {strides = array<i32>} : memref<4256xi32, #tpu.memory_space<vmem>>, vector<16xi32>,
        %swap3A_1185 = arith.constant 0 : i32
        %swap3A_1186 = arith.index_cast %swap3A_1185 : i32 to index
        %swap3A_1187 = arith.constant 80 : index
        %swap3A_1188 = tpu.vector_load %arg11[%swap3A_1186, %swap3A_1187] {strides = array<i32>} : memref<1x128xi32, #tpu.memory_space<vmem>>, vector<16xi32>,
        tpu.vector_store %arg11[%swap3A_1186, %swap3A_1187], %get3A_1184 {strides = array<i32>} : memref<1x128xi32, #tpu.memory_space<vmem>>, vector<16xi32>,
        %get3A_1189 = arith.index_cast %add3A_1182 : i32 to index
        %get3A_1190 = tpu.vector_load %arg10[%get3A_1189] {strides = array<i32>} : memref<4256xf32, #tpu.memory_space<vmem>>, vector<16xf32>,
        %swap3A_1191 = arith.constant 0 : i32
        %swap3A_1192 = arith.index_cast %swap3A_1191 : i32 to index
        %swap3A_1193 = arith.constant 80 : index
        %swap3A_1194 = tpu.vector_load %arg12[%swap3A_1192, %swap3A_1193] {strides = array<i32>} : memref<1x128xf32, #tpu.memory_space<vmem>>, vector<16xf32>,
        tpu.vector_store %arg12[%swap3A_1192, %swap3A_1193], %get3A_1190 {strides = array<i32>} : memref<1x128xf32, #tpu.memory_space<vmem>>, vector<16xf32>,
        %add3A_1195 = arith.constant 96 : i32
        %add3A_1196 = arith.addi %mul3A_1110, %add3A_1195 : i32
        %get3A_1197 = arith.index_cast %add3A_1196 : i32 to index
        %get3A_1198 = tpu.vector_load %arg9[%get3A_1197] {strides = array<i32>} : memref<4256xi32, #tpu.memory_space<vmem>>, vector<16xi32>,
        %swap3A_1199 = arith.constant 0 : i32
        %swap3A_1200 = arith.index_cast %swap3A_1199 : i32 to index
        %swap3A_1201 = arith.constant 96 : index
        %swap3A_1202 = tpu.vector_load %arg11[%swap3A_1200, %swap3A_1201] {strides = array<i32>} : memref<1x128xi32, #tpu.memory_space<vmem>>, vector<16xi32>,
        tpu.vector_store %arg11[%swap3A_1200, %swap3A_1201], %get3A_1198 {strides = array<i32>} : memref<1x128xi32, #tpu.memory_space<vmem>>, vector<16xi32>,
        %get3A_1203 = arith.index_cast %add3A_1196 : i32 to index
        %get3A_1204 = tpu.vector_load %arg10[%get3A_1203] {strides = array<i32>} : memref<4256xf32, #tpu.memory_space<vmem>>, vector<16xf32>,
        %swap3A_1205 = arith.constant 0 : i32
        %swap3A_1206 = arith.index_cast %swap3A_1205 : i32 to index
        %swap3A_1207 = arith.constant 96 : index
        %swap3A_1208 = tpu.vector_load %arg12[%swap3A_1206, %swap3A_1207] {strides = array<i32>} : memref<1x128xf32, #tpu.memory_space<vmem>>, vector<16xf32>,
        tpu.vector_store %arg12[%swap3A_1206, %swap3A_1207], %get3A_1204 {strides = array<i32>} : memref<1x128xf32, #tpu.memory_space<vmem>>, vector<16xf32>,
        %add3A_1209 = arith.constant 112 : i32
        %add3A_1210 = arith.addi %mul3A_1110, %add3A_1209 : i32
        %get3A_1211 = arith.index_cast %add3A_1210 : i32 to index
        %get3A_1212 = tpu.vector_load %arg9[%get3A_1211] {strides = array<i32>} : memref<4256xi32, #tpu.memory_space<vmem>>, vector<16xi32>,
        %swap3A_1213 = arith.constant 0 : i32
        %swap3A_1214 = arith.index_cast %swap3A_1213 : i32 to index
        %swap3A_1215 = arith.constant 112 : index
        %swap3A_1216 = tpu.vector_load %arg11[%swap3A_1214, %swap3A_1215] {strides = array<i32>} : memref<1x128xi32, #tpu.memory_space<vmem>>, vector<16xi32>,
        tpu.vector_store %arg11[%swap3A_1214, %swap3A_1215], %get3A_1212 {strides = array<i32>} : memref<1x128xi32, #tpu.memory_space<vmem>>, vector<16xi32>,
        %get3A_1217 = arith.index_cast %add3A_1210 : i32 to index
        %get3A_1218 = tpu.vector_load %arg10[%get3A_1217] {strides = array<i32>} : memref<4256xf32, #tpu.memory_space<vmem>>, vector<16xf32>,
        %swap3A_1219 = arith.constant 0 : i32
        %swap3A_1220 = arith.index_cast %swap3A_1219 : i32 to index
        %swap3A_1221 = arith.constant 112 : index
        %swap3A_1222 = tpu.vector_load %arg12[%swap3A_1220, %swap3A_1221] {strides = array<i32>} : memref<1x128xf32, #tpu.memory_space<vmem>>, vector<16xf32>,
        tpu.vector_store %arg12[%swap3A_1220, %swap3A_1221], %get3A_1218 {strides = array<i32>} : memref<1x128xf32, #tpu.memory_space<vmem>>, vector<16xf32>,
        %run_scoped3A_1223 = arith.constant 0 : i32
        %run_scoped3A_1224 = arith.constant 0 : i32
        "tpu.region"() ({
          %run_scoped3A_1226 = tpu.sem_alloc : memref<!tpu.dma_semaphore, #tpu.memory_space<semaphore_mem>>
          %dma_start3A = arith.constant 0 : i32
          %dma_start3A_1227 = tpu.memref_slice %arg12[%run_scoped3A_1223, %dma_start3A] : memref<1x128xf32, #tpu.memory_space<vmem>> -> memref<1x128xf32, #tpu.memory_space<vmem>>
          %dma_start3A_1228 = tpu.memref_squeeze %dma_start3A_1227 : memref<1x128xf32, #tpu.memory_space<vmem>> -> memref<128xf32, #tpu.memory_space<vmem>>
          %dma_start3A_1229 = arith.constant 0 : i32
          %dma_start3A_1230 = tpu.memref_slice %arg11[%run_scoped3A_1224, %dma_start3A_1229] : memref<1x128xi32, #tpu.memory_space<vmem>> -> memref<1x128xi32, #tpu.memory_space<vmem>>
          %dma_start3A_1231 = tpu.memref_squeeze %dma_start3A_1230 : memref<1x128xi32, #tpu.memory_space<vmem>> -> memref<128xi32, #tpu.memory_space<vmem>>
          %dma_start3A_1232 = arith.constant 0 : i32
          %dma_start3A_1233 = tpu.memref_slice %arg14[%dma_start3A_1232] : memref<1802240xf32, #tpu.memory_space<vmem_shared>> -> memref<1802240xf32, #tpu.memory_space<vmem_shared>>
          tpu.enqueue_indirect_dma source(%dma_start3A_1228 : memref<128xf32, #tpu.memory_space<vmem>>) target(%dma_start3A_1233 : memref<1802240xf32, #tpu.memory_space<vmem_shared>>) offsets(%dma_start3A_1231 : memref<128xi32, #tpu.memory_space<vmem>>) semaphore(%run_scoped3A_1226 : memref<!tpu.dma_semaphore, #tpu.memory_space<semaphore_mem>>) {add = true}
          %dma_wait3A = arith.constant 0 : i32
          %dma_wait3A_1234 = tpu.memref_slice %arg12[%run_scoped3A_1223, %dma_wait3A] : memref<1x128xf32, #tpu.memory_space<vmem>> -> memref<1x128xf32, #tpu.memory_space<vmem>>
          %dma_wait3A_1235 = tpu.memref_squeeze %dma_wait3A_1234 : memref<1x128xf32, #tpu.memory_space<vmem>> -> memref<128xf32, #tpu.memory_space<vmem>>
          %dma_wait3A_1236 = arith.constant 0 : i32
          %dma_wait3A_1237 = tpu.memref_slice %arg11[%run_scoped3A_1224, %dma_wait3A_1236] : memref<1x128xi32, #tpu.memory_space<vmem>> -> memref<1x128xi32, #tpu.memory_space<vmem>>
          %dma_wait3A_1238 = tpu.memref_squeeze %dma_wait3A_1237 : memref<1x128xi32, #tpu.memory_space<vmem>> -> memref<128xi32, #tpu.memory_space<vmem>>
          %dma_wait3A_1239 = arith.constant 0 : i32
          %dma_wait3A_1240 = tpu.memref_slice %arg14[%dma_wait3A_1239] : memref<1802240xf32, #tpu.memory_space<vmem_shared>> -> memref<1802240xf32, #tpu.memory_space<vmem_shared>>
          tpu.wait_indirect_dma semaphore(%run_scoped3A_1226 : memref<!tpu.dma_semaphore, #tpu.memory_space<semaphore_mem>>) src(%dma_wait3A_1235 : memref<128xf32, #tpu.memory_space<vmem>>) dst(%dma_wait3A_1240 : memref<1802240xf32, #tpu.memory_space<vmem_shared>>)
          tpu.yield
        }) : () -> ()
        %while3A_1225 = arith.constant 0 : i32
        scf.yield %while3A_1225 : i32
      }
      %while3A_1006 = arith.constant 1 : i32
      %while3A_1007 = scf.for %while3A_1107 = %while3A_1003 to %while3A_999 step %while3A_1006 iter_args(%while3A_1108 = %while3A_1005) -> (i32)  : i32 {
        %mul3A_1109 = arith.constant 128 : i32
        %mul3A_1110 = arith.muli %while3A_1107, %mul3A_1109 : i32
        %add3A_1111 = arith.constant 0 : i32
        %add3A_1112 = arith.addi %mul3A_1110, %add3A_1111 : i32
        %get3A_1113 = arith.index_cast %add3A_1112 : i32 to index
        %get3A_1114 = tpu.vector_load %arg9[%get3A_1113] {strides = array<i32>} : memref<4256xi32, #tpu.memory_space<vmem>>, vector<16xi32>,
        %swap3A_1115 = arith.constant 0 : i32
        %swap3A_1116 = arith.index_cast %swap3A_1115 : i32 to index
        %swap3A_1117 = arith.constant 0 : index
        %swap3A_1118 = tpu.vector_load %arg11[%swap3A_1116, %swap3A_1117] {strides = array<i32>} : memref<1x128xi32, #tpu.memory_space<vmem>>, vector<16xi32>,
        tpu.vector_store %arg11[%swap3A_1116, %swap3A_1117], %get3A_1114 {strides = array<i32>} : memref<1x128xi32, #tpu.memory_space<vmem>>, vector<16xi32>,
        %get3A_1119 = arith.index_cast %add3A_1112 : i32 to index
        %get3A_1120 = tpu.vector_load %arg10[%get3A_1119] {strides = array<i32>} : memref<4256xf32, #tpu.memory_space<vmem>>, vector<16xf32>,
        %swap3A_1121 = arith.constant 0 : i32
        %swap3A_1122 = arith.index_cast %swap3A_1121 : i32 to index
        %swap3A_1123 = arith.constant 0 : index
        %swap3A_1124 = tpu.vector_load %arg12[%swap3A_1122, %swap3A_1123] {strides = array<i32>} : memref<1x128xf32, #tpu.memory_space<vmem>>, vector<16xf32>,
        tpu.vector_store %arg12[%swap3A_1122, %swap3A_1123], %get3A_1120 {strides = array<i32>} : memref<1x128xf32, #tpu.memory_space<vmem>>, vector<16xf32>,
        %add3A_1125 = arith.constant 16 : i32
        %add3A_1126 = arith.addi %mul3A_1110, %add3A_1125 : i32
        %get3A_1127 = arith.index_cast %add3A_1126 : i32 to index
        %get3A_1128 = tpu.vector_load %arg9[%get3A_1127] {strides = array<i32>} : memref<4256xi32, #tpu.memory_space<vmem>>, vector<16xi32>,
        %swap3A_1129 = arith.constant 0 : i32
        %swap3A_1130 = arith.index_cast %swap3A_1129 : i32 to index
        %swap3A_1131 = arith.constant 16 : index
        %swap3A_1132 = tpu.vector_load %arg11[%swap3A_1130, %swap3A_1131] {strides = array<i32>} : memref<1x128xi32, #tpu.memory_space<vmem>>, vector<16xi32>,
        tpu.vector_store %arg11[%swap3A_1130, %swap3A_1131], %get3A_1128 {strides = array<i32>} : memref<1x128xi32, #tpu.memory_space<vmem>>, vector<16xi32>,
        %get3A_1133 = arith.index_cast %add3A_1126 : i32 to index
        %get3A_1134 = tpu.vector_load %arg10[%get3A_1133] {strides = array<i32>} : memref<4256xf32, #tpu.memory_space<vmem>>, vector<16xf32>,
        %swap3A_1135 = arith.constant 0 : i32
        %swap3A_1136 = arith.index_cast %swap3A_1135 : i32 to index
        %swap3A_1137 = arith.constant 16 : index
        %swap3A_1138 = tpu.vector_load %arg12[%swap3A_1136, %swap3A_1137] {strides = array<i32>} : memref<1x128xf32, #tpu.memory_space<vmem>>, vector<16xf32>,
        tpu.vector_store %arg12[%swap3A_1136, %swap3A_1137], %get3A_1134 {strides = array<i32>} : memref<1x128xf32, #tpu.memory_space<vmem>>, vector<16xf32>,
        %add3A_1139 = arith.constant 32 : i32
        %add3A_1140 = arith.addi %mul3A_1110, %add3A_1139 : i32
        %get3A_1141 = arith.index_cast %add3A_1140 : i32 to index
        %get3A_1142 = tpu.vector_load %arg9[%get3A_1141] {strides = array<i32>} : memref<4256xi32, #tpu.memory_space<vmem>>, vector<16xi32>,
        %swap3A_1143 = arith.constant 0 : i32
        %swap3A_1144 = arith.index_cast %swap3A_1143 : i32 to index
        %swap3A_1145 = arith.constant 32 : index
        %swap3A_1146 = tpu.vector_load %arg11[%swap3A_1144, %swap3A_1145] {strides = array<i32>} : memref<1x128xi32, #tpu.memory_space<vmem>>, vector<16xi32>,
        tpu.vector_store %arg11[%swap3A_1144, %swap3A_1145], %get3A_1142 {strides = array<i32>} : memref<1x128xi32, #tpu.memory_space<vmem>>, vector<16xi32>,
        %get3A_1147 = arith.index_cast %add3A_1140 : i32 to index
        %get3A_1148 = tpu.vector_load %arg10[%get3A_1147] {strides = array<i32>} : memref<4256xf32, #tpu.memory_space<vmem>>, vector<16xf32>,
        %swap3A_1149 = arith.constant 0 : i32
        %swap3A_1150 = arith.index_cast %swap3A_1149 : i32 to index
        %swap3A_1151 = arith.constant 32 : index
        %swap3A_1152 = tpu.vector_load %arg12[%swap3A_1150, %swap3A_1151] {strides = array<i32>} : memref<1x128xf32, #tpu.memory_space<vmem>>, vector<16xf32>,
        tpu.vector_store %arg12[%swap3A_1150, %swap3A_1151], %get3A_1148 {strides = array<i32>} : memref<1x128xf32, #tpu.memory_space<vmem>>, vector<16xf32>,
        %add3A_1153 = arith.constant 48 : i32
        %add3A_1154 = arith.addi %mul3A_1110, %add3A_1153 : i32
        %get3A_1155 = arith.index_cast %add3A_1154 : i32 to index
        %get3A_1156 = tpu.vector_load %arg9[%get3A_1155] {strides = array<i32>} : memref<4256xi32, #tpu.memory_space<vmem>>, vector<16xi32>,
        %swap3A_1157 = arith.constant 0 : i32
        %swap3A_1158 = arith.index_cast %swap3A_1157 : i32 to index
        %swap3A_1159 = arith.constant 48 : index
        %swap3A_1160 = tpu.vector_load %arg11[%swap3A_1158, %swap3A_1159] {strides = array<i32>} : memref<1x128xi32, #tpu.memory_space<vmem>>, vector<16xi32>,
        tpu.vector_store %arg11[%swap3A_1158, %swap3A_1159], %get3A_1156 {strides = array<i32>} : memref<1x128xi32, #tpu.memory_space<vmem>>, vector<16xi32>,
        %get3A_1161 = arith.index_cast %add3A_1154 : i32 to index
        %get3A_1162 = tpu.vector_load %arg10[%get3A_1161] {strides = array<i32>} : memref<4256xf32, #tpu.memory_space<vmem>>, vector<16xf32>,
        %swap3A_1163 = arith.constant 0 : i32
        %swap3A_1164 = arith.index_cast %swap3A_1163 : i32 to index
        %swap3A_1165 = arith.constant 48 : index
        %swap3A_1166 = tpu.vector_load %arg12[%swap3A_1164, %swap3A_1165] {strides = array<i32>} : memref<1x128xf32, #tpu.memory_space<vmem>>, vector<16xf32>,
        tpu.vector_store %arg12[%swap3A_1164, %swap3A_1165], %get3A_1162 {strides = array<i32>} : memref<1x128xf32, #tpu.memory_space<vmem>>, vector<16xf32>,
        %add3A_1167 = arith.constant 64 : i32
        %add3A_1168 = arith.addi %mul3A_1110, %add3A_1167 : i32
        %get3A_1169 = arith.index_cast %add3A_1168 : i32 to index
        %get3A_1170 = tpu.vector_load %arg9[%get3A_1169] {strides = array<i32>} : memref<4256xi32, #tpu.memory_space<vmem>>, vector<16xi32>,
        %swap3A_1171 = arith.constant 0 : i32
        %swap3A_1172 = arith.index_cast %swap3A_1171 : i32 to index
        %swap3A_1173 = arith.constant 64 : index
        %swap3A_1174 = tpu.vector_load %arg11[%swap3A_1172, %swap3A_1173] {strides = array<i32>} : memref<1x128xi32, #tpu.memory_space<vmem>>, vector<16xi32>,
        tpu.vector_store %arg11[%swap3A_1172, %swap3A_1173], %get3A_1170 {strides = array<i32>} : memref<1x128xi32, #tpu.memory_space<vmem>>, vector<16xi32>,
        %get3A_1175 = arith.index_cast %add3A_1168 : i32 to index
        %get3A_1176 = tpu.vector_load %arg10[%get3A_1175] {strides = array<i32>} : memref<4256xf32, #tpu.memory_space<vmem>>, vector<16xf32>,
        %swap3A_1177 = arith.constant 0 : i32
        %swap3A_1178 = arith.index_cast %swap3A_1177 : i32 to index
        %swap3A_1179 = arith.constant 64 : index
        %swap3A_1180 = tpu.vector_load %arg12[%swap3A_1178, %swap3A_1179] {strides = array<i32>} : memref<1x128xf32, #tpu.memory_space<vmem>>, vector<16xf32>,
        tpu.vector_store %arg12[%swap3A_1178, %swap3A_1179], %get3A_1176 {strides = array<i32>} : memref<1x128xf32, #tpu.memory_space<vmem>>, vector<16xf32>,
        %add3A_1181 = arith.constant 80 : i32
        %add3A_1182 = arith.addi %mul3A_1110, %add3A_1181 : i32
        %get3A_1183 = arith.index_cast %add3A_1182 : i32 to index
        %get3A_1184 = tpu.vector_load %arg9[%get3A_1183] {strides = array<i32>} : memref<4256xi32, #tpu.memory_space<vmem>>, vector<16xi32>,
        %swap3A_1185 = arith.constant 0 : i32
        %swap3A_1186 = arith.index_cast %swap3A_1185 : i32 to index
        %swap3A_1187 = arith.constant 80 : index
        %swap3A_1188 = tpu.vector_load %arg11[%swap3A_1186, %swap3A_1187] {strides = array<i32>} : memref<1x128xi32, #tpu.memory_space<vmem>>, vector<16xi32>,
        tpu.vector_store %arg11[%swap3A_1186, %swap3A_1187], %get3A_1184 {strides = array<i32>} : memref<1x128xi32, #tpu.memory_space<vmem>>, vector<16xi32>,
        %get3A_1189 = arith.index_cast %add3A_1182 : i32 to index
        %get3A_1190 = tpu.vector_load %arg10[%get3A_1189] {strides = array<i32>} : memref<4256xf32, #tpu.memory_space<vmem>>, vector<16xf32>,
        %swap3A_1191 = arith.constant 0 : i32
        %swap3A_1192 = arith.index_cast %swap3A_1191 : i32 to index
        %swap3A_1193 = arith.constant 80 : index
        %swap3A_1194 = tpu.vector_load %arg12[%swap3A_1192, %swap3A_1193] {strides = array<i32>} : memref<1x128xf32, #tpu.memory_space<vmem>>, vector<16xf32>,
        tpu.vector_store %arg12[%swap3A_1192, %swap3A_1193], %get3A_1190 {strides = array<i32>} : memref<1x128xf32, #tpu.memory_space<vmem>>, vector<16xf32>,
        %add3A_1195 = arith.constant 96 : i32
        %add3A_1196 = arith.addi %mul3A_1110, %add3A_1195 : i32
        %get3A_1197 = arith.index_cast %add3A_1196 : i32 to index
        %get3A_1198 = tpu.vector_load %arg9[%get3A_1197] {strides = array<i32>} : memref<4256xi32, #tpu.memory_space<vmem>>, vector<16xi32>,
        %swap3A_1199 = arith.constant 0 : i32
        %swap3A_1200 = arith.index_cast %swap3A_1199 : i32 to index
        %swap3A_1201 = arith.constant 96 : index
        %swap3A_1202 = tpu.vector_load %arg11[%swap3A_1200, %swap3A_1201] {strides = array<i32>} : memref<1x128xi32, #tpu.memory_space<vmem>>, vector<16xi32>,
        tpu.vector_store %arg11[%swap3A_1200, %swap3A_1201], %get3A_1198 {strides = array<i32>} : memref<1x128xi32, #tpu.memory_space<vmem>>, vector<16xi32>,
        %get3A_1203 = arith.index_cast %add3A_1196 : i32 to index
        %get3A_1204 = tpu.vector_load %arg10[%get3A_1203] {strides = array<i32>} : memref<4256xf32, #tpu.memory_space<vmem>>, vector<16xf32>,
        %swap3A_1205 = arith.constant 0 : i32
        %swap3A_1206 = arith.index_cast %swap3A_1205 : i32 to index
        %swap3A_1207 = arith.constant 96 : index
        %swap3A_1208 = tpu.vector_load %arg12[%swap3A_1206, %swap3A_1207] {strides = array<i32>} : memref<1x128xf32, #tpu.memory_space<vmem>>, vector<16xf32>,
        tpu.vector_store %arg12[%swap3A_1206, %swap3A_1207], %get3A_1204 {strides = array<i32>} : memref<1x128xf32, #tpu.memory_space<vmem>>, vector<16xf32>,
        %add3A_1209 = arith.constant 112 : i32
        %add3A_1210 = arith.addi %mul3A_1110, %add3A_1209 : i32
        %get3A_1211 = arith.index_cast %add3A_1210 : i32 to index
        %get3A_1212 = tpu.vector_load %arg9[%get3A_1211] {strides = array<i32>} : memref<4256xi32, #tpu.memory_space<vmem>>, vector<16xi32>,
        %swap3A_1213 = arith.constant 0 : i32
        %swap3A_1214 = arith.index_cast %swap3A_1213 : i32 to index
        %swap3A_1215 = arith.constant 112 : index
        %swap3A_1216 = tpu.vector_load %arg11[%swap3A_1214, %swap3A_1215] {strides = array<i32>} : memref<1x128xi32, #tpu.memory_space<vmem>>, vector<16xi32>,
        tpu.vector_store %arg11[%swap3A_1214, %swap3A_1215], %get3A_1212 {strides = array<i32>} : memref<1x128xi32, #tpu.memory_space<vmem>>, vector<16xi32>,
        %get3A_1217 = arith.index_cast %add3A_1210 : i32 to index
        %get3A_1218 = tpu.vector_load %arg10[%get3A_1217] {strides = array<i32>} : memref<4256xf32, #tpu.memory_space<vmem>>, vector<16xf32>,
        %swap3A_1219 = arith.constant 0 : i32
        %swap3A_1220 = arith.index_cast %swap3A_1219 : i32 to index
        %swap3A_1221 = arith.constant 112 : index
        %swap3A_1222 = tpu.vector_load %arg12[%swap3A_1220, %swap3A_1221] {strides = array<i32>} : memref<1x128xf32, #tpu.memory_space<vmem>>, vector<16xf32>,
        tpu.vector_store %arg12[%swap3A_1220, %swap3A_1221], %get3A_1218 {strides = array<i32>} : memref<1x128xf32, #tpu.memory_space<vmem>>, vector<16xf32>,
        %run_scoped3A_1223 = arith.constant 0 : i32
        %run_scoped3A_1224 = arith.constant 0 : i32
        "tpu.region"() ({
          %run_scoped3A_1226 = tpu.sem_alloc : memref<!tpu.dma_semaphore, #tpu.memory_space<semaphore_mem>>
          %dma_start3A = arith.constant 0 : i32
          %dma_start3A_1227 = tpu.memref_slice %arg12[%run_scoped3A_1223, %dma_start3A] : memref<1x128xf32, #tpu.memory_space<vmem>> -> memref<1x128xf32, #tpu.memory_space<vmem>>
          %dma_start3A_1228 = tpu.memref_squeeze %dma_start3A_1227 : memref<1x128xf32, #tpu.memory_space<vmem>> -> memref<128xf32, #tpu.memory_space<vmem>>
          %dma_start3A_1229 = arith.constant 0 : i32
          %dma_start3A_1230 = tpu.memref_slice %arg11[%run_scoped3A_1224, %dma_start3A_1229] : memref<1x128xi32, #tpu.memory_space<vmem>> -> memref<1x128xi32, #tpu.memory_space<vmem>>
          %dma_start3A_1231 = tpu.memref_squeeze %dma_start3A_1230 : memref<1x128xi32, #tpu.memory_space<vmem>> -> memref<128xi32, #tpu.memory_space<vmem>>
          %dma_start3A_1232 = arith.constant 0 : i32
          %dma_start3A_1233 = tpu.memref_slice %arg14[%dma_start3A_1232] : memref<1802240xf32, #tpu.memory_space<vmem_shared>> -> memref<1802240xf32, #tpu.memory_space<vmem_shared>>
          tpu.enqueue_indirect_dma source(%dma_start3A_1228 : memref<128xf32, #tpu.memory_space<vmem>>) target(%dma_start3A_1233 : memref<1802240xf32, #tpu.memory_space<vmem_shared>>) offsets(%dma_start3A_1231 : memref<128xi32, #tpu.memory_space<vmem>>) semaphore(%run_scoped3A_1226 : memref<!tpu.dma_semaphore, #tpu.memory_space<semaphore_mem>>) {add = true}
          %dma_wait3A = arith.constant 0 : i32
          %dma_wait3A_1234 = tpu.memref_slice %arg12[%run_scoped3A_1223, %dma_wait3A] : memref<1x128xf32, #tpu.memory_space<vmem>> -> memref<1x128xf32, #tpu.memory_space<vmem>>
          %dma_wait3A_1235 = tpu.memref_squeeze %dma_wait3A_1234 : memref<1x128xf32, #tpu.memory_space<vmem>> -> memref<128xf32, #tpu.memory_space<vmem>>
          %dma_wait3A_1236 = arith.constant 0 : i32
          %dma_wait3A_1237 = tpu.memref_slice %arg11[%run_scoped3A_1224, %dma_wait3A_1236] : memref<1x128xi32, #tpu.memory_space<vmem>> -> memref<1x128xi32, #tpu.memory_space<vmem>>
          %dma_wait3A_1238 = tpu.memref_squeeze %dma_wait3A_1237 : memref<1x128xi32, #tpu.memory_space<vmem>> -> memref<128xi32, #tpu.memory_space<vmem>>
          %dma_wait3A_1239 = arith.constant 0 : i32
          %dma_wait3A_1240 = tpu.memref_slice %arg14[%dma_wait3A_1239] : memref<1802240xf32, #tpu.memory_space<vmem_shared>> -> memref<1802240xf32, #tpu.memory_space<vmem_shared>>
          tpu.wait_indirect_dma semaphore(%run_scoped3A_1226 : memref<!tpu.dma_semaphore, #tpu.memory_space<semaphore_mem>>) src(%dma_wait3A_1235 : memref<128xf32, #tpu.memory_space<vmem>>) dst(%dma_wait3A_1240 : memref<1802240xf32, #tpu.memory_space<vmem_shared>>)
          tpu.yield
        }) : () -> ()
        %while3A_1225 = arith.constant 0 : i32
        scf.yield %while3A_1225 : i32
      }
      %mul3A_1008 = arith.constant 128 : i32
      %mul3A_1009 = arith.muli %select_n3A_996, %mul3A_1008 : i32
      %add3A_1010 = arith.constant 0 : i32
      %add3A_1011 = arith.addi %mul3A_1009, %add3A_1010 : i32
      %get3A_1012 = arith.index_cast %add3A_1011 : i32 to index
      %get3A_1013 = tpu.vector_load %arg9[%get3A_1012] {strides = array<i32>} : memref<4256xi32, #tpu.memory_space<vmem>>, vector<16xi32>,
      %add3A_1014 = arith.constant 0 : i32
      %add3A_1015 = arith.addi %mul3A_1009, %add3A_1014 : i32
      %get3A_1016 = arith.index_cast %add3A_1015 : i32 to index
      %get3A_1017 = tpu.vector_load %arg10[%get3A_1016] {strides = array<i32>} : memref<4256xf32, #tpu.memory_space<vmem>>, vector<16xf32>,
      %swap3A_1018 = arith.constant 0 : index
      %swap3A_1019 = tpu.vector_load %arg9[%swap3A_1018] {strides = array<i32>} : memref<4256xi32, #tpu.memory_space<vmem>>, vector<16xi32>,
      tpu.vector_store %arg9[%swap3A_1018], %get3A_1013 {strides = array<i32>} : memref<4256xi32, #tpu.memory_space<vmem>>, vector<16xi32>,
      %swap3A_1020 = arith.constant 0 : index
      %swap3A_1021 = tpu.vector_load %arg10[%swap3A_1020] {strides = array<i32>} : memref<4256xf32, #tpu.memory_space<vmem>>, vector<16xf32>,
      tpu.vector_store %arg10[%swap3A_1020], %get3A_1017 {strides = array<i32>} : memref<4256xf32, #tpu.memory_space<vmem>>, vector<16xf32>,
      %add3A_1022 = arith.constant 16 : i32
      %add3A_1023 = arith.addi %mul3A_1009, %add3A_1022 : i32
      %get3A_1024 = arith.index_cast %add3A_1023 : i32 to index
      %get3A_1025 = tpu.vector_load %arg9[%get3A_1024] {strides = array<i32>} : memref<4256xi32, #tpu.memory_space<vmem>>, vector<16xi32>,
      %add3A_1026 = arith.constant 16 : i32
      %add3A_1027 = arith.addi %mul3A_1009, %add3A_1026 : i32
      %get3A_1028 = arith.index_cast %add3A_1027 : i32 to index
      %get3A_1029 = tpu.vector_load %arg10[%get3A_1028] {strides = array<i32>} : memref<4256xf32, #tpu.memory_space<vmem>>, vector<16xf32>,
      %swap3A_1030 = arith.constant 16 : index
      %swap3A_1031 = tpu.vector_load %arg9[%swap3A_1030] {strides = array<i32>} : memref<4256xi32, #tpu.memory_space<vmem>>, vector<16xi32>,
      tpu.vector_store %arg9[%swap3A_1030], %get3A_1025 {strides = array<i32>} : memref<4256xi32, #tpu.memory_space<vmem>>, vector<16xi32>,
      %swap3A_1032 = arith.constant 16 : index
      %swap3A_1033 = tpu.vector_load %arg10[%swap3A_1032] {strides = array<i32>} : memref<4256xf32, #tpu.memory_space<vmem>>, vector<16xf32>,
      tpu.vector_store %arg10[%swap3A_1032], %get3A_1029 {strides = array<i32>} : memref<4256xf32, #tpu.memory_space<vmem>>, vector<16xf32>,
      %add3A_1034 = arith.constant 32 : i32
      %add3A_1035 = arith.addi %mul3A_1009, %add3A_1034 : i32
      %get3A_1036 = arith.index_cast %add3A_1035 : i32 to index
      %get3A_1037 = tpu.vector_load %arg9[%get3A_1036] {strides = array<i32>} : memref<4256xi32, #tpu.memory_space<vmem>>, vector<16xi32>,
      %add3A_1038 = arith.constant 32 : i32
      %add3A_1039 = arith.addi %mul3A_1009, %add3A_1038 : i32
      %get3A_1040 = arith.index_cast %add3A_1039 : i32 to index
      %get3A_1041 = tpu.vector_load %arg10[%get3A_1040] {strides = array<i32>} : memref<4256xf32, #tpu.memory_space<vmem>>, vector<16xf32>,
      %swap3A_1042 = arith.constant 32 : index
      %swap3A_1043 = tpu.vector_load %arg9[%swap3A_1042] {strides = array<i32>} : memref<4256xi32, #tpu.memory_space<vmem>>, vector<16xi32>,
      tpu.vector_store %arg9[%swap3A_1042], %get3A_1037 {strides = array<i32>} : memref<4256xi32, #tpu.memory_space<vmem>>, vector<16xi32>,
      %swap3A_1044 = arith.constant 32 : index
      %swap3A_1045 = tpu.vector_load %arg10[%swap3A_1044] {strides = array<i32>} : memref<4256xf32, #tpu.memory_space<vmem>>, vector<16xf32>,
      tpu.vector_store %arg10[%swap3A_1044], %get3A_1041 {strides = array<i32>} : memref<4256xf32, #tpu.memory_space<vmem>>, vector<16xf32>,
      %add3A_1046 = arith.constant 48 : i32
      %add3A_1047 = arith.addi %mul3A_1009, %add3A_1046 : i32
      %get3A_1048 = arith.index_cast %add3A_1047 : i32 to index
      %get3A_1049 = tpu.vector_load %arg9[%get3A_1048] {strides = array<i32>} : memref<4256xi32, #tpu.memory_space<vmem>>, vector<16xi32>,
      %add3A_1050 = arith.constant 48 : i32
      %add3A_1051 = arith.addi %mul3A_1009, %add3A_1050 : i32
      %get3A_1052 = arith.index_cast %add3A_1051 : i32 to index
      %get3A_1053 = tpu.vector_load %arg10[%get3A_1052] {strides = array<i32>} : memref<4256xf32, #tpu.memory_space<vmem>>, vector<16xf32>,
      %swap3A_1054 = arith.constant 48 : index
      %swap3A_1055 = tpu.vector_load %arg9[%swap3A_1054] {strides = array<i32>} : memref<4256xi32, #tpu.memory_space<vmem>>, vector<16xi32>,
      tpu.vector_store %arg9[%swap3A_1054], %get3A_1049 {strides = array<i32>} : memref<4256xi32, #tpu.memory_space<vmem>>, vector<16xi32>,
      %swap3A_1056 = arith.constant 48 : index
      %swap3A_1057 = tpu.vector_load %arg10[%swap3A_1056] {strides = array<i32>} : memref<4256xf32, #tpu.memory_space<vmem>>, vector<16xf32>,
      tpu.vector_store %arg10[%swap3A_1056], %get3A_1053 {strides = array<i32>} : memref<4256xf32, #tpu.memory_space<vmem>>, vector<16xf32>,
      %add3A_1058 = arith.constant 64 : i32
      %add3A_1059 = arith.addi %mul3A_1009, %add3A_1058 : i32
      %get3A_1060 = arith.index_cast %add3A_1059 : i32 to index
      %get3A_1061 = tpu.vector_load %arg9[%get3A_1060] {strides = array<i32>} : memref<4256xi32, #tpu.memory_space<vmem>>, vector<16xi32>,
      %add3A_1062 = arith.constant 64 : i32
      %add3A_1063 = arith.addi %mul3A_1009, %add3A_1062 : i32
      %get3A_1064 = arith.index_cast %add3A_1063 : i32 to index
      %get3A_1065 = tpu.vector_load %arg10[%get3A_1064] {strides = array<i32>} : memref<4256xf32, #tpu.memory_space<vmem>>, vector<16xf32>,
      %swap3A_1066 = arith.constant 64 : index
      %swap3A_1067 = tpu.vector_load %arg9[%swap3A_1066] {strides = array<i32>} : memref<4256xi32, #tpu.memory_space<vmem>>, vector<16xi32>,
      tpu.vector_store %arg9[%swap3A_1066], %get3A_1061 {strides = array<i32>} : memref<4256xi32, #tpu.memory_space<vmem>>, vector<16xi32>,
      %swap3A_1068 = arith.constant 64 : index
      %swap3A_1069 = tpu.vector_load %arg10[%swap3A_1068] {strides = array<i32>} : memref<4256xf32, #tpu.memory_space<vmem>>, vector<16xf32>,
      tpu.vector_store %arg10[%swap3A_1068], %get3A_1065 {strides = array<i32>} : memref<4256xf32, #tpu.memory_space<vmem>>, vector<16xf32>,
      %add3A_1070 = arith.constant 80 : i32
      %add3A_1071 = arith.addi %mul3A_1009, %add3A_1070 : i32
      %get3A_1072 = arith.index_cast %add3A_1071 : i32 to index
      %get3A_1073 = tpu.vector_load %arg9[%get3A_1072] {strides = array<i32>} : memref<4256xi32, #tpu.memory_space<vmem>>, vector<16xi32>,
      %add3A_1074 = arith.constant 80 : i32
      %add3A_1075 = arith.addi %mul3A_1009, %add3A_1074 : i32
      %get3A_1076 = arith.index_cast %add3A_1075 : i32 to index
      %get3A_1077 = tpu.vector_load %arg10[%get3A_1076] {strides = array<i32>} : memref<4256xf32, #tpu.memory_space<vmem>>, vector<16xf32>,
      %swap3A_1078 = arith.constant 80 : index
      %swap3A_1079 = tpu.vector_load %arg9[%swap3A_1078] {strides = array<i32>} : memref<4256xi32, #tpu.memory_space<vmem>>, vector<16xi32>,
      tpu.vector_store %arg9[%swap3A_1078], %get3A_1073 {strides = array<i32>} : memref<4256xi32, #tpu.memory_space<vmem>>, vector<16xi32>,
      %swap3A_1080 = arith.constant 80 : index
      %swap3A_1081 = tpu.vector_load %arg10[%swap3A_1080] {strides = array<i32>} : memref<4256xf32, #tpu.memory_space<vmem>>, vector<16xf32>,
      tpu.vector_store %arg10[%swap3A_1080], %get3A_1077 {strides = array<i32>} : memref<4256xf32, #tpu.memory_space<vmem>>, vector<16xf32>,
      %add3A_1082 = arith.constant 96 : i32
      %add3A_1083 = arith.addi %mul3A_1009, %add3A_1082 : i32
      %get3A_1084 = arith.index_cast %add3A_1083 : i32 to index
      %get3A_1085 = tpu.vector_load %arg9[%get3A_1084] {strides = array<i32>} : memref<4256xi32, #tpu.memory_space<vmem>>, vector<16xi32>,
      %add3A_1086 = arith.constant 96 : i32
      %add3A_1087 = arith.addi %mul3A_1009, %add3A_1086 : i32
      %get3A_1088 = arith.index_cast %add3A_1087 : i32 to index
      %get3A_1089 = tpu.vector_load %arg10[%get3A_1088] {strides = array<i32>} : memref<4256xf32, #tpu.memory_space<vmem>>, vector<16xf32>,
      %swap3A_1090 = arith.constant 96 : index
      %swap3A_1091 = tpu.vector_load %arg9[%swap3A_1090] {strides = array<i32>} : memref<4256xi32, #tpu.memory_space<vmem>>, vector<16xi32>,
      tpu.vector_store %arg9[%swap3A_1090], %get3A_1085 {strides = array<i32>} : memref<4256xi32, #tpu.memory_space<vmem>>, vector<16xi32>,
      %swap3A_1092 = arith.constant 96 : index
      %swap3A_1093 = tpu.vector_load %arg10[%swap3A_1092] {strides = array<i32>} : memref<4256xf32, #tpu.memory_space<vmem>>, vector<16xf32>,
      tpu.vector_store %arg10[%swap3A_1092], %get3A_1089 {strides = array<i32>} : memref<4256xf32, #tpu.memory_space<vmem>>, vector<16xf32>,
      %add3A_1094 = arith.constant 112 : i32
      %add3A_1095 = arith.addi %mul3A_1009, %add3A_1094 : i32
      %get3A_1096 = arith.index_cast %add3A_1095 : i32 to index
      %get3A_1097 = tpu.vector_load %arg9[%get3A_1096] {strides = array<i32>} : memref<4256xi32, #tpu.memory_space<vmem>>, vector<16xi32>,
      %add3A_1098 = arith.constant 112 : i32
      %add3A_1099 = arith.addi %mul3A_1009, %add3A_1098 : i32
      %get3A_1100 = arith.index_cast %add3A_1099 : i32 to index
      %get3A_1101 = tpu.vector_load %arg10[%get3A_1100] {strides = array<i32>} : memref<4256xf32, #tpu.memory_space<vmem>>, vector<16xf32>,
      %swap3A_1102 = arith.constant 112 : index
      %swap3A_1103 = tpu.vector_load %arg9[%swap3A_1102] {strides = array<i32>} : memref<4256xi32, #tpu.memory_space<vmem>>, vector<16xi32>,
      tpu.vector_store %arg9[%swap3A_1102], %get3A_1097 {strides = array<i32>} : memref<4256xi32, #tpu.memory_space<vmem>>, vector<16xi32>,
      %swap3A_1104 = arith.constant 112 : index
      %swap3A_1105 = tpu.vector_load %arg10[%swap3A_1104] {strides = array<i32>} : memref<4256xf32, #tpu.memory_space<vmem>>, vector<16xf32>,
      tpu.vector_store %arg10[%swap3A_1104], %get3A_1101 {strides = array<i32>} : memref<4256xf32, #tpu.memory_space<vmem>>, vector<16xf32>,
      %sub3A_1106 = arith.subi %scan3A_977, %mul3A_1009 : i32
      scf.yield %sub3A_1106 : i32
    }
    %scan3A_42 = arith.constant 52 : i32
    %add3A_43 = arith.constant 0 : i32
    %add3A_44 = vector.broadcast %add3A_43 : i32 to vector<16xi32>
    %add3A_45 = arith.addi %iota3A, %add3A_44 : vector<16xi32>
    %lt3A = vector.broadcast %scan3A_41 : i32 to vector<16xi32>
    %lt3A_46 = arith.cmpi slt, %add3A_45, %lt3A : vector<16xi32>
    %get3A = arith.constant 0 : index
    %get3A_47 = tpu.vector_load %arg9[%get3A] {strides = array<i32>} : memref<4256xi32, #tpu.memory_space<vmem>>, vector<16xi32>,
    %swap3A_48 = arith.constant 0 : i32
    %swap3A_49 = arith.index_cast %swap3A_48 : i32 to index
    %swap3A_50 = arith.constant 0 : index
    %swap3A_51 = tpu.vector_load %arg11[%swap3A_49, %swap3A_50] {strides = array<i32>} : memref<1x128xi32, #tpu.memory_space<vmem>>, vector<16xi32>,
    tpu.vector_store %arg11[%swap3A_49, %swap3A_50], %get3A_47 {strides = array<i32>} : memref<1x128xi32, #tpu.memory_space<vmem>>, vector<16xi32>,
    %get3A_52 = arith.constant 0 : index
    %get3A_53 = tpu.vector_load %arg10[%get3A_52] {strides = array<i32>} : memref<4256xf32, #tpu.memory_space<vmem>>, vector<16xf32>,
    %jit3A = arith.constant 0.000000e+00 : f32
    %broadcast_in_dim3A_54 = vector.broadcast %jit3A : f32 to vector<16xf32>
    %select_n3A = arith.select %lt3A_46, %get3A_53, %broadcast_in_dim3A_54 : vector<16xi1>, vector<16xf32>
    %swap3A_55 = arith.constant 0 : i32
    %swap3A_56 = arith.index_cast %swap3A_55 : i32 to index
    %swap3A_57 = arith.constant 0 : index
    %swap3A_58 = tpu.vector_load %arg12[%swap3A_56, %swap3A_57] {strides = array<i32>} : memref<1x128xf32, #tpu.memory_space<vmem>>, vector<16xf32>,
    tpu.vector_store %arg12[%swap3A_56, %swap3A_57], %select_n3A {strides = array<i32>} : memref<1x128xf32, #tpu.memory_space<vmem>>, vector<16xf32>,
    %add3A_59 = arith.constant 16 : i32
    %add3A_60 = vector.broadcast %add3A_59 : i32 to vector<16xi32>
    %add3A_61 = arith.addi %iota3A, %add3A_60 : vector<16xi32>
    %lt3A_62 = vector.broadcast %scan3A_41 : i32 to vector<16xi32>
    %lt3A_63 = arith.cmpi slt, %add3A_61, %lt3A_62 : vector<16xi32>
    %get3A_64 = arith.constant 16 : index
    %get3A_65 = tpu.vector_load %arg9[%get3A_64] {strides = array<i32>} : memref<4256xi32, #tpu.memory_space<vmem>>, vector<16xi32>,
    %swap3A_66 = arith.constant 0 : i32
    %swap3A_67 = arith.index_cast %swap3A_66 : i32 to index
    %swap3A_68 = arith.constant 16 : index
    %swap3A_69 = tpu.vector_load %arg11[%swap3A_67, %swap3A_68] {strides = array<i32>} : memref<1x128xi32, #tpu.memory_space<vmem>>, vector<16xi32>,
    tpu.vector_store %arg11[%swap3A_67, %swap3A_68], %get3A_65 {strides = array<i32>} : memref<1x128xi32, #tpu.memory_space<vmem>>, vector<16xi32>,
    %get3A_70 = arith.constant 16 : index
    %get3A_71 = tpu.vector_load %arg10[%get3A_70] {strides = array<i32>} : memref<4256xf32, #tpu.memory_space<vmem>>, vector<16xf32>,
    %jit3A_72 = arith.constant 0.000000e+00 : f32
    %broadcast_in_dim3A_73 = vector.broadcast %jit3A_72 : f32 to vector<16xf32>
    %select_n3A_74 = arith.select %lt3A_63, %get3A_71, %broadcast_in_dim3A_73 : vector<16xi1>, vector<16xf32>
    %swap3A_75 = arith.constant 0 : i32
    %swap3A_76 = arith.index_cast %swap3A_75 : i32 to index
    %swap3A_77 = arith.constant 16 : index
    %swap3A_78 = tpu.vector_load %arg12[%swap3A_76, %swap3A_77] {strides = array<i32>} : memref<1x128xf32, #tpu.memory_space<vmem>>, vector<16xf32>,
    tpu.vector_store %arg12[%swap3A_76, %swap3A_77], %select_n3A_74 {strides = array<i32>} : memref<1x128xf32, #tpu.memory_space<vmem>>, vector<16xf32>,
    %add3A_79 = arith.constant 32 : i32
    %add3A_80 = vector.broadcast %add3A_79 : i32 to vector<16xi32>
    %add3A_81 = arith.addi %iota3A, %add3A_80 : vector<16xi32>
    %lt3A_82 = vector.broadcast %scan3A_41 : i32 to vector<16xi32>
    %lt3A_83 = arith.cmpi slt, %add3A_81, %lt3A_82 : vector<16xi32>
    %get3A_84 = arith.constant 32 : index
    %get3A_85 = tpu.vector_load %arg9[%get3A_84] {strides = array<i32>} : memref<4256xi32, #tpu.memory_space<vmem>>, vector<16xi32>,
    %swap3A_86 = arith.constant 0 : i32
    %swap3A_87 = arith.index_cast %swap3A_86 : i32 to index
    %swap3A_88 = arith.constant 32 : index
    %swap3A_89 = tpu.vector_load %arg11[%swap3A_87, %swap3A_88] {strides = array<i32>} : memref<1x128xi32, #tpu.memory_space<vmem>>, vector<16xi32>,
    tpu.vector_store %arg11[%swap3A_87, %swap3A_88], %get3A_85 {strides = array<i32>} : memref<1x128xi32, #tpu.memory_space<vmem>>, vector<16xi32>,
    %get3A_90 = arith.constant 32 : index
    %get3A_91 = tpu.vector_load %arg10[%get3A_90] {strides = array<i32>} : memref<4256xf32, #tpu.memory_space<vmem>>, vector<16xf32>,
    %jit3A_92 = arith.constant 0.000000e+00 : f32
    %broadcast_in_dim3A_93 = vector.broadcast %jit3A_92 : f32 to vector<16xf32>
    %select_n3A_94 = arith.select %lt3A_83, %get3A_91, %broadcast_in_dim3A_93 : vector<16xi1>, vector<16xf32>
    %swap3A_95 = arith.constant 0 : i32
    %swap3A_96 = arith.index_cast %swap3A_95 : i32 to index
    %swap3A_97 = arith.constant 32 : index
    %swap3A_98 = tpu.vector_load %arg12[%swap3A_96, %swap3A_97] {strides = array<i32>} : memref<1x128xf32, #tpu.memory_space<vmem>>, vector<16xf32>,
    tpu.vector_store %arg12[%swap3A_96, %swap3A_97], %select_n3A_94 {strides = array<i32>} : memref<1x128xf32, #tpu.memory_space<vmem>>, vector<16xf32>,
    %add3A_99 = arith.constant 48 : i32
    %add3A_100 = vector.broadcast %add3A_99 : i32 to vector<16xi32>
    %add3A_101 = arith.addi %iota3A, %add3A_100 : vector<16xi32>
    %lt3A_102 = vector.broadcast %scan3A_41 : i32 to vector<16xi32>
    %lt3A_103 = arith.cmpi slt, %add3A_101, %lt3A_102 : vector<16xi32>
    %get3A_104 = arith.constant 48 : index
    %get3A_105 = tpu.vector_load %arg9[%get3A_104] {strides = array<i32>} : memref<4256xi32, #tpu.memory_space<vmem>>, vector<16xi32>,
    %swap3A_106 = arith.constant 0 : i32
    %swap3A_107 = arith.index_cast %swap3A_106 : i32 to index
    %swap3A_108 = arith.constant 48 : index
    %swap3A_109 = tpu.vector_load %arg11[%swap3A_107, %swap3A_108] {strides = array<i32>} : memref<1x128xi32, #tpu.memory_space<vmem>>, vector<16xi32>,
    tpu.vector_store %arg11[%swap3A_107, %swap3A_108], %get3A_105 {strides = array<i32>} : memref<1x128xi32, #tpu.memory_space<vmem>>, vector<16xi32>,
    %get3A_110 = arith.constant 48 : index
    %get3A_111 = tpu.vector_load %arg10[%get3A_110] {strides = array<i32>} : memref<4256xf32, #tpu.memory_space<vmem>>, vector<16xf32>,
    %jit3A_112 = arith.constant 0.000000e+00 : f32
    %broadcast_in_dim3A_113 = vector.broadcast %jit3A_112 : f32 to vector<16xf32>
    %select_n3A_114 = arith.select %lt3A_103, %get3A_111, %broadcast_in_dim3A_113 : vector<16xi1>, vector<16xf32>
    %swap3A_115 = arith.constant 0 : i32
    %swap3A_116 = arith.index_cast %swap3A_115 : i32 to index
    %swap3A_117 = arith.constant 48 : index
    %swap3A_118 = tpu.vector_load %arg12[%swap3A_116, %swap3A_117] {strides = array<i32>} : memref<1x128xf32, #tpu.memory_space<vmem>>, vector<16xf32>,
    tpu.vector_store %arg12[%swap3A_116, %swap3A_117], %select_n3A_114 {strides = array<i32>} : memref<1x128xf32, #tpu.memory_space<vmem>>, vector<16xf32>,
    %add3A_119 = arith.constant 64 : i32
    %add3A_120 = vector.broadcast %add3A_119 : i32 to vector<16xi32>
    %add3A_121 = arith.addi %iota3A, %add3A_120 : vector<16xi32>
    %lt3A_122 = vector.broadcast %scan3A_41 : i32 to vector<16xi32>
    %lt3A_123 = arith.cmpi slt, %add3A_121, %lt3A_122 : vector<16xi32>
    %get3A_124 = arith.constant 64 : index
    %get3A_125 = tpu.vector_load %arg9[%get3A_124] {strides = array<i32>} : memref<4256xi32, #tpu.memory_space<vmem>>, vector<16xi32>,
    %swap3A_126 = arith.constant 0 : i32
    %swap3A_127 = arith.index_cast %swap3A_126 : i32 to index
    %swap3A_128 = arith.constant 64 : index
    %swap3A_129 = tpu.vector_load %arg11[%swap3A_127, %swap3A_128] {strides = array<i32>} : memref<1x128xi32, #tpu.memory_space<vmem>>, vector<16xi32>,
    tpu.vector_store %arg11[%swap3A_127, %swap3A_128], %get3A_125 {strides = array<i32>} : memref<1x128xi32, #tpu.memory_space<vmem>>, vector<16xi32>,
    %get3A_130 = arith.constant 64 : index
    %get3A_131 = tpu.vector_load %arg10[%get3A_130] {strides = array<i32>} : memref<4256xf32, #tpu.memory_space<vmem>>, vector<16xf32>,
    %jit3A_132 = arith.constant 0.000000e+00 : f32
    %broadcast_in_dim3A_133 = vector.broadcast %jit3A_132 : f32 to vector<16xf32>
    %select_n3A_134 = arith.select %lt3A_123, %get3A_131, %broadcast_in_dim3A_133 : vector<16xi1>, vector<16xf32>
    %swap3A_135 = arith.constant 0 : i32
    %swap3A_136 = arith.index_cast %swap3A_135 : i32 to index
    %swap3A_137 = arith.constant 64 : index
    %swap3A_138 = tpu.vector_load %arg12[%swap3A_136, %swap3A_137] {strides = array<i32>} : memref<1x128xf32, #tpu.memory_space<vmem>>, vector<16xf32>,
    tpu.vector_store %arg12[%swap3A_136, %swap3A_137], %select_n3A_134 {strides = array<i32>} : memref<1x128xf32, #tpu.memory_space<vmem>>, vector<16xf32>,
    %add3A_139 = arith.constant 80 : i32
    %add3A_140 = vector.broadcast %add3A_139 : i32 to vector<16xi32>
    %add3A_141 = arith.addi %iota3A, %add3A_140 : vector<16xi32>
    %lt3A_142 = vector.broadcast %scan3A_41 : i32 to vector<16xi32>
    %lt3A_143 = arith.cmpi slt, %add3A_141, %lt3A_142 : vector<16xi32>
    %get3A_144 = arith.constant 80 : index
    %get3A_145 = tpu.vector_load %arg9[%get3A_144] {strides = array<i32>} : memref<4256xi32, #tpu.memory_space<vmem>>, vector<16xi32>,
    %swap3A_146 = arith.constant 0 : i32
    %swap3A_147 = arith.index_cast %swap3A_146 : i32 to index
    %swap3A_148 = arith.constant 80 : index
    %swap3A_149 = tpu.vector_load %arg11[%swap3A_147, %swap3A_148] {strides = array<i32>} : memref<1x128xi32, #tpu.memory_space<vmem>>, vector<16xi32>,
    tpu.vector_store %arg11[%swap3A_147, %swap3A_148], %get3A_145 {strides = array<i32>} : memref<1x128xi32, #tpu.memory_space<vmem>>, vector<16xi32>,
    %get3A_150 = arith.constant 80 : index
    %get3A_151 = tpu.vector_load %arg10[%get3A_150] {strides = array<i32>} : memref<4256xf32, #tpu.memory_space<vmem>>, vector<16xf32>,
    %jit3A_152 = arith.constant 0.000000e+00 : f32
    %broadcast_in_dim3A_153 = vector.broadcast %jit3A_152 : f32 to vector<16xf32>
    %select_n3A_154 = arith.select %lt3A_143, %get3A_151, %broadcast_in_dim3A_153 : vector<16xi1>, vector<16xf32>
    %swap3A_155 = arith.constant 0 : i32
    %swap3A_156 = arith.index_cast %swap3A_155 : i32 to index
    %swap3A_157 = arith.constant 80 : index
    %swap3A_158 = tpu.vector_load %arg12[%swap3A_156, %swap3A_157] {strides = array<i32>} : memref<1x128xf32, #tpu.memory_space<vmem>>, vector<16xf32>,
    tpu.vector_store %arg12[%swap3A_156, %swap3A_157], %select_n3A_154 {strides = array<i32>} : memref<1x128xf32, #tpu.memory_space<vmem>>, vector<16xf32>,
    %add3A_159 = arith.constant 96 : i32
    %add3A_160 = vector.broadcast %add3A_159 : i32 to vector<16xi32>
    %add3A_161 = arith.addi %iota3A, %add3A_160 : vector<16xi32>
    %lt3A_162 = vector.broadcast %scan3A_41 : i32 to vector<16xi32>
    %lt3A_163 = arith.cmpi slt, %add3A_161, %lt3A_162 : vector<16xi32>
    %get3A_164 = arith.constant 96 : index
    %get3A_165 = tpu.vector_load %arg9[%get3A_164] {strides = array<i32>} : memref<4256xi32, #tpu.memory_space<vmem>>, vector<16xi32>,
    %swap3A_166 = arith.constant 0 : i32
    %swap3A_167 = arith.index_cast %swap3A_166 : i32 to index
    %swap3A_168 = arith.constant 96 : index
    %swap3A_169 = tpu.vector_load %arg11[%swap3A_167, %swap3A_168] {strides = array<i32>} : memref<1x128xi32, #tpu.memory_space<vmem>>, vector<16xi32>,
    tpu.vector_store %arg11[%swap3A_167, %swap3A_168], %get3A_165 {strides = array<i32>} : memref<1x128xi32, #tpu.memory_space<vmem>>, vector<16xi32>,
    %get3A_170 = arith.constant 96 : index
    %get3A_171 = tpu.vector_load %arg10[%get3A_170] {strides = array<i32>} : memref<4256xf32, #tpu.memory_space<vmem>>, vector<16xf32>,
    %jit3A_172 = arith.constant 0.000000e+00 : f32
    %broadcast_in_dim3A_173 = vector.broadcast %jit3A_172 : f32 to vector<16xf32>
    %select_n3A_174 = arith.select %lt3A_163, %get3A_171, %broadcast_in_dim3A_173 : vector<16xi1>, vector<16xf32>
    %swap3A_175 = arith.constant 0 : i32
    %swap3A_176 = arith.index_cast %swap3A_175 : i32 to index
    %swap3A_177 = arith.constant 96 : index
    %swap3A_178 = tpu.vector_load %arg12[%swap3A_176, %swap3A_177] {strides = array<i32>} : memref<1x128xf32, #tpu.memory_space<vmem>>, vector<16xf32>,
    tpu.vector_store %arg12[%swap3A_176, %swap3A_177], %select_n3A_174 {strides = array<i32>} : memref<1x128xf32, #tpu.memory_space<vmem>>, vector<16xf32>,
    %add3A_179 = arith.constant 112 : i32
    %add3A_180 = vector.broadcast %add3A_179 : i32 to vector<16xi32>
    %add3A_181 = arith.addi %iota3A, %add3A_180 : vector<16xi32>
    %lt3A_182 = vector.broadcast %scan3A_41 : i32 to vector<16xi32>
    %lt3A_183 = arith.cmpi slt, %add3A_181, %lt3A_182 : vector<16xi32>
    %get3A_184 = arith.constant 112 : index
    %get3A_185 = tpu.vector_load %arg9[%get3A_184] {strides = array<i32>} : memref<4256xi32, #tpu.memory_space<vmem>>, vector<16xi32>,
    %swap3A_186 = arith.constant 0 : i32
    %swap3A_187 = arith.index_cast %swap3A_186 : i32 to index
    %swap3A_188 = arith.constant 112 : index
    %swap3A_189 = tpu.vector_load %arg11[%swap3A_187, %swap3A_188] {strides = array<i32>} : memref<1x128xi32, #tpu.memory_space<vmem>>, vector<16xi32>,
    tpu.vector_store %arg11[%swap3A_187, %swap3A_188], %get3A_185 {strides = array<i32>} : memref<1x128xi32, #tpu.memory_space<vmem>>, vector<16xi32>,
    %get3A_190 = arith.constant 112 : index
    %get3A_191 = tpu.vector_load %arg10[%get3A_190] {strides = array<i32>} : memref<4256xf32, #tpu.memory_space<vmem>>, vector<16xf32>,
    %jit3A_192 = arith.constant 0.000000e+00 : f32
    %broadcast_in_dim3A_193 = vector.broadcast %jit3A_192 : f32 to vector<16xf32>
    %select_n3A_194 = arith.select %lt3A_183, %get3A_191, %broadcast_in_dim3A_193 : vector<16xi1>, vector<16xf32>
    %swap3A_195 = arith.constant 0 : i32
    %swap3A_196 = arith.index_cast %swap3A_195 : i32 to index
    %swap3A_197 = arith.constant 112 : index
    %swap3A_198 = tpu.vector_load %arg12[%swap3A_196, %swap3A_197] {strides = array<i32>} : memref<1x128xf32, #tpu.memory_space<vmem>>, vector<16xf32>,
    tpu.vector_store %arg12[%swap3A_196, %swap3A_197], %select_n3A_194 {strides = array<i32>} : memref<1x128xf32, #tpu.memory_space<vmem>>, vector<16xf32>,
    %run_scoped3A = arith.constant 0 : i32
    %run_scoped3A_199 = arith.constant 0 : i32
    "tpu.region"() ({
      %run_scoped3A_966 = tpu.sem_alloc : memref<!tpu.dma_semaphore, #tpu.memory_space<semaphore_mem>>
      %dma_start3A = arith.constant 0 : i32
      %dma_start3A_967 = tpu.memref_slice %arg12[%run_scoped3A, %dma_start3A] : memref<1x128xf32, #tpu.memory_space<vmem>> -> memref<1x128xf32, #tpu.memory_space<vmem>>
      %dma_start3A_968 = tpu.memref_squeeze %dma_start3A_967 : memref<1x128xf32, #tpu.memory_space<vmem>> -> memref<128xf32, #tpu.memory_space<vmem>>
      %dma_start3A_969 = arith.constant 0 : i32
      %dma_start3A_970 = tpu.memref_slice %arg11[%run_scoped3A_199, %dma_start3A_969] : memref<1x128xi32, #tpu.memory_space<vmem>> -> memref<1x128xi32, #tpu.memory_space<vmem>>
      %dma_start3A_971 = tpu.memref_squeeze %dma_start3A_970 : memref<1x128xi32, #tpu.memory_space<vmem>> -> memref<128xi32, #tpu.memory_space<vmem>>
      %dma_start3A_972 = arith.constant 0 : i32
      %dma_start3A_973 = tpu.memref_slice %arg14[%dma_start3A_972] : memref<1802240xf32, #tpu.memory_space<vmem_shared>> -> memref<1802240xf32, #tpu.memory_space<vmem_shared>>
      tpu.enqueue_indirect_dma source(%dma_start3A_968 : memref<128xf32, #tpu.memory_space<vmem>>) target(%dma_start3A_973 : memref<1802240xf32, #tpu.memory_space<vmem_shared>>) offsets(%dma_start3A_971 : memref<128xi32, #tpu.memory_space<vmem>>) semaphore(%run_scoped3A_966 : memref<!tpu.dma_semaphore, #tpu.memory_space<semaphore_mem>>) {add = true}
      %dma_wait3A = arith.constant 0 : i32
      %dma_wait3A_974 = tpu.memref_slice %arg12[%run_scoped3A, %dma_wait3A] : memref<1x128xf32, #tpu.memory_space<vmem>> -> memref<1x128xf32, #tpu.memory_space<vmem>>
      %dma_wait3A_975 = tpu.memref_squeeze %dma_wait3A_974 : memref<1x128xf32, #tpu.memory_space<vmem>> -> memref<128xf32, #tpu.memory_space<vmem>>
      %dma_wait3A_976 = arith.constant 0 : i32
      %dma_wait3A_977 = tpu.memref_slice %arg11[%run_scoped3A_199, %dma_wait3A_976] : memref<1x128xi32, #tpu.memory_space<vmem>> -> memref<1x128xi32, #tpu.memory_space<vmem>>
      %dma_wait3A_978 = tpu.memref_squeeze %dma_wait3A_977 : memref<1x128xi32, #tpu.memory_space<vmem>> -> memref<128xi32, #tpu.memory_space<vmem>>
      %dma_wait3A_979 = arith.constant 0 : i32
      %dma_wait3A_980 = tpu.memref_slice %arg14[%dma_wait3A_979] : memref<1802240xf32, #tpu.memory_space<vmem_shared>> -> memref<1802240xf32, #tpu.memory_space<vmem_shared>>
      tpu.wait_indirect_dma semaphore(%run_scoped3A_966 : memref<!tpu.dma_semaphore, #tpu.memory_space<semaphore_mem>>) src(%dma_wait3A_975 : memref<128xf32, #tpu.memory_space<vmem>>) dst(%dma_wait3A_980 : memref<1802240xf32, #tpu.memory_space<vmem_shared>>)
      tpu.yield
    }) : () -> ()
    %barrier3A_200 = arith.constant 0 : index
    tpu.barrier barrier_id(%barrier3A_200)
    %mul3A_201 = arith.constant 4096 : i32
    %mul3A_202 = arith.muli %add3A_34, %mul3A_201 : i32
    %mul3A_203 = arith.constant 112640 : i32
    %mul3A_204 = arith.muli %arg1, %mul3A_203 : i32
    %add3A_205 = arith.addi %mul3A_202, %mul3A_204 : i32
    "tpu.region"() ({
      %run_scoped3A_966 = tpu.sem_alloc : memref<!tpu.dma_semaphore, #tpu.memory_space<semaphore_mem>>
      %dma_start3A = tpu.memref_slice %arg5[%add3A_205] : memref<16777216xf32, #tpu.memory_space<hbm>> -> memref<112640xf32, #tpu.memory_space<hbm>>
      %dma_start3A_967 = tpu.memref_slice %arg14[%mul3A_24] : memref<1802240xf32, #tpu.memory_space<vmem_shared>> -> memref<112640xf32, #tpu.memory_space<vmem_shared>>
      tpu.enqueue_dma source(%dma_start3A_967 : memref<112640xf32, #tpu.memory_space<vmem_shared>>) target(%dma_start3A : memref<112640xf32, #tpu.memory_space<hbm>>) target_semaphore(%run_scoped3A_966 : memref<!tpu.dma_semaphore, #tpu.memory_space<semaphore_mem>>)
      %dma_wait3A = tpu.memref_slice %arg5[%add3A_205] : memref<16777216xf32, #tpu.memory_space<hbm>> -> memref<112640xf32, #tpu.memory_space<hbm>>
      %dma_wait3A_968 = tpu.memref_slice %arg14[%mul3A_24] : memref<1802240xf32, #tpu.memory_space<vmem_shared>> -> memref<112640xf32, #tpu.memory_space<vmem_shared>>
      tpu.wait_dma2 semaphore(%run_scoped3A_966 : memref<!tpu.dma_semaphore, #tpu.memory_space<semaphore_mem>>) src(%dma_wait3A_968 : memref<112640xf32, #tpu.memory_space<vmem_shared>>) dst(%dma_wait3A : memref<112640xf32, #tpu.memory_space<hbm>>)
      tpu.yield
    }) : () -> ()
    %mul3A_206 = arith.constant 112640 : i32
    %mul3A_207 = arith.muli %arg1, %mul3A_206 : i32
    %scan3A_208 = arith.constant 0 : i32
    %scan3A_209 = arith.constant 0 : i32
    %scan3A_210 = arith.constant 55 : i32
    %scan3A_211 = arith.addi %scan3A_209, %scan3A_210 : i32
    %scan3A_212 = arith.constant 1 : i32
    %scan3A_213 = scf.for %scan3A_966 = %scan3A_209 to %scan3A_211 step %scan3A_212 iter_args(%scan3A_967 = %scan3A_208) -> (i32)  : i32 {
      %mul3A_968 = arith.constant 2048 : i32
      %mul3A_969 = arith.muli %scan3A_966, %mul3A_968 : i32
      %add3A_970 = arith.addi %mul3A_207, %mul3A_969 : i32
      "tpu.region"() ({
        %run_scoped3A_972 = tpu.sem_alloc : memref<!tpu.dma_semaphore, #tpu.memory_space<semaphore_mem>>
        %dma_start3A = tpu.memref_slice %arg14[%add3A_970] : memref<1802240xf32, #tpu.memory_space<vmem_shared>> -> memref<2048xf32, #tpu.memory_space<vmem_shared>>
        %dma_start3A_973 = tpu.memref_slice %arg14[%add3A_970] : memref<1802240xf32, #tpu.memory_space<vmem_shared>> -> memref<2048xf32, #tpu.memory_space<vmem_shared>>
        tpu.enqueue_dma source(%arg13 : memref<2048xf32, #tpu.memory_space<vmem>>) target(%dma_start3A_973 : memref<2048xf32, #tpu.memory_space<vmem_shared>>) target_semaphore(%run_scoped3A_972 : memref<!tpu.dma_semaphore, #tpu.memory_space<semaphore_mem>>)
        %dma_wait3A = tpu.memref_slice %arg14[%add3A_970] : memref<1802240xf32, #tpu.memory_space<vmem_shared>> -> memref<2048xf32, #tpu.memory_space<vmem_shared>>
        %dma_wait3A_974 = tpu.memref_slice %arg14[%add3A_970] : memref<1802240xf32, #tpu.memory_space<vmem_shared>> -> memref<2048xf32, #tpu.memory_space<vmem_shared>>
        tpu.wait_dma2 semaphore(%run_scoped3A_972 : memref<!tpu.dma_semaphore, #tpu.memory_space<semaphore_mem>>) src(%arg13 : memref<2048xf32, #tpu.memory_space<vmem>>) dst(%dma_wait3A_974 : memref<2048xf32, #tpu.memory_space<vmem_shared>>)
        tpu.yield
      }) : () -> ()
      %scan3A_971 = arith.constant 0 : i32
      scf.yield %scan3A_971 : i32
    }
    %scan3A_214 = arith.constant 55 : i32
    %barrier3A_215 = arith.constant 0 : index
    tpu.barrier barrier_id(%barrier3A_215)
    %mul3A_216 = arith.constant 440 : i32
    %mul3A_217 = arith.muli %arg0, %mul3A_216 : i32
    %add3A_218 = arith.constant 880 : i32
    %add3A_219 = arith.addi %add3A_218, %mul3A_217 : i32
    %scan3A_220 = arith.constant 440 : i32
    %scan3A_221 = arith.constant 0 : i32
    %scan3A_222 = arith.constant 0 : i32
    %scan3A_223 = arith.constant 52 : i32
    %scan3A_224 = arith.addi %scan3A_222, %scan3A_223 : i32
    %scan3A_225 = arith.constant 1 : i32
    %scan3A_226 = scf.for %scan3A_966 = %scan3A_222 to %scan3A_224 step %scan3A_225 iter_args(%scan3A_967 = %scan3A_221) -> (i32)  : i32 {
      %mul3A_968 = arith.constant 106496 : i32
      %mul3A_969 = arith.muli %arg1, %mul3A_968 : i32
      %mul3A_970 = arith.constant 2048 : i32
      %mul3A_971 = arith.muli %scan3A_966, %mul3A_970 : i32
      %add3A_972 = arith.addi %mul3A_969, %mul3A_971 : i32
      "tpu.region"() ({
        %run_scoped3A_1107 = tpu.sem_alloc : memref<!tpu.dma_semaphore, #tpu.memory_space<semaphore_mem>>
        %dma_start3A = tpu.memref_slice %arg2[%add3A_972] : memref<1703936xi32, #tpu.memory_space<hbm>> -> memref<2048xi32, #tpu.memory_space<hbm>>
        %dma_start3A_1108 = tpu.memref_slice %arg2[%add3A_972] : memref<1703936xi32, #tpu.memory_space<hbm>> -> memref<2048xi32, #tpu.memory_space<hbm>>
        tpu.enqueue_dma source(%dma_start3A_1108 : memref<2048xi32, #tpu.memory_space<hbm>>) target(%arg6 : memref<2048xi32, #tpu.memory_space<vmem>>) target_semaphore(%run_scoped3A_1107 : memref<!tpu.dma_semaphore, #tpu.memory_space<semaphore_mem>>)
        %dma_wait3A = tpu.memref_slice %arg2[%add3A_972] : memref<1703936xi32, #tpu.memory_space<hbm>> -> memref<2048xi32, #tpu.memory_space<hbm>>
        %dma_wait3A_1109 = tpu.memref_slice %arg2[%add3A_972] : memref<1703936xi32, #tpu.memory_space<hbm>> -> memref<2048xi32, #tpu.memory_space<hbm>>
        tpu.wait_dma2 semaphore(%run_scoped3A_1107 : memref<!tpu.dma_semaphore, #tpu.memory_space<semaphore_mem>>) src(%dma_wait3A_1109 : memref<2048xi32, #tpu.memory_space<hbm>>) dst(%arg6 : memref<2048xi32, #tpu.memory_space<vmem>>)
        tpu.yield
      }) : () -> ()
      "tpu.region"() ({
        %run_scoped3A_1107 = tpu.sem_alloc : memref<!tpu.dma_semaphore, #tpu.memory_space<semaphore_mem>>
        %dma_start3A = tpu.memref_slice %arg3[%add3A_972] : memref<1703936xi32, #tpu.memory_space<hbm>> -> memref<2048xi32, #tpu.memory_space<hbm>>
        %dma_start3A_1108 = tpu.memref_slice %arg3[%add3A_972] : memref<1703936xi32, #tpu.memory_space<hbm>> -> memref<2048xi32, #tpu.memory_space<hbm>>
        tpu.enqueue_dma source(%dma_start3A_1108 : memref<2048xi32, #tpu.memory_space<hbm>>) target(%arg7 : memref<2048xi32, #tpu.memory_space<vmem>>) target_semaphore(%run_scoped3A_1107 : memref<!tpu.dma_semaphore, #tpu.memory_space<semaphore_mem>>)
        %dma_wait3A = tpu.memref_slice %arg3[%add3A_972] : memref<1703936xi32, #tpu.memory_space<hbm>> -> memref<2048xi32, #tpu.memory_space<hbm>>
        %dma_wait3A_1109 = tpu.memref_slice %arg3[%add3A_972] : memref<1703936xi32, #tpu.memory_space<hbm>> -> memref<2048xi32, #tpu.memory_space<hbm>>
        tpu.wait_dma2 semaphore(%run_scoped3A_1107 : memref<!tpu.dma_semaphore, #tpu.memory_space<semaphore_mem>>) src(%dma_wait3A_1109 : memref<2048xi32, #tpu.memory_space<hbm>>) dst(%arg7 : memref<2048xi32, #tpu.memory_space<vmem>>)
        tpu.yield
      }) : () -> ()
      "tpu.region"() ({
        %run_scoped3A_1107 = tpu.sem_alloc : memref<!tpu.dma_semaphore, #tpu.memory_space<semaphore_mem>>
        %dma_start3A = tpu.memref_slice %arg4[%add3A_972] : memref<1703936xf32, #tpu.memory_space<hbm>> -> memref<2048xf32, #tpu.memory_space<hbm>>
        %dma_start3A_1108 = tpu.memref_slice %arg4[%add3A_972] : memref<1703936xf32, #tpu.memory_space<hbm>> -> memref<2048xf32, #tpu.memory_space<hbm>>
        tpu.enqueue_dma source(%dma_start3A_1108 : memref<2048xf32, #tpu.memory_space<hbm>>) target(%arg8 : memref<2048xf32, #tpu.memory_space<vmem>>) target_semaphore(%run_scoped3A_1107 : memref<!tpu.dma_semaphore, #tpu.memory_space<semaphore_mem>>)
        %dma_wait3A = tpu.memref_slice %arg4[%add3A_972] : memref<1703936xf32, #tpu.memory_space<hbm>> -> memref<2048xf32, #tpu.memory_space<hbm>>
        %dma_wait3A_1109 = tpu.memref_slice %arg4[%add3A_972] : memref<1703936xf32, #tpu.memory_space<hbm>> -> memref<2048xf32, #tpu.memory_space<hbm>>
        tpu.wait_dma2 semaphore(%run_scoped3A_1107 : memref<!tpu.dma_semaphore, #tpu.memory_space<semaphore_mem>>) src(%dma_wait3A_1109 : memref<2048xf32, #tpu.memory_space<hbm>>) dst(%arg8 : memref<2048xf32, #tpu.memory_space<vmem>>)
        tpu.yield
      }) : () -> ()
      %scan3A_973 = arith.constant 0 : i32
      %scan3A_974 = arith.constant 128 : i32
      %scan3A_975 = arith.addi %scan3A_973, %scan3A_974 : i32
      %scan3A_976 = arith.constant 1 : i32
      %scan3A_977 = scf.for %scan3A_1107 = %scan3A_973 to %scan3A_975 step %scan3A_976 iter_args(%scan3A_1108 = %scan3A_967) -> (i32)  : i32 {
        %mul3A_1109 = arith.constant 16 : i32
        %mul3A_1110 = arith.muli %scan3A_1107, %mul3A_1109 : i32
        %get3A_1111 = arith.index_cast %mul3A_1110 : i32 to index
        %get3A_1112 = tpu.vector_load %arg6[%get3A_1111] {strides = array<i32>} : memref<2048xi32, #tpu.memory_space<vmem>>, vector<16xi32>,
        %get3A_1113 = arith.index_cast %mul3A_1110 : i32 to index
        %get3A_1114 = tpu.vector_load %arg7[%get3A_1113] {strides = array<i32>} : memref<2048xi32, #tpu.memory_space<vmem>>, vector<16xi32>,
        %get3A_1115 = arith.index_cast %mul3A_1110 : i32 to index
        %get3A_1116 = tpu.vector_load %arg8[%get3A_1115] {strides = array<i32>} : memref<2048xf32, #tpu.memory_space<vmem>>, vector<16xf32>,
        %mul3A_1117 = arith.constant 5.000000e-01 : f32
        %mul3A_1118 = vector.broadcast %mul3A_1117 : f32 to vector<16xf32>
        %mul3A_1119 = arith.mulf %get3A_1116, %mul3A_1118 : vector<16xf32>
        %sub3A_1120 = vector.broadcast %add3A_219 : i32 to vector<16xi32>
        %sub3A_1121 = arith.subi %get3A_1112, %sub3A_1120 : vector<16xi32>
        %lt3A_1122 = vector.broadcast %scan3A_220 : i32 to vector<16xi32>
        %lt3A_1123 = arith.cmpi ult, %sub3A_1121, %lt3A_1122 : vector<16xi32>
        %shift_left3A = arith.constant 12 : i32
        %shift_left3A_1124 = vector.broadcast %shift_left3A : i32 to vector<16xi32>
        %shift_left3A_1125 = arith.shli %sub3A_1121, %shift_left3A_1124 : vector<16xi32>
        %or3A = arith.ori %shift_left3A_1125, %get3A_1114 : vector<16xi32>
        %convert_element_type3A = arith.extui %lt3A_1123 : vector<16xi1> to vector<16xi32>
        %broadcast_in_dim3A_1126 = arith.constant true
        %broadcast_in_dim3A_1127 = vector.broadcast %broadcast_in_dim3A_1126 : i1 to vector<16xi1>
        %masked_cumsum3A = tpu.scan <sum>, %convert_element_type3A masked %broadcast_in_dim3A_1127 : vector<16xi32>, vector<16xi1> -> vector<16xi32>
        %add3A_1128 = vector.broadcast %scan3A_1108 : i32 to vector<16xi32>
        %add3A_1129 = arith.addi %add3A_1128, %masked_cumsum3A : vector<16xi32>
        %sub3A_1130 = arith.constant 1 : i32
        %sub3A_1131 = vector.broadcast %sub3A_1130 : i32 to vector<16xi32>
        %sub3A_1132 = arith.subi %add3A_1129, %sub3A_1131 : vector<16xi32>
        tpu.vector_store_idx %arg9[%sub3A_1132], %or3A masked %lt3A_1123 : memref<4256xi32, #tpu.memory_space<vmem>>[vector<16xi32>], vector<16xi32>, vector<16xi1>
        tpu.vector_store_idx %arg10[%sub3A_1132], %mul3A_1119 masked %lt3A_1123 : memref<4256xf32, #tpu.memory_space<vmem>>[vector<16xi32>], vector<16xf32>, vector<16xi1>
        %convert_element_type3A_1133 = arith.extui %lt3A_1123 : vector<16xi1> to vector<16xi32>
        %reduce_sum3A = arith.constant true
        %reduce_sum3A_1134 = vector.broadcast %reduce_sum3A : i1 to vector<16xi1>
        %reduce_sum3A_1135 = tpu.scan <sum>, %convert_element_type3A_1133 masked %reduce_sum3A_1134 : vector<16xi32>, vector<16xi1> -> vector<16xi32>
        %reduce_sum3A_1136 = vector.extract %reduce_sum3A_1135[15] : i32 from vector<16xi32>
        %add3A_1137 = arith.addi %scan3A_1108, %reduce_sum3A_1136 : i32
        %sub3A_1138 = vector.broadcast %add3A_219 : i32 to vector<16xi32>
        %sub3A_1139 = arith.subi %get3A_1114, %sub3A_1138 : vector<16xi32>
        %lt3A_1140 = vector.broadcast %scan3A_220 : i32 to vector<16xi32>
        %lt3A_1141 = arith.cmpi ult, %sub3A_1139, %lt3A_1140 : vector<16xi32>
        %shift_left3A_1142 = arith.constant 12 : i32
        %shift_left3A_1143 = vector.broadcast %shift_left3A_1142 : i32 to vector<16xi32>
        %shift_left3A_1144 = arith.shli %sub3A_1139, %shift_left3A_1143 : vector<16xi32>
        %or3A_1145 = arith.ori %shift_left3A_1144, %get3A_1112 : vector<16xi32>
        %convert_element_type3A_1146 = arith.extui %lt3A_1141 : vector<16xi1> to vector<16xi32>
        %broadcast_in_dim3A_1147 = arith.constant true
        %broadcast_in_dim3A_1148 = vector.broadcast %broadcast_in_dim3A_1147 : i1 to vector<16xi1>
        %masked_cumsum3A_1149 = tpu.scan <sum>, %convert_element_type3A_1146 masked %broadcast_in_dim3A_1148 : vector<16xi32>, vector<16xi1> -> vector<16xi32>
        %add3A_1150 = vector.broadcast %add3A_1137 : i32 to vector<16xi32>
        %add3A_1151 = arith.addi %add3A_1150, %masked_cumsum3A_1149 : vector<16xi32>
        %sub3A_1152 = arith.constant 1 : i32
        %sub3A_1153 = vector.broadcast %sub3A_1152 : i32 to vector<16xi32>
        %sub3A_1154 = arith.subi %add3A_1151, %sub3A_1153 : vector<16xi32>
        tpu.vector_store_idx %arg9[%sub3A_1154], %or3A_1145 masked %lt3A_1141 : memref<4256xi32, #tpu.memory_space<vmem>>[vector<16xi32>], vector<16xi32>, vector<16xi1>
        tpu.vector_store_idx %arg10[%sub3A_1154], %mul3A_1119 masked %lt3A_1141 : memref<4256xf32, #tpu.memory_space<vmem>>[vector<16xi32>], vector<16xf32>, vector<16xi1>
        %convert_element_type3A_1155 = arith.extui %lt3A_1141 : vector<16xi1> to vector<16xi32>
        %reduce_sum3A_1156 = arith.constant true
        %reduce_sum3A_1157 = vector.broadcast %reduce_sum3A_1156 : i1 to vector<16xi1>
        %reduce_sum3A_1158 = tpu.scan <sum>, %convert_element_type3A_1155 masked %reduce_sum3A_1157 : vector<16xi32>, vector<16xi1> -> vector<16xi32>
        %reduce_sum3A_1159 = vector.extract %reduce_sum3A_1158[15] : i32 from vector<16xi32>
        %add3A_1160 = arith.addi %add3A_1137, %reduce_sum3A_1159 : i32
        scf.yield %add3A_1160 : i32
      }
      %scan3A_978 = arith.constant 128 : i32
      %jit3A_979 = arith.constant 128 : i32
      %div3A = arith.divsi %scan3A_977, %jit3A_979 : i32
      %sign3A = arith.constant 0 : i32
      %sign3A_980 = arith.cmpi sgt, %scan3A_977, %sign3A : i32
      %sign3A_981 = arith.extui %sign3A_980 : i1 to i32
      %sign3A_982 = arith.constant 0 : i32
      %sign3A_983 = arith.cmpi slt, %scan3A_977, %sign3A_982 : i32
      %sign3A_984 = arith.extui %sign3A_983 : i1 to i32
      %sign3A_985 = arith.subi %sign3A_981, %sign3A_984 : i32
      %sign3A_986 = arith.constant 0 : i32
      %sign3A_987 = arith.cmpi sgt, %jit3A_979, %sign3A_986 : i32
      %sign3A_988 = arith.extui %sign3A_987 : i1 to i32
      %sign3A_989 = arith.constant 0 : i32
      %sign3A_990 = arith.cmpi slt, %jit3A_979, %sign3A_989 : i32
      %sign3A_991 = arith.extui %sign3A_990 : i1 to i32
      %sign3A_992 = arith.subi %sign3A_988, %sign3A_991 : i32
      %ne3A = arith.cmpi ne, %sign3A_985, %sign3A_992 : i32
      %rem3A = arith.remsi %scan3A_977, %jit3A_979 : i32
      %ne3A_993 = arith.constant 0 : i32
      %ne3A_994 = arith.cmpi ne, %rem3A, %ne3A_993 : i32
      %and3A = arith.andi %ne3A, %ne3A_994 : i1
      %sub3A = arith.constant 1 : i32
      %sub3A_995 = arith.subi %div3A, %sub3A : i32
      %select_n3A_996 = arith.select %and3A, %sub3A_995, %div3A : i32
      %while3A = arith.constant 0 : i32
      %while3A_997 = arith.constant 0 : i32
      %while3A_998 = arith.subi %select_n3A_996, %while3A : i32
      %while3A_999 = arith.addi %while3A, %while3A_998 : i32
      %while3A_1000 = arith.constant 1 : i32
      %while3A_1001 = arith.divsi %while3A_998, %while3A_1000 : i32
      %while3A_1002 = arith.muli %while3A_1001, %while3A_1000 : i32
      %while3A_1003 = arith.addi %while3A, %while3A_1002 : i32
      %while3A_1004 = arith.constant 1 : i32
      %while3A_1005 = scf.for %while3A_1107 = %while3A to %while3A_1003 step %while3A_1004 iter_args(%while3A_1108 = %while3A_997) -> (i32)  : i32 {
        %mul3A_1109 = arith.constant 128 : i32
        %mul3A_1110 = arith.muli %while3A_1107, %mul3A_1109 : i32
        %add3A_1111 = arith.constant 0 : i32
        %add3A_1112 = arith.addi %mul3A_1110, %add3A_1111 : i32
        %get3A_1113 = arith.index_cast %add3A_1112 : i32 to index
        %get3A_1114 = tpu.vector_load %arg9[%get3A_1113] {strides = array<i32>} : memref<4256xi32, #tpu.memory_space<vmem>>, vector<16xi32>,
        %swap3A_1115 = arith.constant 0 : i32
        %swap3A_1116 = arith.index_cast %swap3A_1115 : i32 to index
        %swap3A_1117 = arith.constant 0 : index
        %swap3A_1118 = tpu.vector_load %arg11[%swap3A_1116, %swap3A_1117] {strides = array<i32>} : memref<1x128xi32, #tpu.memory_space<vmem>>, vector<16xi32>,
        tpu.vector_store %arg11[%swap3A_1116, %swap3A_1117], %get3A_1114 {strides = array<i32>} : memref<1x128xi32, #tpu.memory_space<vmem>>, vector<16xi32>,
        %get3A_1119 = arith.index_cast %add3A_1112 : i32 to index
        %get3A_1120 = tpu.vector_load %arg10[%get3A_1119] {strides = array<i32>} : memref<4256xf32, #tpu.memory_space<vmem>>, vector<16xf32>,
        %swap3A_1121 = arith.constant 0 : i32
        %swap3A_1122 = arith.index_cast %swap3A_1121 : i32 to index
        %swap3A_1123 = arith.constant 0 : index
        %swap3A_1124 = tpu.vector_load %arg12[%swap3A_1122, %swap3A_1123] {strides = array<i32>} : memref<1x128xf32, #tpu.memory_space<vmem>>, vector<16xf32>,
        tpu.vector_store %arg12[%swap3A_1122, %swap3A_1123], %get3A_1120 {strides = array<i32>} : memref<1x128xf32, #tpu.memory_space<vmem>>, vector<16xf32>,
        %add3A_1125 = arith.constant 16 : i32
        %add3A_1126 = arith.addi %mul3A_1110, %add3A_1125 : i32
        %get3A_1127 = arith.index_cast %add3A_1126 : i32 to index
        %get3A_1128 = tpu.vector_load %arg9[%get3A_1127] {strides = array<i32>} : memref<4256xi32, #tpu.memory_space<vmem>>, vector<16xi32>,
        %swap3A_1129 = arith.constant 0 : i32
        %swap3A_1130 = arith.index_cast %swap3A_1129 : i32 to index
        %swap3A_1131 = arith.constant 16 : index
        %swap3A_1132 = tpu.vector_load %arg11[%swap3A_1130, %swap3A_1131] {strides = array<i32>} : memref<1x128xi32, #tpu.memory_space<vmem>>, vector<16xi32>,
        tpu.vector_store %arg11[%swap3A_1130, %swap3A_1131], %get3A_1128 {strides = array<i32>} : memref<1x128xi32, #tpu.memory_space<vmem>>, vector<16xi32>,
        %get3A_1133 = arith.index_cast %add3A_1126 : i32 to index
        %get3A_1134 = tpu.vector_load %arg10[%get3A_1133] {strides = array<i32>} : memref<4256xf32, #tpu.memory_space<vmem>>, vector<16xf32>,
        %swap3A_1135 = arith.constant 0 : i32
        %swap3A_1136 = arith.index_cast %swap3A_1135 : i32 to index
        %swap3A_1137 = arith.constant 16 : index
        %swap3A_1138 = tpu.vector_load %arg12[%swap3A_1136, %swap3A_1137] {strides = array<i32>} : memref<1x128xf32, #tpu.memory_space<vmem>>, vector<16xf32>,
        tpu.vector_store %arg12[%swap3A_1136, %swap3A_1137], %get3A_1134 {strides = array<i32>} : memref<1x128xf32, #tpu.memory_space<vmem>>, vector<16xf32>,
        %add3A_1139 = arith.constant 32 : i32
        %add3A_1140 = arith.addi %mul3A_1110, %add3A_1139 : i32
        %get3A_1141 = arith.index_cast %add3A_1140 : i32 to index
        %get3A_1142 = tpu.vector_load %arg9[%get3A_1141] {strides = array<i32>} : memref<4256xi32, #tpu.memory_space<vmem>>, vector<16xi32>,
        %swap3A_1143 = arith.constant 0 : i32
        %swap3A_1144 = arith.index_cast %swap3A_1143 : i32 to index
        %swap3A_1145 = arith.constant 32 : index
        %swap3A_1146 = tpu.vector_load %arg11[%swap3A_1144, %swap3A_1145] {strides = array<i32>} : memref<1x128xi32, #tpu.memory_space<vmem>>, vector<16xi32>,
        tpu.vector_store %arg11[%swap3A_1144, %swap3A_1145], %get3A_1142 {strides = array<i32>} : memref<1x128xi32, #tpu.memory_space<vmem>>, vector<16xi32>,
        %get3A_1147 = arith.index_cast %add3A_1140 : i32 to index
        %get3A_1148 = tpu.vector_load %arg10[%get3A_1147] {strides = array<i32>} : memref<4256xf32, #tpu.memory_space<vmem>>, vector<16xf32>,
        %swap3A_1149 = arith.constant 0 : i32
        %swap3A_1150 = arith.index_cast %swap3A_1149 : i32 to index
        %swap3A_1151 = arith.constant 32 : index
        %swap3A_1152 = tpu.vector_load %arg12[%swap3A_1150, %swap3A_1151] {strides = array<i32>} : memref<1x128xf32, #tpu.memory_space<vmem>>, vector<16xf32>,
        tpu.vector_store %arg12[%swap3A_1150, %swap3A_1151], %get3A_1148 {strides = array<i32>} : memref<1x128xf32, #tpu.memory_space<vmem>>, vector<16xf32>,
        %add3A_1153 = arith.constant 48 : i32
        %add3A_1154 = arith.addi %mul3A_1110, %add3A_1153 : i32
        %get3A_1155 = arith.index_cast %add3A_1154 : i32 to index
        %get3A_1156 = tpu.vector_load %arg9[%get3A_1155] {strides = array<i32>} : memref<4256xi32, #tpu.memory_space<vmem>>, vector<16xi32>,
        %swap3A_1157 = arith.constant 0 : i32
        %swap3A_1158 = arith.index_cast %swap3A_1157 : i32 to index
        %swap3A_1159 = arith.constant 48 : index
        %swap3A_1160 = tpu.vector_load %arg11[%swap3A_1158, %swap3A_1159] {strides = array<i32>} : memref<1x128xi32, #tpu.memory_space<vmem>>, vector<16xi32>,
        tpu.vector_store %arg11[%swap3A_1158, %swap3A_1159], %get3A_1156 {strides = array<i32>} : memref<1x128xi32, #tpu.memory_space<vmem>>, vector<16xi32>,
        %get3A_1161 = arith.index_cast %add3A_1154 : i32 to index
        %get3A_1162 = tpu.vector_load %arg10[%get3A_1161] {strides = array<i32>} : memref<4256xf32, #tpu.memory_space<vmem>>, vector<16xf32>,
        %swap3A_1163 = arith.constant 0 : i32
        %swap3A_1164 = arith.index_cast %swap3A_1163 : i32 to index
        %swap3A_1165 = arith.constant 48 : index
        %swap3A_1166 = tpu.vector_load %arg12[%swap3A_1164, %swap3A_1165] {strides = array<i32>} : memref<1x128xf32, #tpu.memory_space<vmem>>, vector<16xf32>,
        tpu.vector_store %arg12[%swap3A_1164, %swap3A_1165], %get3A_1162 {strides = array<i32>} : memref<1x128xf32, #tpu.memory_space<vmem>>, vector<16xf32>,
        %add3A_1167 = arith.constant 64 : i32
        %add3A_1168 = arith.addi %mul3A_1110, %add3A_1167 : i32
        %get3A_1169 = arith.index_cast %add3A_1168 : i32 to index
        %get3A_1170 = tpu.vector_load %arg9[%get3A_1169] {strides = array<i32>} : memref<4256xi32, #tpu.memory_space<vmem>>, vector<16xi32>,
        %swap3A_1171 = arith.constant 0 : i32
        %swap3A_1172 = arith.index_cast %swap3A_1171 : i32 to index
        %swap3A_1173 = arith.constant 64 : index
        %swap3A_1174 = tpu.vector_load %arg11[%swap3A_1172, %swap3A_1173] {strides = array<i32>} : memref<1x128xi32, #tpu.memory_space<vmem>>, vector<16xi32>,
        tpu.vector_store %arg11[%swap3A_1172, %swap3A_1173], %get3A_1170 {strides = array<i32>} : memref<1x128xi32, #tpu.memory_space<vmem>>, vector<16xi32>,
        %get3A_1175 = arith.index_cast %add3A_1168 : i32 to index
        %get3A_1176 = tpu.vector_load %arg10[%get3A_1175] {strides = array<i32>} : memref<4256xf32, #tpu.memory_space<vmem>>, vector<16xf32>,
        %swap3A_1177 = arith.constant 0 : i32
        %swap3A_1178 = arith.index_cast %swap3A_1177 : i32 to index
        %swap3A_1179 = arith.constant 64 : index
        %swap3A_1180 = tpu.vector_load %arg12[%swap3A_1178, %swap3A_1179] {strides = array<i32>} : memref<1x128xf32, #tpu.memory_space<vmem>>, vector<16xf32>,
        tpu.vector_store %arg12[%swap3A_1178, %swap3A_1179], %get3A_1176 {strides = array<i32>} : memref<1x128xf32, #tpu.memory_space<vmem>>, vector<16xf32>,
        %add3A_1181 = arith.constant 80 : i32
        %add3A_1182 = arith.addi %mul3A_1110, %add3A_1181 : i32
        %get3A_1183 = arith.index_cast %add3A_1182 : i32 to index
        %get3A_1184 = tpu.vector_load %arg9[%get3A_1183] {strides = array<i32>} : memref<4256xi32, #tpu.memory_space<vmem>>, vector<16xi32>,
        %swap3A_1185 = arith.constant 0 : i32
        %swap3A_1186 = arith.index_cast %swap3A_1185 : i32 to index
        %swap3A_1187 = arith.constant 80 : index
        %swap3A_1188 = tpu.vector_load %arg11[%swap3A_1186, %swap3A_1187] {strides = array<i32>} : memref<1x128xi32, #tpu.memory_space<vmem>>, vector<16xi32>,
        tpu.vector_store %arg11[%swap3A_1186, %swap3A_1187], %get3A_1184 {strides = array<i32>} : memref<1x128xi32, #tpu.memory_space<vmem>>, vector<16xi32>,
        %get3A_1189 = arith.index_cast %add3A_1182 : i32 to index
        %get3A_1190 = tpu.vector_load %arg10[%get3A_1189] {strides = array<i32>} : memref<4256xf32, #tpu.memory_space<vmem>>, vector<16xf32>,
        %swap3A_1191 = arith.constant 0 : i32
        %swap3A_1192 = arith.index_cast %swap3A_1191 : i32 to index
        %swap3A_1193 = arith.constant 80 : index
        %swap3A_1194 = tpu.vector_load %arg12[%swap3A_1192, %swap3A_1193] {strides = array<i32>} : memref<1x128xf32, #tpu.memory_space<vmem>>, vector<16xf32>,
        tpu.vector_store %arg12[%swap3A_1192, %swap3A_1193], %get3A_1190 {strides = array<i32>} : memref<1x128xf32, #tpu.memory_space<vmem>>, vector<16xf32>,
        %add3A_1195 = arith.constant 96 : i32
        %add3A_1196 = arith.addi %mul3A_1110, %add3A_1195 : i32
        %get3A_1197 = arith.index_cast %add3A_1196 : i32 to index
        %get3A_1198 = tpu.vector_load %arg9[%get3A_1197] {strides = array<i32>} : memref<4256xi32, #tpu.memory_space<vmem>>, vector<16xi32>,
        %swap3A_1199 = arith.constant 0 : i32
        %swap3A_1200 = arith.index_cast %swap3A_1199 : i32 to index
        %swap3A_1201 = arith.constant 96 : index
        %swap3A_1202 = tpu.vector_load %arg11[%swap3A_1200, %swap3A_1201] {strides = array<i32>} : memref<1x128xi32, #tpu.memory_space<vmem>>, vector<16xi32>,
        tpu.vector_store %arg11[%swap3A_1200, %swap3A_1201], %get3A_1198 {strides = array<i32>} : memref<1x128xi32, #tpu.memory_space<vmem>>, vector<16xi32>,
        %get3A_1203 = arith.index_cast %add3A_1196 : i32 to index
        %get3A_1204 = tpu.vector_load %arg10[%get3A_1203] {strides = array<i32>} : memref<4256xf32, #tpu.memory_space<vmem>>, vector<16xf32>,
        %swap3A_1205 = arith.constant 0 : i32
        %swap3A_1206 = arith.index_cast %swap3A_1205 : i32 to index
        %swap3A_1207 = arith.constant 96 : index
        %swap3A_1208 = tpu.vector_load %arg12[%swap3A_1206, %swap3A_1207] {strides = array<i32>} : memref<1x128xf32, #tpu.memory_space<vmem>>, vector<16xf32>,
        tpu.vector_store %arg12[%swap3A_1206, %swap3A_1207], %get3A_1204 {strides = array<i32>} : memref<1x128xf32, #tpu.memory_space<vmem>>, vector<16xf32>,
        %add3A_1209 = arith.constant 112 : i32
        %add3A_1210 = arith.addi %mul3A_1110, %add3A_1209 : i32
        %get3A_1211 = arith.index_cast %add3A_1210 : i32 to index
        %get3A_1212 = tpu.vector_load %arg9[%get3A_1211] {strides = array<i32>} : memref<4256xi32, #tpu.memory_space<vmem>>, vector<16xi32>,
        %swap3A_1213 = arith.constant 0 : i32
        %swap3A_1214 = arith.index_cast %swap3A_1213 : i32 to index
        %swap3A_1215 = arith.constant 112 : index
        %swap3A_1216 = tpu.vector_load %arg11[%swap3A_1214, %swap3A_1215] {strides = array<i32>} : memref<1x128xi32, #tpu.memory_space<vmem>>, vector<16xi32>,
        tpu.vector_store %arg11[%swap3A_1214, %swap3A_1215], %get3A_1212 {strides = array<i32>} : memref<1x128xi32, #tpu.memory_space<vmem>>, vector<16xi32>,
        %get3A_1217 = arith.index_cast %add3A_1210 : i32 to index
        %get3A_1218 = tpu.vector_load %arg10[%get3A_1217] {strides = array<i32>} : memref<4256xf32, #tpu.memory_space<vmem>>, vector<16xf32>,
        %swap3A_1219 = arith.constant 0 : i32
        %swap3A_1220 = arith.index_cast %swap3A_1219 : i32 to index
        %swap3A_1221 = arith.constant 112 : index
        %swap3A_1222 = tpu.vector_load %arg12[%swap3A_1220, %swap3A_1221] {strides = array<i32>} : memref<1x128xf32, #tpu.memory_space<vmem>>, vector<16xf32>,
        tpu.vector_store %arg12[%swap3A_1220, %swap3A_1221], %get3A_1218 {strides = array<i32>} : memref<1x128xf32, #tpu.memory_space<vmem>>, vector<16xf32>,
        %run_scoped3A_1223 = arith.constant 0 : i32
        %run_scoped3A_1224 = arith.constant 0 : i32
        "tpu.region"() ({
          %run_scoped3A_1226 = tpu.sem_alloc : memref<!tpu.dma_semaphore, #tpu.memory_space<semaphore_mem>>
          %dma_start3A = arith.constant 0 : i32
          %dma_start3A_1227 = tpu.memref_slice %arg12[%run_scoped3A_1223, %dma_start3A] : memref<1x128xf32, #tpu.memory_space<vmem>> -> memref<1x128xf32, #tpu.memory_space<vmem>>
          %dma_start3A_1228 = tpu.memref_squeeze %dma_start3A_1227 : memref<1x128xf32, #tpu.memory_space<vmem>> -> memref<128xf32, #tpu.memory_space<vmem>>
          %dma_start3A_1229 = arith.constant 0 : i32
          %dma_start3A_1230 = tpu.memref_slice %arg11[%run_scoped3A_1224, %dma_start3A_1229] : memref<1x128xi32, #tpu.memory_space<vmem>> -> memref<1x128xi32, #tpu.memory_space<vmem>>
          %dma_start3A_1231 = tpu.memref_squeeze %dma_start3A_1230 : memref<1x128xi32, #tpu.memory_space<vmem>> -> memref<128xi32, #tpu.memory_space<vmem>>
          %dma_start3A_1232 = arith.constant 0 : i32
          %dma_start3A_1233 = tpu.memref_slice %arg14[%dma_start3A_1232] : memref<1802240xf32, #tpu.memory_space<vmem_shared>> -> memref<1802240xf32, #tpu.memory_space<vmem_shared>>
          tpu.enqueue_indirect_dma source(%dma_start3A_1228 : memref<128xf32, #tpu.memory_space<vmem>>) target(%dma_start3A_1233 : memref<1802240xf32, #tpu.memory_space<vmem_shared>>) offsets(%dma_start3A_1231 : memref<128xi32, #tpu.memory_space<vmem>>) semaphore(%run_scoped3A_1226 : memref<!tpu.dma_semaphore, #tpu.memory_space<semaphore_mem>>) {add = true}
          %dma_wait3A = arith.constant 0 : i32
          %dma_wait3A_1234 = tpu.memref_slice %arg12[%run_scoped3A_1223, %dma_wait3A] : memref<1x128xf32, #tpu.memory_space<vmem>> -> memref<1x128xf32, #tpu.memory_space<vmem>>
          %dma_wait3A_1235 = tpu.memref_squeeze %dma_wait3A_1234 : memref<1x128xf32, #tpu.memory_space<vmem>> -> memref<128xf32, #tpu.memory_space<vmem>>
          %dma_wait3A_1236 = arith.constant 0 : i32
          %dma_wait3A_1237 = tpu.memref_slice %arg11[%run_scoped3A_1224, %dma_wait3A_1236] : memref<1x128xi32, #tpu.memory_space<vmem>> -> memref<1x128xi32, #tpu.memory_space<vmem>>
          %dma_wait3A_1238 = tpu.memref_squeeze %dma_wait3A_1237 : memref<1x128xi32, #tpu.memory_space<vmem>> -> memref<128xi32, #tpu.memory_space<vmem>>
          %dma_wait3A_1239 = arith.constant 0 : i32
          %dma_wait3A_1240 = tpu.memref_slice %arg14[%dma_wait3A_1239] : memref<1802240xf32, #tpu.memory_space<vmem_shared>> -> memref<1802240xf32, #tpu.memory_space<vmem_shared>>
          tpu.wait_indirect_dma semaphore(%run_scoped3A_1226 : memref<!tpu.dma_semaphore, #tpu.memory_space<semaphore_mem>>) src(%dma_wait3A_1235 : memref<128xf32, #tpu.memory_space<vmem>>) dst(%dma_wait3A_1240 : memref<1802240xf32, #tpu.memory_space<vmem_shared>>)
          tpu.yield
        }) : () -> ()
        %while3A_1225 = arith.constant 0 : i32
        scf.yield %while3A_1225 : i32
      }
      %while3A_1006 = arith.constant 1 : i32
      %while3A_1007 = scf.for %while3A_1107 = %while3A_1003 to %while3A_999 step %while3A_1006 iter_args(%while3A_1108 = %while3A_1005) -> (i32)  : i32 {
        %mul3A_1109 = arith.constant 128 : i32
        %mul3A_1110 = arith.muli %while3A_1107, %mul3A_1109 : i32
        %add3A_1111 = arith.constant 0 : i32
        %add3A_1112 = arith.addi %mul3A_1110, %add3A_1111 : i32
        %get3A_1113 = arith.index_cast %add3A_1112 : i32 to index
        %get3A_1114 = tpu.vector_load %arg9[%get3A_1113] {strides = array<i32>} : memref<4256xi32, #tpu.memory_space<vmem>>, vector<16xi32>,
        %swap3A_1115 = arith.constant 0 : i32
        %swap3A_1116 = arith.index_cast %swap3A_1115 : i32 to index
        %swap3A_1117 = arith.constant 0 : index
        %swap3A_1118 = tpu.vector_load %arg11[%swap3A_1116, %swap3A_1117] {strides = array<i32>} : memref<1x128xi32, #tpu.memory_space<vmem>>, vector<16xi32>,
        tpu.vector_store %arg11[%swap3A_1116, %swap3A_1117], %get3A_1114 {strides = array<i32>} : memref<1x128xi32, #tpu.memory_space<vmem>>, vector<16xi32>,
        %get3A_1119 = arith.index_cast %add3A_1112 : i32 to index
        %get3A_1120 = tpu.vector_load %arg10[%get3A_1119] {strides = array<i32>} : memref<4256xf32, #tpu.memory_space<vmem>>, vector<16xf32>,
        %swap3A_1121 = arith.constant 0 : i32
        %swap3A_1122 = arith.index_cast %swap3A_1121 : i32 to index
        %swap3A_1123 = arith.constant 0 : index
        %swap3A_1124 = tpu.vector_load %arg12[%swap3A_1122, %swap3A_1123] {strides = array<i32>} : memref<1x128xf32, #tpu.memory_space<vmem>>, vector<16xf32>,
        tpu.vector_store %arg12[%swap3A_1122, %swap3A_1123], %get3A_1120 {strides = array<i32>} : memref<1x128xf32, #tpu.memory_space<vmem>>, vector<16xf32>,
        %add3A_1125 = arith.constant 16 : i32
        %add3A_1126 = arith.addi %mul3A_1110, %add3A_1125 : i32
        %get3A_1127 = arith.index_cast %add3A_1126 : i32 to index
        %get3A_1128 = tpu.vector_load %arg9[%get3A_1127] {strides = array<i32>} : memref<4256xi32, #tpu.memory_space<vmem>>, vector<16xi32>,
        %swap3A_1129 = arith.constant 0 : i32
        %swap3A_1130 = arith.index_cast %swap3A_1129 : i32 to index
        %swap3A_1131 = arith.constant 16 : index
        %swap3A_1132 = tpu.vector_load %arg11[%swap3A_1130, %swap3A_1131] {strides = array<i32>} : memref<1x128xi32, #tpu.memory_space<vmem>>, vector<16xi32>,
        tpu.vector_store %arg11[%swap3A_1130, %swap3A_1131], %get3A_1128 {strides = array<i32>} : memref<1x128xi32, #tpu.memory_space<vmem>>, vector<16xi32>,
        %get3A_1133 = arith.index_cast %add3A_1126 : i32 to index
        %get3A_1134 = tpu.vector_load %arg10[%get3A_1133] {strides = array<i32>} : memref<4256xf32, #tpu.memory_space<vmem>>, vector<16xf32>,
        %swap3A_1135 = arith.constant 0 : i32
        %swap3A_1136 = arith.index_cast %swap3A_1135 : i32 to index
        %swap3A_1137 = arith.constant 16 : index
        %swap3A_1138 = tpu.vector_load %arg12[%swap3A_1136, %swap3A_1137] {strides = array<i32>} : memref<1x128xf32, #tpu.memory_space<vmem>>, vector<16xf32>,
        tpu.vector_store %arg12[%swap3A_1136, %swap3A_1137], %get3A_1134 {strides = array<i32>} : memref<1x128xf32, #tpu.memory_space<vmem>>, vector<16xf32>,
        %add3A_1139 = arith.constant 32 : i32
        %add3A_1140 = arith.addi %mul3A_1110, %add3A_1139 : i32
        %get3A_1141 = arith.index_cast %add3A_1140 : i32 to index
        %get3A_1142 = tpu.vector_load %arg9[%get3A_1141] {strides = array<i32>} : memref<4256xi32, #tpu.memory_space<vmem>>, vector<16xi32>,
        %swap3A_1143 = arith.constant 0 : i32
        %swap3A_1144 = arith.index_cast %swap3A_1143 : i32 to index
        %swap3A_1145 = arith.constant 32 : index
        %swap3A_1146 = tpu.vector_load %arg11[%swap3A_1144, %swap3A_1145] {strides = array<i32>} : memref<1x128xi32, #tpu.memory_space<vmem>>, vector<16xi32>,
        tpu.vector_store %arg11[%swap3A_1144, %swap3A_1145], %get3A_1142 {strides = array<i32>} : memref<1x128xi32, #tpu.memory_space<vmem>>, vector<16xi32>,
        %get3A_1147 = arith.index_cast %add3A_1140 : i32 to index
        %get3A_1148 = tpu.vector_load %arg10[%get3A_1147] {strides = array<i32>} : memref<4256xf32, #tpu.memory_space<vmem>>, vector<16xf32>,
        %swap3A_1149 = arith.constant 0 : i32
        %swap3A_1150 = arith.index_cast %swap3A_1149 : i32 to index
        %swap3A_1151 = arith.constant 32 : index
        %swap3A_1152 = tpu.vector_load %arg12[%swap3A_1150, %swap3A_1151] {strides = array<i32>} : memref<1x128xf32, #tpu.memory_space<vmem>>, vector<16xf32>,
        tpu.vector_store %arg12[%swap3A_1150, %swap3A_1151], %get3A_1148 {strides = array<i32>} : memref<1x128xf32, #tpu.memory_space<vmem>>, vector<16xf32>,
        %add3A_1153 = arith.constant 48 : i32
        %add3A_1154 = arith.addi %mul3A_1110, %add3A_1153 : i32
        %get3A_1155 = arith.index_cast %add3A_1154 : i32 to index
        %get3A_1156 = tpu.vector_load %arg9[%get3A_1155] {strides = array<i32>} : memref<4256xi32, #tpu.memory_space<vmem>>, vector<16xi32>,
        %swap3A_1157 = arith.constant 0 : i32
        %swap3A_1158 = arith.index_cast %swap3A_1157 : i32 to index
        %swap3A_1159 = arith.constant 48 : index
        %swap3A_1160 = tpu.vector_load %arg11[%swap3A_1158, %swap3A_1159] {strides = array<i32>} : memref<1x128xi32, #tpu.memory_space<vmem>>, vector<16xi32>,
        tpu.vector_store %arg11[%swap3A_1158, %swap3A_1159], %get3A_1156 {strides = array<i32>} : memref<1x128xi32, #tpu.memory_space<vmem>>, vector<16xi32>,
        %get3A_1161 = arith.index_cast %add3A_1154 : i32 to index
        %get3A_1162 = tpu.vector_load %arg10[%get3A_1161] {strides = array<i32>} : memref<4256xf32, #tpu.memory_space<vmem>>, vector<16xf32>,
        %swap3A_1163 = arith.constant 0 : i32
        %swap3A_1164 = arith.index_cast %swap3A_1163 : i32 to index
        %swap3A_1165 = arith.constant 48 : index
        %swap3A_1166 = tpu.vector_load %arg12[%swap3A_1164, %swap3A_1165] {strides = array<i32>} : memref<1x128xf32, #tpu.memory_space<vmem>>, vector<16xf32>,
        tpu.vector_store %arg12[%swap3A_1164, %swap3A_1165], %get3A_1162 {strides = array<i32>} : memref<1x128xf32, #tpu.memory_space<vmem>>, vector<16xf32>,
        %add3A_1167 = arith.constant 64 : i32
        %add3A_1168 = arith.addi %mul3A_1110, %add3A_1167 : i32
        %get3A_1169 = arith.index_cast %add3A_1168 : i32 to index
        %get3A_1170 = tpu.vector_load %arg9[%get3A_1169] {strides = array<i32>} : memref<4256xi32, #tpu.memory_space<vmem>>, vector<16xi32>,
        %swap3A_1171 = arith.constant 0 : i32
        %swap3A_1172 = arith.index_cast %swap3A_1171 : i32 to index
        %swap3A_1173 = arith.constant 64 : index
        %swap3A_1174 = tpu.vector_load %arg11[%swap3A_1172, %swap3A_1173] {strides = array<i32>} : memref<1x128xi32, #tpu.memory_space<vmem>>, vector<16xi32>,
        tpu.vector_store %arg11[%swap3A_1172, %swap3A_1173], %get3A_1170 {strides = array<i32>} : memref<1x128xi32, #tpu.memory_space<vmem>>, vector<16xi32>,
        %get3A_1175 = arith.index_cast %add3A_1168 : i32 to index
        %get3A_1176 = tpu.vector_load %arg10[%get3A_1175] {strides = array<i32>} : memref<4256xf32, #tpu.memory_space<vmem>>, vector<16xf32>,
        %swap3A_1177 = arith.constant 0 : i32
        %swap3A_1178 = arith.index_cast %swap3A_1177 : i32 to index
        %swap3A_1179 = arith.constant 64 : index
        %swap3A_1180 = tpu.vector_load %arg12[%swap3A_1178, %swap3A_1179] {strides = array<i32>} : memref<1x128xf32, #tpu.memory_space<vmem>>, vector<16xf32>,
        tpu.vector_store %arg12[%swap3A_1178, %swap3A_1179], %get3A_1176 {strides = array<i32>} : memref<1x128xf32, #tpu.memory_space<vmem>>, vector<16xf32>,
        %add3A_1181 = arith.constant 80 : i32
        %add3A_1182 = arith.addi %mul3A_1110, %add3A_1181 : i32
        %get3A_1183 = arith.index_cast %add3A_1182 : i32 to index
        %get3A_1184 = tpu.vector_load %arg9[%get3A_1183] {strides = array<i32>} : memref<4256xi32, #tpu.memory_space<vmem>>, vector<16xi32>,
        %swap3A_1185 = arith.constant 0 : i32
        %swap3A_1186 = arith.index_cast %swap3A_1185 : i32 to index
        %swap3A_1187 = arith.constant 80 : index
        %swap3A_1188 = tpu.vector_load %arg11[%swap3A_1186, %swap3A_1187] {strides = array<i32>} : memref<1x128xi32, #tpu.memory_space<vmem>>, vector<16xi32>,
        tpu.vector_store %arg11[%swap3A_1186, %swap3A_1187], %get3A_1184 {strides = array<i32>} : memref<1x128xi32, #tpu.memory_space<vmem>>, vector<16xi32>,
        %get3A_1189 = arith.index_cast %add3A_1182 : i32 to index
        %get3A_1190 = tpu.vector_load %arg10[%get3A_1189] {strides = array<i32>} : memref<4256xf32, #tpu.memory_space<vmem>>, vector<16xf32>,
        %swap3A_1191 = arith.constant 0 : i32
        %swap3A_1192 = arith.index_cast %swap3A_1191 : i32 to index
        %swap3A_1193 = arith.constant 80 : index
        %swap3A_1194 = tpu.vector_load %arg12[%swap3A_1192, %swap3A_1193] {strides = array<i32>} : memref<1x128xf32, #tpu.memory_space<vmem>>, vector<16xf32>,
        tpu.vector_store %arg12[%swap3A_1192, %swap3A_1193], %get3A_1190 {strides = array<i32>} : memref<1x128xf32, #tpu.memory_space<vmem>>, vector<16xf32>,
        %add3A_1195 = arith.constant 96 : i32
        %add3A_1196 = arith.addi %mul3A_1110, %add3A_1195 : i32
        %get3A_1197 = arith.index_cast %add3A_1196 : i32 to index
        %get3A_1198 = tpu.vector_load %arg9[%get3A_1197] {strides = array<i32>} : memref<4256xi32, #tpu.memory_space<vmem>>, vector<16xi32>,
        %swap3A_1199 = arith.constant 0 : i32
        %swap3A_1200 = arith.index_cast %swap3A_1199 : i32 to index
        %swap3A_1201 = arith.constant 96 : index
        %swap3A_1202 = tpu.vector_load %arg11[%swap3A_1200, %swap3A_1201] {strides = array<i32>} : memref<1x128xi32, #tpu.memory_space<vmem>>, vector<16xi32>,
        tpu.vector_store %arg11[%swap3A_1200, %swap3A_1201], %get3A_1198 {strides = array<i32>} : memref<1x128xi32, #tpu.memory_space<vmem>>, vector<16xi32>,
        %get3A_1203 = arith.index_cast %add3A_1196 : i32 to index
        %get3A_1204 = tpu.vector_load %arg10[%get3A_1203] {strides = array<i32>} : memref<4256xf32, #tpu.memory_space<vmem>>, vector<16xf32>,
        %swap3A_1205 = arith.constant 0 : i32
        %swap3A_1206 = arith.index_cast %swap3A_1205 : i32 to index
        %swap3A_1207 = arith.constant 96 : index
        %swap3A_1208 = tpu.vector_load %arg12[%swap3A_1206, %swap3A_1207] {strides = array<i32>} : memref<1x128xf32, #tpu.memory_space<vmem>>, vector<16xf32>,
        tpu.vector_store %arg12[%swap3A_1206, %swap3A_1207], %get3A_1204 {strides = array<i32>} : memref<1x128xf32, #tpu.memory_space<vmem>>, vector<16xf32>,
        %add3A_1209 = arith.constant 112 : i32
        %add3A_1210 = arith.addi %mul3A_1110, %add3A_1209 : i32
        %get3A_1211 = arith.index_cast %add3A_1210 : i32 to index
        %get3A_1212 = tpu.vector_load %arg9[%get3A_1211] {strides = array<i32>} : memref<4256xi32, #tpu.memory_space<vmem>>, vector<16xi32>,
        %swap3A_1213 = arith.constant 0 : i32
        %swap3A_1214 = arith.index_cast %swap3A_1213 : i32 to index
        %swap3A_1215 = arith.constant 112 : index
        %swap3A_1216 = tpu.vector_load %arg11[%swap3A_1214, %swap3A_1215] {strides = array<i32>} : memref<1x128xi32, #tpu.memory_space<vmem>>, vector<16xi32>,
        tpu.vector_store %arg11[%swap3A_1214, %swap3A_1215], %get3A_1212 {strides = array<i32>} : memref<1x128xi32, #tpu.memory_space<vmem>>, vector<16xi32>,
        %get3A_1217 = arith.index_cast %add3A_1210 : i32 to index
        %get3A_1218 = tpu.vector_load %arg10[%get3A_1217] {strides = array<i32>} : memref<4256xf32, #tpu.memory_space<vmem>>, vector<16xf32>,
        %swap3A_1219 = arith.constant 0 : i32
        %swap3A_1220 = arith.index_cast %swap3A_1219 : i32 to index
        %swap3A_1221 = arith.constant 112 : index
        %swap3A_1222 = tpu.vector_load %arg12[%swap3A_1220, %swap3A_1221] {strides = array<i32>} : memref<1x128xf32, #tpu.memory_space<vmem>>, vector<16xf32>,
        tpu.vector_store %arg12[%swap3A_1220, %swap3A_1221], %get3A_1218 {strides = array<i32>} : memref<1x128xf32, #tpu.memory_space<vmem>>, vector<16xf32>,
        %run_scoped3A_1223 = arith.constant 0 : i32
        %run_scoped3A_1224 = arith.constant 0 : i32
        "tpu.region"() ({
          %run_scoped3A_1226 = tpu.sem_alloc : memref<!tpu.dma_semaphore, #tpu.memory_space<semaphore_mem>>
          %dma_start3A = arith.constant 0 : i32
          %dma_start3A_1227 = tpu.memref_slice %arg12[%run_scoped3A_1223, %dma_start3A] : memref<1x128xf32, #tpu.memory_space<vmem>> -> memref<1x128xf32, #tpu.memory_space<vmem>>
          %dma_start3A_1228 = tpu.memref_squeeze %dma_start3A_1227 : memref<1x128xf32, #tpu.memory_space<vmem>> -> memref<128xf32, #tpu.memory_space<vmem>>
          %dma_start3A_1229 = arith.constant 0 : i32
          %dma_start3A_1230 = tpu.memref_slice %arg11[%run_scoped3A_1224, %dma_start3A_1229] : memref<1x128xi32, #tpu.memory_space<vmem>> -> memref<1x128xi32, #tpu.memory_space<vmem>>
          %dma_start3A_1231 = tpu.memref_squeeze %dma_start3A_1230 : memref<1x128xi32, #tpu.memory_space<vmem>> -> memref<128xi32, #tpu.memory_space<vmem>>
          %dma_start3A_1232 = arith.constant 0 : i32
          %dma_start3A_1233 = tpu.memref_slice %arg14[%dma_start3A_1232] : memref<1802240xf32, #tpu.memory_space<vmem_shared>> -> memref<1802240xf32, #tpu.memory_space<vmem_shared>>
          tpu.enqueue_indirect_dma source(%dma_start3A_1228 : memref<128xf32, #tpu.memory_space<vmem>>) target(%dma_start3A_1233 : memref<1802240xf32, #tpu.memory_space<vmem_shared>>) offsets(%dma_start3A_1231 : memref<128xi32, #tpu.memory_space<vmem>>) semaphore(%run_scoped3A_1226 : memref<!tpu.dma_semaphore, #tpu.memory_space<semaphore_mem>>) {add = true}
          %dma_wait3A = arith.constant 0 : i32
          %dma_wait3A_1234 = tpu.memref_slice %arg12[%run_scoped3A_1223, %dma_wait3A] : memref<1x128xf32, #tpu.memory_space<vmem>> -> memref<1x128xf32, #tpu.memory_space<vmem>>
          %dma_wait3A_1235 = tpu.memref_squeeze %dma_wait3A_1234 : memref<1x128xf32, #tpu.memory_space<vmem>> -> memref<128xf32, #tpu.memory_space<vmem>>
          %dma_wait3A_1236 = arith.constant 0 : i32
          %dma_wait3A_1237 = tpu.memref_slice %arg11[%run_scoped3A_1224, %dma_wait3A_1236] : memref<1x128xi32, #tpu.memory_space<vmem>> -> memref<1x128xi32, #tpu.memory_space<vmem>>
          %dma_wait3A_1238 = tpu.memref_squeeze %dma_wait3A_1237 : memref<1x128xi32, #tpu.memory_space<vmem>> -> memref<128xi32, #tpu.memory_space<vmem>>
          %dma_wait3A_1239 = arith.constant 0 : i32
          %dma_wait3A_1240 = tpu.memref_slice %arg14[%dma_wait3A_1239] : memref<1802240xf32, #tpu.memory_space<vmem_shared>> -> memref<1802240xf32, #tpu.memory_space<vmem_shared>>
          tpu.wait_indirect_dma semaphore(%run_scoped3A_1226 : memref<!tpu.dma_semaphore, #tpu.memory_space<semaphore_mem>>) src(%dma_wait3A_1235 : memref<128xf32, #tpu.memory_space<vmem>>) dst(%dma_wait3A_1240 : memref<1802240xf32, #tpu.memory_space<vmem_shared>>)
          tpu.yield
        }) : () -> ()
        %while3A_1225 = arith.constant 0 : i32
        scf.yield %while3A_1225 : i32
      }
      %mul3A_1008 = arith.constant 128 : i32
      %mul3A_1009 = arith.muli %select_n3A_996, %mul3A_1008 : i32
      %add3A_1010 = arith.constant 0 : i32
      %add3A_1011 = arith.addi %mul3A_1009, %add3A_1010 : i32
      %get3A_1012 = arith.index_cast %add3A_1011 : i32 to index
      %get3A_1013 = tpu.vector_load %arg9[%get3A_1012] {strides = array<i32>} : memref<4256xi32, #tpu.memory_space<vmem>>, vector<16xi32>,
      %add3A_1014 = arith.constant 0 : i32
      %add3A_1015 = arith.addi %mul3A_1009, %add3A_1014 : i32
      %get3A_1016 = arith.index_cast %add3A_1015 : i32 to index
      %get3A_1017 = tpu.vector_load %arg10[%get3A_1016] {strides = array<i32>} : memref<4256xf32, #tpu.memory_space<vmem>>, vector<16xf32>,
      %swap3A_1018 = arith.constant 0 : index
      %swap3A_1019 = tpu.vector_load %arg9[%swap3A_1018] {strides = array<i32>} : memref<4256xi32, #tpu.memory_space<vmem>>, vector<16xi32>,
      tpu.vector_store %arg9[%swap3A_1018], %get3A_1013 {strides = array<i32>} : memref<4256xi32, #tpu.memory_space<vmem>>, vector<16xi32>,
      %swap3A_1020 = arith.constant 0 : index
      %swap3A_1021 = tpu.vector_load %arg10[%swap3A_1020] {strides = array<i32>} : memref<4256xf32, #tpu.memory_space<vmem>>, vector<16xf32>,
      tpu.vector_store %arg10[%swap3A_1020], %get3A_1017 {strides = array<i32>} : memref<4256xf32, #tpu.memory_space<vmem>>, vector<16xf32>,
      %add3A_1022 = arith.constant 16 : i32
      %add3A_1023 = arith.addi %mul3A_1009, %add3A_1022 : i32
      %get3A_1024 = arith.index_cast %add3A_1023 : i32 to index
      %get3A_1025 = tpu.vector_load %arg9[%get3A_1024] {strides = array<i32>} : memref<4256xi32, #tpu.memory_space<vmem>>, vector<16xi32>,
      %add3A_1026 = arith.constant 16 : i32
      %add3A_1027 = arith.addi %mul3A_1009, %add3A_1026 : i32
      %get3A_1028 = arith.index_cast %add3A_1027 : i32 to index
      %get3A_1029 = tpu.vector_load %arg10[%get3A_1028] {strides = array<i32>} : memref<4256xf32, #tpu.memory_space<vmem>>, vector<16xf32>,
      %swap3A_1030 = arith.constant 16 : index
      %swap3A_1031 = tpu.vector_load %arg9[%swap3A_1030] {strides = array<i32>} : memref<4256xi32, #tpu.memory_space<vmem>>, vector<16xi32>,
      tpu.vector_store %arg9[%swap3A_1030], %get3A_1025 {strides = array<i32>} : memref<4256xi32, #tpu.memory_space<vmem>>, vector<16xi32>,
      %swap3A_1032 = arith.constant 16 : index
      %swap3A_1033 = tpu.vector_load %arg10[%swap3A_1032] {strides = array<i32>} : memref<4256xf32, #tpu.memory_space<vmem>>, vector<16xf32>,
      tpu.vector_store %arg10[%swap3A_1032], %get3A_1029 {strides = array<i32>} : memref<4256xf32, #tpu.memory_space<vmem>>, vector<16xf32>,
      %add3A_1034 = arith.constant 32 : i32
      %add3A_1035 = arith.addi %mul3A_1009, %add3A_1034 : i32
      %get3A_1036 = arith.index_cast %add3A_1035 : i32 to index
      %get3A_1037 = tpu.vector_load %arg9[%get3A_1036] {strides = array<i32>} : memref<4256xi32, #tpu.memory_space<vmem>>, vector<16xi32>,
      %add3A_1038 = arith.constant 32 : i32
      %add3A_1039 = arith.addi %mul3A_1009, %add3A_1038 : i32
      %get3A_1040 = arith.index_cast %add3A_1039 : i32 to index
      %get3A_1041 = tpu.vector_load %arg10[%get3A_1040] {strides = array<i32>} : memref<4256xf32, #tpu.memory_space<vmem>>, vector<16xf32>,
      %swap3A_1042 = arith.constant 32 : index
      %swap3A_1043 = tpu.vector_load %arg9[%swap3A_1042] {strides = array<i32>} : memref<4256xi32, #tpu.memory_space<vmem>>, vector<16xi32>,
      tpu.vector_store %arg9[%swap3A_1042], %get3A_1037 {strides = array<i32>} : memref<4256xi32, #tpu.memory_space<vmem>>, vector<16xi32>,
      %swap3A_1044 = arith.constant 32 : index
      %swap3A_1045 = tpu.vector_load %arg10[%swap3A_1044] {strides = array<i32>} : memref<4256xf32, #tpu.memory_space<vmem>>, vector<16xf32>,
      tpu.vector_store %arg10[%swap3A_1044], %get3A_1041 {strides = array<i32>} : memref<4256xf32, #tpu.memory_space<vmem>>, vector<16xf32>,
      %add3A_1046 = arith.constant 48 : i32
      %add3A_1047 = arith.addi %mul3A_1009, %add3A_1046 : i32
      %get3A_1048 = arith.index_cast %add3A_1047 : i32 to index
      %get3A_1049 = tpu.vector_load %arg9[%get3A_1048] {strides = array<i32>} : memref<4256xi32, #tpu.memory_space<vmem>>, vector<16xi32>,
      %add3A_1050 = arith.constant 48 : i32
      %add3A_1051 = arith.addi %mul3A_1009, %add3A_1050 : i32
      %get3A_1052 = arith.index_cast %add3A_1051 : i32 to index
      %get3A_1053 = tpu.vector_load %arg10[%get3A_1052] {strides = array<i32>} : memref<4256xf32, #tpu.memory_space<vmem>>, vector<16xf32>,
      %swap3A_1054 = arith.constant 48 : index
      %swap3A_1055 = tpu.vector_load %arg9[%swap3A_1054] {strides = array<i32>} : memref<4256xi32, #tpu.memory_space<vmem>>, vector<16xi32>,
      tpu.vector_store %arg9[%swap3A_1054], %get3A_1049 {strides = array<i32>} : memref<4256xi32, #tpu.memory_space<vmem>>, vector<16xi32>,
      %swap3A_1056 = arith.constant 48 : index
      %swap3A_1057 = tpu.vector_load %arg10[%swap3A_1056] {strides = array<i32>} : memref<4256xf32, #tpu.memory_space<vmem>>, vector<16xf32>,
      tpu.vector_store %arg10[%swap3A_1056], %get3A_1053 {strides = array<i32>} : memref<4256xf32, #tpu.memory_space<vmem>>, vector<16xf32>,
      %add3A_1058 = arith.constant 64 : i32
      %add3A_1059 = arith.addi %mul3A_1009, %add3A_1058 : i32
      %get3A_1060 = arith.index_cast %add3A_1059 : i32 to index
      %get3A_1061 = tpu.vector_load %arg9[%get3A_1060] {strides = array<i32>} : memref<4256xi32, #tpu.memory_space<vmem>>, vector<16xi32>,
      %add3A_1062 = arith.constant 64 : i32
      %add3A_1063 = arith.addi %mul3A_1009, %add3A_1062 : i32
      %get3A_1064 = arith.index_cast %add3A_1063 : i32 to index
      %get3A_1065 = tpu.vector_load %arg10[%get3A_1064] {strides = array<i32>} : memref<4256xf32, #tpu.memory_space<vmem>>, vector<16xf32>,
      %swap3A_1066 = arith.constant 64 : index
      %swap3A_1067 = tpu.vector_load %arg9[%swap3A_1066] {strides = array<i32>} : memref<4256xi32, #tpu.memory_space<vmem>>, vector<16xi32>,
      tpu.vector_store %arg9[%swap3A_1066], %get3A_1061 {strides = array<i32>} : memref<4256xi32, #tpu.memory_space<vmem>>, vector<16xi32>,
      %swap3A_1068 = arith.constant 64 : index
      %swap3A_1069 = tpu.vector_load %arg10[%swap3A_1068] {strides = array<i32>} : memref<4256xf32, #tpu.memory_space<vmem>>, vector<16xf32>,
      tpu.vector_store %arg10[%swap3A_1068], %get3A_1065 {strides = array<i32>} : memref<4256xf32, #tpu.memory_space<vmem>>, vector<16xf32>,
      %add3A_1070 = arith.constant 80 : i32
      %add3A_1071 = arith.addi %mul3A_1009, %add3A_1070 : i32
      %get3A_1072 = arith.index_cast %add3A_1071 : i32 to index
      %get3A_1073 = tpu.vector_load %arg9[%get3A_1072] {strides = array<i32>} : memref<4256xi32, #tpu.memory_space<vmem>>, vector<16xi32>,
      %add3A_1074 = arith.constant 80 : i32
      %add3A_1075 = arith.addi %mul3A_1009, %add3A_1074 : i32
      %get3A_1076 = arith.index_cast %add3A_1075 : i32 to index
      %get3A_1077 = tpu.vector_load %arg10[%get3A_1076] {strides = array<i32>} : memref<4256xf32, #tpu.memory_space<vmem>>, vector<16xf32>,
      %swap3A_1078 = arith.constant 80 : index
      %swap3A_1079 = tpu.vector_load %arg9[%swap3A_1078] {strides = array<i32>} : memref<4256xi32, #tpu.memory_space<vmem>>, vector<16xi32>,
      tpu.vector_store %arg9[%swap3A_1078], %get3A_1073 {strides = array<i32>} : memref<4256xi32, #tpu.memory_space<vmem>>, vector<16xi32>,
      %swap3A_1080 = arith.constant 80 : index
      %swap3A_1081 = tpu.vector_load %arg10[%swap3A_1080] {strides = array<i32>} : memref<4256xf32, #tpu.memory_space<vmem>>, vector<16xf32>,
      tpu.vector_store %arg10[%swap3A_1080], %get3A_1077 {strides = array<i32>} : memref<4256xf32, #tpu.memory_space<vmem>>, vector<16xf32>,
      %add3A_1082 = arith.constant 96 : i32
      %add3A_1083 = arith.addi %mul3A_1009, %add3A_1082 : i32
      %get3A_1084 = arith.index_cast %add3A_1083 : i32 to index
      %get3A_1085 = tpu.vector_load %arg9[%get3A_1084] {strides = array<i32>} : memref<4256xi32, #tpu.memory_space<vmem>>, vector<16xi32>,
      %add3A_1086 = arith.constant 96 : i32
      %add3A_1087 = arith.addi %mul3A_1009, %add3A_1086 : i32
      %get3A_1088 = arith.index_cast %add3A_1087 : i32 to index
      %get3A_1089 = tpu.vector_load %arg10[%get3A_1088] {strides = array<i32>} : memref<4256xf32, #tpu.memory_space<vmem>>, vector<16xf32>,
      %swap3A_1090 = arith.constant 96 : index
      %swap3A_1091 = tpu.vector_load %arg9[%swap3A_1090] {strides = array<i32>} : memref<4256xi32, #tpu.memory_space<vmem>>, vector<16xi32>,
      tpu.vector_store %arg9[%swap3A_1090], %get3A_1085 {strides = array<i32>} : memref<4256xi32, #tpu.memory_space<vmem>>, vector<16xi32>,
      %swap3A_1092 = arith.constant 96 : index
      %swap3A_1093 = tpu.vector_load %arg10[%swap3A_1092] {strides = array<i32>} : memref<4256xf32, #tpu.memory_space<vmem>>, vector<16xf32>,
      tpu.vector_store %arg10[%swap3A_1092], %get3A_1089 {strides = array<i32>} : memref<4256xf32, #tpu.memory_space<vmem>>, vector<16xf32>,
      %add3A_1094 = arith.constant 112 : i32
      %add3A_1095 = arith.addi %mul3A_1009, %add3A_1094 : i32
      %get3A_1096 = arith.index_cast %add3A_1095 : i32 to index
      %get3A_1097 = tpu.vector_load %arg9[%get3A_1096] {strides = array<i32>} : memref<4256xi32, #tpu.memory_space<vmem>>, vector<16xi32>,
      %add3A_1098 = arith.constant 112 : i32
      %add3A_1099 = arith.addi %mul3A_1009, %add3A_1098 : i32
      %get3A_1100 = arith.index_cast %add3A_1099 : i32 to index
      %get3A_1101 = tpu.vector_load %arg10[%get3A_1100] {strides = array<i32>} : memref<4256xf32, #tpu.memory_space<vmem>>, vector<16xf32>,
      %swap3A_1102 = arith.constant 112 : index
      %swap3A_1103 = tpu.vector_load %arg9[%swap3A_1102] {strides = array<i32>} : memref<4256xi32, #tpu.memory_space<vmem>>, vector<16xi32>,
      tpu.vector_store %arg9[%swap3A_1102], %get3A_1097 {strides = array<i32>} : memref<4256xi32, #tpu.memory_space<vmem>>, vector<16xi32>,
      %swap3A_1104 = arith.constant 112 : index
      %swap3A_1105 = tpu.vector_load %arg10[%swap3A_1104] {strides = array<i32>} : memref<4256xf32, #tpu.memory_space<vmem>>, vector<16xf32>,
      tpu.vector_store %arg10[%swap3A_1104], %get3A_1101 {strides = array<i32>} : memref<4256xf32, #tpu.memory_space<vmem>>, vector<16xf32>,
      %sub3A_1106 = arith.subi %scan3A_977, %mul3A_1009 : i32
      scf.yield %sub3A_1106 : i32
    }
    %scan3A_227 = arith.constant 52 : i32
    %add3A_228 = arith.constant 0 : i32
    %add3A_229 = vector.broadcast %add3A_228 : i32 to vector<16xi32>
    %add3A_230 = arith.addi %iota3A, %add3A_229 : vector<16xi32>
    %lt3A_231 = vector.broadcast %scan3A_226 : i32 to vector<16xi32>
    %lt3A_232 = arith.cmpi slt, %add3A_230, %lt3A_231 : vector<16xi32>
    %get3A_233 = arith.constant 0 : index
    %get3A_234 = tpu.vector_load %arg9[%get3A_233] {strides = array<i32>} : memref<4256xi32, #tpu.memory_space<vmem>>, vector<16xi32>,
    %swap3A_235 = arith.constant 0 : i32
    %swap3A_236 = arith.index_cast %swap3A_235 : i32 to index
    %swap3A_237 = arith.constant 0 : index
    %swap3A_238 = tpu.vector_load %arg11[%swap3A_236, %swap3A_237] {strides = array<i32>} : memref<1x128xi32, #tpu.memory_space<vmem>>, vector<16xi32>,
    tpu.vector_store %arg11[%swap3A_236, %swap3A_237], %get3A_234 {strides = array<i32>} : memref<1x128xi32, #tpu.memory_space<vmem>>, vector<16xi32>,
    %get3A_239 = arith.constant 0 : index
    %get3A_240 = tpu.vector_load %arg10[%get3A_239] {strides = array<i32>} : memref<4256xf32, #tpu.memory_space<vmem>>, vector<16xf32>,
    %jit3A_241 = arith.constant 0.000000e+00 : f32
    %broadcast_in_dim3A_242 = vector.broadcast %jit3A_241 : f32 to vector<16xf32>
    %select_n3A_243 = arith.select %lt3A_232, %get3A_240, %broadcast_in_dim3A_242 : vector<16xi1>, vector<16xf32>
    %swap3A_244 = arith.constant 0 : i32
    %swap3A_245 = arith.index_cast %swap3A_244 : i32 to index
    %swap3A_246 = arith.constant 0 : index
    %swap3A_247 = tpu.vector_load %arg12[%swap3A_245, %swap3A_246] {strides = array<i32>} : memref<1x128xf32, #tpu.memory_space<vmem>>, vector<16xf32>,
    tpu.vector_store %arg12[%swap3A_245, %swap3A_246], %select_n3A_243 {strides = array<i32>} : memref<1x128xf32, #tpu.memory_space<vmem>>, vector<16xf32>,
    %add3A_248 = arith.constant 16 : i32
    %add3A_249 = vector.broadcast %add3A_248 : i32 to vector<16xi32>
    %add3A_250 = arith.addi %iota3A, %add3A_249 : vector<16xi32>
    %lt3A_251 = vector.broadcast %scan3A_226 : i32 to vector<16xi32>
    %lt3A_252 = arith.cmpi slt, %add3A_250, %lt3A_251 : vector<16xi32>
    %get3A_253 = arith.constant 16 : index
    %get3A_254 = tpu.vector_load %arg9[%get3A_253] {strides = array<i32>} : memref<4256xi32, #tpu.memory_space<vmem>>, vector<16xi32>,
    %swap3A_255 = arith.constant 0 : i32
    %swap3A_256 = arith.index_cast %swap3A_255 : i32 to index
    %swap3A_257 = arith.constant 16 : index
    %swap3A_258 = tpu.vector_load %arg11[%swap3A_256, %swap3A_257] {strides = array<i32>} : memref<1x128xi32, #tpu.memory_space<vmem>>, vector<16xi32>,
    tpu.vector_store %arg11[%swap3A_256, %swap3A_257], %get3A_254 {strides = array<i32>} : memref<1x128xi32, #tpu.memory_space<vmem>>, vector<16xi32>,
    %get3A_259 = arith.constant 16 : index
    %get3A_260 = tpu.vector_load %arg10[%get3A_259] {strides = array<i32>} : memref<4256xf32, #tpu.memory_space<vmem>>, vector<16xf32>,
    %jit3A_261 = arith.constant 0.000000e+00 : f32
    %broadcast_in_dim3A_262 = vector.broadcast %jit3A_261 : f32 to vector<16xf32>
    %select_n3A_263 = arith.select %lt3A_252, %get3A_260, %broadcast_in_dim3A_262 : vector<16xi1>, vector<16xf32>
    %swap3A_264 = arith.constant 0 : i32
    %swap3A_265 = arith.index_cast %swap3A_264 : i32 to index
    %swap3A_266 = arith.constant 16 : index
    %swap3A_267 = tpu.vector_load %arg12[%swap3A_265, %swap3A_266] {strides = array<i32>} : memref<1x128xf32, #tpu.memory_space<vmem>>, vector<16xf32>,
    tpu.vector_store %arg12[%swap3A_265, %swap3A_266], %select_n3A_263 {strides = array<i32>} : memref<1x128xf32, #tpu.memory_space<vmem>>, vector<16xf32>,
    %add3A_268 = arith.constant 32 : i32
    %add3A_269 = vector.broadcast %add3A_268 : i32 to vector<16xi32>
    %add3A_270 = arith.addi %iota3A, %add3A_269 : vector<16xi32>
    %lt3A_271 = vector.broadcast %scan3A_226 : i32 to vector<16xi32>
    %lt3A_272 = arith.cmpi slt, %add3A_270, %lt3A_271 : vector<16xi32>
    %get3A_273 = arith.constant 32 : index
    %get3A_274 = tpu.vector_load %arg9[%get3A_273] {strides = array<i32>} : memref<4256xi32, #tpu.memory_space<vmem>>, vector<16xi32>,
    %swap3A_275 = arith.constant 0 : i32
    %swap3A_276 = arith.index_cast %swap3A_275 : i32 to index
    %swap3A_277 = arith.constant 32 : index
    %swap3A_278 = tpu.vector_load %arg11[%swap3A_276, %swap3A_277] {strides = array<i32>} : memref<1x128xi32, #tpu.memory_space<vmem>>, vector<16xi32>,
    tpu.vector_store %arg11[%swap3A_276, %swap3A_277], %get3A_274 {strides = array<i32>} : memref<1x128xi32, #tpu.memory_space<vmem>>, vector<16xi32>,
    %get3A_279 = arith.constant 32 : index
    %get3A_280 = tpu.vector_load %arg10[%get3A_279] {strides = array<i32>} : memref<4256xf32, #tpu.memory_space<vmem>>, vector<16xf32>,
    %jit3A_281 = arith.constant 0.000000e+00 : f32
    %broadcast_in_dim3A_282 = vector.broadcast %jit3A_281 : f32 to vector<16xf32>
    %select_n3A_283 = arith.select %lt3A_272, %get3A_280, %broadcast_in_dim3A_282 : vector<16xi1>, vector<16xf32>
    %swap3A_284 = arith.constant 0 : i32
    %swap3A_285 = arith.index_cast %swap3A_284 : i32 to index
    %swap3A_286 = arith.constant 32 : index
    %swap3A_287 = tpu.vector_load %arg12[%swap3A_285, %swap3A_286] {strides = array<i32>} : memref<1x128xf32, #tpu.memory_space<vmem>>, vector<16xf32>,
    tpu.vector_store %arg12[%swap3A_285, %swap3A_286], %select_n3A_283 {strides = array<i32>} : memref<1x128xf32, #tpu.memory_space<vmem>>, vector<16xf32>,
    %add3A_288 = arith.constant 48 : i32
    %add3A_289 = vector.broadcast %add3A_288 : i32 to vector<16xi32>
    %add3A_290 = arith.addi %iota3A, %add3A_289 : vector<16xi32>
    %lt3A_291 = vector.broadcast %scan3A_226 : i32 to vector<16xi32>
    %lt3A_292 = arith.cmpi slt, %add3A_290, %lt3A_291 : vector<16xi32>
    %get3A_293 = arith.constant 48 : index
    %get3A_294 = tpu.vector_load %arg9[%get3A_293] {strides = array<i32>} : memref<4256xi32, #tpu.memory_space<vmem>>, vector<16xi32>,
    %swap3A_295 = arith.constant 0 : i32
    %swap3A_296 = arith.index_cast %swap3A_295 : i32 to index
    %swap3A_297 = arith.constant 48 : index
    %swap3A_298 = tpu.vector_load %arg11[%swap3A_296, %swap3A_297] {strides = array<i32>} : memref<1x128xi32, #tpu.memory_space<vmem>>, vector<16xi32>,
    tpu.vector_store %arg11[%swap3A_296, %swap3A_297], %get3A_294 {strides = array<i32>} : memref<1x128xi32, #tpu.memory_space<vmem>>, vector<16xi32>,
    %get3A_299 = arith.constant 48 : index
    %get3A_300 = tpu.vector_load %arg10[%get3A_299] {strides = array<i32>} : memref<4256xf32, #tpu.memory_space<vmem>>, vector<16xf32>,
    %jit3A_301 = arith.constant 0.000000e+00 : f32
    %broadcast_in_dim3A_302 = vector.broadcast %jit3A_301 : f32 to vector<16xf32>
    %select_n3A_303 = arith.select %lt3A_292, %get3A_300, %broadcast_in_dim3A_302 : vector<16xi1>, vector<16xf32>
    %swap3A_304 = arith.constant 0 : i32
    %swap3A_305 = arith.index_cast %swap3A_304 : i32 to index
    %swap3A_306 = arith.constant 48 : index
    %swap3A_307 = tpu.vector_load %arg12[%swap3A_305, %swap3A_306] {strides = array<i32>} : memref<1x128xf32, #tpu.memory_space<vmem>>, vector<16xf32>,
    tpu.vector_store %arg12[%swap3A_305, %swap3A_306], %select_n3A_303 {strides = array<i32>} : memref<1x128xf32, #tpu.memory_space<vmem>>, vector<16xf32>,
    %add3A_308 = arith.constant 64 : i32
    %add3A_309 = vector.broadcast %add3A_308 : i32 to vector<16xi32>
    %add3A_310 = arith.addi %iota3A, %add3A_309 : vector<16xi32>
    %lt3A_311 = vector.broadcast %scan3A_226 : i32 to vector<16xi32>
    %lt3A_312 = arith.cmpi slt, %add3A_310, %lt3A_311 : vector<16xi32>
    %get3A_313 = arith.constant 64 : index
    %get3A_314 = tpu.vector_load %arg9[%get3A_313] {strides = array<i32>} : memref<4256xi32, #tpu.memory_space<vmem>>, vector<16xi32>,
    %swap3A_315 = arith.constant 0 : i32
    %swap3A_316 = arith.index_cast %swap3A_315 : i32 to index
    %swap3A_317 = arith.constant 64 : index
    %swap3A_318 = tpu.vector_load %arg11[%swap3A_316, %swap3A_317] {strides = array<i32>} : memref<1x128xi32, #tpu.memory_space<vmem>>, vector<16xi32>,
    tpu.vector_store %arg11[%swap3A_316, %swap3A_317], %get3A_314 {strides = array<i32>} : memref<1x128xi32, #tpu.memory_space<vmem>>, vector<16xi32>,
    %get3A_319 = arith.constant 64 : index
    %get3A_320 = tpu.vector_load %arg10[%get3A_319] {strides = array<i32>} : memref<4256xf32, #tpu.memory_space<vmem>>, vector<16xf32>,
    %jit3A_321 = arith.constant 0.000000e+00 : f32
    %broadcast_in_dim3A_322 = vector.broadcast %jit3A_321 : f32 to vector<16xf32>
    %select_n3A_323 = arith.select %lt3A_312, %get3A_320, %broadcast_in_dim3A_322 : vector<16xi1>, vector<16xf32>
    %swap3A_324 = arith.constant 0 : i32
    %swap3A_325 = arith.index_cast %swap3A_324 : i32 to index
    %swap3A_326 = arith.constant 64 : index
    %swap3A_327 = tpu.vector_load %arg12[%swap3A_325, %swap3A_326] {strides = array<i32>} : memref<1x128xf32, #tpu.memory_space<vmem>>, vector<16xf32>,
    tpu.vector_store %arg12[%swap3A_325, %swap3A_326], %select_n3A_323 {strides = array<i32>} : memref<1x128xf32, #tpu.memory_space<vmem>>, vector<16xf32>,
    %add3A_328 = arith.constant 80 : i32
    %add3A_329 = vector.broadcast %add3A_328 : i32 to vector<16xi32>
    %add3A_330 = arith.addi %iota3A, %add3A_329 : vector<16xi32>
    %lt3A_331 = vector.broadcast %scan3A_226 : i32 to vector<16xi32>
    %lt3A_332 = arith.cmpi slt, %add3A_330, %lt3A_331 : vector<16xi32>
    %get3A_333 = arith.constant 80 : index
    %get3A_334 = tpu.vector_load %arg9[%get3A_333] {strides = array<i32>} : memref<4256xi32, #tpu.memory_space<vmem>>, vector<16xi32>,
    %swap3A_335 = arith.constant 0 : i32
    %swap3A_336 = arith.index_cast %swap3A_335 : i32 to index
    %swap3A_337 = arith.constant 80 : index
    %swap3A_338 = tpu.vector_load %arg11[%swap3A_336, %swap3A_337] {strides = array<i32>} : memref<1x128xi32, #tpu.memory_space<vmem>>, vector<16xi32>,
    tpu.vector_store %arg11[%swap3A_336, %swap3A_337], %get3A_334 {strides = array<i32>} : memref<1x128xi32, #tpu.memory_space<vmem>>, vector<16xi32>,
    %get3A_339 = arith.constant 80 : index
    %get3A_340 = tpu.vector_load %arg10[%get3A_339] {strides = array<i32>} : memref<4256xf32, #tpu.memory_space<vmem>>, vector<16xf32>,
    %jit3A_341 = arith.constant 0.000000e+00 : f32
    %broadcast_in_dim3A_342 = vector.broadcast %jit3A_341 : f32 to vector<16xf32>
    %select_n3A_343 = arith.select %lt3A_332, %get3A_340, %broadcast_in_dim3A_342 : vector<16xi1>, vector<16xf32>
    %swap3A_344 = arith.constant 0 : i32
    %swap3A_345 = arith.index_cast %swap3A_344 : i32 to index
    %swap3A_346 = arith.constant 80 : index
    %swap3A_347 = tpu.vector_load %arg12[%swap3A_345, %swap3A_346] {strides = array<i32>} : memref<1x128xf32, #tpu.memory_space<vmem>>, vector<16xf32>,
    tpu.vector_store %arg12[%swap3A_345, %swap3A_346], %select_n3A_343 {strides = array<i32>} : memref<1x128xf32, #tpu.memory_space<vmem>>, vector<16xf32>,
    %add3A_348 = arith.constant 96 : i32
    %add3A_349 = vector.broadcast %add3A_348 : i32 to vector<16xi32>
    %add3A_350 = arith.addi %iota3A, %add3A_349 : vector<16xi32>
    %lt3A_351 = vector.broadcast %scan3A_226 : i32 to vector<16xi32>
    %lt3A_352 = arith.cmpi slt, %add3A_350, %lt3A_351 : vector<16xi32>
    %get3A_353 = arith.constant 96 : index
    %get3A_354 = tpu.vector_load %arg9[%get3A_353] {strides = array<i32>} : memref<4256xi32, #tpu.memory_space<vmem>>, vector<16xi32>,
    %swap3A_355 = arith.constant 0 : i32
    %swap3A_356 = arith.index_cast %swap3A_355 : i32 to index
    %swap3A_357 = arith.constant 96 : index
    %swap3A_358 = tpu.vector_load %arg11[%swap3A_356, %swap3A_357] {strides = array<i32>} : memref<1x128xi32, #tpu.memory_space<vmem>>, vector<16xi32>,
    tpu.vector_store %arg11[%swap3A_356, %swap3A_357], %get3A_354 {strides = array<i32>} : memref<1x128xi32, #tpu.memory_space<vmem>>, vector<16xi32>,
    %get3A_359 = arith.constant 96 : index
    %get3A_360 = tpu.vector_load %arg10[%get3A_359] {strides = array<i32>} : memref<4256xf32, #tpu.memory_space<vmem>>, vector<16xf32>,
    %jit3A_361 = arith.constant 0.000000e+00 : f32
    %broadcast_in_dim3A_362 = vector.broadcast %jit3A_361 : f32 to vector<16xf32>
    %select_n3A_363 = arith.select %lt3A_352, %get3A_360, %broadcast_in_dim3A_362 : vector<16xi1>, vector<16xf32>
    %swap3A_364 = arith.constant 0 : i32
    %swap3A_365 = arith.index_cast %swap3A_364 : i32 to index
    %swap3A_366 = arith.constant 96 : index
    %swap3A_367 = tpu.vector_load %arg12[%swap3A_365, %swap3A_366] {strides = array<i32>} : memref<1x128xf32, #tpu.memory_space<vmem>>, vector<16xf32>,
    tpu.vector_store %arg12[%swap3A_365, %swap3A_366], %select_n3A_363 {strides = array<i32>} : memref<1x128xf32, #tpu.memory_space<vmem>>, vector<16xf32>,
    %add3A_368 = arith.constant 112 : i32
    %add3A_369 = vector.broadcast %add3A_368 : i32 to vector<16xi32>
    %add3A_370 = arith.addi %iota3A, %add3A_369 : vector<16xi32>
    %lt3A_371 = vector.broadcast %scan3A_226 : i32 to vector<16xi32>
    %lt3A_372 = arith.cmpi slt, %add3A_370, %lt3A_371 : vector<16xi32>
    %get3A_373 = arith.constant 112 : index
    %get3A_374 = tpu.vector_load %arg9[%get3A_373] {strides = array<i32>} : memref<4256xi32, #tpu.memory_space<vmem>>, vector<16xi32>,
    %swap3A_375 = arith.constant 0 : i32
    %swap3A_376 = arith.index_cast %swap3A_375 : i32 to index
    %swap3A_377 = arith.constant 112 : index
    %swap3A_378 = tpu.vector_load %arg11[%swap3A_376, %swap3A_377] {strides = array<i32>} : memref<1x128xi32, #tpu.memory_space<vmem>>, vector<16xi32>,
    tpu.vector_store %arg11[%swap3A_376, %swap3A_377], %get3A_374 {strides = array<i32>} : memref<1x128xi32, #tpu.memory_space<vmem>>, vector<16xi32>,
    %get3A_379 = arith.constant 112 : index
    %get3A_380 = tpu.vector_load %arg10[%get3A_379] {strides = array<i32>} : memref<4256xf32, #tpu.memory_space<vmem>>, vector<16xf32>,
    %jit3A_381 = arith.constant 0.000000e+00 : f32
    %broadcast_in_dim3A_382 = vector.broadcast %jit3A_381 : f32 to vector<16xf32>
    %select_n3A_383 = arith.select %lt3A_372, %get3A_380, %broadcast_in_dim3A_382 : vector<16xi1>, vector<16xf32>
    %swap3A_384 = arith.constant 0 : i32
    %swap3A_385 = arith.index_cast %swap3A_384 : i32 to index
    %swap3A_386 = arith.constant 112 : index
    %swap3A_387 = tpu.vector_load %arg12[%swap3A_385, %swap3A_386] {strides = array<i32>} : memref<1x128xf32, #tpu.memory_space<vmem>>, vector<16xf32>,
    tpu.vector_store %arg12[%swap3A_385, %swap3A_386], %select_n3A_383 {strides = array<i32>} : memref<1x128xf32, #tpu.memory_space<vmem>>, vector<16xf32>,
    %run_scoped3A_388 = arith.constant 0 : i32
    %run_scoped3A_389 = arith.constant 0 : i32
    "tpu.region"() ({
      %run_scoped3A_966 = tpu.sem_alloc : memref<!tpu.dma_semaphore, #tpu.memory_space<semaphore_mem>>
      %dma_start3A = arith.constant 0 : i32
      %dma_start3A_967 = tpu.memref_slice %arg12[%run_scoped3A_388, %dma_start3A] : memref<1x128xf32, #tpu.memory_space<vmem>> -> memref<1x128xf32, #tpu.memory_space<vmem>>
      %dma_start3A_968 = tpu.memref_squeeze %dma_start3A_967 : memref<1x128xf32, #tpu.memory_space<vmem>> -> memref<128xf32, #tpu.memory_space<vmem>>
      %dma_start3A_969 = arith.constant 0 : i32
      %dma_start3A_970 = tpu.memref_slice %arg11[%run_scoped3A_389, %dma_start3A_969] : memref<1x128xi32, #tpu.memory_space<vmem>> -> memref<1x128xi32, #tpu.memory_space<vmem>>
      %dma_start3A_971 = tpu.memref_squeeze %dma_start3A_970 : memref<1x128xi32, #tpu.memory_space<vmem>> -> memref<128xi32, #tpu.memory_space<vmem>>
      %dma_start3A_972 = arith.constant 0 : i32
      %dma_start3A_973 = tpu.memref_slice %arg14[%dma_start3A_972] : memref<1802240xf32, #tpu.memory_space<vmem_shared>> -> memref<1802240xf32, #tpu.memory_space<vmem_shared>>
      tpu.enqueue_indirect_dma source(%dma_start3A_968 : memref<128xf32, #tpu.memory_space<vmem>>) target(%dma_start3A_973 : memref<1802240xf32, #tpu.memory_space<vmem_shared>>) offsets(%dma_start3A_971 : memref<128xi32, #tpu.memory_space<vmem>>) semaphore(%run_scoped3A_966 : memref<!tpu.dma_semaphore, #tpu.memory_space<semaphore_mem>>) {add = true}
      %dma_wait3A = arith.constant 0 : i32
      %dma_wait3A_974 = tpu.memref_slice %arg12[%run_scoped3A_388, %dma_wait3A] : memref<1x128xf32, #tpu.memory_space<vmem>> -> memref<1x128xf32, #tpu.memory_space<vmem>>
      %dma_wait3A_975 = tpu.memref_squeeze %dma_wait3A_974 : memref<1x128xf32, #tpu.memory_space<vmem>> -> memref<128xf32, #tpu.memory_space<vmem>>
      %dma_wait3A_976 = arith.constant 0 : i32
      %dma_wait3A_977 = tpu.memref_slice %arg11[%run_scoped3A_389, %dma_wait3A_976] : memref<1x128xi32, #tpu.memory_space<vmem>> -> memref<1x128xi32, #tpu.memory_space<vmem>>
      %dma_wait3A_978 = tpu.memref_squeeze %dma_wait3A_977 : memref<1x128xi32, #tpu.memory_space<vmem>> -> memref<128xi32, #tpu.memory_space<vmem>>
      %dma_wait3A_979 = arith.constant 0 : i32
      %dma_wait3A_980 = tpu.memref_slice %arg14[%dma_wait3A_979] : memref<1802240xf32, #tpu.memory_space<vmem_shared>> -> memref<1802240xf32, #tpu.memory_space<vmem_shared>>
      tpu.wait_indirect_dma semaphore(%run_scoped3A_966 : memref<!tpu.dma_semaphore, #tpu.memory_space<semaphore_mem>>) src(%dma_wait3A_975 : memref<128xf32, #tpu.memory_space<vmem>>) dst(%dma_wait3A_980 : memref<1802240xf32, #tpu.memory_space<vmem_shared>>)
      tpu.yield
    }) : () -> ()
    %barrier3A_390 = arith.constant 0 : index
    tpu.barrier barrier_id(%barrier3A_390)
    %mul3A_391 = arith.constant 4096 : i32
    %mul3A_392 = arith.muli %add3A_219, %mul3A_391 : i32
    %mul3A_393 = arith.constant 112640 : i32
    %mul3A_394 = arith.muli %arg1, %mul3A_393 : i32
    %add3A_395 = arith.addi %mul3A_392, %mul3A_394 : i32
    "tpu.region"() ({
      %run_scoped3A_966 = tpu.sem_alloc : memref<!tpu.dma_semaphore, #tpu.memory_space<semaphore_mem>>
      %dma_start3A = tpu.memref_slice %arg5[%add3A_395] : memref<16777216xf32, #tpu.memory_space<hbm>> -> memref<112640xf32, #tpu.memory_space<hbm>>
      %dma_start3A_967 = tpu.memref_slice %arg14[%mul3A_207] : memref<1802240xf32, #tpu.memory_space<vmem_shared>> -> memref<112640xf32, #tpu.memory_space<vmem_shared>>
      tpu.enqueue_dma source(%dma_start3A_967 : memref<112640xf32, #tpu.memory_space<vmem_shared>>) target(%dma_start3A : memref<112640xf32, #tpu.memory_space<hbm>>) target_semaphore(%run_scoped3A_966 : memref<!tpu.dma_semaphore, #tpu.memory_space<semaphore_mem>>)
      %dma_wait3A = tpu.memref_slice %arg5[%add3A_395] : memref<16777216xf32, #tpu.memory_space<hbm>> -> memref<112640xf32, #tpu.memory_space<hbm>>
      %dma_wait3A_968 = tpu.memref_slice %arg14[%mul3A_207] : memref<1802240xf32, #tpu.memory_space<vmem_shared>> -> memref<112640xf32, #tpu.memory_space<vmem_shared>>
      tpu.wait_dma2 semaphore(%run_scoped3A_966 : memref<!tpu.dma_semaphore, #tpu.memory_space<semaphore_mem>>) src(%dma_wait3A_968 : memref<112640xf32, #tpu.memory_space<vmem_shared>>) dst(%dma_wait3A : memref<112640xf32, #tpu.memory_space<hbm>>)
      tpu.yield
    }) : () -> ()
    %mul3A_396 = arith.constant 112640 : i32
    %mul3A_397 = arith.muli %arg1, %mul3A_396 : i32
    %scan3A_398 = arith.constant 0 : i32
    %scan3A_399 = arith.constant 0 : i32
    %scan3A_400 = arith.constant 55 : i32
    %scan3A_401 = arith.addi %scan3A_399, %scan3A_400 : i32
    %scan3A_402 = arith.constant 1 : i32
    %scan3A_403 = scf.for %scan3A_966 = %scan3A_399 to %scan3A_401 step %scan3A_402 iter_args(%scan3A_967 = %scan3A_398) -> (i32)  : i32 {
      %mul3A_968 = arith.constant 2048 : i32
      %mul3A_969 = arith.muli %scan3A_966, %mul3A_968 : i32
      %add3A_970 = arith.addi %mul3A_397, %mul3A_969 : i32
      "tpu.region"() ({
        %run_scoped3A_972 = tpu.sem_alloc : memref<!tpu.dma_semaphore, #tpu.memory_space<semaphore_mem>>
        %dma_start3A = tpu.memref_slice %arg14[%add3A_970] : memref<1802240xf32, #tpu.memory_space<vmem_shared>> -> memref<2048xf32, #tpu.memory_space<vmem_shared>>
        %dma_start3A_973 = tpu.memref_slice %arg14[%add3A_970] : memref<1802240xf32, #tpu.memory_space<vmem_shared>> -> memref<2048xf32, #tpu.memory_space<vmem_shared>>
        tpu.enqueue_dma source(%arg13 : memref<2048xf32, #tpu.memory_space<vmem>>) target(%dma_start3A_973 : memref<2048xf32, #tpu.memory_space<vmem_shared>>) target_semaphore(%run_scoped3A_972 : memref<!tpu.dma_semaphore, #tpu.memory_space<semaphore_mem>>)
        %dma_wait3A = tpu.memref_slice %arg14[%add3A_970] : memref<1802240xf32, #tpu.memory_space<vmem_shared>> -> memref<2048xf32, #tpu.memory_space<vmem_shared>>
        %dma_wait3A_974 = tpu.memref_slice %arg14[%add3A_970] : memref<1802240xf32, #tpu.memory_space<vmem_shared>> -> memref<2048xf32, #tpu.memory_space<vmem_shared>>
        tpu.wait_dma2 semaphore(%run_scoped3A_972 : memref<!tpu.dma_semaphore, #tpu.memory_space<semaphore_mem>>) src(%arg13 : memref<2048xf32, #tpu.memory_space<vmem>>) dst(%dma_wait3A_974 : memref<2048xf32, #tpu.memory_space<vmem_shared>>)
        tpu.yield
      }) : () -> ()
      %scan3A_971 = arith.constant 0 : i32
      scf.yield %scan3A_971 : i32
    }
    %scan3A_404 = arith.constant 55 : i32
    %barrier3A_405 = arith.constant 0 : index
    tpu.barrier barrier_id(%barrier3A_405)
    %mul3A_406 = arith.constant 440 : i32
    %mul3A_407 = arith.muli %arg0, %mul3A_406 : i32
    %add3A_408 = arith.constant 1760 : i32
    %add3A_409 = arith.addi %add3A_408, %mul3A_407 : i32
    %scan3A_410 = arith.constant 440 : i32
    %scan3A_411 = arith.constant 0 : i32
    %scan3A_412 = arith.constant 0 : i32
    %scan3A_413 = arith.constant 52 : i32
    %scan3A_414 = arith.addi %scan3A_412, %scan3A_413 : i32
    %scan3A_415 = arith.constant 1 : i32
    %scan3A_416 = scf.for %scan3A_966 = %scan3A_412 to %scan3A_414 step %scan3A_415 iter_args(%scan3A_967 = %scan3A_411) -> (i32)  : i32 {
      %mul3A_968 = arith.constant 106496 : i32
      %mul3A_969 = arith.muli %arg1, %mul3A_968 : i32
      %mul3A_970 = arith.constant 2048 : i32
      %mul3A_971 = arith.muli %scan3A_966, %mul3A_970 : i32
      %add3A_972 = arith.addi %mul3A_969, %mul3A_971 : i32
      "tpu.region"() ({
        %run_scoped3A_1107 = tpu.sem_alloc : memref<!tpu.dma_semaphore, #tpu.memory_space<semaphore_mem>>
        %dma_start3A = tpu.memref_slice %arg2[%add3A_972] : memref<1703936xi32, #tpu.memory_space<hbm>> -> memref<2048xi32, #tpu.memory_space<hbm>>
        %dma_start3A_1108 = tpu.memref_slice %arg2[%add3A_972] : memref<1703936xi32, #tpu.memory_space<hbm>> -> memref<2048xi32, #tpu.memory_space<hbm>>
        tpu.enqueue_dma source(%dma_start3A_1108 : memref<2048xi32, #tpu.memory_space<hbm>>) target(%arg6 : memref<2048xi32, #tpu.memory_space<vmem>>) target_semaphore(%run_scoped3A_1107 : memref<!tpu.dma_semaphore, #tpu.memory_space<semaphore_mem>>)
        %dma_wait3A = tpu.memref_slice %arg2[%add3A_972] : memref<1703936xi32, #tpu.memory_space<hbm>> -> memref<2048xi32, #tpu.memory_space<hbm>>
        %dma_wait3A_1109 = tpu.memref_slice %arg2[%add3A_972] : memref<1703936xi32, #tpu.memory_space<hbm>> -> memref<2048xi32, #tpu.memory_space<hbm>>
        tpu.wait_dma2 semaphore(%run_scoped3A_1107 : memref<!tpu.dma_semaphore, #tpu.memory_space<semaphore_mem>>) src(%dma_wait3A_1109 : memref<2048xi32, #tpu.memory_space<hbm>>) dst(%arg6 : memref<2048xi32, #tpu.memory_space<vmem>>)
        tpu.yield
      }) : () -> ()
      "tpu.region"() ({
        %run_scoped3A_1107 = tpu.sem_alloc : memref<!tpu.dma_semaphore, #tpu.memory_space<semaphore_mem>>
        %dma_start3A = tpu.memref_slice %arg3[%add3A_972] : memref<1703936xi32, #tpu.memory_space<hbm>> -> memref<2048xi32, #tpu.memory_space<hbm>>
        %dma_start3A_1108 = tpu.memref_slice %arg3[%add3A_972] : memref<1703936xi32, #tpu.memory_space<hbm>> -> memref<2048xi32, #tpu.memory_space<hbm>>
        tpu.enqueue_dma source(%dma_start3A_1108 : memref<2048xi32, #tpu.memory_space<hbm>>) target(%arg7 : memref<2048xi32, #tpu.memory_space<vmem>>) target_semaphore(%run_scoped3A_1107 : memref<!tpu.dma_semaphore, #tpu.memory_space<semaphore_mem>>)
        %dma_wait3A = tpu.memref_slice %arg3[%add3A_972] : memref<1703936xi32, #tpu.memory_space<hbm>> -> memref<2048xi32, #tpu.memory_space<hbm>>
        %dma_wait3A_1109 = tpu.memref_slice %arg3[%add3A_972] : memref<1703936xi32, #tpu.memory_space<hbm>> -> memref<2048xi32, #tpu.memory_space<hbm>>
        tpu.wait_dma2 semaphore(%run_scoped3A_1107 : memref<!tpu.dma_semaphore, #tpu.memory_space<semaphore_mem>>) src(%dma_wait3A_1109 : memref<2048xi32, #tpu.memory_space<hbm>>) dst(%arg7 : memref<2048xi32, #tpu.memory_space<vmem>>)
        tpu.yield
      }) : () -> ()
      "tpu.region"() ({
        %run_scoped3A_1107 = tpu.sem_alloc : memref<!tpu.dma_semaphore, #tpu.memory_space<semaphore_mem>>
        %dma_start3A = tpu.memref_slice %arg4[%add3A_972] : memref<1703936xf32, #tpu.memory_space<hbm>> -> memref<2048xf32, #tpu.memory_space<hbm>>
        %dma_start3A_1108 = tpu.memref_slice %arg4[%add3A_972] : memref<1703936xf32, #tpu.memory_space<hbm>> -> memref<2048xf32, #tpu.memory_space<hbm>>
        tpu.enqueue_dma source(%dma_start3A_1108 : memref<2048xf32, #tpu.memory_space<hbm>>) target(%arg8 : memref<2048xf32, #tpu.memory_space<vmem>>) target_semaphore(%run_scoped3A_1107 : memref<!tpu.dma_semaphore, #tpu.memory_space<semaphore_mem>>)
        %dma_wait3A = tpu.memref_slice %arg4[%add3A_972] : memref<1703936xf32, #tpu.memory_space<hbm>> -> memref<2048xf32, #tpu.memory_space<hbm>>
        %dma_wait3A_1109 = tpu.memref_slice %arg4[%add3A_972] : memref<1703936xf32, #tpu.memory_space<hbm>> -> memref<2048xf32, #tpu.memory_space<hbm>>
        tpu.wait_dma2 semaphore(%run_scoped3A_1107 : memref<!tpu.dma_semaphore, #tpu.memory_space<semaphore_mem>>) src(%dma_wait3A_1109 : memref<2048xf32, #tpu.memory_space<hbm>>) dst(%arg8 : memref<2048xf32, #tpu.memory_space<vmem>>)
        tpu.yield
      }) : () -> ()
      %scan3A_973 = arith.constant 0 : i32
      %scan3A_974 = arith.constant 128 : i32
      %scan3A_975 = arith.addi %scan3A_973, %scan3A_974 : i32
      %scan3A_976 = arith.constant 1 : i32
      %scan3A_977 = scf.for %scan3A_1107 = %scan3A_973 to %scan3A_975 step %scan3A_976 iter_args(%scan3A_1108 = %scan3A_967) -> (i32)  : i32 {
        %mul3A_1109 = arith.constant 16 : i32
        %mul3A_1110 = arith.muli %scan3A_1107, %mul3A_1109 : i32
        %get3A_1111 = arith.index_cast %mul3A_1110 : i32 to index
        %get3A_1112 = tpu.vector_load %arg6[%get3A_1111] {strides = array<i32>} : memref<2048xi32, #tpu.memory_space<vmem>>, vector<16xi32>,
        %get3A_1113 = arith.index_cast %mul3A_1110 : i32 to index
        %get3A_1114 = tpu.vector_load %arg7[%get3A_1113] {strides = array<i32>} : memref<2048xi32, #tpu.memory_space<vmem>>, vector<16xi32>,
        %get3A_1115 = arith.index_cast %mul3A_1110 : i32 to index
        %get3A_1116 = tpu.vector_load %arg8[%get3A_1115] {strides = array<i32>} : memref<2048xf32, #tpu.memory_space<vmem>>, vector<16xf32>,
        %mul3A_1117 = arith.constant 5.000000e-01 : f32
        %mul3A_1118 = vector.broadcast %mul3A_1117 : f32 to vector<16xf32>
        %mul3A_1119 = arith.mulf %get3A_1116, %mul3A_1118 : vector<16xf32>
        %sub3A_1120 = vector.broadcast %add3A_409 : i32 to vector<16xi32>
        %sub3A_1121 = arith.subi %get3A_1112, %sub3A_1120 : vector<16xi32>
        %lt3A_1122 = vector.broadcast %scan3A_410 : i32 to vector<16xi32>
        %lt3A_1123 = arith.cmpi ult, %sub3A_1121, %lt3A_1122 : vector<16xi32>
        %shift_left3A = arith.constant 12 : i32
        %shift_left3A_1124 = vector.broadcast %shift_left3A : i32 to vector<16xi32>
        %shift_left3A_1125 = arith.shli %sub3A_1121, %shift_left3A_1124 : vector<16xi32>
        %or3A = arith.ori %shift_left3A_1125, %get3A_1114 : vector<16xi32>
        %convert_element_type3A = arith.extui %lt3A_1123 : vector<16xi1> to vector<16xi32>
        %broadcast_in_dim3A_1126 = arith.constant true
        %broadcast_in_dim3A_1127 = vector.broadcast %broadcast_in_dim3A_1126 : i1 to vector<16xi1>
        %masked_cumsum3A = tpu.scan <sum>, %convert_element_type3A masked %broadcast_in_dim3A_1127 : vector<16xi32>, vector<16xi1> -> vector<16xi32>
        %add3A_1128 = vector.broadcast %scan3A_1108 : i32 to vector<16xi32>
        %add3A_1129 = arith.addi %add3A_1128, %masked_cumsum3A : vector<16xi32>
        %sub3A_1130 = arith.constant 1 : i32
        %sub3A_1131 = vector.broadcast %sub3A_1130 : i32 to vector<16xi32>
        %sub3A_1132 = arith.subi %add3A_1129, %sub3A_1131 : vector<16xi32>
        tpu.vector_store_idx %arg9[%sub3A_1132], %or3A masked %lt3A_1123 : memref<4256xi32, #tpu.memory_space<vmem>>[vector<16xi32>], vector<16xi32>, vector<16xi1>
        tpu.vector_store_idx %arg10[%sub3A_1132], %mul3A_1119 masked %lt3A_1123 : memref<4256xf32, #tpu.memory_space<vmem>>[vector<16xi32>], vector<16xf32>, vector<16xi1>
        %convert_element_type3A_1133 = arith.extui %lt3A_1123 : vector<16xi1> to vector<16xi32>
        %reduce_sum3A = arith.constant true
        %reduce_sum3A_1134 = vector.broadcast %reduce_sum3A : i1 to vector<16xi1>
        %reduce_sum3A_1135 = tpu.scan <sum>, %convert_element_type3A_1133 masked %reduce_sum3A_1134 : vector<16xi32>, vector<16xi1> -> vector<16xi32>
        %reduce_sum3A_1136 = vector.extract %reduce_sum3A_1135[15] : i32 from vector<16xi32>
        %add3A_1137 = arith.addi %scan3A_1108, %reduce_sum3A_1136 : i32
        %sub3A_1138 = vector.broadcast %add3A_409 : i32 to vector<16xi32>
        %sub3A_1139 = arith.subi %get3A_1114, %sub3A_1138 : vector<16xi32>
        %lt3A_1140 = vector.broadcast %scan3A_410 : i32 to vector<16xi32>
        %lt3A_1141 = arith.cmpi ult, %sub3A_1139, %lt3A_1140 : vector<16xi32>
        %shift_left3A_1142 = arith.constant 12 : i32
        %shift_left3A_1143 = vector.broadcast %shift_left3A_1142 : i32 to vector<16xi32>
        %shift_left3A_1144 = arith.shli %sub3A_1139, %shift_left3A_1143 : vector<16xi32>
        %or3A_1145 = arith.ori %shift_left3A_1144, %get3A_1112 : vector<16xi32>
        %convert_element_type3A_1146 = arith.extui %lt3A_1141 : vector<16xi1> to vector<16xi32>
        %broadcast_in_dim3A_1147 = arith.constant true
        %broadcast_in_dim3A_1148 = vector.broadcast %broadcast_in_dim3A_1147 : i1 to vector<16xi1>
        %masked_cumsum3A_1149 = tpu.scan <sum>, %convert_element_type3A_1146 masked %broadcast_in_dim3A_1148 : vector<16xi32>, vector<16xi1> -> vector<16xi32>
        %add3A_1150 = vector.broadcast %add3A_1137 : i32 to vector<16xi32>
        %add3A_1151 = arith.addi %add3A_1150, %masked_cumsum3A_1149 : vector<16xi32>
        %sub3A_1152 = arith.constant 1 : i32
        %sub3A_1153 = vector.broadcast %sub3A_1152 : i32 to vector<16xi32>
        %sub3A_1154 = arith.subi %add3A_1151, %sub3A_1153 : vector<16xi32>
        tpu.vector_store_idx %arg9[%sub3A_1154], %or3A_1145 masked %lt3A_1141 : memref<4256xi32, #tpu.memory_space<vmem>>[vector<16xi32>], vector<16xi32>, vector<16xi1>
        tpu.vector_store_idx %arg10[%sub3A_1154], %mul3A_1119 masked %lt3A_1141 : memref<4256xf32, #tpu.memory_space<vmem>>[vector<16xi32>], vector<16xf32>, vector<16xi1>
        %convert_element_type3A_1155 = arith.extui %lt3A_1141 : vector<16xi1> to vector<16xi32>
        %reduce_sum3A_1156 = arith.constant true
        %reduce_sum3A_1157 = vector.broadcast %reduce_sum3A_1156 : i1 to vector<16xi1>
        %reduce_sum3A_1158 = tpu.scan <sum>, %convert_element_type3A_1155 masked %reduce_sum3A_1157 : vector<16xi32>, vector<16xi1> -> vector<16xi32>
        %reduce_sum3A_1159 = vector.extract %reduce_sum3A_1158[15] : i32 from vector<16xi32>
        %add3A_1160 = arith.addi %add3A_1137, %reduce_sum3A_1159 : i32
        scf.yield %add3A_1160 : i32
      }
      %scan3A_978 = arith.constant 128 : i32
      %jit3A_979 = arith.constant 128 : i32
      %div3A = arith.divsi %scan3A_977, %jit3A_979 : i32
      %sign3A = arith.constant 0 : i32
      %sign3A_980 = arith.cmpi sgt, %scan3A_977, %sign3A : i32
      %sign3A_981 = arith.extui %sign3A_980 : i1 to i32
      %sign3A_982 = arith.constant 0 : i32
      %sign3A_983 = arith.cmpi slt, %scan3A_977, %sign3A_982 : i32
      %sign3A_984 = arith.extui %sign3A_983 : i1 to i32
      %sign3A_985 = arith.subi %sign3A_981, %sign3A_984 : i32
      %sign3A_986 = arith.constant 0 : i32
      %sign3A_987 = arith.cmpi sgt, %jit3A_979, %sign3A_986 : i32
      %sign3A_988 = arith.extui %sign3A_987 : i1 to i32
      %sign3A_989 = arith.constant 0 : i32
      %sign3A_990 = arith.cmpi slt, %jit3A_979, %sign3A_989 : i32
      %sign3A_991 = arith.extui %sign3A_990 : i1 to i32
      %sign3A_992 = arith.subi %sign3A_988, %sign3A_991 : i32
      %ne3A = arith.cmpi ne, %sign3A_985, %sign3A_992 : i32
      %rem3A = arith.remsi %scan3A_977, %jit3A_979 : i32
      %ne3A_993 = arith.constant 0 : i32
      %ne3A_994 = arith.cmpi ne, %rem3A, %ne3A_993 : i32
      %and3A = arith.andi %ne3A, %ne3A_994 : i1
      %sub3A = arith.constant 1 : i32
      %sub3A_995 = arith.subi %div3A, %sub3A : i32
      %select_n3A_996 = arith.select %and3A, %sub3A_995, %div3A : i32
      %while3A = arith.constant 0 : i32
      %while3A_997 = arith.constant 0 : i32
      %while3A_998 = arith.subi %select_n3A_996, %while3A : i32
      %while3A_999 = arith.addi %while3A, %while3A_998 : i32
      %while3A_1000 = arith.constant 1 : i32
      %while3A_1001 = arith.divsi %while3A_998, %while3A_1000 : i32
      %while3A_1002 = arith.muli %while3A_1001, %while3A_1000 : i32
      %while3A_1003 = arith.addi %while3A, %while3A_1002 : i32
      %while3A_1004 = arith.constant 1 : i32
      %while3A_1005 = scf.for %while3A_1107 = %while3A to %while3A_1003 step %while3A_1004 iter_args(%while3A_1108 = %while3A_997) -> (i32)  : i32 {
        %mul3A_1109 = arith.constant 128 : i32
        %mul3A_1110 = arith.muli %while3A_1107, %mul3A_1109 : i32
        %add3A_1111 = arith.constant 0 : i32
        %add3A_1112 = arith.addi %mul3A_1110, %add3A_1111 : i32
        %get3A_1113 = arith.index_cast %add3A_1112 : i32 to index
        %get3A_1114 = tpu.vector_load %arg9[%get3A_1113] {strides = array<i32>} : memref<4256xi32, #tpu.memory_space<vmem>>, vector<16xi32>,
        %swap3A_1115 = arith.constant 0 : i32
        %swap3A_1116 = arith.index_cast %swap3A_1115 : i32 to index
        %swap3A_1117 = arith.constant 0 : index
        %swap3A_1118 = tpu.vector_load %arg11[%swap3A_1116, %swap3A_1117] {strides = array<i32>} : memref<1x128xi32, #tpu.memory_space<vmem>>, vector<16xi32>,
        tpu.vector_store %arg11[%swap3A_1116, %swap3A_1117], %get3A_1114 {strides = array<i32>} : memref<1x128xi32, #tpu.memory_space<vmem>>, vector<16xi32>,
        %get3A_1119 = arith.index_cast %add3A_1112 : i32 to index
        %get3A_1120 = tpu.vector_load %arg10[%get3A_1119] {strides = array<i32>} : memref<4256xf32, #tpu.memory_space<vmem>>, vector<16xf32>,
        %swap3A_1121 = arith.constant 0 : i32
        %swap3A_1122 = arith.index_cast %swap3A_1121 : i32 to index
        %swap3A_1123 = arith.constant 0 : index
        %swap3A_1124 = tpu.vector_load %arg12[%swap3A_1122, %swap3A_1123] {strides = array<i32>} : memref<1x128xf32, #tpu.memory_space<vmem>>, vector<16xf32>,
        tpu.vector_store %arg12[%swap3A_1122, %swap3A_1123], %get3A_1120 {strides = array<i32>} : memref<1x128xf32, #tpu.memory_space<vmem>>, vector<16xf32>,
        %add3A_1125 = arith.constant 16 : i32
        %add3A_1126 = arith.addi %mul3A_1110, %add3A_1125 : i32
        %get3A_1127 = arith.index_cast %add3A_1126 : i32 to index
        %get3A_1128 = tpu.vector_load %arg9[%get3A_1127] {strides = array<i32>} : memref<4256xi32, #tpu.memory_space<vmem>>, vector<16xi32>,
        %swap3A_1129 = arith.constant 0 : i32
        %swap3A_1130 = arith.index_cast %swap3A_1129 : i32 to index
        %swap3A_1131 = arith.constant 16 : index
        %swap3A_1132 = tpu.vector_load %arg11[%swap3A_1130, %swap3A_1131] {strides = array<i32>} : memref<1x128xi32, #tpu.memory_space<vmem>>, vector<16xi32>,
        tpu.vector_store %arg11[%swap3A_1130, %swap3A_1131], %get3A_1128 {strides = array<i32>} : memref<1x128xi32, #tpu.memory_space<vmem>>, vector<16xi32>,
        %get3A_1133 = arith.index_cast %add3A_1126 : i32 to index
        %get3A_1134 = tpu.vector_load %arg10[%get3A_1133] {strides = array<i32>} : memref<4256xf32, #tpu.memory_space<vmem>>, vector<16xf32>,
        %swap3A_1135 = arith.constant 0 : i32
        %swap3A_1136 = arith.index_cast %swap3A_1135 : i32 to index
        %swap3A_1137 = arith.constant 16 : index
        %swap3A_1138 = tpu.vector_load %arg12[%swap3A_1136, %swap3A_1137] {strides = array<i32>} : memref<1x128xf32, #tpu.memory_space<vmem>>, vector<16xf32>,
        tpu.vector_store %arg12[%swap3A_1136, %swap3A_1137], %get3A_1134 {strides = array<i32>} : memref<1x128xf32, #tpu.memory_space<vmem>>, vector<16xf32>,
        %add3A_1139 = arith.constant 32 : i32
        %add3A_1140 = arith.addi %mul3A_1110, %add3A_1139 : i32
        %get3A_1141 = arith.index_cast %add3A_1140 : i32 to index
        %get3A_1142 = tpu.vector_load %arg9[%get3A_1141] {strides = array<i32>} : memref<4256xi32, #tpu.memory_space<vmem>>, vector<16xi32>,
        %swap3A_1143 = arith.constant 0 : i32
        %swap3A_1144 = arith.index_cast %swap3A_1143 : i32 to index
        %swap3A_1145 = arith.constant 32 : index
        %swap3A_1146 = tpu.vector_load %arg11[%swap3A_1144, %swap3A_1145] {strides = array<i32>} : memref<1x128xi32, #tpu.memory_space<vmem>>, vector<16xi32>,
        tpu.vector_store %arg11[%swap3A_1144, %swap3A_1145], %get3A_1142 {strides = array<i32>} : memref<1x128xi32, #tpu.memory_space<vmem>>, vector<16xi32>,
        %get3A_1147 = arith.index_cast %add3A_1140 : i32 to index
        %get3A_1148 = tpu.vector_load %arg10[%get3A_1147] {strides = array<i32>} : memref<4256xf32, #tpu.memory_space<vmem>>, vector<16xf32>,
        %swap3A_1149 = arith.constant 0 : i32
        %swap3A_1150 = arith.index_cast %swap3A_1149 : i32 to index
        %swap3A_1151 = arith.constant 32 : index
        %swap3A_1152 = tpu.vector_load %arg12[%swap3A_1150, %swap3A_1151] {strides = array<i32>} : memref<1x128xf32, #tpu.memory_space<vmem>>, vector<16xf32>,
        tpu.vector_store %arg12[%swap3A_1150, %swap3A_1151], %get3A_1148 {strides = array<i32>} : memref<1x128xf32, #tpu.memory_space<vmem>>, vector<16xf32>,
        %add3A_1153 = arith.constant 48 : i32
        %add3A_1154 = arith.addi %mul3A_1110, %add3A_1153 : i32
        %get3A_1155 = arith.index_cast %add3A_1154 : i32 to index
        %get3A_1156 = tpu.vector_load %arg9[%get3A_1155] {strides = array<i32>} : memref<4256xi32, #tpu.memory_space<vmem>>, vector<16xi32>,
        %swap3A_1157 = arith.constant 0 : i32
        %swap3A_1158 = arith.index_cast %swap3A_1157 : i32 to index
        %swap3A_1159 = arith.constant 48 : index
        %swap3A_1160 = tpu.vector_load %arg11[%swap3A_1158, %swap3A_1159] {strides = array<i32>} : memref<1x128xi32, #tpu.memory_space<vmem>>, vector<16xi32>,
        tpu.vector_store %arg11[%swap3A_1158, %swap3A_1159], %get3A_1156 {strides = array<i32>} : memref<1x128xi32, #tpu.memory_space<vmem>>, vector<16xi32>,
        %get3A_1161 = arith.index_cast %add3A_1154 : i32 to index
        %get3A_1162 = tpu.vector_load %arg10[%get3A_1161] {strides = array<i32>} : memref<4256xf32, #tpu.memory_space<vmem>>, vector<16xf32>,
        %swap3A_1163 = arith.constant 0 : i32
        %swap3A_1164 = arith.index_cast %swap3A_1163 : i32 to index
        %swap3A_1165 = arith.constant 48 : index
        %swap3A_1166 = tpu.vector_load %arg12[%swap3A_1164, %swap3A_1165] {strides = array<i32>} : memref<1x128xf32, #tpu.memory_space<vmem>>, vector<16xf32>,
        tpu.vector_store %arg12[%swap3A_1164, %swap3A_1165], %get3A_1162 {strides = array<i32>} : memref<1x128xf32, #tpu.memory_space<vmem>>, vector<16xf32>,
        %add3A_1167 = arith.constant 64 : i32
        %add3A_1168 = arith.addi %mul3A_1110, %add3A_1167 : i32
        %get3A_1169 = arith.index_cast %add3A_1168 : i32 to index
        %get3A_1170 = tpu.vector_load %arg9[%get3A_1169] {strides = array<i32>} : memref<4256xi32, #tpu.memory_space<vmem>>, vector<16xi32>,
        %swap3A_1171 = arith.constant 0 : i32
        %swap3A_1172 = arith.index_cast %swap3A_1171 : i32 to index
        %swap3A_1173 = arith.constant 64 : index
        %swap3A_1174 = tpu.vector_load %arg11[%swap3A_1172, %swap3A_1173] {strides = array<i32>} : memref<1x128xi32, #tpu.memory_space<vmem>>, vector<16xi32>,
        tpu.vector_store %arg11[%swap3A_1172, %swap3A_1173], %get3A_1170 {strides = array<i32>} : memref<1x128xi32, #tpu.memory_space<vmem>>, vector<16xi32>,
        %get3A_1175 = arith.index_cast %add3A_1168 : i32 to index
        %get3A_1176 = tpu.vector_load %arg10[%get3A_1175] {strides = array<i32>} : memref<4256xf32, #tpu.memory_space<vmem>>, vector<16xf32>,
        %swap3A_1177 = arith.constant 0 : i32
        %swap3A_1178 = arith.index_cast %swap3A_1177 : i32 to index
        %swap3A_1179 = arith.constant 64 : index
        %swap3A_1180 = tpu.vector_load %arg12[%swap3A_1178, %swap3A_1179] {strides = array<i32>} : memref<1x128xf32, #tpu.memory_space<vmem>>, vector<16xf32>,
        tpu.vector_store %arg12[%swap3A_1178, %swap3A_1179], %get3A_1176 {strides = array<i32>} : memref<1x128xf32, #tpu.memory_space<vmem>>, vector<16xf32>,
        %add3A_1181 = arith.constant 80 : i32
        %add3A_1182 = arith.addi %mul3A_1110, %add3A_1181 : i32
        %get3A_1183 = arith.index_cast %add3A_1182 : i32 to index
        %get3A_1184 = tpu.vector_load %arg9[%get3A_1183] {strides = array<i32>} : memref<4256xi32, #tpu.memory_space<vmem>>, vector<16xi32>,
        %swap3A_1185 = arith.constant 0 : i32
        %swap3A_1186 = arith.index_cast %swap3A_1185 : i32 to index
        %swap3A_1187 = arith.constant 80 : index
        %swap3A_1188 = tpu.vector_load %arg11[%swap3A_1186, %swap3A_1187] {strides = array<i32>} : memref<1x128xi32, #tpu.memory_space<vmem>>, vector<16xi32>,
        tpu.vector_store %arg11[%swap3A_1186, %swap3A_1187], %get3A_1184 {strides = array<i32>} : memref<1x128xi32, #tpu.memory_space<vmem>>, vector<16xi32>,
        %get3A_1189 = arith.index_cast %add3A_1182 : i32 to index
        %get3A_1190 = tpu.vector_load %arg10[%get3A_1189] {strides = array<i32>} : memref<4256xf32, #tpu.memory_space<vmem>>, vector<16xf32>,
        %swap3A_1191 = arith.constant 0 : i32
        %swap3A_1192 = arith.index_cast %swap3A_1191 : i32 to index
        %swap3A_1193 = arith.constant 80 : index
        %swap3A_1194 = tpu.vector_load %arg12[%swap3A_1192, %swap3A_1193] {strides = array<i32>} : memref<1x128xf32, #tpu.memory_space<vmem>>, vector<16xf32>,
        tpu.vector_store %arg12[%swap3A_1192, %swap3A_1193], %get3A_1190 {strides = array<i32>} : memref<1x128xf32, #tpu.memory_space<vmem>>, vector<16xf32>,
        %add3A_1195 = arith.constant 96 : i32
        %add3A_1196 = arith.addi %mul3A_1110, %add3A_1195 : i32
        %get3A_1197 = arith.index_cast %add3A_1196 : i32 to index
        %get3A_1198 = tpu.vector_load %arg9[%get3A_1197] {strides = array<i32>} : memref<4256xi32, #tpu.memory_space<vmem>>, vector<16xi32>,
        %swap3A_1199 = arith.constant 0 : i32
        %swap3A_1200 = arith.index_cast %swap3A_1199 : i32 to index
        %swap3A_1201 = arith.constant 96 : index
        %swap3A_1202 = tpu.vector_load %arg11[%swap3A_1200, %swap3A_1201] {strides = array<i32>} : memref<1x128xi32, #tpu.memory_space<vmem>>, vector<16xi32>,
        tpu.vector_store %arg11[%swap3A_1200, %swap3A_1201], %get3A_1198 {strides = array<i32>} : memref<1x128xi32, #tpu.memory_space<vmem>>, vector<16xi32>,
        %get3A_1203 = arith.index_cast %add3A_1196 : i32 to index
        %get3A_1204 = tpu.vector_load %arg10[%get3A_1203] {strides = array<i32>} : memref<4256xf32, #tpu.memory_space<vmem>>, vector<16xf32>,
        %swap3A_1205 = arith.constant 0 : i32
        %swap3A_1206 = arith.index_cast %swap3A_1205 : i32 to index
        %swap3A_1207 = arith.constant 96 : index
        %swap3A_1208 = tpu.vector_load %arg12[%swap3A_1206, %swap3A_1207] {strides = array<i32>} : memref<1x128xf32, #tpu.memory_space<vmem>>, vector<16xf32>,
        tpu.vector_store %arg12[%swap3A_1206, %swap3A_1207], %get3A_1204 {strides = array<i32>} : memref<1x128xf32, #tpu.memory_space<vmem>>, vector<16xf32>,
        %add3A_1209 = arith.constant 112 : i32
        %add3A_1210 = arith.addi %mul3A_1110, %add3A_1209 : i32
        %get3A_1211 = arith.index_cast %add3A_1210 : i32 to index
        %get3A_1212 = tpu.vector_load %arg9[%get3A_1211] {strides = array<i32>} : memref<4256xi32, #tpu.memory_space<vmem>>, vector<16xi32>,
        %swap3A_1213 = arith.constant 0 : i32
        %swap3A_1214 = arith.index_cast %swap3A_1213 : i32 to index
        %swap3A_1215 = arith.constant 112 : index
        %swap3A_1216 = tpu.vector_load %arg11[%swap3A_1214, %swap3A_1215] {strides = array<i32>} : memref<1x128xi32, #tpu.memory_space<vmem>>, vector<16xi32>,
        tpu.vector_store %arg11[%swap3A_1214, %swap3A_1215], %get3A_1212 {strides = array<i32>} : memref<1x128xi32, #tpu.memory_space<vmem>>, vector<16xi32>,
        %get3A_1217 = arith.index_cast %add3A_1210 : i32 to index
        %get3A_1218 = tpu.vector_load %arg10[%get3A_1217] {strides = array<i32>} : memref<4256xf32, #tpu.memory_space<vmem>>, vector<16xf32>,
        %swap3A_1219 = arith.constant 0 : i32
        %swap3A_1220 = arith.index_cast %swap3A_1219 : i32 to index
        %swap3A_1221 = arith.constant 112 : index
        %swap3A_1222 = tpu.vector_load %arg12[%swap3A_1220, %swap3A_1221] {strides = array<i32>} : memref<1x128xf32, #tpu.memory_space<vmem>>, vector<16xf32>,
        tpu.vector_store %arg12[%swap3A_1220, %swap3A_1221], %get3A_1218 {strides = array<i32>} : memref<1x128xf32, #tpu.memory_space<vmem>>, vector<16xf32>,
        %run_scoped3A_1223 = arith.constant 0 : i32
        %run_scoped3A_1224 = arith.constant 0 : i32
        "tpu.region"() ({
          %run_scoped3A_1226 = tpu.sem_alloc : memref<!tpu.dma_semaphore, #tpu.memory_space<semaphore_mem>>
          %dma_start3A = arith.constant 0 : i32
          %dma_start3A_1227 = tpu.memref_slice %arg12[%run_scoped3A_1223, %dma_start3A] : memref<1x128xf32, #tpu.memory_space<vmem>> -> memref<1x128xf32, #tpu.memory_space<vmem>>
          %dma_start3A_1228 = tpu.memref_squeeze %dma_start3A_1227 : memref<1x128xf32, #tpu.memory_space<vmem>> -> memref<128xf32, #tpu.memory_space<vmem>>
          %dma_start3A_1229 = arith.constant 0 : i32
          %dma_start3A_1230 = tpu.memref_slice %arg11[%run_scoped3A_1224, %dma_start3A_1229] : memref<1x128xi32, #tpu.memory_space<vmem>> -> memref<1x128xi32, #tpu.memory_space<vmem>>
          %dma_start3A_1231 = tpu.memref_squeeze %dma_start3A_1230 : memref<1x128xi32, #tpu.memory_space<vmem>> -> memref<128xi32, #tpu.memory_space<vmem>>
          %dma_start3A_1232 = arith.constant 0 : i32
          %dma_start3A_1233 = tpu.memref_slice %arg14[%dma_start3A_1232] : memref<1802240xf32, #tpu.memory_space<vmem_shared>> -> memref<1802240xf32, #tpu.memory_space<vmem_shared>>
          tpu.enqueue_indirect_dma source(%dma_start3A_1228 : memref<128xf32, #tpu.memory_space<vmem>>) target(%dma_start3A_1233 : memref<1802240xf32, #tpu.memory_space<vmem_shared>>) offsets(%dma_start3A_1231 : memref<128xi32, #tpu.memory_space<vmem>>) semaphore(%run_scoped3A_1226 : memref<!tpu.dma_semaphore, #tpu.memory_space<semaphore_mem>>) {add = true}
          %dma_wait3A = arith.constant 0 : i32
          %dma_wait3A_1234 = tpu.memref_slice %arg12[%run_scoped3A_1223, %dma_wait3A] : memref<1x128xf32, #tpu.memory_space<vmem>> -> memref<1x128xf32, #tpu.memory_space<vmem>>
          %dma_wait3A_1235 = tpu.memref_squeeze %dma_wait3A_1234 : memref<1x128xf32, #tpu.memory_space<vmem>> -> memref<128xf32, #tpu.memory_space<vmem>>
          %dma_wait3A_1236 = arith.constant 0 : i32
          %dma_wait3A_1237 = tpu.memref_slice %arg11[%run_scoped3A_1224, %dma_wait3A_1236] : memref<1x128xi32, #tpu.memory_space<vmem>> -> memref<1x128xi32, #tpu.memory_space<vmem>>
          %dma_wait3A_1238 = tpu.memref_squeeze %dma_wait3A_1237 : memref<1x128xi32, #tpu.memory_space<vmem>> -> memref<128xi32, #tpu.memory_space<vmem>>
          %dma_wait3A_1239 = arith.constant 0 : i32
          %dma_wait3A_1240 = tpu.memref_slice %arg14[%dma_wait3A_1239] : memref<1802240xf32, #tpu.memory_space<vmem_shared>> -> memref<1802240xf32, #tpu.memory_space<vmem_shared>>
          tpu.wait_indirect_dma semaphore(%run_scoped3A_1226 : memref<!tpu.dma_semaphore, #tpu.memory_space<semaphore_mem>>) src(%dma_wait3A_1235 : memref<128xf32, #tpu.memory_space<vmem>>) dst(%dma_wait3A_1240 : memref<1802240xf32, #tpu.memory_space<vmem_shared>>)
          tpu.yield
        }) : () -> ()
        %while3A_1225 = arith.constant 0 : i32
        scf.yield %while3A_1225 : i32
      }
      %while3A_1006 = arith.constant 1 : i32
      %while3A_1007 = scf.for %while3A_1107 = %while3A_1003 to %while3A_999 step %while3A_1006 iter_args(%while3A_1108 = %while3A_1005) -> (i32)  : i32 {
        %mul3A_1109 = arith.constant 128 : i32
        %mul3A_1110 = arith.muli %while3A_1107, %mul3A_1109 : i32
        %add3A_1111 = arith.constant 0 : i32
        %add3A_1112 = arith.addi %mul3A_1110, %add3A_1111 : i32
        %get3A_1113 = arith.index_cast %add3A_1112 : i32 to index
        %get3A_1114 = tpu.vector_load %arg9[%get3A_1113] {strides = array<i32>} : memref<4256xi32, #tpu.memory_space<vmem>>, vector<16xi32>,
        %swap3A_1115 = arith.constant 0 : i32
        %swap3A_1116 = arith.index_cast %swap3A_1115 : i32 to index
        %swap3A_1117 = arith.constant 0 : index
        %swap3A_1118 = tpu.vector_load %arg11[%swap3A_1116, %swap3A_1117] {strides = array<i32>} : memref<1x128xi32, #tpu.memory_space<vmem>>, vector<16xi32>,
        tpu.vector_store %arg11[%swap3A_1116, %swap3A_1117], %get3A_1114 {strides = array<i32>} : memref<1x128xi32, #tpu.memory_space<vmem>>, vector<16xi32>,
        %get3A_1119 = arith.index_cast %add3A_1112 : i32 to index
        %get3A_1120 = tpu.vector_load %arg10[%get3A_1119] {strides = array<i32>} : memref<4256xf32, #tpu.memory_space<vmem>>, vector<16xf32>,
        %swap3A_1121 = arith.constant 0 : i32
        %swap3A_1122 = arith.index_cast %swap3A_1121 : i32 to index
        %swap3A_1123 = arith.constant 0 : index
        %swap3A_1124 = tpu.vector_load %arg12[%swap3A_1122, %swap3A_1123] {strides = array<i32>} : memref<1x128xf32, #tpu.memory_space<vmem>>, vector<16xf32>,
        tpu.vector_store %arg12[%swap3A_1122, %swap3A_1123], %get3A_1120 {strides = array<i32>} : memref<1x128xf32, #tpu.memory_space<vmem>>, vector<16xf32>,
        %add3A_1125 = arith.constant 16 : i32
        %add3A_1126 = arith.addi %mul3A_1110, %add3A_1125 : i32
        %get3A_1127 = arith.index_cast %add3A_1126 : i32 to index
        %get3A_1128 = tpu.vector_load %arg9[%get3A_1127] {strides = array<i32>} : memref<4256xi32, #tpu.memory_space<vmem>>, vector<16xi32>,
        %swap3A_1129 = arith.constant 0 : i32
        %swap3A_1130 = arith.index_cast %swap3A_1129 : i32 to index
        %swap3A_1131 = arith.constant 16 : index
        %swap3A_1132 = tpu.vector_load %arg11[%swap3A_1130, %swap3A_1131] {strides = array<i32>} : memref<1x128xi32, #tpu.memory_space<vmem>>, vector<16xi32>,
        tpu.vector_store %arg11[%swap3A_1130, %swap3A_1131], %get3A_1128 {strides = array<i32>} : memref<1x128xi32, #tpu.memory_space<vmem>>, vector<16xi32>,
        %get3A_1133 = arith.index_cast %add3A_1126 : i32 to index
        %get3A_1134 = tpu.vector_load %arg10[%get3A_1133] {strides = array<i32>} : memref<4256xf32, #tpu.memory_space<vmem>>, vector<16xf32>,
        %swap3A_1135 = arith.constant 0 : i32
        %swap3A_1136 = arith.index_cast %swap3A_1135 : i32 to index
        %swap3A_1137 = arith.constant 16 : index
        %swap3A_1138 = tpu.vector_load %arg12[%swap3A_1136, %swap3A_1137] {strides = array<i32>} : memref<1x128xf32, #tpu.memory_space<vmem>>, vector<16xf32>,
        tpu.vector_store %arg12[%swap3A_1136, %swap3A_1137], %get3A_1134 {strides = array<i32>} : memref<1x128xf32, #tpu.memory_space<vmem>>, vector<16xf32>,
        %add3A_1139 = arith.constant 32 : i32
        %add3A_1140 = arith.addi %mul3A_1110, %add3A_1139 : i32
        %get3A_1141 = arith.index_cast %add3A_1140 : i32 to index
        %get3A_1142 = tpu.vector_load %arg9[%get3A_1141] {strides = array<i32>} : memref<4256xi32, #tpu.memory_space<vmem>>, vector<16xi32>,
        %swap3A_1143 = arith.constant 0 : i32
        %swap3A_1144 = arith.index_cast %swap3A_1143 : i32 to index
        %swap3A_1145 = arith.constant 32 : index
        %swap3A_1146 = tpu.vector_load %arg11[%swap3A_1144, %swap3A_1145] {strides = array<i32>} : memref<1x128xi32, #tpu.memory_space<vmem>>, vector<16xi32>,
        tpu.vector_store %arg11[%swap3A_1144, %swap3A_1145], %get3A_1142 {strides = array<i32>} : memref<1x128xi32, #tpu.memory_space<vmem>>, vector<16xi32>,
        %get3A_1147 = arith.index_cast %add3A_1140 : i32 to index
        %get3A_1148 = tpu.vector_load %arg10[%get3A_1147] {strides = array<i32>} : memref<4256xf32, #tpu.memory_space<vmem>>, vector<16xf32>,
        %swap3A_1149 = arith.constant 0 : i32
        %swap3A_1150 = arith.index_cast %swap3A_1149 : i32 to index
        %swap3A_1151 = arith.constant 32 : index
        %swap3A_1152 = tpu.vector_load %arg12[%swap3A_1150, %swap3A_1151] {strides = array<i32>} : memref<1x128xf32, #tpu.memory_space<vmem>>, vector<16xf32>,
        tpu.vector_store %arg12[%swap3A_1150, %swap3A_1151], %get3A_1148 {strides = array<i32>} : memref<1x128xf32, #tpu.memory_space<vmem>>, vector<16xf32>,
        %add3A_1153 = arith.constant 48 : i32
        %add3A_1154 = arith.addi %mul3A_1110, %add3A_1153 : i32
        %get3A_1155 = arith.index_cast %add3A_1154 : i32 to index
        %get3A_1156 = tpu.vector_load %arg9[%get3A_1155] {strides = array<i32>} : memref<4256xi32, #tpu.memory_space<vmem>>, vector<16xi32>,
        %swap3A_1157 = arith.constant 0 : i32
        %swap3A_1158 = arith.index_cast %swap3A_1157 : i32 to index
        %swap3A_1159 = arith.constant 48 : index
        %swap3A_1160 = tpu.vector_load %arg11[%swap3A_1158, %swap3A_1159] {strides = array<i32>} : memref<1x128xi32, #tpu.memory_space<vmem>>, vector<16xi32>,
        tpu.vector_store %arg11[%swap3A_1158, %swap3A_1159], %get3A_1156 {strides = array<i32>} : memref<1x128xi32, #tpu.memory_space<vmem>>, vector<16xi32>,
        %get3A_1161 = arith.index_cast %add3A_1154 : i32 to index
        %get3A_1162 = tpu.vector_load %arg10[%get3A_1161] {strides = array<i32>} : memref<4256xf32, #tpu.memory_space<vmem>>, vector<16xf32>,
        %swap3A_1163 = arith.constant 0 : i32
        %swap3A_1164 = arith.index_cast %swap3A_1163 : i32 to index
        %swap3A_1165 = arith.constant 48 : index
        %swap3A_1166 = tpu.vector_load %arg12[%swap3A_1164, %swap3A_1165] {strides = array<i32>} : memref<1x128xf32, #tpu.memory_space<vmem>>, vector<16xf32>,
        tpu.vector_store %arg12[%swap3A_1164, %swap3A_1165], %get3A_1162 {strides = array<i32>} : memref<1x128xf32, #tpu.memory_space<vmem>>, vector<16xf32>,
        %add3A_1167 = arith.constant 64 : i32
        %add3A_1168 = arith.addi %mul3A_1110, %add3A_1167 : i32
        %get3A_1169 = arith.index_cast %add3A_1168 : i32 to index
        %get3A_1170 = tpu.vector_load %arg9[%get3A_1169] {strides = array<i32>} : memref<4256xi32, #tpu.memory_space<vmem>>, vector<16xi32>,
        %swap3A_1171 = arith.constant 0 : i32
        %swap3A_1172 = arith.index_cast %swap3A_1171 : i32 to index
        %swap3A_1173 = arith.constant 64 : index
        %swap3A_1174 = tpu.vector_load %arg11[%swap3A_1172, %swap3A_1173] {strides = array<i32>} : memref<1x128xi32, #tpu.memory_space<vmem>>, vector<16xi32>,
        tpu.vector_store %arg11[%swap3A_1172, %swap3A_1173], %get3A_1170 {strides = array<i32>} : memref<1x128xi32, #tpu.memory_space<vmem>>, vector<16xi32>,
        %get3A_1175 = arith.index_cast %add3A_1168 : i32 to index
        %get3A_1176 = tpu.vector_load %arg10[%get3A_1175] {strides = array<i32>} : memref<4256xf32, #tpu.memory_space<vmem>>, vector<16xf32>,
        %swap3A_1177 = arith.constant 0 : i32
        %swap3A_1178 = arith.index_cast %swap3A_1177 : i32 to index
        %swap3A_1179 = arith.constant 64 : index
        %swap3A_1180 = tpu.vector_load %arg12[%swap3A_1178, %swap3A_1179] {strides = array<i32>} : memref<1x128xf32, #tpu.memory_space<vmem>>, vector<16xf32>,
        tpu.vector_store %arg12[%swap3A_1178, %swap3A_1179], %get3A_1176 {strides = array<i32>} : memref<1x128xf32, #tpu.memory_space<vmem>>, vector<16xf32>,
        %add3A_1181 = arith.constant 80 : i32
        %add3A_1182 = arith.addi %mul3A_1110, %add3A_1181 : i32
        %get3A_1183 = arith.index_cast %add3A_1182 : i32 to index
        %get3A_1184 = tpu.vector_load %arg9[%get3A_1183] {strides = array<i32>} : memref<4256xi32, #tpu.memory_space<vmem>>, vector<16xi32>,
        %swap3A_1185 = arith.constant 0 : i32
        %swap3A_1186 = arith.index_cast %swap3A_1185 : i32 to index
        %swap3A_1187 = arith.constant 80 : index
        %swap3A_1188 = tpu.vector_load %arg11[%swap3A_1186, %swap3A_1187] {strides = array<i32>} : memref<1x128xi32, #tpu.memory_space<vmem>>, vector<16xi32>,
        tpu.vector_store %arg11[%swap3A_1186, %swap3A_1187], %get3A_1184 {strides = array<i32>} : memref<1x128xi32, #tpu.memory_space<vmem>>, vector<16xi32>,
        %get3A_1189 = arith.index_cast %add3A_1182 : i32 to index
        %get3A_1190 = tpu.vector_load %arg10[%get3A_1189] {strides = array<i32>} : memref<4256xf32, #tpu.memory_space<vmem>>, vector<16xf32>,
        %swap3A_1191 = arith.constant 0 : i32
        %swap3A_1192 = arith.index_cast %swap3A_1191 : i32 to index
        %swap3A_1193 = arith.constant 80 : index
        %swap3A_1194 = tpu.vector_load %arg12[%swap3A_1192, %swap3A_1193] {strides = array<i32>} : memref<1x128xf32, #tpu.memory_space<vmem>>, vector<16xf32>,
        tpu.vector_store %arg12[%swap3A_1192, %swap3A_1193], %get3A_1190 {strides = array<i32>} : memref<1x128xf32, #tpu.memory_space<vmem>>, vector<16xf32>,
        %add3A_1195 = arith.constant 96 : i32
        %add3A_1196 = arith.addi %mul3A_1110, %add3A_1195 : i32
        %get3A_1197 = arith.index_cast %add3A_1196 : i32 to index
        %get3A_1198 = tpu.vector_load %arg9[%get3A_1197] {strides = array<i32>} : memref<4256xi32, #tpu.memory_space<vmem>>, vector<16xi32>,
        %swap3A_1199 = arith.constant 0 : i32
        %swap3A_1200 = arith.index_cast %swap3A_1199 : i32 to index
        %swap3A_1201 = arith.constant 96 : index
        %swap3A_1202 = tpu.vector_load %arg11[%swap3A_1200, %swap3A_1201] {strides = array<i32>} : memref<1x128xi32, #tpu.memory_space<vmem>>, vector<16xi32>,
        tpu.vector_store %arg11[%swap3A_1200, %swap3A_1201], %get3A_1198 {strides = array<i32>} : memref<1x128xi32, #tpu.memory_space<vmem>>, vector<16xi32>,
        %get3A_1203 = arith.index_cast %add3A_1196 : i32 to index
        %get3A_1204 = tpu.vector_load %arg10[%get3A_1203] {strides = array<i32>} : memref<4256xf32, #tpu.memory_space<vmem>>, vector<16xf32>,
        %swap3A_1205 = arith.constant 0 : i32
        %swap3A_1206 = arith.index_cast %swap3A_1205 : i32 to index
        %swap3A_1207 = arith.constant 96 : index
        %swap3A_1208 = tpu.vector_load %arg12[%swap3A_1206, %swap3A_1207] {strides = array<i32>} : memref<1x128xf32, #tpu.memory_space<vmem>>, vector<16xf32>,
        tpu.vector_store %arg12[%swap3A_1206, %swap3A_1207], %get3A_1204 {strides = array<i32>} : memref<1x128xf32, #tpu.memory_space<vmem>>, vector<16xf32>,
        %add3A_1209 = arith.constant 112 : i32
        %add3A_1210 = arith.addi %mul3A_1110, %add3A_1209 : i32
        %get3A_1211 = arith.index_cast %add3A_1210 : i32 to index
        %get3A_1212 = tpu.vector_load %arg9[%get3A_1211] {strides = array<i32>} : memref<4256xi32, #tpu.memory_space<vmem>>, vector<16xi32>,
        %swap3A_1213 = arith.constant 0 : i32
        %swap3A_1214 = arith.index_cast %swap3A_1213 : i32 to index
        %swap3A_1215 = arith.constant 112 : index
        %swap3A_1216 = tpu.vector_load %arg11[%swap3A_1214, %swap3A_1215] {strides = array<i32>} : memref<1x128xi32, #tpu.memory_space<vmem>>, vector<16xi32>,
        tpu.vector_store %arg11[%swap3A_1214, %swap3A_1215], %get3A_1212 {strides = array<i32>} : memref<1x128xi32, #tpu.memory_space<vmem>>, vector<16xi32>,
        %get3A_1217 = arith.index_cast %add3A_1210 : i32 to index
        %get3A_1218 = tpu.vector_load %arg10[%get3A_1217] {strides = array<i32>} : memref<4256xf32, #tpu.memory_space<vmem>>, vector<16xf32>,
        %swap3A_1219 = arith.constant 0 : i32
        %swap3A_1220 = arith.index_cast %swap3A_1219 : i32 to index
        %swap3A_1221 = arith.constant 112 : index
        %swap3A_1222 = tpu.vector_load %arg12[%swap3A_1220, %swap3A_1221] {strides = array<i32>} : memref<1x128xf32, #tpu.memory_space<vmem>>, vector<16xf32>,
        tpu.vector_store %arg12[%swap3A_1220, %swap3A_1221], %get3A_1218 {strides = array<i32>} : memref<1x128xf32, #tpu.memory_space<vmem>>, vector<16xf32>,
        %run_scoped3A_1223 = arith.constant 0 : i32
        %run_scoped3A_1224 = arith.constant 0 : i32
        "tpu.region"() ({
          %run_scoped3A_1226 = tpu.sem_alloc : memref<!tpu.dma_semaphore, #tpu.memory_space<semaphore_mem>>
          %dma_start3A = arith.constant 0 : i32
          %dma_start3A_1227 = tpu.memref_slice %arg12[%run_scoped3A_1223, %dma_start3A] : memref<1x128xf32, #tpu.memory_space<vmem>> -> memref<1x128xf32, #tpu.memory_space<vmem>>
          %dma_start3A_1228 = tpu.memref_squeeze %dma_start3A_1227 : memref<1x128xf32, #tpu.memory_space<vmem>> -> memref<128xf32, #tpu.memory_space<vmem>>
          %dma_start3A_1229 = arith.constant 0 : i32
          %dma_start3A_1230 = tpu.memref_slice %arg11[%run_scoped3A_1224, %dma_start3A_1229] : memref<1x128xi32, #tpu.memory_space<vmem>> -> memref<1x128xi32, #tpu.memory_space<vmem>>
          %dma_start3A_1231 = tpu.memref_squeeze %dma_start3A_1230 : memref<1x128xi32, #tpu.memory_space<vmem>> -> memref<128xi32, #tpu.memory_space<vmem>>
          %dma_start3A_1232 = arith.constant 0 : i32
          %dma_start3A_1233 = tpu.memref_slice %arg14[%dma_start3A_1232] : memref<1802240xf32, #tpu.memory_space<vmem_shared>> -> memref<1802240xf32, #tpu.memory_space<vmem_shared>>
          tpu.enqueue_indirect_dma source(%dma_start3A_1228 : memref<128xf32, #tpu.memory_space<vmem>>) target(%dma_start3A_1233 : memref<1802240xf32, #tpu.memory_space<vmem_shared>>) offsets(%dma_start3A_1231 : memref<128xi32, #tpu.memory_space<vmem>>) semaphore(%run_scoped3A_1226 : memref<!tpu.dma_semaphore, #tpu.memory_space<semaphore_mem>>) {add = true}
          %dma_wait3A = arith.constant 0 : i32
          %dma_wait3A_1234 = tpu.memref_slice %arg12[%run_scoped3A_1223, %dma_wait3A] : memref<1x128xf32, #tpu.memory_space<vmem>> -> memref<1x128xf32, #tpu.memory_space<vmem>>
          %dma_wait3A_1235 = tpu.memref_squeeze %dma_wait3A_1234 : memref<1x128xf32, #tpu.memory_space<vmem>> -> memref<128xf32, #tpu.memory_space<vmem>>
          %dma_wait3A_1236 = arith.constant 0 : i32
          %dma_wait3A_1237 = tpu.memref_slice %arg11[%run_scoped3A_1224, %dma_wait3A_1236] : memref<1x128xi32, #tpu.memory_space<vmem>> -> memref<1x128xi32, #tpu.memory_space<vmem>>
          %dma_wait3A_1238 = tpu.memref_squeeze %dma_wait3A_1237 : memref<1x128xi32, #tpu.memory_space<vmem>> -> memref<128xi32, #tpu.memory_space<vmem>>
          %dma_wait3A_1239 = arith.constant 0 : i32
          %dma_wait3A_1240 = tpu.memref_slice %arg14[%dma_wait3A_1239] : memref<1802240xf32, #tpu.memory_space<vmem_shared>> -> memref<1802240xf32, #tpu.memory_space<vmem_shared>>
          tpu.wait_indirect_dma semaphore(%run_scoped3A_1226 : memref<!tpu.dma_semaphore, #tpu.memory_space<semaphore_mem>>) src(%dma_wait3A_1235 : memref<128xf32, #tpu.memory_space<vmem>>) dst(%dma_wait3A_1240 : memref<1802240xf32, #tpu.memory_space<vmem_shared>>)
          tpu.yield
        }) : () -> ()
        %while3A_1225 = arith.constant 0 : i32
        scf.yield %while3A_1225 : i32
      }
      %mul3A_1008 = arith.constant 128 : i32
      %mul3A_1009 = arith.muli %select_n3A_996, %mul3A_1008 : i32
      %add3A_1010 = arith.constant 0 : i32
      %add3A_1011 = arith.addi %mul3A_1009, %add3A_1010 : i32
      %get3A_1012 = arith.index_cast %add3A_1011 : i32 to index
      %get3A_1013 = tpu.vector_load %arg9[%get3A_1012] {strides = array<i32>} : memref<4256xi32, #tpu.memory_space<vmem>>, vector<16xi32>,
      %add3A_1014 = arith.constant 0 : i32
      %add3A_1015 = arith.addi %mul3A_1009, %add3A_1014 : i32
      %get3A_1016 = arith.index_cast %add3A_1015 : i32 to index
      %get3A_1017 = tpu.vector_load %arg10[%get3A_1016] {strides = array<i32>} : memref<4256xf32, #tpu.memory_space<vmem>>, vector<16xf32>,
      %swap3A_1018 = arith.constant 0 : index
      %swap3A_1019 = tpu.vector_load %arg9[%swap3A_1018] {strides = array<i32>} : memref<4256xi32, #tpu.memory_space<vmem>>, vector<16xi32>,
      tpu.vector_store %arg9[%swap3A_1018], %get3A_1013 {strides = array<i32>} : memref<4256xi32, #tpu.memory_space<vmem>>, vector<16xi32>,
      %swap3A_1020 = arith.constant 0 : index
      %swap3A_1021 = tpu.vector_load %arg10[%swap3A_1020] {strides = array<i32>} : memref<4256xf32, #tpu.memory_space<vmem>>, vector<16xf32>,
      tpu.vector_store %arg10[%swap3A_1020], %get3A_1017 {strides = array<i32>} : memref<4256xf32, #tpu.memory_space<vmem>>, vector<16xf32>,
      %add3A_1022 = arith.constant 16 : i32
      %add3A_1023 = arith.addi %mul3A_1009, %add3A_1022 : i32
      %get3A_1024 = arith.index_cast %add3A_1023 : i32 to index
      %get3A_1025 = tpu.vector_load %arg9[%get3A_1024] {strides = array<i32>} : memref<4256xi32, #tpu.memory_space<vmem>>, vector<16xi32>,
      %add3A_1026 = arith.constant 16 : i32
      %add3A_1027 = arith.addi %mul3A_1009, %add3A_1026 : i32
      %get3A_1028 = arith.index_cast %add3A_1027 : i32 to index
      %get3A_1029 = tpu.vector_load %arg10[%get3A_1028] {strides = array<i32>} : memref<4256xf32, #tpu.memory_space<vmem>>, vector<16xf32>,
      %swap3A_1030 = arith.constant 16 : index
      %swap3A_1031 = tpu.vector_load %arg9[%swap3A_1030] {strides = array<i32>} : memref<4256xi32, #tpu.memory_space<vmem>>, vector<16xi32>,
      tpu.vector_store %arg9[%swap3A_1030], %get3A_1025 {strides = array<i32>} : memref<4256xi32, #tpu.memory_space<vmem>>, vector<16xi32>,
      %swap3A_1032 = arith.constant 16 : index
      %swap3A_1033 = tpu.vector_load %arg10[%swap3A_1032] {strides = array<i32>} : memref<4256xf32, #tpu.memory_space<vmem>>, vector<16xf32>,
      tpu.vector_store %arg10[%swap3A_1032], %get3A_1029 {strides = array<i32>} : memref<4256xf32, #tpu.memory_space<vmem>>, vector<16xf32>,
      %add3A_1034 = arith.constant 32 : i32
      %add3A_1035 = arith.addi %mul3A_1009, %add3A_1034 : i32
      %get3A_1036 = arith.index_cast %add3A_1035 : i32 to index
      %get3A_1037 = tpu.vector_load %arg9[%get3A_1036] {strides = array<i32>} : memref<4256xi32, #tpu.memory_space<vmem>>, vector<16xi32>,
      %add3A_1038 = arith.constant 32 : i32
      %add3A_1039 = arith.addi %mul3A_1009, %add3A_1038 : i32
      %get3A_1040 = arith.index_cast %add3A_1039 : i32 to index
      %get3A_1041 = tpu.vector_load %arg10[%get3A_1040] {strides = array<i32>} : memref<4256xf32, #tpu.memory_space<vmem>>, vector<16xf32>,
      %swap3A_1042 = arith.constant 32 : index
      %swap3A_1043 = tpu.vector_load %arg9[%swap3A_1042] {strides = array<i32>} : memref<4256xi32, #tpu.memory_space<vmem>>, vector<16xi32>,
      tpu.vector_store %arg9[%swap3A_1042], %get3A_1037 {strides = array<i32>} : memref<4256xi32, #tpu.memory_space<vmem>>, vector<16xi32>,
      %swap3A_1044 = arith.constant 32 : index
      %swap3A_1045 = tpu.vector_load %arg10[%swap3A_1044] {strides = array<i32>} : memref<4256xf32, #tpu.memory_space<vmem>>, vector<16xf32>,
      tpu.vector_store %arg10[%swap3A_1044], %get3A_1041 {strides = array<i32>} : memref<4256xf32, #tpu.memory_space<vmem>>, vector<16xf32>,
      %add3A_1046 = arith.constant 48 : i32
      %add3A_1047 = arith.addi %mul3A_1009, %add3A_1046 : i32
      %get3A_1048 = arith.index_cast %add3A_1047 : i32 to index
      %get3A_1049 = tpu.vector_load %arg9[%get3A_1048] {strides = array<i32>} : memref<4256xi32, #tpu.memory_space<vmem>>, vector<16xi32>,
      %add3A_1050 = arith.constant 48 : i32
      %add3A_1051 = arith.addi %mul3A_1009, %add3A_1050 : i32
      %get3A_1052 = arith.index_cast %add3A_1051 : i32 to index
      %get3A_1053 = tpu.vector_load %arg10[%get3A_1052] {strides = array<i32>} : memref<4256xf32, #tpu.memory_space<vmem>>, vector<16xf32>,
      %swap3A_1054 = arith.constant 48 : index
      %swap3A_1055 = tpu.vector_load %arg9[%swap3A_1054] {strides = array<i32>} : memref<4256xi32, #tpu.memory_space<vmem>>, vector<16xi32>,
      tpu.vector_store %arg9[%swap3A_1054], %get3A_1049 {strides = array<i32>} : memref<4256xi32, #tpu.memory_space<vmem>>, vector<16xi32>,
      %swap3A_1056 = arith.constant 48 : index
      %swap3A_1057 = tpu.vector_load %arg10[%swap3A_1056] {strides = array<i32>} : memref<4256xf32, #tpu.memory_space<vmem>>, vector<16xf32>,
      tpu.vector_store %arg10[%swap3A_1056], %get3A_1053 {strides = array<i32>} : memref<4256xf32, #tpu.memory_space<vmem>>, vector<16xf32>,
      %add3A_1058 = arith.constant 64 : i32
      %add3A_1059 = arith.addi %mul3A_1009, %add3A_1058 : i32
      %get3A_1060 = arith.index_cast %add3A_1059 : i32 to index
      %get3A_1061 = tpu.vector_load %arg9[%get3A_1060] {strides = array<i32>} : memref<4256xi32, #tpu.memory_space<vmem>>, vector<16xi32>,
      %add3A_1062 = arith.constant 64 : i32
      %add3A_1063 = arith.addi %mul3A_1009, %add3A_1062 : i32
      %get3A_1064 = arith.index_cast %add3A_1063 : i32 to index
      %get3A_1065 = tpu.vector_load %arg10[%get3A_1064] {strides = array<i32>} : memref<4256xf32, #tpu.memory_space<vmem>>, vector<16xf32>,
      %swap3A_1066 = arith.constant 64 : index
      %swap3A_1067 = tpu.vector_load %arg9[%swap3A_1066] {strides = array<i32>} : memref<4256xi32, #tpu.memory_space<vmem>>, vector<16xi32>,
      tpu.vector_store %arg9[%swap3A_1066], %get3A_1061 {strides = array<i32>} : memref<4256xi32, #tpu.memory_space<vmem>>, vector<16xi32>,
      %swap3A_1068 = arith.constant 64 : index
      %swap3A_1069 = tpu.vector_load %arg10[%swap3A_1068] {strides = array<i32>} : memref<4256xf32, #tpu.memory_space<vmem>>, vector<16xf32>,
      tpu.vector_store %arg10[%swap3A_1068], %get3A_1065 {strides = array<i32>} : memref<4256xf32, #tpu.memory_space<vmem>>, vector<16xf32>,
      %add3A_1070 = arith.constant 80 : i32
      %add3A_1071 = arith.addi %mul3A_1009, %add3A_1070 : i32
      %get3A_1072 = arith.index_cast %add3A_1071 : i32 to index
      %get3A_1073 = tpu.vector_load %arg9[%get3A_1072] {strides = array<i32>} : memref<4256xi32, #tpu.memory_space<vmem>>, vector<16xi32>,
      %add3A_1074 = arith.constant 80 : i32
      %add3A_1075 = arith.addi %mul3A_1009, %add3A_1074 : i32
      %get3A_1076 = arith.index_cast %add3A_1075 : i32 to index
      %get3A_1077 = tpu.vector_load %arg10[%get3A_1076] {strides = array<i32>} : memref<4256xf32, #tpu.memory_space<vmem>>, vector<16xf32>,
      %swap3A_1078 = arith.constant 80 : index
      %swap3A_1079 = tpu.vector_load %arg9[%swap3A_1078] {strides = array<i32>} : memref<4256xi32, #tpu.memory_space<vmem>>, vector<16xi32>,
      tpu.vector_store %arg9[%swap3A_1078], %get3A_1073 {strides = array<i32>} : memref<4256xi32, #tpu.memory_space<vmem>>, vector<16xi32>,
      %swap3A_1080 = arith.constant 80 : index
      %swap3A_1081 = tpu.vector_load %arg10[%swap3A_1080] {strides = array<i32>} : memref<4256xf32, #tpu.memory_space<vmem>>, vector<16xf32>,
      tpu.vector_store %arg10[%swap3A_1080], %get3A_1077 {strides = array<i32>} : memref<4256xf32, #tpu.memory_space<vmem>>, vector<16xf32>,
      %add3A_1082 = arith.constant 96 : i32
      %add3A_1083 = arith.addi %mul3A_1009, %add3A_1082 : i32
      %get3A_1084 = arith.index_cast %add3A_1083 : i32 to index
      %get3A_1085 = tpu.vector_load %arg9[%get3A_1084] {strides = array<i32>} : memref<4256xi32, #tpu.memory_space<vmem>>, vector<16xi32>,
      %add3A_1086 = arith.constant 96 : i32
      %add3A_1087 = arith.addi %mul3A_1009, %add3A_1086 : i32
      %get3A_1088 = arith.index_cast %add3A_1087 : i32 to index
      %get3A_1089 = tpu.vector_load %arg10[%get3A_1088] {strides = array<i32>} : memref<4256xf32, #tpu.memory_space<vmem>>, vector<16xf32>,
      %swap3A_1090 = arith.constant 96 : index
      %swap3A_1091 = tpu.vector_load %arg9[%swap3A_1090] {strides = array<i32>} : memref<4256xi32, #tpu.memory_space<vmem>>, vector<16xi32>,
      tpu.vector_store %arg9[%swap3A_1090], %get3A_1085 {strides = array<i32>} : memref<4256xi32, #tpu.memory_space<vmem>>, vector<16xi32>,
      %swap3A_1092 = arith.constant 96 : index
      %swap3A_1093 = tpu.vector_load %arg10[%swap3A_1092] {strides = array<i32>} : memref<4256xf32, #tpu.memory_space<vmem>>, vector<16xf32>,
      tpu.vector_store %arg10[%swap3A_1092], %get3A_1089 {strides = array<i32>} : memref<4256xf32, #tpu.memory_space<vmem>>, vector<16xf32>,
      %add3A_1094 = arith.constant 112 : i32
      %add3A_1095 = arith.addi %mul3A_1009, %add3A_1094 : i32
      %get3A_1096 = arith.index_cast %add3A_1095 : i32 to index
      %get3A_1097 = tpu.vector_load %arg9[%get3A_1096] {strides = array<i32>} : memref<4256xi32, #tpu.memory_space<vmem>>, vector<16xi32>,
      %add3A_1098 = arith.constant 112 : i32
      %add3A_1099 = arith.addi %mul3A_1009, %add3A_1098 : i32
      %get3A_1100 = arith.index_cast %add3A_1099 : i32 to index
      %get3A_1101 = tpu.vector_load %arg10[%get3A_1100] {strides = array<i32>} : memref<4256xf32, #tpu.memory_space<vmem>>, vector<16xf32>,
      %swap3A_1102 = arith.constant 112 : index
      %swap3A_1103 = tpu.vector_load %arg9[%swap3A_1102] {strides = array<i32>} : memref<4256xi32, #tpu.memory_space<vmem>>, vector<16xi32>,
      tpu.vector_store %arg9[%swap3A_1102], %get3A_1097 {strides = array<i32>} : memref<4256xi32, #tpu.memory_space<vmem>>, vector<16xi32>,
      %swap3A_1104 = arith.constant 112 : index
      %swap3A_1105 = tpu.vector_load %arg10[%swap3A_1104] {strides = array<i32>} : memref<4256xf32, #tpu.memory_space<vmem>>, vector<16xf32>,
      tpu.vector_store %arg10[%swap3A_1104], %get3A_1101 {strides = array<i32>} : memref<4256xf32, #tpu.memory_space<vmem>>, vector<16xf32>,
      %sub3A_1106 = arith.subi %scan3A_977, %mul3A_1009 : i32
      scf.yield %sub3A_1106 : i32
    }
    %scan3A_417 = arith.constant 52 : i32
    %add3A_418 = arith.constant 0 : i32
    %add3A_419 = vector.broadcast %add3A_418 : i32 to vector<16xi32>
    %add3A_420 = arith.addi %iota3A, %add3A_419 : vector<16xi32>
    %lt3A_421 = vector.broadcast %scan3A_416 : i32 to vector<16xi32>
    %lt3A_422 = arith.cmpi slt, %add3A_420, %lt3A_421 : vector<16xi32>
    %get3A_423 = arith.constant 0 : index
    %get3A_424 = tpu.vector_load %arg9[%get3A_423] {strides = array<i32>} : memref<4256xi32, #tpu.memory_space<vmem>>, vector<16xi32>,
    %swap3A_425 = arith.constant 0 : i32
    %swap3A_426 = arith.index_cast %swap3A_425 : i32 to index
    %swap3A_427 = arith.constant 0 : index
    %swap3A_428 = tpu.vector_load %arg11[%swap3A_426, %swap3A_427] {strides = array<i32>} : memref<1x128xi32, #tpu.memory_space<vmem>>, vector<16xi32>,
    tpu.vector_store %arg11[%swap3A_426, %swap3A_427], %get3A_424 {strides = array<i32>} : memref<1x128xi32, #tpu.memory_space<vmem>>, vector<16xi32>,
    %get3A_429 = arith.constant 0 : index
    %get3A_430 = tpu.vector_load %arg10[%get3A_429] {strides = array<i32>} : memref<4256xf32, #tpu.memory_space<vmem>>, vector<16xf32>,
    %jit3A_431 = arith.constant 0.000000e+00 : f32
    %broadcast_in_dim3A_432 = vector.broadcast %jit3A_431 : f32 to vector<16xf32>
    %select_n3A_433 = arith.select %lt3A_422, %get3A_430, %broadcast_in_dim3A_432 : vector<16xi1>, vector<16xf32>
    %swap3A_434 = arith.constant 0 : i32
    %swap3A_435 = arith.index_cast %swap3A_434 : i32 to index
    %swap3A_436 = arith.constant 0 : index
    %swap3A_437 = tpu.vector_load %arg12[%swap3A_435, %swap3A_436] {strides = array<i32>} : memref<1x128xf32, #tpu.memory_space<vmem>>, vector<16xf32>,
    tpu.vector_store %arg12[%swap3A_435, %swap3A_436], %select_n3A_433 {strides = array<i32>} : memref<1x128xf32, #tpu.memory_space<vmem>>, vector<16xf32>,
    %add3A_438 = arith.constant 16 : i32
    %add3A_439 = vector.broadcast %add3A_438 : i32 to vector<16xi32>
    %add3A_440 = arith.addi %iota3A, %add3A_439 : vector<16xi32>
    %lt3A_441 = vector.broadcast %scan3A_416 : i32 to vector<16xi32>
    %lt3A_442 = arith.cmpi slt, %add3A_440, %lt3A_441 : vector<16xi32>
    %get3A_443 = arith.constant 16 : index
    %get3A_444 = tpu.vector_load %arg9[%get3A_443] {strides = array<i32>} : memref<4256xi32, #tpu.memory_space<vmem>>, vector<16xi32>,
    %swap3A_445 = arith.constant 0 : i32
    %swap3A_446 = arith.index_cast %swap3A_445 : i32 to index
    %swap3A_447 = arith.constant 16 : index
    %swap3A_448 = tpu.vector_load %arg11[%swap3A_446, %swap3A_447] {strides = array<i32>} : memref<1x128xi32, #tpu.memory_space<vmem>>, vector<16xi32>,
    tpu.vector_store %arg11[%swap3A_446, %swap3A_447], %get3A_444 {strides = array<i32>} : memref<1x128xi32, #tpu.memory_space<vmem>>, vector<16xi32>,
    %get3A_449 = arith.constant 16 : index
    %get3A_450 = tpu.vector_load %arg10[%get3A_449] {strides = array<i32>} : memref<4256xf32, #tpu.memory_space<vmem>>, vector<16xf32>,
    %jit3A_451 = arith.constant 0.000000e+00 : f32
    %broadcast_in_dim3A_452 = vector.broadcast %jit3A_451 : f32 to vector<16xf32>
    %select_n3A_453 = arith.select %lt3A_442, %get3A_450, %broadcast_in_dim3A_452 : vector<16xi1>, vector<16xf32>
    %swap3A_454 = arith.constant 0 : i32
    %swap3A_455 = arith.index_cast %swap3A_454 : i32 to index
    %swap3A_456 = arith.constant 16 : index
    %swap3A_457 = tpu.vector_load %arg12[%swap3A_455, %swap3A_456] {strides = array<i32>} : memref<1x128xf32, #tpu.memory_space<vmem>>, vector<16xf32>,
    tpu.vector_store %arg12[%swap3A_455, %swap3A_456], %select_n3A_453 {strides = array<i32>} : memref<1x128xf32, #tpu.memory_space<vmem>>, vector<16xf32>,
    %add3A_458 = arith.constant 32 : i32
    %add3A_459 = vector.broadcast %add3A_458 : i32 to vector<16xi32>
    %add3A_460 = arith.addi %iota3A, %add3A_459 : vector<16xi32>
    %lt3A_461 = vector.broadcast %scan3A_416 : i32 to vector<16xi32>
    %lt3A_462 = arith.cmpi slt, %add3A_460, %lt3A_461 : vector<16xi32>
    %get3A_463 = arith.constant 32 : index
    %get3A_464 = tpu.vector_load %arg9[%get3A_463] {strides = array<i32>} : memref<4256xi32, #tpu.memory_space<vmem>>, vector<16xi32>,
    %swap3A_465 = arith.constant 0 : i32
    %swap3A_466 = arith.index_cast %swap3A_465 : i32 to index
    %swap3A_467 = arith.constant 32 : index
    %swap3A_468 = tpu.vector_load %arg11[%swap3A_466, %swap3A_467] {strides = array<i32>} : memref<1x128xi32, #tpu.memory_space<vmem>>, vector<16xi32>,
    tpu.vector_store %arg11[%swap3A_466, %swap3A_467], %get3A_464 {strides = array<i32>} : memref<1x128xi32, #tpu.memory_space<vmem>>, vector<16xi32>,
    %get3A_469 = arith.constant 32 : index
    %get3A_470 = tpu.vector_load %arg10[%get3A_469] {strides = array<i32>} : memref<4256xf32, #tpu.memory_space<vmem>>, vector<16xf32>,
    %jit3A_471 = arith.constant 0.000000e+00 : f32
    %broadcast_in_dim3A_472 = vector.broadcast %jit3A_471 : f32 to vector<16xf32>
    %select_n3A_473 = arith.select %lt3A_462, %get3A_470, %broadcast_in_dim3A_472 : vector<16xi1>, vector<16xf32>
    %swap3A_474 = arith.constant 0 : i32
    %swap3A_475 = arith.index_cast %swap3A_474 : i32 to index
    %swap3A_476 = arith.constant 32 : index
    %swap3A_477 = tpu.vector_load %arg12[%swap3A_475, %swap3A_476] {strides = array<i32>} : memref<1x128xf32, #tpu.memory_space<vmem>>, vector<16xf32>,
    tpu.vector_store %arg12[%swap3A_475, %swap3A_476], %select_n3A_473 {strides = array<i32>} : memref<1x128xf32, #tpu.memory_space<vmem>>, vector<16xf32>,
    %add3A_478 = arith.constant 48 : i32
    %add3A_479 = vector.broadcast %add3A_478 : i32 to vector<16xi32>
    %add3A_480 = arith.addi %iota3A, %add3A_479 : vector<16xi32>
    %lt3A_481 = vector.broadcast %scan3A_416 : i32 to vector<16xi32>
    %lt3A_482 = arith.cmpi slt, %add3A_480, %lt3A_481 : vector<16xi32>
    %get3A_483 = arith.constant 48 : index
    %get3A_484 = tpu.vector_load %arg9[%get3A_483] {strides = array<i32>} : memref<4256xi32, #tpu.memory_space<vmem>>, vector<16xi32>,
    %swap3A_485 = arith.constant 0 : i32
    %swap3A_486 = arith.index_cast %swap3A_485 : i32 to index
    %swap3A_487 = arith.constant 48 : index
    %swap3A_488 = tpu.vector_load %arg11[%swap3A_486, %swap3A_487] {strides = array<i32>} : memref<1x128xi32, #tpu.memory_space<vmem>>, vector<16xi32>,
    tpu.vector_store %arg11[%swap3A_486, %swap3A_487], %get3A_484 {strides = array<i32>} : memref<1x128xi32, #tpu.memory_space<vmem>>, vector<16xi32>,
    %get3A_489 = arith.constant 48 : index
    %get3A_490 = tpu.vector_load %arg10[%get3A_489] {strides = array<i32>} : memref<4256xf32, #tpu.memory_space<vmem>>, vector<16xf32>,
    %jit3A_491 = arith.constant 0.000000e+00 : f32
    %broadcast_in_dim3A_492 = vector.broadcast %jit3A_491 : f32 to vector<16xf32>
    %select_n3A_493 = arith.select %lt3A_482, %get3A_490, %broadcast_in_dim3A_492 : vector<16xi1>, vector<16xf32>
    %swap3A_494 = arith.constant 0 : i32
    %swap3A_495 = arith.index_cast %swap3A_494 : i32 to index
    %swap3A_496 = arith.constant 48 : index
    %swap3A_497 = tpu.vector_load %arg12[%swap3A_495, %swap3A_496] {strides = array<i32>} : memref<1x128xf32, #tpu.memory_space<vmem>>, vector<16xf32>,
    tpu.vector_store %arg12[%swap3A_495, %swap3A_496], %select_n3A_493 {strides = array<i32>} : memref<1x128xf32, #tpu.memory_space<vmem>>, vector<16xf32>,
    %add3A_498 = arith.constant 64 : i32
    %add3A_499 = vector.broadcast %add3A_498 : i32 to vector<16xi32>
    %add3A_500 = arith.addi %iota3A, %add3A_499 : vector<16xi32>
    %lt3A_501 = vector.broadcast %scan3A_416 : i32 to vector<16xi32>
    %lt3A_502 = arith.cmpi slt, %add3A_500, %lt3A_501 : vector<16xi32>
    %get3A_503 = arith.constant 64 : index
    %get3A_504 = tpu.vector_load %arg9[%get3A_503] {strides = array<i32>} : memref<4256xi32, #tpu.memory_space<vmem>>, vector<16xi32>,
    %swap3A_505 = arith.constant 0 : i32
    %swap3A_506 = arith.index_cast %swap3A_505 : i32 to index
    %swap3A_507 = arith.constant 64 : index
    %swap3A_508 = tpu.vector_load %arg11[%swap3A_506, %swap3A_507] {strides = array<i32>} : memref<1x128xi32, #tpu.memory_space<vmem>>, vector<16xi32>,
    tpu.vector_store %arg11[%swap3A_506, %swap3A_507], %get3A_504 {strides = array<i32>} : memref<1x128xi32, #tpu.memory_space<vmem>>, vector<16xi32>,
    %get3A_509 = arith.constant 64 : index
    %get3A_510 = tpu.vector_load %arg10[%get3A_509] {strides = array<i32>} : memref<4256xf32, #tpu.memory_space<vmem>>, vector<16xf32>,
    %jit3A_511 = arith.constant 0.000000e+00 : f32
    %broadcast_in_dim3A_512 = vector.broadcast %jit3A_511 : f32 to vector<16xf32>
    %select_n3A_513 = arith.select %lt3A_502, %get3A_510, %broadcast_in_dim3A_512 : vector<16xi1>, vector<16xf32>
    %swap3A_514 = arith.constant 0 : i32
    %swap3A_515 = arith.index_cast %swap3A_514 : i32 to index
    %swap3A_516 = arith.constant 64 : index
    %swap3A_517 = tpu.vector_load %arg12[%swap3A_515, %swap3A_516] {strides = array<i32>} : memref<1x128xf32, #tpu.memory_space<vmem>>, vector<16xf32>,
    tpu.vector_store %arg12[%swap3A_515, %swap3A_516], %select_n3A_513 {strides = array<i32>} : memref<1x128xf32, #tpu.memory_space<vmem>>, vector<16xf32>,
    %add3A_518 = arith.constant 80 : i32
    %add3A_519 = vector.broadcast %add3A_518 : i32 to vector<16xi32>
    %add3A_520 = arith.addi %iota3A, %add3A_519 : vector<16xi32>
    %lt3A_521 = vector.broadcast %scan3A_416 : i32 to vector<16xi32>
    %lt3A_522 = arith.cmpi slt, %add3A_520, %lt3A_521 : vector<16xi32>
    %get3A_523 = arith.constant 80 : index
    %get3A_524 = tpu.vector_load %arg9[%get3A_523] {strides = array<i32>} : memref<4256xi32, #tpu.memory_space<vmem>>, vector<16xi32>,
    %swap3A_525 = arith.constant 0 : i32
    %swap3A_526 = arith.index_cast %swap3A_525 : i32 to index
    %swap3A_527 = arith.constant 80 : index
    %swap3A_528 = tpu.vector_load %arg11[%swap3A_526, %swap3A_527] {strides = array<i32>} : memref<1x128xi32, #tpu.memory_space<vmem>>, vector<16xi32>,
    tpu.vector_store %arg11[%swap3A_526, %swap3A_527], %get3A_524 {strides = array<i32>} : memref<1x128xi32, #tpu.memory_space<vmem>>, vector<16xi32>,
    %get3A_529 = arith.constant 80 : index
    %get3A_530 = tpu.vector_load %arg10[%get3A_529] {strides = array<i32>} : memref<4256xf32, #tpu.memory_space<vmem>>, vector<16xf32>,
    %jit3A_531 = arith.constant 0.000000e+00 : f32
    %broadcast_in_dim3A_532 = vector.broadcast %jit3A_531 : f32 to vector<16xf32>
    %select_n3A_533 = arith.select %lt3A_522, %get3A_530, %broadcast_in_dim3A_532 : vector<16xi1>, vector<16xf32>
    %swap3A_534 = arith.constant 0 : i32
    %swap3A_535 = arith.index_cast %swap3A_534 : i32 to index
    %swap3A_536 = arith.constant 80 : index
    %swap3A_537 = tpu.vector_load %arg12[%swap3A_535, %swap3A_536] {strides = array<i32>} : memref<1x128xf32, #tpu.memory_space<vmem>>, vector<16xf32>,
    tpu.vector_store %arg12[%swap3A_535, %swap3A_536], %select_n3A_533 {strides = array<i32>} : memref<1x128xf32, #tpu.memory_space<vmem>>, vector<16xf32>,
    %add3A_538 = arith.constant 96 : i32
    %add3A_539 = vector.broadcast %add3A_538 : i32 to vector<16xi32>
    %add3A_540 = arith.addi %iota3A, %add3A_539 : vector<16xi32>
    %lt3A_541 = vector.broadcast %scan3A_416 : i32 to vector<16xi32>
    %lt3A_542 = arith.cmpi slt, %add3A_540, %lt3A_541 : vector<16xi32>
    %get3A_543 = arith.constant 96 : index
    %get3A_544 = tpu.vector_load %arg9[%get3A_543] {strides = array<i32>} : memref<4256xi32, #tpu.memory_space<vmem>>, vector<16xi32>,
    %swap3A_545 = arith.constant 0 : i32
    %swap3A_546 = arith.index_cast %swap3A_545 : i32 to index
    %swap3A_547 = arith.constant 96 : index
    %swap3A_548 = tpu.vector_load %arg11[%swap3A_546, %swap3A_547] {strides = array<i32>} : memref<1x128xi32, #tpu.memory_space<vmem>>, vector<16xi32>,
    tpu.vector_store %arg11[%swap3A_546, %swap3A_547], %get3A_544 {strides = array<i32>} : memref<1x128xi32, #tpu.memory_space<vmem>>, vector<16xi32>,
    %get3A_549 = arith.constant 96 : index
    %get3A_550 = tpu.vector_load %arg10[%get3A_549] {strides = array<i32>} : memref<4256xf32, #tpu.memory_space<vmem>>, vector<16xf32>,
    %jit3A_551 = arith.constant 0.000000e+00 : f32
    %broadcast_in_dim3A_552 = vector.broadcast %jit3A_551 : f32 to vector<16xf32>
    %select_n3A_553 = arith.select %lt3A_542, %get3A_550, %broadcast_in_dim3A_552 : vector<16xi1>, vector<16xf32>
    %swap3A_554 = arith.constant 0 : i32
    %swap3A_555 = arith.index_cast %swap3A_554 : i32 to index
    %swap3A_556 = arith.constant 96 : index
    %swap3A_557 = tpu.vector_load %arg12[%swap3A_555, %swap3A_556] {strides = array<i32>} : memref<1x128xf32, #tpu.memory_space<vmem>>, vector<16xf32>,
    tpu.vector_store %arg12[%swap3A_555, %swap3A_556], %select_n3A_553 {strides = array<i32>} : memref<1x128xf32, #tpu.memory_space<vmem>>, vector<16xf32>,
    %add3A_558 = arith.constant 112 : i32
    %add3A_559 = vector.broadcast %add3A_558 : i32 to vector<16xi32>
    %add3A_560 = arith.addi %iota3A, %add3A_559 : vector<16xi32>
    %lt3A_561 = vector.broadcast %scan3A_416 : i32 to vector<16xi32>
    %lt3A_562 = arith.cmpi slt, %add3A_560, %lt3A_561 : vector<16xi32>
    %get3A_563 = arith.constant 112 : index
    %get3A_564 = tpu.vector_load %arg9[%get3A_563] {strides = array<i32>} : memref<4256xi32, #tpu.memory_space<vmem>>, vector<16xi32>,
    %swap3A_565 = arith.constant 0 : i32
    %swap3A_566 = arith.index_cast %swap3A_565 : i32 to index
    %swap3A_567 = arith.constant 112 : index
    %swap3A_568 = tpu.vector_load %arg11[%swap3A_566, %swap3A_567] {strides = array<i32>} : memref<1x128xi32, #tpu.memory_space<vmem>>, vector<16xi32>,
    tpu.vector_store %arg11[%swap3A_566, %swap3A_567], %get3A_564 {strides = array<i32>} : memref<1x128xi32, #tpu.memory_space<vmem>>, vector<16xi32>,
    %get3A_569 = arith.constant 112 : index
    %get3A_570 = tpu.vector_load %arg10[%get3A_569] {strides = array<i32>} : memref<4256xf32, #tpu.memory_space<vmem>>, vector<16xf32>,
    %jit3A_571 = arith.constant 0.000000e+00 : f32
    %broadcast_in_dim3A_572 = vector.broadcast %jit3A_571 : f32 to vector<16xf32>
    %select_n3A_573 = arith.select %lt3A_562, %get3A_570, %broadcast_in_dim3A_572 : vector<16xi1>, vector<16xf32>
    %swap3A_574 = arith.constant 0 : i32
    %swap3A_575 = arith.index_cast %swap3A_574 : i32 to index
    %swap3A_576 = arith.constant 112 : index
    %swap3A_577 = tpu.vector_load %arg12[%swap3A_575, %swap3A_576] {strides = array<i32>} : memref<1x128xf32, #tpu.memory_space<vmem>>, vector<16xf32>,
    tpu.vector_store %arg12[%swap3A_575, %swap3A_576], %select_n3A_573 {strides = array<i32>} : memref<1x128xf32, #tpu.memory_space<vmem>>, vector<16xf32>,
    %run_scoped3A_578 = arith.constant 0 : i32
    %run_scoped3A_579 = arith.constant 0 : i32
    "tpu.region"() ({
      %run_scoped3A_966 = tpu.sem_alloc : memref<!tpu.dma_semaphore, #tpu.memory_space<semaphore_mem>>
      %dma_start3A = arith.constant 0 : i32
      %dma_start3A_967 = tpu.memref_slice %arg12[%run_scoped3A_578, %dma_start3A] : memref<1x128xf32, #tpu.memory_space<vmem>> -> memref<1x128xf32, #tpu.memory_space<vmem>>
      %dma_start3A_968 = tpu.memref_squeeze %dma_start3A_967 : memref<1x128xf32, #tpu.memory_space<vmem>> -> memref<128xf32, #tpu.memory_space<vmem>>
      %dma_start3A_969 = arith.constant 0 : i32
      %dma_start3A_970 = tpu.memref_slice %arg11[%run_scoped3A_579, %dma_start3A_969] : memref<1x128xi32, #tpu.memory_space<vmem>> -> memref<1x128xi32, #tpu.memory_space<vmem>>
      %dma_start3A_971 = tpu.memref_squeeze %dma_start3A_970 : memref<1x128xi32, #tpu.memory_space<vmem>> -> memref<128xi32, #tpu.memory_space<vmem>>
      %dma_start3A_972 = arith.constant 0 : i32
      %dma_start3A_973 = tpu.memref_slice %arg14[%dma_start3A_972] : memref<1802240xf32, #tpu.memory_space<vmem_shared>> -> memref<1802240xf32, #tpu.memory_space<vmem_shared>>
      tpu.enqueue_indirect_dma source(%dma_start3A_968 : memref<128xf32, #tpu.memory_space<vmem>>) target(%dma_start3A_973 : memref<1802240xf32, #tpu.memory_space<vmem_shared>>) offsets(%dma_start3A_971 : memref<128xi32, #tpu.memory_space<vmem>>) semaphore(%run_scoped3A_966 : memref<!tpu.dma_semaphore, #tpu.memory_space<semaphore_mem>>) {add = true}
      %dma_wait3A = arith.constant 0 : i32
      %dma_wait3A_974 = tpu.memref_slice %arg12[%run_scoped3A_578, %dma_wait3A] : memref<1x128xf32, #tpu.memory_space<vmem>> -> memref<1x128xf32, #tpu.memory_space<vmem>>
      %dma_wait3A_975 = tpu.memref_squeeze %dma_wait3A_974 : memref<1x128xf32, #tpu.memory_space<vmem>> -> memref<128xf32, #tpu.memory_space<vmem>>
      %dma_wait3A_976 = arith.constant 0 : i32
      %dma_wait3A_977 = tpu.memref_slice %arg11[%run_scoped3A_579, %dma_wait3A_976] : memref<1x128xi32, #tpu.memory_space<vmem>> -> memref<1x128xi32, #tpu.memory_space<vmem>>
      %dma_wait3A_978 = tpu.memref_squeeze %dma_wait3A_977 : memref<1x128xi32, #tpu.memory_space<vmem>> -> memref<128xi32, #tpu.memory_space<vmem>>
      %dma_wait3A_979 = arith.constant 0 : i32
      %dma_wait3A_980 = tpu.memref_slice %arg14[%dma_wait3A_979] : memref<1802240xf32, #tpu.memory_space<vmem_shared>> -> memref<1802240xf32, #tpu.memory_space<vmem_shared>>
      tpu.wait_indirect_dma semaphore(%run_scoped3A_966 : memref<!tpu.dma_semaphore, #tpu.memory_space<semaphore_mem>>) src(%dma_wait3A_975 : memref<128xf32, #tpu.memory_space<vmem>>) dst(%dma_wait3A_980 : memref<1802240xf32, #tpu.memory_space<vmem_shared>>)
      tpu.yield
    }) : () -> ()
    %barrier3A_580 = arith.constant 0 : index
    tpu.barrier barrier_id(%barrier3A_580)
    %mul3A_581 = arith.constant 4096 : i32
    %mul3A_582 = arith.muli %add3A_409, %mul3A_581 : i32
    %mul3A_583 = arith.constant 112640 : i32
    %mul3A_584 = arith.muli %arg1, %mul3A_583 : i32
    %add3A_585 = arith.addi %mul3A_582, %mul3A_584 : i32
    "tpu.region"() ({
      %run_scoped3A_966 = tpu.sem_alloc : memref<!tpu.dma_semaphore, #tpu.memory_space<semaphore_mem>>
      %dma_start3A = tpu.memref_slice %arg5[%add3A_585] : memref<16777216xf32, #tpu.memory_space<hbm>> -> memref<112640xf32, #tpu.memory_space<hbm>>
      %dma_start3A_967 = tpu.memref_slice %arg14[%mul3A_397] : memref<1802240xf32, #tpu.memory_space<vmem_shared>> -> memref<112640xf32, #tpu.memory_space<vmem_shared>>
      tpu.enqueue_dma source(%dma_start3A_967 : memref<112640xf32, #tpu.memory_space<vmem_shared>>) target(%dma_start3A : memref<112640xf32, #tpu.memory_space<hbm>>) target_semaphore(%run_scoped3A_966 : memref<!tpu.dma_semaphore, #tpu.memory_space<semaphore_mem>>)
      %dma_wait3A = tpu.memref_slice %arg5[%add3A_585] : memref<16777216xf32, #tpu.memory_space<hbm>> -> memref<112640xf32, #tpu.memory_space<hbm>>
      %dma_wait3A_968 = tpu.memref_slice %arg14[%mul3A_397] : memref<1802240xf32, #tpu.memory_space<vmem_shared>> -> memref<112640xf32, #tpu.memory_space<vmem_shared>>
      tpu.wait_dma2 semaphore(%run_scoped3A_966 : memref<!tpu.dma_semaphore, #tpu.memory_space<semaphore_mem>>) src(%dma_wait3A_968 : memref<112640xf32, #tpu.memory_space<vmem_shared>>) dst(%dma_wait3A : memref<112640xf32, #tpu.memory_space<hbm>>)
      tpu.yield
    }) : () -> ()
    %mul3A_586 = arith.constant 112640 : i32
    %mul3A_587 = arith.muli %arg1, %mul3A_586 : i32
    %scan3A_588 = arith.constant 0 : i32
    %scan3A_589 = arith.constant 0 : i32
    %scan3A_590 = arith.constant 55 : i32
    %scan3A_591 = arith.addi %scan3A_589, %scan3A_590 : i32
    %scan3A_592 = arith.constant 1 : i32
    %scan3A_593 = scf.for %scan3A_966 = %scan3A_589 to %scan3A_591 step %scan3A_592 iter_args(%scan3A_967 = %scan3A_588) -> (i32)  : i32 {
      %mul3A_968 = arith.constant 2048 : i32
      %mul3A_969 = arith.muli %scan3A_966, %mul3A_968 : i32
      %add3A_970 = arith.addi %mul3A_587, %mul3A_969 : i32
      "tpu.region"() ({
        %run_scoped3A_972 = tpu.sem_alloc : memref<!tpu.dma_semaphore, #tpu.memory_space<semaphore_mem>>
        %dma_start3A = tpu.memref_slice %arg14[%add3A_970] : memref<1802240xf32, #tpu.memory_space<vmem_shared>> -> memref<2048xf32, #tpu.memory_space<vmem_shared>>
        %dma_start3A_973 = tpu.memref_slice %arg14[%add3A_970] : memref<1802240xf32, #tpu.memory_space<vmem_shared>> -> memref<2048xf32, #tpu.memory_space<vmem_shared>>
        tpu.enqueue_dma source(%arg13 : memref<2048xf32, #tpu.memory_space<vmem>>) target(%dma_start3A_973 : memref<2048xf32, #tpu.memory_space<vmem_shared>>) target_semaphore(%run_scoped3A_972 : memref<!tpu.dma_semaphore, #tpu.memory_space<semaphore_mem>>)
        %dma_wait3A = tpu.memref_slice %arg14[%add3A_970] : memref<1802240xf32, #tpu.memory_space<vmem_shared>> -> memref<2048xf32, #tpu.memory_space<vmem_shared>>
        %dma_wait3A_974 = tpu.memref_slice %arg14[%add3A_970] : memref<1802240xf32, #tpu.memory_space<vmem_shared>> -> memref<2048xf32, #tpu.memory_space<vmem_shared>>
        tpu.wait_dma2 semaphore(%run_scoped3A_972 : memref<!tpu.dma_semaphore, #tpu.memory_space<semaphore_mem>>) src(%arg13 : memref<2048xf32, #tpu.memory_space<vmem>>) dst(%dma_wait3A_974 : memref<2048xf32, #tpu.memory_space<vmem_shared>>)
        tpu.yield
      }) : () -> ()
      %scan3A_971 = arith.constant 0 : i32
      scf.yield %scan3A_971 : i32
    }
    %scan3A_594 = arith.constant 55 : i32
    %barrier3A_595 = arith.constant 0 : index
    tpu.barrier barrier_id(%barrier3A_595)
    %mul3A_596 = arith.constant 440 : i32
    %mul3A_597 = arith.muli %arg0, %mul3A_596 : i32
    %add3A_598 = arith.constant 2640 : i32
    %add3A_599 = arith.addi %add3A_598, %mul3A_597 : i32
    %scan3A_600 = arith.constant 440 : i32
    %scan3A_601 = arith.constant 0 : i32
    %scan3A_602 = arith.constant 0 : i32
    %scan3A_603 = arith.constant 52 : i32
    %scan3A_604 = arith.addi %scan3A_602, %scan3A_603 : i32
    %scan3A_605 = arith.constant 1 : i32
    %scan3A_606 = scf.for %scan3A_966 = %scan3A_602 to %scan3A_604 step %scan3A_605 iter_args(%scan3A_967 = %scan3A_601) -> (i32)  : i32 {
      %mul3A_968 = arith.constant 106496 : i32
      %mul3A_969 = arith.muli %arg1, %mul3A_968 : i32
      %mul3A_970 = arith.constant 2048 : i32
      %mul3A_971 = arith.muli %scan3A_966, %mul3A_970 : i32
      %add3A_972 = arith.addi %mul3A_969, %mul3A_971 : i32
      "tpu.region"() ({
        %run_scoped3A_1107 = tpu.sem_alloc : memref<!tpu.dma_semaphore, #tpu.memory_space<semaphore_mem>>
        %dma_start3A = tpu.memref_slice %arg2[%add3A_972] : memref<1703936xi32, #tpu.memory_space<hbm>> -> memref<2048xi32, #tpu.memory_space<hbm>>
        %dma_start3A_1108 = tpu.memref_slice %arg2[%add3A_972] : memref<1703936xi32, #tpu.memory_space<hbm>> -> memref<2048xi32, #tpu.memory_space<hbm>>
        tpu.enqueue_dma source(%dma_start3A_1108 : memref<2048xi32, #tpu.memory_space<hbm>>) target(%arg6 : memref<2048xi32, #tpu.memory_space<vmem>>) target_semaphore(%run_scoped3A_1107 : memref<!tpu.dma_semaphore, #tpu.memory_space<semaphore_mem>>)
        %dma_wait3A = tpu.memref_slice %arg2[%add3A_972] : memref<1703936xi32, #tpu.memory_space<hbm>> -> memref<2048xi32, #tpu.memory_space<hbm>>
        %dma_wait3A_1109 = tpu.memref_slice %arg2[%add3A_972] : memref<1703936xi32, #tpu.memory_space<hbm>> -> memref<2048xi32, #tpu.memory_space<hbm>>
        tpu.wait_dma2 semaphore(%run_scoped3A_1107 : memref<!tpu.dma_semaphore, #tpu.memory_space<semaphore_mem>>) src(%dma_wait3A_1109 : memref<2048xi32, #tpu.memory_space<hbm>>) dst(%arg6 : memref<2048xi32, #tpu.memory_space<vmem>>)
        tpu.yield
      }) : () -> ()
      "tpu.region"() ({
        %run_scoped3A_1107 = tpu.sem_alloc : memref<!tpu.dma_semaphore, #tpu.memory_space<semaphore_mem>>
        %dma_start3A = tpu.memref_slice %arg3[%add3A_972] : memref<1703936xi32, #tpu.memory_space<hbm>> -> memref<2048xi32, #tpu.memory_space<hbm>>
        %dma_start3A_1108 = tpu.memref_slice %arg3[%add3A_972] : memref<1703936xi32, #tpu.memory_space<hbm>> -> memref<2048xi32, #tpu.memory_space<hbm>>
        tpu.enqueue_dma source(%dma_start3A_1108 : memref<2048xi32, #tpu.memory_space<hbm>>) target(%arg7 : memref<2048xi32, #tpu.memory_space<vmem>>) target_semaphore(%run_scoped3A_1107 : memref<!tpu.dma_semaphore, #tpu.memory_space<semaphore_mem>>)
        %dma_wait3A = tpu.memref_slice %arg3[%add3A_972] : memref<1703936xi32, #tpu.memory_space<hbm>> -> memref<2048xi32, #tpu.memory_space<hbm>>
        %dma_wait3A_1109 = tpu.memref_slice %arg3[%add3A_972] : memref<1703936xi32, #tpu.memory_space<hbm>> -> memref<2048xi32, #tpu.memory_space<hbm>>
        tpu.wait_dma2 semaphore(%run_scoped3A_1107 : memref<!tpu.dma_semaphore, #tpu.memory_space<semaphore_mem>>) src(%dma_wait3A_1109 : memref<2048xi32, #tpu.memory_space<hbm>>) dst(%arg7 : memref<2048xi32, #tpu.memory_space<vmem>>)
        tpu.yield
      }) : () -> ()
      "tpu.region"() ({
        %run_scoped3A_1107 = tpu.sem_alloc : memref<!tpu.dma_semaphore, #tpu.memory_space<semaphore_mem>>
        %dma_start3A = tpu.memref_slice %arg4[%add3A_972] : memref<1703936xf32, #tpu.memory_space<hbm>> -> memref<2048xf32, #tpu.memory_space<hbm>>
        %dma_start3A_1108 = tpu.memref_slice %arg4[%add3A_972] : memref<1703936xf32, #tpu.memory_space<hbm>> -> memref<2048xf32, #tpu.memory_space<hbm>>
        tpu.enqueue_dma source(%dma_start3A_1108 : memref<2048xf32, #tpu.memory_space<hbm>>) target(%arg8 : memref<2048xf32, #tpu.memory_space<vmem>>) target_semaphore(%run_scoped3A_1107 : memref<!tpu.dma_semaphore, #tpu.memory_space<semaphore_mem>>)
        %dma_wait3A = tpu.memref_slice %arg4[%add3A_972] : memref<1703936xf32, #tpu.memory_space<hbm>> -> memref<2048xf32, #tpu.memory_space<hbm>>
        %dma_wait3A_1109 = tpu.memref_slice %arg4[%add3A_972] : memref<1703936xf32, #tpu.memory_space<hbm>> -> memref<2048xf32, #tpu.memory_space<hbm>>
        tpu.wait_dma2 semaphore(%run_scoped3A_1107 : memref<!tpu.dma_semaphore, #tpu.memory_space<semaphore_mem>>) src(%dma_wait3A_1109 : memref<2048xf32, #tpu.memory_space<hbm>>) dst(%arg8 : memref<2048xf32, #tpu.memory_space<vmem>>)
        tpu.yield
      }) : () -> ()
      %scan3A_973 = arith.constant 0 : i32
      %scan3A_974 = arith.constant 128 : i32
      %scan3A_975 = arith.addi %scan3A_973, %scan3A_974 : i32
      %scan3A_976 = arith.constant 1 : i32
      %scan3A_977 = scf.for %scan3A_1107 = %scan3A_973 to %scan3A_975 step %scan3A_976 iter_args(%scan3A_1108 = %scan3A_967) -> (i32)  : i32 {
        %mul3A_1109 = arith.constant 16 : i32
        %mul3A_1110 = arith.muli %scan3A_1107, %mul3A_1109 : i32
        %get3A_1111 = arith.index_cast %mul3A_1110 : i32 to index
        %get3A_1112 = tpu.vector_load %arg6[%get3A_1111] {strides = array<i32>} : memref<2048xi32, #tpu.memory_space<vmem>>, vector<16xi32>,
        %get3A_1113 = arith.index_cast %mul3A_1110 : i32 to index
        %get3A_1114 = tpu.vector_load %arg7[%get3A_1113] {strides = array<i32>} : memref<2048xi32, #tpu.memory_space<vmem>>, vector<16xi32>,
        %get3A_1115 = arith.index_cast %mul3A_1110 : i32 to index
        %get3A_1116 = tpu.vector_load %arg8[%get3A_1115] {strides = array<i32>} : memref<2048xf32, #tpu.memory_space<vmem>>, vector<16xf32>,
        %mul3A_1117 = arith.constant 5.000000e-01 : f32
        %mul3A_1118 = vector.broadcast %mul3A_1117 : f32 to vector<16xf32>
        %mul3A_1119 = arith.mulf %get3A_1116, %mul3A_1118 : vector<16xf32>
        %sub3A_1120 = vector.broadcast %add3A_599 : i32 to vector<16xi32>
        %sub3A_1121 = arith.subi %get3A_1112, %sub3A_1120 : vector<16xi32>
        %lt3A_1122 = vector.broadcast %scan3A_600 : i32 to vector<16xi32>
        %lt3A_1123 = arith.cmpi ult, %sub3A_1121, %lt3A_1122 : vector<16xi32>
        %shift_left3A = arith.constant 12 : i32
        %shift_left3A_1124 = vector.broadcast %shift_left3A : i32 to vector<16xi32>
        %shift_left3A_1125 = arith.shli %sub3A_1121, %shift_left3A_1124 : vector<16xi32>
        %or3A = arith.ori %shift_left3A_1125, %get3A_1114 : vector<16xi32>
        %convert_element_type3A = arith.extui %lt3A_1123 : vector<16xi1> to vector<16xi32>
        %broadcast_in_dim3A_1126 = arith.constant true
        %broadcast_in_dim3A_1127 = vector.broadcast %broadcast_in_dim3A_1126 : i1 to vector<16xi1>
        %masked_cumsum3A = tpu.scan <sum>, %convert_element_type3A masked %broadcast_in_dim3A_1127 : vector<16xi32>, vector<16xi1> -> vector<16xi32>
        %add3A_1128 = vector.broadcast %scan3A_1108 : i32 to vector<16xi32>
        %add3A_1129 = arith.addi %add3A_1128, %masked_cumsum3A : vector<16xi32>
        %sub3A_1130 = arith.constant 1 : i32
        %sub3A_1131 = vector.broadcast %sub3A_1130 : i32 to vector<16xi32>
        %sub3A_1132 = arith.subi %add3A_1129, %sub3A_1131 : vector<16xi32>
        tpu.vector_store_idx %arg9[%sub3A_1132], %or3A masked %lt3A_1123 : memref<4256xi32, #tpu.memory_space<vmem>>[vector<16xi32>], vector<16xi32>, vector<16xi1>
        tpu.vector_store_idx %arg10[%sub3A_1132], %mul3A_1119 masked %lt3A_1123 : memref<4256xf32, #tpu.memory_space<vmem>>[vector<16xi32>], vector<16xf32>, vector<16xi1>
        %convert_element_type3A_1133 = arith.extui %lt3A_1123 : vector<16xi1> to vector<16xi32>
        %reduce_sum3A = arith.constant true
        %reduce_sum3A_1134 = vector.broadcast %reduce_sum3A : i1 to vector<16xi1>
        %reduce_sum3A_1135 = tpu.scan <sum>, %convert_element_type3A_1133 masked %reduce_sum3A_1134 : vector<16xi32>, vector<16xi1> -> vector<16xi32>
        %reduce_sum3A_1136 = vector.extract %reduce_sum3A_1135[15] : i32 from vector<16xi32>
        %add3A_1137 = arith.addi %scan3A_1108, %reduce_sum3A_1136 : i32
        %sub3A_1138 = vector.broadcast %add3A_599 : i32 to vector<16xi32>
        %sub3A_1139 = arith.subi %get3A_1114, %sub3A_1138 : vector<16xi32>
        %lt3A_1140 = vector.broadcast %scan3A_600 : i32 to vector<16xi32>
        %lt3A_1141 = arith.cmpi ult, %sub3A_1139, %lt3A_1140 : vector<16xi32>
        %shift_left3A_1142 = arith.constant 12 : i32
        %shift_left3A_1143 = vector.broadcast %shift_left3A_1142 : i32 to vector<16xi32>
        %shift_left3A_1144 = arith.shli %sub3A_1139, %shift_left3A_1143 : vector<16xi32>
        %or3A_1145 = arith.ori %shift_left3A_1144, %get3A_1112 : vector<16xi32>
        %convert_element_type3A_1146 = arith.extui %lt3A_1141 : vector<16xi1> to vector<16xi32>
        %broadcast_in_dim3A_1147 = arith.constant true
        %broadcast_in_dim3A_1148 = vector.broadcast %broadcast_in_dim3A_1147 : i1 to vector<16xi1>
        %masked_cumsum3A_1149 = tpu.scan <sum>, %convert_element_type3A_1146 masked %broadcast_in_dim3A_1148 : vector<16xi32>, vector<16xi1> -> vector<16xi32>
        %add3A_1150 = vector.broadcast %add3A_1137 : i32 to vector<16xi32>
        %add3A_1151 = arith.addi %add3A_1150, %masked_cumsum3A_1149 : vector<16xi32>
        %sub3A_1152 = arith.constant 1 : i32
        %sub3A_1153 = vector.broadcast %sub3A_1152 : i32 to vector<16xi32>
        %sub3A_1154 = arith.subi %add3A_1151, %sub3A_1153 : vector<16xi32>
        tpu.vector_store_idx %arg9[%sub3A_1154], %or3A_1145 masked %lt3A_1141 : memref<4256xi32, #tpu.memory_space<vmem>>[vector<16xi32>], vector<16xi32>, vector<16xi1>
        tpu.vector_store_idx %arg10[%sub3A_1154], %mul3A_1119 masked %lt3A_1141 : memref<4256xf32, #tpu.memory_space<vmem>>[vector<16xi32>], vector<16xf32>, vector<16xi1>
        %convert_element_type3A_1155 = arith.extui %lt3A_1141 : vector<16xi1> to vector<16xi32>
        %reduce_sum3A_1156 = arith.constant true
        %reduce_sum3A_1157 = vector.broadcast %reduce_sum3A_1156 : i1 to vector<16xi1>
        %reduce_sum3A_1158 = tpu.scan <sum>, %convert_element_type3A_1155 masked %reduce_sum3A_1157 : vector<16xi32>, vector<16xi1> -> vector<16xi32>
        %reduce_sum3A_1159 = vector.extract %reduce_sum3A_1158[15] : i32 from vector<16xi32>
        %add3A_1160 = arith.addi %add3A_1137, %reduce_sum3A_1159 : i32
        scf.yield %add3A_1160 : i32
      }
      %scan3A_978 = arith.constant 128 : i32
      %jit3A_979 = arith.constant 128 : i32
      %div3A = arith.divsi %scan3A_977, %jit3A_979 : i32
      %sign3A = arith.constant 0 : i32
      %sign3A_980 = arith.cmpi sgt, %scan3A_977, %sign3A : i32
      %sign3A_981 = arith.extui %sign3A_980 : i1 to i32
      %sign3A_982 = arith.constant 0 : i32
      %sign3A_983 = arith.cmpi slt, %scan3A_977, %sign3A_982 : i32
      %sign3A_984 = arith.extui %sign3A_983 : i1 to i32
      %sign3A_985 = arith.subi %sign3A_981, %sign3A_984 : i32
      %sign3A_986 = arith.constant 0 : i32
      %sign3A_987 = arith.cmpi sgt, %jit3A_979, %sign3A_986 : i32
      %sign3A_988 = arith.extui %sign3A_987 : i1 to i32
      %sign3A_989 = arith.constant 0 : i32
      %sign3A_990 = arith.cmpi slt, %jit3A_979, %sign3A_989 : i32
      %sign3A_991 = arith.extui %sign3A_990 : i1 to i32
      %sign3A_992 = arith.subi %sign3A_988, %sign3A_991 : i32
      %ne3A = arith.cmpi ne, %sign3A_985, %sign3A_992 : i32
      %rem3A = arith.remsi %scan3A_977, %jit3A_979 : i32
      %ne3A_993 = arith.constant 0 : i32
      %ne3A_994 = arith.cmpi ne, %rem3A, %ne3A_993 : i32
      %and3A = arith.andi %ne3A, %ne3A_994 : i1
      %sub3A = arith.constant 1 : i32
      %sub3A_995 = arith.subi %div3A, %sub3A : i32
      %select_n3A_996 = arith.select %and3A, %sub3A_995, %div3A : i32
      %while3A = arith.constant 0 : i32
      %while3A_997 = arith.constant 0 : i32
      %while3A_998 = arith.subi %select_n3A_996, %while3A : i32
      %while3A_999 = arith.addi %while3A, %while3A_998 : i32
      %while3A_1000 = arith.constant 1 : i32
      %while3A_1001 = arith.divsi %while3A_998, %while3A_1000 : i32
      %while3A_1002 = arith.muli %while3A_1001, %while3A_1000 : i32
      %while3A_1003 = arith.addi %while3A, %while3A_1002 : i32
      %while3A_1004 = arith.constant 1 : i32
      %while3A_1005 = scf.for %while3A_1107 = %while3A to %while3A_1003 step %while3A_1004 iter_args(%while3A_1108 = %while3A_997) -> (i32)  : i32 {
        %mul3A_1109 = arith.constant 128 : i32
        %mul3A_1110 = arith.muli %while3A_1107, %mul3A_1109 : i32
        %add3A_1111 = arith.constant 0 : i32
        %add3A_1112 = arith.addi %mul3A_1110, %add3A_1111 : i32
        %get3A_1113 = arith.index_cast %add3A_1112 : i32 to index
        %get3A_1114 = tpu.vector_load %arg9[%get3A_1113] {strides = array<i32>} : memref<4256xi32, #tpu.memory_space<vmem>>, vector<16xi32>,
        %swap3A_1115 = arith.constant 0 : i32
        %swap3A_1116 = arith.index_cast %swap3A_1115 : i32 to index
        %swap3A_1117 = arith.constant 0 : index
        %swap3A_1118 = tpu.vector_load %arg11[%swap3A_1116, %swap3A_1117] {strides = array<i32>} : memref<1x128xi32, #tpu.memory_space<vmem>>, vector<16xi32>,
        tpu.vector_store %arg11[%swap3A_1116, %swap3A_1117], %get3A_1114 {strides = array<i32>} : memref<1x128xi32, #tpu.memory_space<vmem>>, vector<16xi32>,
        %get3A_1119 = arith.index_cast %add3A_1112 : i32 to index
        %get3A_1120 = tpu.vector_load %arg10[%get3A_1119] {strides = array<i32>} : memref<4256xf32, #tpu.memory_space<vmem>>, vector<16xf32>,
        %swap3A_1121 = arith.constant 0 : i32
        %swap3A_1122 = arith.index_cast %swap3A_1121 : i32 to index
        %swap3A_1123 = arith.constant 0 : index
        %swap3A_1124 = tpu.vector_load %arg12[%swap3A_1122, %swap3A_1123] {strides = array<i32>} : memref<1x128xf32, #tpu.memory_space<vmem>>, vector<16xf32>,
        tpu.vector_store %arg12[%swap3A_1122, %swap3A_1123], %get3A_1120 {strides = array<i32>} : memref<1x128xf32, #tpu.memory_space<vmem>>, vector<16xf32>,
        %add3A_1125 = arith.constant 16 : i32
        %add3A_1126 = arith.addi %mul3A_1110, %add3A_1125 : i32
        %get3A_1127 = arith.index_cast %add3A_1126 : i32 to index
        %get3A_1128 = tpu.vector_load %arg9[%get3A_1127] {strides = array<i32>} : memref<4256xi32, #tpu.memory_space<vmem>>, vector<16xi32>,
        %swap3A_1129 = arith.constant 0 : i32
        %swap3A_1130 = arith.index_cast %swap3A_1129 : i32 to index
        %swap3A_1131 = arith.constant 16 : index
        %swap3A_1132 = tpu.vector_load %arg11[%swap3A_1130, %swap3A_1131] {strides = array<i32>} : memref<1x128xi32, #tpu.memory_space<vmem>>, vector<16xi32>,
        tpu.vector_store %arg11[%swap3A_1130, %swap3A_1131], %get3A_1128 {strides = array<i32>} : memref<1x128xi32, #tpu.memory_space<vmem>>, vector<16xi32>,
        %get3A_1133 = arith.index_cast %add3A_1126 : i32 to index
        %get3A_1134 = tpu.vector_load %arg10[%get3A_1133] {strides = array<i32>} : memref<4256xf32, #tpu.memory_space<vmem>>, vector<16xf32>,
        %swap3A_1135 = arith.constant 0 : i32
        %swap3A_1136 = arith.index_cast %swap3A_1135 : i32 to index
        %swap3A_1137 = arith.constant 16 : index
        %swap3A_1138 = tpu.vector_load %arg12[%swap3A_1136, %swap3A_1137] {strides = array<i32>} : memref<1x128xf32, #tpu.memory_space<vmem>>, vector<16xf32>,
        tpu.vector_store %arg12[%swap3A_1136, %swap3A_1137], %get3A_1134 {strides = array<i32>} : memref<1x128xf32, #tpu.memory_space<vmem>>, vector<16xf32>,
        %add3A_1139 = arith.constant 32 : i32
        %add3A_1140 = arith.addi %mul3A_1110, %add3A_1139 : i32
        %get3A_1141 = arith.index_cast %add3A_1140 : i32 to index
        %get3A_1142 = tpu.vector_load %arg9[%get3A_1141] {strides = array<i32>} : memref<4256xi32, #tpu.memory_space<vmem>>, vector<16xi32>,
        %swap3A_1143 = arith.constant 0 : i32
        %swap3A_1144 = arith.index_cast %swap3A_1143 : i32 to index
        %swap3A_1145 = arith.constant 32 : index
        %swap3A_1146 = tpu.vector_load %arg11[%swap3A_1144, %swap3A_1145] {strides = array<i32>} : memref<1x128xi32, #tpu.memory_space<vmem>>, vector<16xi32>,
        tpu.vector_store %arg11[%swap3A_1144, %swap3A_1145], %get3A_1142 {strides = array<i32>} : memref<1x128xi32, #tpu.memory_space<vmem>>, vector<16xi32>,
        %get3A_1147 = arith.index_cast %add3A_1140 : i32 to index
        %get3A_1148 = tpu.vector_load %arg10[%get3A_1147] {strides = array<i32>} : memref<4256xf32, #tpu.memory_space<vmem>>, vector<16xf32>,
        %swap3A_1149 = arith.constant 0 : i32
        %swap3A_1150 = arith.index_cast %swap3A_1149 : i32 to index
        %swap3A_1151 = arith.constant 32 : index
        %swap3A_1152 = tpu.vector_load %arg12[%swap3A_1150, %swap3A_1151] {strides = array<i32>} : memref<1x128xf32, #tpu.memory_space<vmem>>, vector<16xf32>,
        tpu.vector_store %arg12[%swap3A_1150, %swap3A_1151], %get3A_1148 {strides = array<i32>} : memref<1x128xf32, #tpu.memory_space<vmem>>, vector<16xf32>,
        %add3A_1153 = arith.constant 48 : i32
        %add3A_1154 = arith.addi %mul3A_1110, %add3A_1153 : i32
        %get3A_1155 = arith.index_cast %add3A_1154 : i32 to index
        %get3A_1156 = tpu.vector_load %arg9[%get3A_1155] {strides = array<i32>} : memref<4256xi32, #tpu.memory_space<vmem>>, vector<16xi32>,
        %swap3A_1157 = arith.constant 0 : i32
        %swap3A_1158 = arith.index_cast %swap3A_1157 : i32 to index
        %swap3A_1159 = arith.constant 48 : index
        %swap3A_1160 = tpu.vector_load %arg11[%swap3A_1158, %swap3A_1159] {strides = array<i32>} : memref<1x128xi32, #tpu.memory_space<vmem>>, vector<16xi32>,
        tpu.vector_store %arg11[%swap3A_1158, %swap3A_1159], %get3A_1156 {strides = array<i32>} : memref<1x128xi32, #tpu.memory_space<vmem>>, vector<16xi32>,
        %get3A_1161 = arith.index_cast %add3A_1154 : i32 to index
        %get3A_1162 = tpu.vector_load %arg10[%get3A_1161] {strides = array<i32>} : memref<4256xf32, #tpu.memory_space<vmem>>, vector<16xf32>,
        %swap3A_1163 = arith.constant 0 : i32
        %swap3A_1164 = arith.index_cast %swap3A_1163 : i32 to index
        %swap3A_1165 = arith.constant 48 : index
        %swap3A_1166 = tpu.vector_load %arg12[%swap3A_1164, %swap3A_1165] {strides = array<i32>} : memref<1x128xf32, #tpu.memory_space<vmem>>, vector<16xf32>,
        tpu.vector_store %arg12[%swap3A_1164, %swap3A_1165], %get3A_1162 {strides = array<i32>} : memref<1x128xf32, #tpu.memory_space<vmem>>, vector<16xf32>,
        %add3A_1167 = arith.constant 64 : i32
        %add3A_1168 = arith.addi %mul3A_1110, %add3A_1167 : i32
        %get3A_1169 = arith.index_cast %add3A_1168 : i32 to index
        %get3A_1170 = tpu.vector_load %arg9[%get3A_1169] {strides = array<i32>} : memref<4256xi32, #tpu.memory_space<vmem>>, vector<16xi32>,
        %swap3A_1171 = arith.constant 0 : i32
        %swap3A_1172 = arith.index_cast %swap3A_1171 : i32 to index
        %swap3A_1173 = arith.constant 64 : index
        %swap3A_1174 = tpu.vector_load %arg11[%swap3A_1172, %swap3A_1173] {strides = array<i32>} : memref<1x128xi32, #tpu.memory_space<vmem>>, vector<16xi32>,
        tpu.vector_store %arg11[%swap3A_1172, %swap3A_1173], %get3A_1170 {strides = array<i32>} : memref<1x128xi32, #tpu.memory_space<vmem>>, vector<16xi32>,
        %get3A_1175 = arith.index_cast %add3A_1168 : i32 to index
        %get3A_1176 = tpu.vector_load %arg10[%get3A_1175] {strides = array<i32>} : memref<4256xf32, #tpu.memory_space<vmem>>, vector<16xf32>,
        %swap3A_1177 = arith.constant 0 : i32
        %swap3A_1178 = arith.index_cast %swap3A_1177 : i32 to index
        %swap3A_1179 = arith.constant 64 : index
        %swap3A_1180 = tpu.vector_load %arg12[%swap3A_1178, %swap3A_1179] {strides = array<i32>} : memref<1x128xf32, #tpu.memory_space<vmem>>, vector<16xf32>,
        tpu.vector_store %arg12[%swap3A_1178, %swap3A_1179], %get3A_1176 {strides = array<i32>} : memref<1x128xf32, #tpu.memory_space<vmem>>, vector<16xf32>,
        %add3A_1181 = arith.constant 80 : i32
        %add3A_1182 = arith.addi %mul3A_1110, %add3A_1181 : i32
        %get3A_1183 = arith.index_cast %add3A_1182 : i32 to index
        %get3A_1184 = tpu.vector_load %arg9[%get3A_1183] {strides = array<i32>} : memref<4256xi32, #tpu.memory_space<vmem>>, vector<16xi32>,
        %swap3A_1185 = arith.constant 0 : i32
        %swap3A_1186 = arith.index_cast %swap3A_1185 : i32 to index
        %swap3A_1187 = arith.constant 80 : index
        %swap3A_1188 = tpu.vector_load %arg11[%swap3A_1186, %swap3A_1187] {strides = array<i32>} : memref<1x128xi32, #tpu.memory_space<vmem>>, vector<16xi32>,
        tpu.vector_store %arg11[%swap3A_1186, %swap3A_1187], %get3A_1184 {strides = array<i32>} : memref<1x128xi32, #tpu.memory_space<vmem>>, vector<16xi32>,
        %get3A_1189 = arith.index_cast %add3A_1182 : i32 to index
        %get3A_1190 = tpu.vector_load %arg10[%get3A_1189] {strides = array<i32>} : memref<4256xf32, #tpu.memory_space<vmem>>, vector<16xf32>,
        %swap3A_1191 = arith.constant 0 : i32
        %swap3A_1192 = arith.index_cast %swap3A_1191 : i32 to index
        %swap3A_1193 = arith.constant 80 : index
        %swap3A_1194 = tpu.vector_load %arg12[%swap3A_1192, %swap3A_1193] {strides = array<i32>} : memref<1x128xf32, #tpu.memory_space<vmem>>, vector<16xf32>,
        tpu.vector_store %arg12[%swap3A_1192, %swap3A_1193], %get3A_1190 {strides = array<i32>} : memref<1x128xf32, #tpu.memory_space<vmem>>, vector<16xf32>,
        %add3A_1195 = arith.constant 96 : i32
        %add3A_1196 = arith.addi %mul3A_1110, %add3A_1195 : i32
        %get3A_1197 = arith.index_cast %add3A_1196 : i32 to index
        %get3A_1198 = tpu.vector_load %arg9[%get3A_1197] {strides = array<i32>} : memref<4256xi32, #tpu.memory_space<vmem>>, vector<16xi32>,
        %swap3A_1199 = arith.constant 0 : i32
        %swap3A_1200 = arith.index_cast %swap3A_1199 : i32 to index
        %swap3A_1201 = arith.constant 96 : index
        %swap3A_1202 = tpu.vector_load %arg11[%swap3A_1200, %swap3A_1201] {strides = array<i32>} : memref<1x128xi32, #tpu.memory_space<vmem>>, vector<16xi32>,
        tpu.vector_store %arg11[%swap3A_1200, %swap3A_1201], %get3A_1198 {strides = array<i32>} : memref<1x128xi32, #tpu.memory_space<vmem>>, vector<16xi32>,
        %get3A_1203 = arith.index_cast %add3A_1196 : i32 to index
        %get3A_1204 = tpu.vector_load %arg10[%get3A_1203] {strides = array<i32>} : memref<4256xf32, #tpu.memory_space<vmem>>, vector<16xf32>,
        %swap3A_1205 = arith.constant 0 : i32
        %swap3A_1206 = arith.index_cast %swap3A_1205 : i32 to index
        %swap3A_1207 = arith.constant 96 : index
        %swap3A_1208 = tpu.vector_load %arg12[%swap3A_1206, %swap3A_1207] {strides = array<i32>} : memref<1x128xf32, #tpu.memory_space<vmem>>, vector<16xf32>,
        tpu.vector_store %arg12[%swap3A_1206, %swap3A_1207], %get3A_1204 {strides = array<i32>} : memref<1x128xf32, #tpu.memory_space<vmem>>, vector<16xf32>,
        %add3A_1209 = arith.constant 112 : i32
        %add3A_1210 = arith.addi %mul3A_1110, %add3A_1209 : i32
        %get3A_1211 = arith.index_cast %add3A_1210 : i32 to index
        %get3A_1212 = tpu.vector_load %arg9[%get3A_1211] {strides = array<i32>} : memref<4256xi32, #tpu.memory_space<vmem>>, vector<16xi32>,
        %swap3A_1213 = arith.constant 0 : i32
        %swap3A_1214 = arith.index_cast %swap3A_1213 : i32 to index
        %swap3A_1215 = arith.constant 112 : index
        %swap3A_1216 = tpu.vector_load %arg11[%swap3A_1214, %swap3A_1215] {strides = array<i32>} : memref<1x128xi32, #tpu.memory_space<vmem>>, vector<16xi32>,
        tpu.vector_store %arg11[%swap3A_1214, %swap3A_1215], %get3A_1212 {strides = array<i32>} : memref<1x128xi32, #tpu.memory_space<vmem>>, vector<16xi32>,
        %get3A_1217 = arith.index_cast %add3A_1210 : i32 to index
        %get3A_1218 = tpu.vector_load %arg10[%get3A_1217] {strides = array<i32>} : memref<4256xf32, #tpu.memory_space<vmem>>, vector<16xf32>,
        %swap3A_1219 = arith.constant 0 : i32
        %swap3A_1220 = arith.index_cast %swap3A_1219 : i32 to index
        %swap3A_1221 = arith.constant 112 : index
        %swap3A_1222 = tpu.vector_load %arg12[%swap3A_1220, %swap3A_1221] {strides = array<i32>} : memref<1x128xf32, #tpu.memory_space<vmem>>, vector<16xf32>,
        tpu.vector_store %arg12[%swap3A_1220, %swap3A_1221], %get3A_1218 {strides = array<i32>} : memref<1x128xf32, #tpu.memory_space<vmem>>, vector<16xf32>,
        %run_scoped3A_1223 = arith.constant 0 : i32
        %run_scoped3A_1224 = arith.constant 0 : i32
        "tpu.region"() ({
          %run_scoped3A_1226 = tpu.sem_alloc : memref<!tpu.dma_semaphore, #tpu.memory_space<semaphore_mem>>
          %dma_start3A = arith.constant 0 : i32
          %dma_start3A_1227 = tpu.memref_slice %arg12[%run_scoped3A_1223, %dma_start3A] : memref<1x128xf32, #tpu.memory_space<vmem>> -> memref<1x128xf32, #tpu.memory_space<vmem>>
          %dma_start3A_1228 = tpu.memref_squeeze %dma_start3A_1227 : memref<1x128xf32, #tpu.memory_space<vmem>> -> memref<128xf32, #tpu.memory_space<vmem>>
          %dma_start3A_1229 = arith.constant 0 : i32
          %dma_start3A_1230 = tpu.memref_slice %arg11[%run_scoped3A_1224, %dma_start3A_1229] : memref<1x128xi32, #tpu.memory_space<vmem>> -> memref<1x128xi32, #tpu.memory_space<vmem>>
          %dma_start3A_1231 = tpu.memref_squeeze %dma_start3A_1230 : memref<1x128xi32, #tpu.memory_space<vmem>> -> memref<128xi32, #tpu.memory_space<vmem>>
          %dma_start3A_1232 = arith.constant 0 : i32
          %dma_start3A_1233 = tpu.memref_slice %arg14[%dma_start3A_1232] : memref<1802240xf32, #tpu.memory_space<vmem_shared>> -> memref<1802240xf32, #tpu.memory_space<vmem_shared>>
          tpu.enqueue_indirect_dma source(%dma_start3A_1228 : memref<128xf32, #tpu.memory_space<vmem>>) target(%dma_start3A_1233 : memref<1802240xf32, #tpu.memory_space<vmem_shared>>) offsets(%dma_start3A_1231 : memref<128xi32, #tpu.memory_space<vmem>>) semaphore(%run_scoped3A_1226 : memref<!tpu.dma_semaphore, #tpu.memory_space<semaphore_mem>>) {add = true}
          %dma_wait3A = arith.constant 0 : i32
          %dma_wait3A_1234 = tpu.memref_slice %arg12[%run_scoped3A_1223, %dma_wait3A] : memref<1x128xf32, #tpu.memory_space<vmem>> -> memref<1x128xf32, #tpu.memory_space<vmem>>
          %dma_wait3A_1235 = tpu.memref_squeeze %dma_wait3A_1234 : memref<1x128xf32, #tpu.memory_space<vmem>> -> memref<128xf32, #tpu.memory_space<vmem>>
          %dma_wait3A_1236 = arith.constant 0 : i32
          %dma_wait3A_1237 = tpu.memref_slice %arg11[%run_scoped3A_1224, %dma_wait3A_1236] : memref<1x128xi32, #tpu.memory_space<vmem>> -> memref<1x128xi32, #tpu.memory_space<vmem>>
          %dma_wait3A_1238 = tpu.memref_squeeze %dma_wait3A_1237 : memref<1x128xi32, #tpu.memory_space<vmem>> -> memref<128xi32, #tpu.memory_space<vmem>>
          %dma_wait3A_1239 = arith.constant 0 : i32
          %dma_wait3A_1240 = tpu.memref_slice %arg14[%dma_wait3A_1239] : memref<1802240xf32, #tpu.memory_space<vmem_shared>> -> memref<1802240xf32, #tpu.memory_space<vmem_shared>>
          tpu.wait_indirect_dma semaphore(%run_scoped3A_1226 : memref<!tpu.dma_semaphore, #tpu.memory_space<semaphore_mem>>) src(%dma_wait3A_1235 : memref<128xf32, #tpu.memory_space<vmem>>) dst(%dma_wait3A_1240 : memref<1802240xf32, #tpu.memory_space<vmem_shared>>)
          tpu.yield
        }) : () -> ()
        %while3A_1225 = arith.constant 0 : i32
        scf.yield %while3A_1225 : i32
      }
      %while3A_1006 = arith.constant 1 : i32
      %while3A_1007 = scf.for %while3A_1107 = %while3A_1003 to %while3A_999 step %while3A_1006 iter_args(%while3A_1108 = %while3A_1005) -> (i32)  : i32 {
        %mul3A_1109 = arith.constant 128 : i32
        %mul3A_1110 = arith.muli %while3A_1107, %mul3A_1109 : i32
        %add3A_1111 = arith.constant 0 : i32
        %add3A_1112 = arith.addi %mul3A_1110, %add3A_1111 : i32
        %get3A_1113 = arith.index_cast %add3A_1112 : i32 to index
        %get3A_1114 = tpu.vector_load %arg9[%get3A_1113] {strides = array<i32>} : memref<4256xi32, #tpu.memory_space<vmem>>, vector<16xi32>,
        %swap3A_1115 = arith.constant 0 : i32
        %swap3A_1116 = arith.index_cast %swap3A_1115 : i32 to index
        %swap3A_1117 = arith.constant 0 : index
        %swap3A_1118 = tpu.vector_load %arg11[%swap3A_1116, %swap3A_1117] {strides = array<i32>} : memref<1x128xi32, #tpu.memory_space<vmem>>, vector<16xi32>,
        tpu.vector_store %arg11[%swap3A_1116, %swap3A_1117], %get3A_1114 {strides = array<i32>} : memref<1x128xi32, #tpu.memory_space<vmem>>, vector<16xi32>,
        %get3A_1119 = arith.index_cast %add3A_1112 : i32 to index
        %get3A_1120 = tpu.vector_load %arg10[%get3A_1119] {strides = array<i32>} : memref<4256xf32, #tpu.memory_space<vmem>>, vector<16xf32>,
        %swap3A_1121 = arith.constant 0 : i32
        %swap3A_1122 = arith.index_cast %swap3A_1121 : i32 to index
        %swap3A_1123 = arith.constant 0 : index
        %swap3A_1124 = tpu.vector_load %arg12[%swap3A_1122, %swap3A_1123] {strides = array<i32>} : memref<1x128xf32, #tpu.memory_space<vmem>>, vector<16xf32>,
        tpu.vector_store %arg12[%swap3A_1122, %swap3A_1123], %get3A_1120 {strides = array<i32>} : memref<1x128xf32, #tpu.memory_space<vmem>>, vector<16xf32>,
        %add3A_1125 = arith.constant 16 : i32
        %add3A_1126 = arith.addi %mul3A_1110, %add3A_1125 : i32
        %get3A_1127 = arith.index_cast %add3A_1126 : i32 to index
        %get3A_1128 = tpu.vector_load %arg9[%get3A_1127] {strides = array<i32>} : memref<4256xi32, #tpu.memory_space<vmem>>, vector<16xi32>,
        %swap3A_1129 = arith.constant 0 : i32
        %swap3A_1130 = arith.index_cast %swap3A_1129 : i32 to index
        %swap3A_1131 = arith.constant 16 : index
        %swap3A_1132 = tpu.vector_load %arg11[%swap3A_1130, %swap3A_1131] {strides = array<i32>} : memref<1x128xi32, #tpu.memory_space<vmem>>, vector<16xi32>,
        tpu.vector_store %arg11[%swap3A_1130, %swap3A_1131], %get3A_1128 {strides = array<i32>} : memref<1x128xi32, #tpu.memory_space<vmem>>, vector<16xi32>,
        %get3A_1133 = arith.index_cast %add3A_1126 : i32 to index
        %get3A_1134 = tpu.vector_load %arg10[%get3A_1133] {strides = array<i32>} : memref<4256xf32, #tpu.memory_space<vmem>>, vector<16xf32>,
        %swap3A_1135 = arith.constant 0 : i32
        %swap3A_1136 = arith.index_cast %swap3A_1135 : i32 to index
        %swap3A_1137 = arith.constant 16 : index
        %swap3A_1138 = tpu.vector_load %arg12[%swap3A_1136, %swap3A_1137] {strides = array<i32>} : memref<1x128xf32, #tpu.memory_space<vmem>>, vector<16xf32>,
        tpu.vector_store %arg12[%swap3A_1136, %swap3A_1137], %get3A_1134 {strides = array<i32>} : memref<1x128xf32, #tpu.memory_space<vmem>>, vector<16xf32>,
        %add3A_1139 = arith.constant 32 : i32
        %add3A_1140 = arith.addi %mul3A_1110, %add3A_1139 : i32
        %get3A_1141 = arith.index_cast %add3A_1140 : i32 to index
        %get3A_1142 = tpu.vector_load %arg9[%get3A_1141] {strides = array<i32>} : memref<4256xi32, #tpu.memory_space<vmem>>, vector<16xi32>,
        %swap3A_1143 = arith.constant 0 : i32
        %swap3A_1144 = arith.index_cast %swap3A_1143 : i32 to index
        %swap3A_1145 = arith.constant 32 : index
        %swap3A_1146 = tpu.vector_load %arg11[%swap3A_1144, %swap3A_1145] {strides = array<i32>} : memref<1x128xi32, #tpu.memory_space<vmem>>, vector<16xi32>,
        tpu.vector_store %arg11[%swap3A_1144, %swap3A_1145], %get3A_1142 {strides = array<i32>} : memref<1x128xi32, #tpu.memory_space<vmem>>, vector<16xi32>,
        %get3A_1147 = arith.index_cast %add3A_1140 : i32 to index
        %get3A_1148 = tpu.vector_load %arg10[%get3A_1147] {strides = array<i32>} : memref<4256xf32, #tpu.memory_space<vmem>>, vector<16xf32>,
        %swap3A_1149 = arith.constant 0 : i32
        %swap3A_1150 = arith.index_cast %swap3A_1149 : i32 to index
        %swap3A_1151 = arith.constant 32 : index
        %swap3A_1152 = tpu.vector_load %arg12[%swap3A_1150, %swap3A_1151] {strides = array<i32>} : memref<1x128xf32, #tpu.memory_space<vmem>>, vector<16xf32>,
        tpu.vector_store %arg12[%swap3A_1150, %swap3A_1151], %get3A_1148 {strides = array<i32>} : memref<1x128xf32, #tpu.memory_space<vmem>>, vector<16xf32>,
        %add3A_1153 = arith.constant 48 : i32
        %add3A_1154 = arith.addi %mul3A_1110, %add3A_1153 : i32
        %get3A_1155 = arith.index_cast %add3A_1154 : i32 to index
        %get3A_1156 = tpu.vector_load %arg9[%get3A_1155] {strides = array<i32>} : memref<4256xi32, #tpu.memory_space<vmem>>, vector<16xi32>,
        %swap3A_1157 = arith.constant 0 : i32
        %swap3A_1158 = arith.index_cast %swap3A_1157 : i32 to index
        %swap3A_1159 = arith.constant 48 : index
        %swap3A_1160 = tpu.vector_load %arg11[%swap3A_1158, %swap3A_1159] {strides = array<i32>} : memref<1x128xi32, #tpu.memory_space<vmem>>, vector<16xi32>,
        tpu.vector_store %arg11[%swap3A_1158, %swap3A_1159], %get3A_1156 {strides = array<i32>} : memref<1x128xi32, #tpu.memory_space<vmem>>, vector<16xi32>,
        %get3A_1161 = arith.index_cast %add3A_1154 : i32 to index
        %get3A_1162 = tpu.vector_load %arg10[%get3A_1161] {strides = array<i32>} : memref<4256xf32, #tpu.memory_space<vmem>>, vector<16xf32>,
        %swap3A_1163 = arith.constant 0 : i32
        %swap3A_1164 = arith.index_cast %swap3A_1163 : i32 to index
        %swap3A_1165 = arith.constant 48 : index
        %swap3A_1166 = tpu.vector_load %arg12[%swap3A_1164, %swap3A_1165] {strides = array<i32>} : memref<1x128xf32, #tpu.memory_space<vmem>>, vector<16xf32>,
        tpu.vector_store %arg12[%swap3A_1164, %swap3A_1165], %get3A_1162 {strides = array<i32>} : memref<1x128xf32, #tpu.memory_space<vmem>>, vector<16xf32>,
        %add3A_1167 = arith.constant 64 : i32
        %add3A_1168 = arith.addi %mul3A_1110, %add3A_1167 : i32
        %get3A_1169 = arith.index_cast %add3A_1168 : i32 to index
        %get3A_1170 = tpu.vector_load %arg9[%get3A_1169] {strides = array<i32>} : memref<4256xi32, #tpu.memory_space<vmem>>, vector<16xi32>,
        %swap3A_1171 = arith.constant 0 : i32
        %swap3A_1172 = arith.index_cast %swap3A_1171 : i32 to index
        %swap3A_1173 = arith.constant 64 : index
        %swap3A_1174 = tpu.vector_load %arg11[%swap3A_1172, %swap3A_1173] {strides = array<i32>} : memref<1x128xi32, #tpu.memory_space<vmem>>, vector<16xi32>,
        tpu.vector_store %arg11[%swap3A_1172, %swap3A_1173], %get3A_1170 {strides = array<i32>} : memref<1x128xi32, #tpu.memory_space<vmem>>, vector<16xi32>,
        %get3A_1175 = arith.index_cast %add3A_1168 : i32 to index
        %get3A_1176 = tpu.vector_load %arg10[%get3A_1175] {strides = array<i32>} : memref<4256xf32, #tpu.memory_space<vmem>>, vector<16xf32>,
        %swap3A_1177 = arith.constant 0 : i32
        %swap3A_1178 = arith.index_cast %swap3A_1177 : i32 to index
        %swap3A_1179 = arith.constant 64 : index
        %swap3A_1180 = tpu.vector_load %arg12[%swap3A_1178, %swap3A_1179] {strides = array<i32>} : memref<1x128xf32, #tpu.memory_space<vmem>>, vector<16xf32>,
        tpu.vector_store %arg12[%swap3A_1178, %swap3A_1179], %get3A_1176 {strides = array<i32>} : memref<1x128xf32, #tpu.memory_space<vmem>>, vector<16xf32>,
        %add3A_1181 = arith.constant 80 : i32
        %add3A_1182 = arith.addi %mul3A_1110, %add3A_1181 : i32
        %get3A_1183 = arith.index_cast %add3A_1182 : i32 to index
        %get3A_1184 = tpu.vector_load %arg9[%get3A_1183] {strides = array<i32>} : memref<4256xi32, #tpu.memory_space<vmem>>, vector<16xi32>,
        %swap3A_1185 = arith.constant 0 : i32
        %swap3A_1186 = arith.index_cast %swap3A_1185 : i32 to index
        %swap3A_1187 = arith.constant 80 : index
        %swap3A_1188 = tpu.vector_load %arg11[%swap3A_1186, %swap3A_1187] {strides = array<i32>} : memref<1x128xi32, #tpu.memory_space<vmem>>, vector<16xi32>,
        tpu.vector_store %arg11[%swap3A_1186, %swap3A_1187], %get3A_1184 {strides = array<i32>} : memref<1x128xi32, #tpu.memory_space<vmem>>, vector<16xi32>,
        %get3A_1189 = arith.index_cast %add3A_1182 : i32 to index
        %get3A_1190 = tpu.vector_load %arg10[%get3A_1189] {strides = array<i32>} : memref<4256xf32, #tpu.memory_space<vmem>>, vector<16xf32>,
        %swap3A_1191 = arith.constant 0 : i32
        %swap3A_1192 = arith.index_cast %swap3A_1191 : i32 to index
        %swap3A_1193 = arith.constant 80 : index
        %swap3A_1194 = tpu.vector_load %arg12[%swap3A_1192, %swap3A_1193] {strides = array<i32>} : memref<1x128xf32, #tpu.memory_space<vmem>>, vector<16xf32>,
        tpu.vector_store %arg12[%swap3A_1192, %swap3A_1193], %get3A_1190 {strides = array<i32>} : memref<1x128xf32, #tpu.memory_space<vmem>>, vector<16xf32>,
        %add3A_1195 = arith.constant 96 : i32
        %add3A_1196 = arith.addi %mul3A_1110, %add3A_1195 : i32
        %get3A_1197 = arith.index_cast %add3A_1196 : i32 to index
        %get3A_1198 = tpu.vector_load %arg9[%get3A_1197] {strides = array<i32>} : memref<4256xi32, #tpu.memory_space<vmem>>, vector<16xi32>,
        %swap3A_1199 = arith.constant 0 : i32
        %swap3A_1200 = arith.index_cast %swap3A_1199 : i32 to index
        %swap3A_1201 = arith.constant 96 : index
        %swap3A_1202 = tpu.vector_load %arg11[%swap3A_1200, %swap3A_1201] {strides = array<i32>} : memref<1x128xi32, #tpu.memory_space<vmem>>, vector<16xi32>,
        tpu.vector_store %arg11[%swap3A_1200, %swap3A_1201], %get3A_1198 {strides = array<i32>} : memref<1x128xi32, #tpu.memory_space<vmem>>, vector<16xi32>,
        %get3A_1203 = arith.index_cast %add3A_1196 : i32 to index
        %get3A_1204 = tpu.vector_load %arg10[%get3A_1203] {strides = array<i32>} : memref<4256xf32, #tpu.memory_space<vmem>>, vector<16xf32>,
        %swap3A_1205 = arith.constant 0 : i32
        %swap3A_1206 = arith.index_cast %swap3A_1205 : i32 to index
        %swap3A_1207 = arith.constant 96 : index
        %swap3A_1208 = tpu.vector_load %arg12[%swap3A_1206, %swap3A_1207] {strides = array<i32>} : memref<1x128xf32, #tpu.memory_space<vmem>>, vector<16xf32>,
        tpu.vector_store %arg12[%swap3A_1206, %swap3A_1207], %get3A_1204 {strides = array<i32>} : memref<1x128xf32, #tpu.memory_space<vmem>>, vector<16xf32>,
        %add3A_1209 = arith.constant 112 : i32
        %add3A_1210 = arith.addi %mul3A_1110, %add3A_1209 : i32
        %get3A_1211 = arith.index_cast %add3A_1210 : i32 to index
        %get3A_1212 = tpu.vector_load %arg9[%get3A_1211] {strides = array<i32>} : memref<4256xi32, #tpu.memory_space<vmem>>, vector<16xi32>,
        %swap3A_1213 = arith.constant 0 : i32
        %swap3A_1214 = arith.index_cast %swap3A_1213 : i32 to index
        %swap3A_1215 = arith.constant 112 : index
        %swap3A_1216 = tpu.vector_load %arg11[%swap3A_1214, %swap3A_1215] {strides = array<i32>} : memref<1x128xi32, #tpu.memory_space<vmem>>, vector<16xi32>,
        tpu.vector_store %arg11[%swap3A_1214, %swap3A_1215], %get3A_1212 {strides = array<i32>} : memref<1x128xi32, #tpu.memory_space<vmem>>, vector<16xi32>,
        %get3A_1217 = arith.index_cast %add3A_1210 : i32 to index
        %get3A_1218 = tpu.vector_load %arg10[%get3A_1217] {strides = array<i32>} : memref<4256xf32, #tpu.memory_space<vmem>>, vector<16xf32>,
        %swap3A_1219 = arith.constant 0 : i32
        %swap3A_1220 = arith.index_cast %swap3A_1219 : i32 to index
        %swap3A_1221 = arith.constant 112 : index
        %swap3A_1222 = tpu.vector_load %arg12[%swap3A_1220, %swap3A_1221] {strides = array<i32>} : memref<1x128xf32, #tpu.memory_space<vmem>>, vector<16xf32>,
        tpu.vector_store %arg12[%swap3A_1220, %swap3A_1221], %get3A_1218 {strides = array<i32>} : memref<1x128xf32, #tpu.memory_space<vmem>>, vector<16xf32>,
        %run_scoped3A_1223 = arith.constant 0 : i32
        %run_scoped3A_1224 = arith.constant 0 : i32
        "tpu.region"() ({
          %run_scoped3A_1226 = tpu.sem_alloc : memref<!tpu.dma_semaphore, #tpu.memory_space<semaphore_mem>>
          %dma_start3A = arith.constant 0 : i32
          %dma_start3A_1227 = tpu.memref_slice %arg12[%run_scoped3A_1223, %dma_start3A] : memref<1x128xf32, #tpu.memory_space<vmem>> -> memref<1x128xf32, #tpu.memory_space<vmem>>
          %dma_start3A_1228 = tpu.memref_squeeze %dma_start3A_1227 : memref<1x128xf32, #tpu.memory_space<vmem>> -> memref<128xf32, #tpu.memory_space<vmem>>
          %dma_start3A_1229 = arith.constant 0 : i32
          %dma_start3A_1230 = tpu.memref_slice %arg11[%run_scoped3A_1224, %dma_start3A_1229] : memref<1x128xi32, #tpu.memory_space<vmem>> -> memref<1x128xi32, #tpu.memory_space<vmem>>
          %dma_start3A_1231 = tpu.memref_squeeze %dma_start3A_1230 : memref<1x128xi32, #tpu.memory_space<vmem>> -> memref<128xi32, #tpu.memory_space<vmem>>
          %dma_start3A_1232 = arith.constant 0 : i32
          %dma_start3A_1233 = tpu.memref_slice %arg14[%dma_start3A_1232] : memref<1802240xf32, #tpu.memory_space<vmem_shared>> -> memref<1802240xf32, #tpu.memory_space<vmem_shared>>
          tpu.enqueue_indirect_dma source(%dma_start3A_1228 : memref<128xf32, #tpu.memory_space<vmem>>) target(%dma_start3A_1233 : memref<1802240xf32, #tpu.memory_space<vmem_shared>>) offsets(%dma_start3A_1231 : memref<128xi32, #tpu.memory_space<vmem>>) semaphore(%run_scoped3A_1226 : memref<!tpu.dma_semaphore, #tpu.memory_space<semaphore_mem>>) {add = true}
          %dma_wait3A = arith.constant 0 : i32
          %dma_wait3A_1234 = tpu.memref_slice %arg12[%run_scoped3A_1223, %dma_wait3A] : memref<1x128xf32, #tpu.memory_space<vmem>> -> memref<1x128xf32, #tpu.memory_space<vmem>>
          %dma_wait3A_1235 = tpu.memref_squeeze %dma_wait3A_1234 : memref<1x128xf32, #tpu.memory_space<vmem>> -> memref<128xf32, #tpu.memory_space<vmem>>
          %dma_wait3A_1236 = arith.constant 0 : i32
          %dma_wait3A_1237 = tpu.memref_slice %arg11[%run_scoped3A_1224, %dma_wait3A_1236] : memref<1x128xi32, #tpu.memory_space<vmem>> -> memref<1x128xi32, #tpu.memory_space<vmem>>
          %dma_wait3A_1238 = tpu.memref_squeeze %dma_wait3A_1237 : memref<1x128xi32, #tpu.memory_space<vmem>> -> memref<128xi32, #tpu.memory_space<vmem>>
          %dma_wait3A_1239 = arith.constant 0 : i32
          %dma_wait3A_1240 = tpu.memref_slice %arg14[%dma_wait3A_1239] : memref<1802240xf32, #tpu.memory_space<vmem_shared>> -> memref<1802240xf32, #tpu.memory_space<vmem_shared>>
          tpu.wait_indirect_dma semaphore(%run_scoped3A_1226 : memref<!tpu.dma_semaphore, #tpu.memory_space<semaphore_mem>>) src(%dma_wait3A_1235 : memref<128xf32, #tpu.memory_space<vmem>>) dst(%dma_wait3A_1240 : memref<1802240xf32, #tpu.memory_space<vmem_shared>>)
          tpu.yield
        }) : () -> ()
        %while3A_1225 = arith.constant 0 : i32
        scf.yield %while3A_1225 : i32
      }
      %mul3A_1008 = arith.constant 128 : i32
      %mul3A_1009 = arith.muli %select_n3A_996, %mul3A_1008 : i32
      %add3A_1010 = arith.constant 0 : i32
      %add3A_1011 = arith.addi %mul3A_1009, %add3A_1010 : i32
      %get3A_1012 = arith.index_cast %add3A_1011 : i32 to index
      %get3A_1013 = tpu.vector_load %arg9[%get3A_1012] {strides = array<i32>} : memref<4256xi32, #tpu.memory_space<vmem>>, vector<16xi32>,
      %add3A_1014 = arith.constant 0 : i32
      %add3A_1015 = arith.addi %mul3A_1009, %add3A_1014 : i32
      %get3A_1016 = arith.index_cast %add3A_1015 : i32 to index
      %get3A_1017 = tpu.vector_load %arg10[%get3A_1016] {strides = array<i32>} : memref<4256xf32, #tpu.memory_space<vmem>>, vector<16xf32>,
      %swap3A_1018 = arith.constant 0 : index
      %swap3A_1019 = tpu.vector_load %arg9[%swap3A_1018] {strides = array<i32>} : memref<4256xi32, #tpu.memory_space<vmem>>, vector<16xi32>,
      tpu.vector_store %arg9[%swap3A_1018], %get3A_1013 {strides = array<i32>} : memref<4256xi32, #tpu.memory_space<vmem>>, vector<16xi32>,
      %swap3A_1020 = arith.constant 0 : index
      %swap3A_1021 = tpu.vector_load %arg10[%swap3A_1020] {strides = array<i32>} : memref<4256xf32, #tpu.memory_space<vmem>>, vector<16xf32>,
      tpu.vector_store %arg10[%swap3A_1020], %get3A_1017 {strides = array<i32>} : memref<4256xf32, #tpu.memory_space<vmem>>, vector<16xf32>,
      %add3A_1022 = arith.constant 16 : i32
      %add3A_1023 = arith.addi %mul3A_1009, %add3A_1022 : i32
      %get3A_1024 = arith.index_cast %add3A_1023 : i32 to index
      %get3A_1025 = tpu.vector_load %arg9[%get3A_1024] {strides = array<i32>} : memref<4256xi32, #tpu.memory_space<vmem>>, vector<16xi32>,
      %add3A_1026 = arith.constant 16 : i32
      %add3A_1027 = arith.addi %mul3A_1009, %add3A_1026 : i32
      %get3A_1028 = arith.index_cast %add3A_1027 : i32 to index
      %get3A_1029 = tpu.vector_load %arg10[%get3A_1028] {strides = array<i32>} : memref<4256xf32, #tpu.memory_space<vmem>>, vector<16xf32>,
      %swap3A_1030 = arith.constant 16 : index
      %swap3A_1031 = tpu.vector_load %arg9[%swap3A_1030] {strides = array<i32>} : memref<4256xi32, #tpu.memory_space<vmem>>, vector<16xi32>,
      tpu.vector_store %arg9[%swap3A_1030], %get3A_1025 {strides = array<i32>} : memref<4256xi32, #tpu.memory_space<vmem>>, vector<16xi32>,
      %swap3A_1032 = arith.constant 16 : index
      %swap3A_1033 = tpu.vector_load %arg10[%swap3A_1032] {strides = array<i32>} : memref<4256xf32, #tpu.memory_space<vmem>>, vector<16xf32>,
      tpu.vector_store %arg10[%swap3A_1032], %get3A_1029 {strides = array<i32>} : memref<4256xf32, #tpu.memory_space<vmem>>, vector<16xf32>,
      %add3A_1034 = arith.constant 32 : i32
      %add3A_1035 = arith.addi %mul3A_1009, %add3A_1034 : i32
      %get3A_1036 = arith.index_cast %add3A_1035 : i32 to index
      %get3A_1037 = tpu.vector_load %arg9[%get3A_1036] {strides = array<i32>} : memref<4256xi32, #tpu.memory_space<vmem>>, vector<16xi32>,
      %add3A_1038 = arith.constant 32 : i32
      %add3A_1039 = arith.addi %mul3A_1009, %add3A_1038 : i32
      %get3A_1040 = arith.index_cast %add3A_1039 : i32 to index
      %get3A_1041 = tpu.vector_load %arg10[%get3A_1040] {strides = array<i32>} : memref<4256xf32, #tpu.memory_space<vmem>>, vector<16xf32>,
      %swap3A_1042 = arith.constant 32 : index
      %swap3A_1043 = tpu.vector_load %arg9[%swap3A_1042] {strides = array<i32>} : memref<4256xi32, #tpu.memory_space<vmem>>, vector<16xi32>,
      tpu.vector_store %arg9[%swap3A_1042], %get3A_1037 {strides = array<i32>} : memref<4256xi32, #tpu.memory_space<vmem>>, vector<16xi32>,
      %swap3A_1044 = arith.constant 32 : index
      %swap3A_1045 = tpu.vector_load %arg10[%swap3A_1044] {strides = array<i32>} : memref<4256xf32, #tpu.memory_space<vmem>>, vector<16xf32>,
      tpu.vector_store %arg10[%swap3A_1044], %get3A_1041 {strides = array<i32>} : memref<4256xf32, #tpu.memory_space<vmem>>, vector<16xf32>,
      %add3A_1046 = arith.constant 48 : i32
      %add3A_1047 = arith.addi %mul3A_1009, %add3A_1046 : i32
      %get3A_1048 = arith.index_cast %add3A_1047 : i32 to index
      %get3A_1049 = tpu.vector_load %arg9[%get3A_1048] {strides = array<i32>} : memref<4256xi32, #tpu.memory_space<vmem>>, vector<16xi32>,
      %add3A_1050 = arith.constant 48 : i32
      %add3A_1051 = arith.addi %mul3A_1009, %add3A_1050 : i32
      %get3A_1052 = arith.index_cast %add3A_1051 : i32 to index
      %get3A_1053 = tpu.vector_load %arg10[%get3A_1052] {strides = array<i32>} : memref<4256xf32, #tpu.memory_space<vmem>>, vector<16xf32>,
      %swap3A_1054 = arith.constant 48 : index
      %swap3A_1055 = tpu.vector_load %arg9[%swap3A_1054] {strides = array<i32>} : memref<4256xi32, #tpu.memory_space<vmem>>, vector<16xi32>,
      tpu.vector_store %arg9[%swap3A_1054], %get3A_1049 {strides = array<i32>} : memref<4256xi32, #tpu.memory_space<vmem>>, vector<16xi32>,
      %swap3A_1056 = arith.constant 48 : index
      %swap3A_1057 = tpu.vector_load %arg10[%swap3A_1056] {strides = array<i32>} : memref<4256xf32, #tpu.memory_space<vmem>>, vector<16xf32>,
      tpu.vector_store %arg10[%swap3A_1056], %get3A_1053 {strides = array<i32>} : memref<4256xf32, #tpu.memory_space<vmem>>, vector<16xf32>,
      %add3A_1058 = arith.constant 64 : i32
      %add3A_1059 = arith.addi %mul3A_1009, %add3A_1058 : i32
      %get3A_1060 = arith.index_cast %add3A_1059 : i32 to index
      %get3A_1061 = tpu.vector_load %arg9[%get3A_1060] {strides = array<i32>} : memref<4256xi32, #tpu.memory_space<vmem>>, vector<16xi32>,
      %add3A_1062 = arith.constant 64 : i32
      %add3A_1063 = arith.addi %mul3A_1009, %add3A_1062 : i32
      %get3A_1064 = arith.index_cast %add3A_1063 : i32 to index
      %get3A_1065 = tpu.vector_load %arg10[%get3A_1064] {strides = array<i32>} : memref<4256xf32, #tpu.memory_space<vmem>>, vector<16xf32>,
      %swap3A_1066 = arith.constant 64 : index
      %swap3A_1067 = tpu.vector_load %arg9[%swap3A_1066] {strides = array<i32>} : memref<4256xi32, #tpu.memory_space<vmem>>, vector<16xi32>,
      tpu.vector_store %arg9[%swap3A_1066], %get3A_1061 {strides = array<i32>} : memref<4256xi32, #tpu.memory_space<vmem>>, vector<16xi32>,
      %swap3A_1068 = arith.constant 64 : index
      %swap3A_1069 = tpu.vector_load %arg10[%swap3A_1068] {strides = array<i32>} : memref<4256xf32, #tpu.memory_space<vmem>>, vector<16xf32>,
      tpu.vector_store %arg10[%swap3A_1068], %get3A_1065 {strides = array<i32>} : memref<4256xf32, #tpu.memory_space<vmem>>, vector<16xf32>,
      %add3A_1070 = arith.constant 80 : i32
      %add3A_1071 = arith.addi %mul3A_1009, %add3A_1070 : i32
      %get3A_1072 = arith.index_cast %add3A_1071 : i32 to index
      %get3A_1073 = tpu.vector_load %arg9[%get3A_1072] {strides = array<i32>} : memref<4256xi32, #tpu.memory_space<vmem>>, vector<16xi32>,
      %add3A_1074 = arith.constant 80 : i32
      %add3A_1075 = arith.addi %mul3A_1009, %add3A_1074 : i32
      %get3A_1076 = arith.index_cast %add3A_1075 : i32 to index
      %get3A_1077 = tpu.vector_load %arg10[%get3A_1076] {strides = array<i32>} : memref<4256xf32, #tpu.memory_space<vmem>>, vector<16xf32>,
      %swap3A_1078 = arith.constant 80 : index
      %swap3A_1079 = tpu.vector_load %arg9[%swap3A_1078] {strides = array<i32>} : memref<4256xi32, #tpu.memory_space<vmem>>, vector<16xi32>,
      tpu.vector_store %arg9[%swap3A_1078], %get3A_1073 {strides = array<i32>} : memref<4256xi32, #tpu.memory_space<vmem>>, vector<16xi32>,
      %swap3A_1080 = arith.constant 80 : index
      %swap3A_1081 = tpu.vector_load %arg10[%swap3A_1080] {strides = array<i32>} : memref<4256xf32, #tpu.memory_space<vmem>>, vector<16xf32>,
      tpu.vector_store %arg10[%swap3A_1080], %get3A_1077 {strides = array<i32>} : memref<4256xf32, #tpu.memory_space<vmem>>, vector<16xf32>,
      %add3A_1082 = arith.constant 96 : i32
      %add3A_1083 = arith.addi %mul3A_1009, %add3A_1082 : i32
      %get3A_1084 = arith.index_cast %add3A_1083 : i32 to index
      %get3A_1085 = tpu.vector_load %arg9[%get3A_1084] {strides = array<i32>} : memref<4256xi32, #tpu.memory_space<vmem>>, vector<16xi32>,
      %add3A_1086 = arith.constant 96 : i32
      %add3A_1087 = arith.addi %mul3A_1009, %add3A_1086 : i32
      %get3A_1088 = arith.index_cast %add3A_1087 : i32 to index
      %get3A_1089 = tpu.vector_load %arg10[%get3A_1088] {strides = array<i32>} : memref<4256xf32, #tpu.memory_space<vmem>>, vector<16xf32>,
      %swap3A_1090 = arith.constant 96 : index
      %swap3A_1091 = tpu.vector_load %arg9[%swap3A_1090] {strides = array<i32>} : memref<4256xi32, #tpu.memory_space<vmem>>, vector<16xi32>,
      tpu.vector_store %arg9[%swap3A_1090], %get3A_1085 {strides = array<i32>} : memref<4256xi32, #tpu.memory_space<vmem>>, vector<16xi32>,
      %swap3A_1092 = arith.constant 96 : index
      %swap3A_1093 = tpu.vector_load %arg10[%swap3A_1092] {strides = array<i32>} : memref<4256xf32, #tpu.memory_space<vmem>>, vector<16xf32>,
      tpu.vector_store %arg10[%swap3A_1092], %get3A_1089 {strides = array<i32>} : memref<4256xf32, #tpu.memory_space<vmem>>, vector<16xf32>,
      %add3A_1094 = arith.constant 112 : i32
      %add3A_1095 = arith.addi %mul3A_1009, %add3A_1094 : i32
      %get3A_1096 = arith.index_cast %add3A_1095 : i32 to index
      %get3A_1097 = tpu.vector_load %arg9[%get3A_1096] {strides = array<i32>} : memref<4256xi32, #tpu.memory_space<vmem>>, vector<16xi32>,
      %add3A_1098 = arith.constant 112 : i32
      %add3A_1099 = arith.addi %mul3A_1009, %add3A_1098 : i32
      %get3A_1100 = arith.index_cast %add3A_1099 : i32 to index
      %get3A_1101 = tpu.vector_load %arg10[%get3A_1100] {strides = array<i32>} : memref<4256xf32, #tpu.memory_space<vmem>>, vector<16xf32>,
      %swap3A_1102 = arith.constant 112 : index
      %swap3A_1103 = tpu.vector_load %arg9[%swap3A_1102] {strides = array<i32>} : memref<4256xi32, #tpu.memory_space<vmem>>, vector<16xi32>,
      tpu.vector_store %arg9[%swap3A_1102], %get3A_1097 {strides = array<i32>} : memref<4256xi32, #tpu.memory_space<vmem>>, vector<16xi32>,
      %swap3A_1104 = arith.constant 112 : index
      %swap3A_1105 = tpu.vector_load %arg10[%swap3A_1104] {strides = array<i32>} : memref<4256xf32, #tpu.memory_space<vmem>>, vector<16xf32>,
      tpu.vector_store %arg10[%swap3A_1104], %get3A_1101 {strides = array<i32>} : memref<4256xf32, #tpu.memory_space<vmem>>, vector<16xf32>,
      %sub3A_1106 = arith.subi %scan3A_977, %mul3A_1009 : i32
      scf.yield %sub3A_1106 : i32
    }
    %scan3A_607 = arith.constant 52 : i32
    %add3A_608 = arith.constant 0 : i32
    %add3A_609 = vector.broadcast %add3A_608 : i32 to vector<16xi32>
    %add3A_610 = arith.addi %iota3A, %add3A_609 : vector<16xi32>
    %lt3A_611 = vector.broadcast %scan3A_606 : i32 to vector<16xi32>
    %lt3A_612 = arith.cmpi slt, %add3A_610, %lt3A_611 : vector<16xi32>
    %get3A_613 = arith.constant 0 : index
    %get3A_614 = tpu.vector_load %arg9[%get3A_613] {strides = array<i32>} : memref<4256xi32, #tpu.memory_space<vmem>>, vector<16xi32>,
    %swap3A_615 = arith.constant 0 : i32
    %swap3A_616 = arith.index_cast %swap3A_615 : i32 to index
    %swap3A_617 = arith.constant 0 : index
    %swap3A_618 = tpu.vector_load %arg11[%swap3A_616, %swap3A_617] {strides = array<i32>} : memref<1x128xi32, #tpu.memory_space<vmem>>, vector<16xi32>,
    tpu.vector_store %arg11[%swap3A_616, %swap3A_617], %get3A_614 {strides = array<i32>} : memref<1x128xi32, #tpu.memory_space<vmem>>, vector<16xi32>,
    %get3A_619 = arith.constant 0 : index
    %get3A_620 = tpu.vector_load %arg10[%get3A_619] {strides = array<i32>} : memref<4256xf32, #tpu.memory_space<vmem>>, vector<16xf32>,
    %jit3A_621 = arith.constant 0.000000e+00 : f32
    %broadcast_in_dim3A_622 = vector.broadcast %jit3A_621 : f32 to vector<16xf32>
    %select_n3A_623 = arith.select %lt3A_612, %get3A_620, %broadcast_in_dim3A_622 : vector<16xi1>, vector<16xf32>
    %swap3A_624 = arith.constant 0 : i32
    %swap3A_625 = arith.index_cast %swap3A_624 : i32 to index
    %swap3A_626 = arith.constant 0 : index
    %swap3A_627 = tpu.vector_load %arg12[%swap3A_625, %swap3A_626] {strides = array<i32>} : memref<1x128xf32, #tpu.memory_space<vmem>>, vector<16xf32>,
    tpu.vector_store %arg12[%swap3A_625, %swap3A_626], %select_n3A_623 {strides = array<i32>} : memref<1x128xf32, #tpu.memory_space<vmem>>, vector<16xf32>,
    %add3A_628 = arith.constant 16 : i32
    %add3A_629 = vector.broadcast %add3A_628 : i32 to vector<16xi32>
    %add3A_630 = arith.addi %iota3A, %add3A_629 : vector<16xi32>
    %lt3A_631 = vector.broadcast %scan3A_606 : i32 to vector<16xi32>
    %lt3A_632 = arith.cmpi slt, %add3A_630, %lt3A_631 : vector<16xi32>
    %get3A_633 = arith.constant 16 : index
    %get3A_634 = tpu.vector_load %arg9[%get3A_633] {strides = array<i32>} : memref<4256xi32, #tpu.memory_space<vmem>>, vector<16xi32>,
    %swap3A_635 = arith.constant 0 : i32
    %swap3A_636 = arith.index_cast %swap3A_635 : i32 to index
    %swap3A_637 = arith.constant 16 : index
    %swap3A_638 = tpu.vector_load %arg11[%swap3A_636, %swap3A_637] {strides = array<i32>} : memref<1x128xi32, #tpu.memory_space<vmem>>, vector<16xi32>,
    tpu.vector_store %arg11[%swap3A_636, %swap3A_637], %get3A_634 {strides = array<i32>} : memref<1x128xi32, #tpu.memory_space<vmem>>, vector<16xi32>,
    %get3A_639 = arith.constant 16 : index
    %get3A_640 = tpu.vector_load %arg10[%get3A_639] {strides = array<i32>} : memref<4256xf32, #tpu.memory_space<vmem>>, vector<16xf32>,
    %jit3A_641 = arith.constant 0.000000e+00 : f32
    %broadcast_in_dim3A_642 = vector.broadcast %jit3A_641 : f32 to vector<16xf32>
    %select_n3A_643 = arith.select %lt3A_632, %get3A_640, %broadcast_in_dim3A_642 : vector<16xi1>, vector<16xf32>
    %swap3A_644 = arith.constant 0 : i32
    %swap3A_645 = arith.index_cast %swap3A_644 : i32 to index
    %swap3A_646 = arith.constant 16 : index
    %swap3A_647 = tpu.vector_load %arg12[%swap3A_645, %swap3A_646] {strides = array<i32>} : memref<1x128xf32, #tpu.memory_space<vmem>>, vector<16xf32>,
    tpu.vector_store %arg12[%swap3A_645, %swap3A_646], %select_n3A_643 {strides = array<i32>} : memref<1x128xf32, #tpu.memory_space<vmem>>, vector<16xf32>,
    %add3A_648 = arith.constant 32 : i32
    %add3A_649 = vector.broadcast %add3A_648 : i32 to vector<16xi32>
    %add3A_650 = arith.addi %iota3A, %add3A_649 : vector<16xi32>
    %lt3A_651 = vector.broadcast %scan3A_606 : i32 to vector<16xi32>
    %lt3A_652 = arith.cmpi slt, %add3A_650, %lt3A_651 : vector<16xi32>
    %get3A_653 = arith.constant 32 : index
    %get3A_654 = tpu.vector_load %arg9[%get3A_653] {strides = array<i32>} : memref<4256xi32, #tpu.memory_space<vmem>>, vector<16xi32>,
    %swap3A_655 = arith.constant 0 : i32
    %swap3A_656 = arith.index_cast %swap3A_655 : i32 to index
    %swap3A_657 = arith.constant 32 : index
    %swap3A_658 = tpu.vector_load %arg11[%swap3A_656, %swap3A_657] {strides = array<i32>} : memref<1x128xi32, #tpu.memory_space<vmem>>, vector<16xi32>,
    tpu.vector_store %arg11[%swap3A_656, %swap3A_657], %get3A_654 {strides = array<i32>} : memref<1x128xi32, #tpu.memory_space<vmem>>, vector<16xi32>,
    %get3A_659 = arith.constant 32 : index
    %get3A_660 = tpu.vector_load %arg10[%get3A_659] {strides = array<i32>} : memref<4256xf32, #tpu.memory_space<vmem>>, vector<16xf32>,
    %jit3A_661 = arith.constant 0.000000e+00 : f32
    %broadcast_in_dim3A_662 = vector.broadcast %jit3A_661 : f32 to vector<16xf32>
    %select_n3A_663 = arith.select %lt3A_652, %get3A_660, %broadcast_in_dim3A_662 : vector<16xi1>, vector<16xf32>
    %swap3A_664 = arith.constant 0 : i32
    %swap3A_665 = arith.index_cast %swap3A_664 : i32 to index
    %swap3A_666 = arith.constant 32 : index
    %swap3A_667 = tpu.vector_load %arg12[%swap3A_665, %swap3A_666] {strides = array<i32>} : memref<1x128xf32, #tpu.memory_space<vmem>>, vector<16xf32>,
    tpu.vector_store %arg12[%swap3A_665, %swap3A_666], %select_n3A_663 {strides = array<i32>} : memref<1x128xf32, #tpu.memory_space<vmem>>, vector<16xf32>,
    %add3A_668 = arith.constant 48 : i32
    %add3A_669 = vector.broadcast %add3A_668 : i32 to vector<16xi32>
    %add3A_670 = arith.addi %iota3A, %add3A_669 : vector<16xi32>
    %lt3A_671 = vector.broadcast %scan3A_606 : i32 to vector<16xi32>
    %lt3A_672 = arith.cmpi slt, %add3A_670, %lt3A_671 : vector<16xi32>
    %get3A_673 = arith.constant 48 : index
    %get3A_674 = tpu.vector_load %arg9[%get3A_673] {strides = array<i32>} : memref<4256xi32, #tpu.memory_space<vmem>>, vector<16xi32>,
    %swap3A_675 = arith.constant 0 : i32
    %swap3A_676 = arith.index_cast %swap3A_675 : i32 to index
    %swap3A_677 = arith.constant 48 : index
    %swap3A_678 = tpu.vector_load %arg11[%swap3A_676, %swap3A_677] {strides = array<i32>} : memref<1x128xi32, #tpu.memory_space<vmem>>, vector<16xi32>,
    tpu.vector_store %arg11[%swap3A_676, %swap3A_677], %get3A_674 {strides = array<i32>} : memref<1x128xi32, #tpu.memory_space<vmem>>, vector<16xi32>,
    %get3A_679 = arith.constant 48 : index
    %get3A_680 = tpu.vector_load %arg10[%get3A_679] {strides = array<i32>} : memref<4256xf32, #tpu.memory_space<vmem>>, vector<16xf32>,
    %jit3A_681 = arith.constant 0.000000e+00 : f32
    %broadcast_in_dim3A_682 = vector.broadcast %jit3A_681 : f32 to vector<16xf32>
    %select_n3A_683 = arith.select %lt3A_672, %get3A_680, %broadcast_in_dim3A_682 : vector<16xi1>, vector<16xf32>
    %swap3A_684 = arith.constant 0 : i32
    %swap3A_685 = arith.index_cast %swap3A_684 : i32 to index
    %swap3A_686 = arith.constant 48 : index
    %swap3A_687 = tpu.vector_load %arg12[%swap3A_685, %swap3A_686] {strides = array<i32>} : memref<1x128xf32, #tpu.memory_space<vmem>>, vector<16xf32>,
    tpu.vector_store %arg12[%swap3A_685, %swap3A_686], %select_n3A_683 {strides = array<i32>} : memref<1x128xf32, #tpu.memory_space<vmem>>, vector<16xf32>,
    %add3A_688 = arith.constant 64 : i32
    %add3A_689 = vector.broadcast %add3A_688 : i32 to vector<16xi32>
    %add3A_690 = arith.addi %iota3A, %add3A_689 : vector<16xi32>
    %lt3A_691 = vector.broadcast %scan3A_606 : i32 to vector<16xi32>
    %lt3A_692 = arith.cmpi slt, %add3A_690, %lt3A_691 : vector<16xi32>
    %get3A_693 = arith.constant 64 : index
    %get3A_694 = tpu.vector_load %arg9[%get3A_693] {strides = array<i32>} : memref<4256xi32, #tpu.memory_space<vmem>>, vector<16xi32>,
    %swap3A_695 = arith.constant 0 : i32
    %swap3A_696 = arith.index_cast %swap3A_695 : i32 to index
    %swap3A_697 = arith.constant 64 : index
    %swap3A_698 = tpu.vector_load %arg11[%swap3A_696, %swap3A_697] {strides = array<i32>} : memref<1x128xi32, #tpu.memory_space<vmem>>, vector<16xi32>,
    tpu.vector_store %arg11[%swap3A_696, %swap3A_697], %get3A_694 {strides = array<i32>} : memref<1x128xi32, #tpu.memory_space<vmem>>, vector<16xi32>,
    %get3A_699 = arith.constant 64 : index
    %get3A_700 = tpu.vector_load %arg10[%get3A_699] {strides = array<i32>} : memref<4256xf32, #tpu.memory_space<vmem>>, vector<16xf32>,
    %jit3A_701 = arith.constant 0.000000e+00 : f32
    %broadcast_in_dim3A_702 = vector.broadcast %jit3A_701 : f32 to vector<16xf32>
    %select_n3A_703 = arith.select %lt3A_692, %get3A_700, %broadcast_in_dim3A_702 : vector<16xi1>, vector<16xf32>
    %swap3A_704 = arith.constant 0 : i32
    %swap3A_705 = arith.index_cast %swap3A_704 : i32 to index
    %swap3A_706 = arith.constant 64 : index
    %swap3A_707 = tpu.vector_load %arg12[%swap3A_705, %swap3A_706] {strides = array<i32>} : memref<1x128xf32, #tpu.memory_space<vmem>>, vector<16xf32>,
    tpu.vector_store %arg12[%swap3A_705, %swap3A_706], %select_n3A_703 {strides = array<i32>} : memref<1x128xf32, #tpu.memory_space<vmem>>, vector<16xf32>,
    %add3A_708 = arith.constant 80 : i32
    %add3A_709 = vector.broadcast %add3A_708 : i32 to vector<16xi32>
    %add3A_710 = arith.addi %iota3A, %add3A_709 : vector<16xi32>
    %lt3A_711 = vector.broadcast %scan3A_606 : i32 to vector<16xi32>
    %lt3A_712 = arith.cmpi slt, %add3A_710, %lt3A_711 : vector<16xi32>
    %get3A_713 = arith.constant 80 : index
    %get3A_714 = tpu.vector_load %arg9[%get3A_713] {strides = array<i32>} : memref<4256xi32, #tpu.memory_space<vmem>>, vector<16xi32>,
    %swap3A_715 = arith.constant 0 : i32
    %swap3A_716 = arith.index_cast %swap3A_715 : i32 to index
    %swap3A_717 = arith.constant 80 : index
    %swap3A_718 = tpu.vector_load %arg11[%swap3A_716, %swap3A_717] {strides = array<i32>} : memref<1x128xi32, #tpu.memory_space<vmem>>, vector<16xi32>,
    tpu.vector_store %arg11[%swap3A_716, %swap3A_717], %get3A_714 {strides = array<i32>} : memref<1x128xi32, #tpu.memory_space<vmem>>, vector<16xi32>,
    %get3A_719 = arith.constant 80 : index
    %get3A_720 = tpu.vector_load %arg10[%get3A_719] {strides = array<i32>} : memref<4256xf32, #tpu.memory_space<vmem>>, vector<16xf32>,
    %jit3A_721 = arith.constant 0.000000e+00 : f32
    %broadcast_in_dim3A_722 = vector.broadcast %jit3A_721 : f32 to vector<16xf32>
    %select_n3A_723 = arith.select %lt3A_712, %get3A_720, %broadcast_in_dim3A_722 : vector<16xi1>, vector<16xf32>
    %swap3A_724 = arith.constant 0 : i32
    %swap3A_725 = arith.index_cast %swap3A_724 : i32 to index
    %swap3A_726 = arith.constant 80 : index
    %swap3A_727 = tpu.vector_load %arg12[%swap3A_725, %swap3A_726] {strides = array<i32>} : memref<1x128xf32, #tpu.memory_space<vmem>>, vector<16xf32>,
    tpu.vector_store %arg12[%swap3A_725, %swap3A_726], %select_n3A_723 {strides = array<i32>} : memref<1x128xf32, #tpu.memory_space<vmem>>, vector<16xf32>,
    %add3A_728 = arith.constant 96 : i32
    %add3A_729 = vector.broadcast %add3A_728 : i32 to vector<16xi32>
    %add3A_730 = arith.addi %iota3A, %add3A_729 : vector<16xi32>
    %lt3A_731 = vector.broadcast %scan3A_606 : i32 to vector<16xi32>
    %lt3A_732 = arith.cmpi slt, %add3A_730, %lt3A_731 : vector<16xi32>
    %get3A_733 = arith.constant 96 : index
    %get3A_734 = tpu.vector_load %arg9[%get3A_733] {strides = array<i32>} : memref<4256xi32, #tpu.memory_space<vmem>>, vector<16xi32>,
    %swap3A_735 = arith.constant 0 : i32
    %swap3A_736 = arith.index_cast %swap3A_735 : i32 to index
    %swap3A_737 = arith.constant 96 : index
    %swap3A_738 = tpu.vector_load %arg11[%swap3A_736, %swap3A_737] {strides = array<i32>} : memref<1x128xi32, #tpu.memory_space<vmem>>, vector<16xi32>,
    tpu.vector_store %arg11[%swap3A_736, %swap3A_737], %get3A_734 {strides = array<i32>} : memref<1x128xi32, #tpu.memory_space<vmem>>, vector<16xi32>,
    %get3A_739 = arith.constant 96 : index
    %get3A_740 = tpu.vector_load %arg10[%get3A_739] {strides = array<i32>} : memref<4256xf32, #tpu.memory_space<vmem>>, vector<16xf32>,
    %jit3A_741 = arith.constant 0.000000e+00 : f32
    %broadcast_in_dim3A_742 = vector.broadcast %jit3A_741 : f32 to vector<16xf32>
    %select_n3A_743 = arith.select %lt3A_732, %get3A_740, %broadcast_in_dim3A_742 : vector<16xi1>, vector<16xf32>
    %swap3A_744 = arith.constant 0 : i32
    %swap3A_745 = arith.index_cast %swap3A_744 : i32 to index
    %swap3A_746 = arith.constant 96 : index
    %swap3A_747 = tpu.vector_load %arg12[%swap3A_745, %swap3A_746] {strides = array<i32>} : memref<1x128xf32, #tpu.memory_space<vmem>>, vector<16xf32>,
    tpu.vector_store %arg12[%swap3A_745, %swap3A_746], %select_n3A_743 {strides = array<i32>} : memref<1x128xf32, #tpu.memory_space<vmem>>, vector<16xf32>,
    %add3A_748 = arith.constant 112 : i32
    %add3A_749 = vector.broadcast %add3A_748 : i32 to vector<16xi32>
    %add3A_750 = arith.addi %iota3A, %add3A_749 : vector<16xi32>
    %lt3A_751 = vector.broadcast %scan3A_606 : i32 to vector<16xi32>
    %lt3A_752 = arith.cmpi slt, %add3A_750, %lt3A_751 : vector<16xi32>
    %get3A_753 = arith.constant 112 : index
    %get3A_754 = tpu.vector_load %arg9[%get3A_753] {strides = array<i32>} : memref<4256xi32, #tpu.memory_space<vmem>>, vector<16xi32>,
    %swap3A_755 = arith.constant 0 : i32
    %swap3A_756 = arith.index_cast %swap3A_755 : i32 to index
    %swap3A_757 = arith.constant 112 : index
    %swap3A_758 = tpu.vector_load %arg11[%swap3A_756, %swap3A_757] {strides = array<i32>} : memref<1x128xi32, #tpu.memory_space<vmem>>, vector<16xi32>,
    tpu.vector_store %arg11[%swap3A_756, %swap3A_757], %get3A_754 {strides = array<i32>} : memref<1x128xi32, #tpu.memory_space<vmem>>, vector<16xi32>,
    %get3A_759 = arith.constant 112 : index
    %get3A_760 = tpu.vector_load %arg10[%get3A_759] {strides = array<i32>} : memref<4256xf32, #tpu.memory_space<vmem>>, vector<16xf32>,
    %jit3A_761 = arith.constant 0.000000e+00 : f32
    %broadcast_in_dim3A_762 = vector.broadcast %jit3A_761 : f32 to vector<16xf32>
    %select_n3A_763 = arith.select %lt3A_752, %get3A_760, %broadcast_in_dim3A_762 : vector<16xi1>, vector<16xf32>
    %swap3A_764 = arith.constant 0 : i32
    %swap3A_765 = arith.index_cast %swap3A_764 : i32 to index
    %swap3A_766 = arith.constant 112 : index
    %swap3A_767 = tpu.vector_load %arg12[%swap3A_765, %swap3A_766] {strides = array<i32>} : memref<1x128xf32, #tpu.memory_space<vmem>>, vector<16xf32>,
    tpu.vector_store %arg12[%swap3A_765, %swap3A_766], %select_n3A_763 {strides = array<i32>} : memref<1x128xf32, #tpu.memory_space<vmem>>, vector<16xf32>,
    %run_scoped3A_768 = arith.constant 0 : i32
    %run_scoped3A_769 = arith.constant 0 : i32
    "tpu.region"() ({
      %run_scoped3A_966 = tpu.sem_alloc : memref<!tpu.dma_semaphore, #tpu.memory_space<semaphore_mem>>
      %dma_start3A = arith.constant 0 : i32
      %dma_start3A_967 = tpu.memref_slice %arg12[%run_scoped3A_768, %dma_start3A] : memref<1x128xf32, #tpu.memory_space<vmem>> -> memref<1x128xf32, #tpu.memory_space<vmem>>
      %dma_start3A_968 = tpu.memref_squeeze %dma_start3A_967 : memref<1x128xf32, #tpu.memory_space<vmem>> -> memref<128xf32, #tpu.memory_space<vmem>>
      %dma_start3A_969 = arith.constant 0 : i32
      %dma_start3A_970 = tpu.memref_slice %arg11[%run_scoped3A_769, %dma_start3A_969] : memref<1x128xi32, #tpu.memory_space<vmem>> -> memref<1x128xi32, #tpu.memory_space<vmem>>
      %dma_start3A_971 = tpu.memref_squeeze %dma_start3A_970 : memref<1x128xi32, #tpu.memory_space<vmem>> -> memref<128xi32, #tpu.memory_space<vmem>>
      %dma_start3A_972 = arith.constant 0 : i32
      %dma_start3A_973 = tpu.memref_slice %arg14[%dma_start3A_972] : memref<1802240xf32, #tpu.memory_space<vmem_shared>> -> memref<1802240xf32, #tpu.memory_space<vmem_shared>>
      tpu.enqueue_indirect_dma source(%dma_start3A_968 : memref<128xf32, #tpu.memory_space<vmem>>) target(%dma_start3A_973 : memref<1802240xf32, #tpu.memory_space<vmem_shared>>) offsets(%dma_start3A_971 : memref<128xi32, #tpu.memory_space<vmem>>) semaphore(%run_scoped3A_966 : memref<!tpu.dma_semaphore, #tpu.memory_space<semaphore_mem>>) {add = true}
      %dma_wait3A = arith.constant 0 : i32
      %dma_wait3A_974 = tpu.memref_slice %arg12[%run_scoped3A_768, %dma_wait3A] : memref<1x128xf32, #tpu.memory_space<vmem>> -> memref<1x128xf32, #tpu.memory_space<vmem>>
      %dma_wait3A_975 = tpu.memref_squeeze %dma_wait3A_974 : memref<1x128xf32, #tpu.memory_space<vmem>> -> memref<128xf32, #tpu.memory_space<vmem>>
      %dma_wait3A_976 = arith.constant 0 : i32
      %dma_wait3A_977 = tpu.memref_slice %arg11[%run_scoped3A_769, %dma_wait3A_976] : memref<1x128xi32, #tpu.memory_space<vmem>> -> memref<1x128xi32, #tpu.memory_space<vmem>>
      %dma_wait3A_978 = tpu.memref_squeeze %dma_wait3A_977 : memref<1x128xi32, #tpu.memory_space<vmem>> -> memref<128xi32, #tpu.memory_space<vmem>>
      %dma_wait3A_979 = arith.constant 0 : i32
      %dma_wait3A_980 = tpu.memref_slice %arg14[%dma_wait3A_979] : memref<1802240xf32, #tpu.memory_space<vmem_shared>> -> memref<1802240xf32, #tpu.memory_space<vmem_shared>>
      tpu.wait_indirect_dma semaphore(%run_scoped3A_966 : memref<!tpu.dma_semaphore, #tpu.memory_space<semaphore_mem>>) src(%dma_wait3A_975 : memref<128xf32, #tpu.memory_space<vmem>>) dst(%dma_wait3A_980 : memref<1802240xf32, #tpu.memory_space<vmem_shared>>)
      tpu.yield
    }) : () -> ()
    %barrier3A_770 = arith.constant 0 : index
    tpu.barrier barrier_id(%barrier3A_770)
    %mul3A_771 = arith.constant 4096 : i32
    %mul3A_772 = arith.muli %add3A_599, %mul3A_771 : i32
    %mul3A_773 = arith.constant 112640 : i32
    %mul3A_774 = arith.muli %arg1, %mul3A_773 : i32
    %add3A_775 = arith.addi %mul3A_772, %mul3A_774 : i32
    "tpu.region"() ({
      %run_scoped3A_966 = tpu.sem_alloc : memref<!tpu.dma_semaphore, #tpu.memory_space<semaphore_mem>>
      %dma_start3A = tpu.memref_slice %arg5[%add3A_775] : memref<16777216xf32, #tpu.memory_space<hbm>> -> memref<112640xf32, #tpu.memory_space<hbm>>
      %dma_start3A_967 = tpu.memref_slice %arg14[%mul3A_587] : memref<1802240xf32, #tpu.memory_space<vmem_shared>> -> memref<112640xf32, #tpu.memory_space<vmem_shared>>
      tpu.enqueue_dma source(%dma_start3A_967 : memref<112640xf32, #tpu.memory_space<vmem_shared>>) target(%dma_start3A : memref<112640xf32, #tpu.memory_space<hbm>>) target_semaphore(%run_scoped3A_966 : memref<!tpu.dma_semaphore, #tpu.memory_space<semaphore_mem>>)
      %dma_wait3A = tpu.memref_slice %arg5[%add3A_775] : memref<16777216xf32, #tpu.memory_space<hbm>> -> memref<112640xf32, #tpu.memory_space<hbm>>
      %dma_wait3A_968 = tpu.memref_slice %arg14[%mul3A_587] : memref<1802240xf32, #tpu.memory_space<vmem_shared>> -> memref<112640xf32, #tpu.memory_space<vmem_shared>>
      tpu.wait_dma2 semaphore(%run_scoped3A_966 : memref<!tpu.dma_semaphore, #tpu.memory_space<semaphore_mem>>) src(%dma_wait3A_968 : memref<112640xf32, #tpu.memory_space<vmem_shared>>) dst(%dma_wait3A : memref<112640xf32, #tpu.memory_space<hbm>>)
      tpu.yield
    }) : () -> ()
    %mul3A_776 = arith.constant 73728 : i32
    %mul3A_777 = arith.muli %arg1, %mul3A_776 : i32
    %scan3A_778 = arith.constant 0 : i32
    %scan3A_779 = arith.constant 0 : i32
    %scan3A_780 = arith.constant 36 : i32
    %scan3A_781 = arith.addi %scan3A_779, %scan3A_780 : i32
    %scan3A_782 = arith.constant 1 : i32
    %scan3A_783 = scf.for %scan3A_966 = %scan3A_779 to %scan3A_781 step %scan3A_782 iter_args(%scan3A_967 = %scan3A_778) -> (i32)  : i32 {
      %mul3A_968 = arith.constant 2048 : i32
      %mul3A_969 = arith.muli %scan3A_966, %mul3A_968 : i32
      %add3A_970 = arith.addi %mul3A_777, %mul3A_969 : i32
      "tpu.region"() ({
        %run_scoped3A_972 = tpu.sem_alloc : memref<!tpu.dma_semaphore, #tpu.memory_space<semaphore_mem>>
        %dma_start3A = tpu.memref_slice %arg14[%add3A_970] : memref<1802240xf32, #tpu.memory_space<vmem_shared>> -> memref<2048xf32, #tpu.memory_space<vmem_shared>>
        %dma_start3A_973 = tpu.memref_slice %arg14[%add3A_970] : memref<1802240xf32, #tpu.memory_space<vmem_shared>> -> memref<2048xf32, #tpu.memory_space<vmem_shared>>
        tpu.enqueue_dma source(%arg13 : memref<2048xf32, #tpu.memory_space<vmem>>) target(%dma_start3A_973 : memref<2048xf32, #tpu.memory_space<vmem_shared>>) target_semaphore(%run_scoped3A_972 : memref<!tpu.dma_semaphore, #tpu.memory_space<semaphore_mem>>)
        %dma_wait3A = tpu.memref_slice %arg14[%add3A_970] : memref<1802240xf32, #tpu.memory_space<vmem_shared>> -> memref<2048xf32, #tpu.memory_space<vmem_shared>>
        %dma_wait3A_974 = tpu.memref_slice %arg14[%add3A_970] : memref<1802240xf32, #tpu.memory_space<vmem_shared>> -> memref<2048xf32, #tpu.memory_space<vmem_shared>>
        tpu.wait_dma2 semaphore(%run_scoped3A_972 : memref<!tpu.dma_semaphore, #tpu.memory_space<semaphore_mem>>) src(%arg13 : memref<2048xf32, #tpu.memory_space<vmem>>) dst(%dma_wait3A_974 : memref<2048xf32, #tpu.memory_space<vmem_shared>>)
        tpu.yield
      }) : () -> ()
      %scan3A_971 = arith.constant 0 : i32
      scf.yield %scan3A_971 : i32
    }
    %scan3A_784 = arith.constant 36 : i32
    %barrier3A_785 = arith.constant 0 : index
    tpu.barrier barrier_id(%barrier3A_785)
    %mul3A_786 = arith.constant 288 : i32
    %mul3A_787 = arith.muli %arg0, %mul3A_786 : i32
    %add3A_788 = arith.constant 3520 : i32
    %add3A_789 = arith.addi %add3A_788, %mul3A_787 : i32
    %scan3A_790 = arith.constant 288 : i32
    %scan3A_791 = arith.constant 0 : i32
    %scan3A_792 = arith.constant 0 : i32
    %scan3A_793 = arith.constant 52 : i32
    %scan3A_794 = arith.addi %scan3A_792, %scan3A_793 : i32
    %scan3A_795 = arith.constant 1 : i32
    %scan3A_796 = scf.for %scan3A_966 = %scan3A_792 to %scan3A_794 step %scan3A_795 iter_args(%scan3A_967 = %scan3A_791) -> (i32)  : i32 {
      %mul3A_968 = arith.constant 106496 : i32
      %mul3A_969 = arith.muli %arg1, %mul3A_968 : i32
      %mul3A_970 = arith.constant 2048 : i32
      %mul3A_971 = arith.muli %scan3A_966, %mul3A_970 : i32
      %add3A_972 = arith.addi %mul3A_969, %mul3A_971 : i32
      "tpu.region"() ({
        %run_scoped3A_1107 = tpu.sem_alloc : memref<!tpu.dma_semaphore, #tpu.memory_space<semaphore_mem>>
        %dma_start3A = tpu.memref_slice %arg2[%add3A_972] : memref<1703936xi32, #tpu.memory_space<hbm>> -> memref<2048xi32, #tpu.memory_space<hbm>>
        %dma_start3A_1108 = tpu.memref_slice %arg2[%add3A_972] : memref<1703936xi32, #tpu.memory_space<hbm>> -> memref<2048xi32, #tpu.memory_space<hbm>>
        tpu.enqueue_dma source(%dma_start3A_1108 : memref<2048xi32, #tpu.memory_space<hbm>>) target(%arg6 : memref<2048xi32, #tpu.memory_space<vmem>>) target_semaphore(%run_scoped3A_1107 : memref<!tpu.dma_semaphore, #tpu.memory_space<semaphore_mem>>)
        %dma_wait3A = tpu.memref_slice %arg2[%add3A_972] : memref<1703936xi32, #tpu.memory_space<hbm>> -> memref<2048xi32, #tpu.memory_space<hbm>>
        %dma_wait3A_1109 = tpu.memref_slice %arg2[%add3A_972] : memref<1703936xi32, #tpu.memory_space<hbm>> -> memref<2048xi32, #tpu.memory_space<hbm>>
        tpu.wait_dma2 semaphore(%run_scoped3A_1107 : memref<!tpu.dma_semaphore, #tpu.memory_space<semaphore_mem>>) src(%dma_wait3A_1109 : memref<2048xi32, #tpu.memory_space<hbm>>) dst(%arg6 : memref<2048xi32, #tpu.memory_space<vmem>>)
        tpu.yield
      }) : () -> ()
      "tpu.region"() ({
        %run_scoped3A_1107 = tpu.sem_alloc : memref<!tpu.dma_semaphore, #tpu.memory_space<semaphore_mem>>
        %dma_start3A = tpu.memref_slice %arg3[%add3A_972] : memref<1703936xi32, #tpu.memory_space<hbm>> -> memref<2048xi32, #tpu.memory_space<hbm>>
        %dma_start3A_1108 = tpu.memref_slice %arg3[%add3A_972] : memref<1703936xi32, #tpu.memory_space<hbm>> -> memref<2048xi32, #tpu.memory_space<hbm>>
        tpu.enqueue_dma source(%dma_start3A_1108 : memref<2048xi32, #tpu.memory_space<hbm>>) target(%arg7 : memref<2048xi32, #tpu.memory_space<vmem>>) target_semaphore(%run_scoped3A_1107 : memref<!tpu.dma_semaphore, #tpu.memory_space<semaphore_mem>>)
        %dma_wait3A = tpu.memref_slice %arg3[%add3A_972] : memref<1703936xi32, #tpu.memory_space<hbm>> -> memref<2048xi32, #tpu.memory_space<hbm>>
        %dma_wait3A_1109 = tpu.memref_slice %arg3[%add3A_972] : memref<1703936xi32, #tpu.memory_space<hbm>> -> memref<2048xi32, #tpu.memory_space<hbm>>
        tpu.wait_dma2 semaphore(%run_scoped3A_1107 : memref<!tpu.dma_semaphore, #tpu.memory_space<semaphore_mem>>) src(%dma_wait3A_1109 : memref<2048xi32, #tpu.memory_space<hbm>>) dst(%arg7 : memref<2048xi32, #tpu.memory_space<vmem>>)
        tpu.yield
      }) : () -> ()
      "tpu.region"() ({
        %run_scoped3A_1107 = tpu.sem_alloc : memref<!tpu.dma_semaphore, #tpu.memory_space<semaphore_mem>>
        %dma_start3A = tpu.memref_slice %arg4[%add3A_972] : memref<1703936xf32, #tpu.memory_space<hbm>> -> memref<2048xf32, #tpu.memory_space<hbm>>
        %dma_start3A_1108 = tpu.memref_slice %arg4[%add3A_972] : memref<1703936xf32, #tpu.memory_space<hbm>> -> memref<2048xf32, #tpu.memory_space<hbm>>
        tpu.enqueue_dma source(%dma_start3A_1108 : memref<2048xf32, #tpu.memory_space<hbm>>) target(%arg8 : memref<2048xf32, #tpu.memory_space<vmem>>) target_semaphore(%run_scoped3A_1107 : memref<!tpu.dma_semaphore, #tpu.memory_space<semaphore_mem>>)
        %dma_wait3A = tpu.memref_slice %arg4[%add3A_972] : memref<1703936xf32, #tpu.memory_space<hbm>> -> memref<2048xf32, #tpu.memory_space<hbm>>
        %dma_wait3A_1109 = tpu.memref_slice %arg4[%add3A_972] : memref<1703936xf32, #tpu.memory_space<hbm>> -> memref<2048xf32, #tpu.memory_space<hbm>>
        tpu.wait_dma2 semaphore(%run_scoped3A_1107 : memref<!tpu.dma_semaphore, #tpu.memory_space<semaphore_mem>>) src(%dma_wait3A_1109 : memref<2048xf32, #tpu.memory_space<hbm>>) dst(%arg8 : memref<2048xf32, #tpu.memory_space<vmem>>)
        tpu.yield
      }) : () -> ()
      %scan3A_973 = arith.constant 0 : i32
      %scan3A_974 = arith.constant 128 : i32
      %scan3A_975 = arith.addi %scan3A_973, %scan3A_974 : i32
      %scan3A_976 = arith.constant 1 : i32
      %scan3A_977 = scf.for %scan3A_1107 = %scan3A_973 to %scan3A_975 step %scan3A_976 iter_args(%scan3A_1108 = %scan3A_967) -> (i32)  : i32 {
        %mul3A_1109 = arith.constant 16 : i32
        %mul3A_1110 = arith.muli %scan3A_1107, %mul3A_1109 : i32
        %get3A_1111 = arith.index_cast %mul3A_1110 : i32 to index
        %get3A_1112 = tpu.vector_load %arg6[%get3A_1111] {strides = array<i32>} : memref<2048xi32, #tpu.memory_space<vmem>>, vector<16xi32>,
        %get3A_1113 = arith.index_cast %mul3A_1110 : i32 to index
        %get3A_1114 = tpu.vector_load %arg7[%get3A_1113] {strides = array<i32>} : memref<2048xi32, #tpu.memory_space<vmem>>, vector<16xi32>,
        %get3A_1115 = arith.index_cast %mul3A_1110 : i32 to index
        %get3A_1116 = tpu.vector_load %arg8[%get3A_1115] {strides = array<i32>} : memref<2048xf32, #tpu.memory_space<vmem>>, vector<16xf32>,
        %mul3A_1117 = arith.constant 5.000000e-01 : f32
        %mul3A_1118 = vector.broadcast %mul3A_1117 : f32 to vector<16xf32>
        %mul3A_1119 = arith.mulf %get3A_1116, %mul3A_1118 : vector<16xf32>
        %sub3A_1120 = vector.broadcast %add3A_789 : i32 to vector<16xi32>
        %sub3A_1121 = arith.subi %get3A_1112, %sub3A_1120 : vector<16xi32>
        %lt3A_1122 = vector.broadcast %scan3A_790 : i32 to vector<16xi32>
        %lt3A_1123 = arith.cmpi ult, %sub3A_1121, %lt3A_1122 : vector<16xi32>
        %shift_left3A = arith.constant 12 : i32
        %shift_left3A_1124 = vector.broadcast %shift_left3A : i32 to vector<16xi32>
        %shift_left3A_1125 = arith.shli %sub3A_1121, %shift_left3A_1124 : vector<16xi32>
        %or3A = arith.ori %shift_left3A_1125, %get3A_1114 : vector<16xi32>
        %convert_element_type3A = arith.extui %lt3A_1123 : vector<16xi1> to vector<16xi32>
        %broadcast_in_dim3A_1126 = arith.constant true
        %broadcast_in_dim3A_1127 = vector.broadcast %broadcast_in_dim3A_1126 : i1 to vector<16xi1>
        %masked_cumsum3A = tpu.scan <sum>, %convert_element_type3A masked %broadcast_in_dim3A_1127 : vector<16xi32>, vector<16xi1> -> vector<16xi32>
        %add3A_1128 = vector.broadcast %scan3A_1108 : i32 to vector<16xi32>
        %add3A_1129 = arith.addi %add3A_1128, %masked_cumsum3A : vector<16xi32>
        %sub3A_1130 = arith.constant 1 : i32
        %sub3A_1131 = vector.broadcast %sub3A_1130 : i32 to vector<16xi32>
        %sub3A_1132 = arith.subi %add3A_1129, %sub3A_1131 : vector<16xi32>
        tpu.vector_store_idx %arg9[%sub3A_1132], %or3A masked %lt3A_1123 : memref<4256xi32, #tpu.memory_space<vmem>>[vector<16xi32>], vector<16xi32>, vector<16xi1>
        tpu.vector_store_idx %arg10[%sub3A_1132], %mul3A_1119 masked %lt3A_1123 : memref<4256xf32, #tpu.memory_space<vmem>>[vector<16xi32>], vector<16xf32>, vector<16xi1>
        %convert_element_type3A_1133 = arith.extui %lt3A_1123 : vector<16xi1> to vector<16xi32>
        %reduce_sum3A = arith.constant true
        %reduce_sum3A_1134 = vector.broadcast %reduce_sum3A : i1 to vector<16xi1>
        %reduce_sum3A_1135 = tpu.scan <sum>, %convert_element_type3A_1133 masked %reduce_sum3A_1134 : vector<16xi32>, vector<16xi1> -> vector<16xi32>
        %reduce_sum3A_1136 = vector.extract %reduce_sum3A_1135[15] : i32 from vector<16xi32>
        %add3A_1137 = arith.addi %scan3A_1108, %reduce_sum3A_1136 : i32
        %sub3A_1138 = vector.broadcast %add3A_789 : i32 to vector<16xi32>
        %sub3A_1139 = arith.subi %get3A_1114, %sub3A_1138 : vector<16xi32>
        %lt3A_1140 = vector.broadcast %scan3A_790 : i32 to vector<16xi32>
        %lt3A_1141 = arith.cmpi ult, %sub3A_1139, %lt3A_1140 : vector<16xi32>
        %shift_left3A_1142 = arith.constant 12 : i32
        %shift_left3A_1143 = vector.broadcast %shift_left3A_1142 : i32 to vector<16xi32>
        %shift_left3A_1144 = arith.shli %sub3A_1139, %shift_left3A_1143 : vector<16xi32>
        %or3A_1145 = arith.ori %shift_left3A_1144, %get3A_1112 : vector<16xi32>
        %convert_element_type3A_1146 = arith.extui %lt3A_1141 : vector<16xi1> to vector<16xi32>
        %broadcast_in_dim3A_1147 = arith.constant true
        %broadcast_in_dim3A_1148 = vector.broadcast %broadcast_in_dim3A_1147 : i1 to vector<16xi1>
        %masked_cumsum3A_1149 = tpu.scan <sum>, %convert_element_type3A_1146 masked %broadcast_in_dim3A_1148 : vector<16xi32>, vector<16xi1> -> vector<16xi32>
        %add3A_1150 = vector.broadcast %add3A_1137 : i32 to vector<16xi32>
        %add3A_1151 = arith.addi %add3A_1150, %masked_cumsum3A_1149 : vector<16xi32>
        %sub3A_1152 = arith.constant 1 : i32
        %sub3A_1153 = vector.broadcast %sub3A_1152 : i32 to vector<16xi32>
        %sub3A_1154 = arith.subi %add3A_1151, %sub3A_1153 : vector<16xi32>
        tpu.vector_store_idx %arg9[%sub3A_1154], %or3A_1145 masked %lt3A_1141 : memref<4256xi32, #tpu.memory_space<vmem>>[vector<16xi32>], vector<16xi32>, vector<16xi1>
        tpu.vector_store_idx %arg10[%sub3A_1154], %mul3A_1119 masked %lt3A_1141 : memref<4256xf32, #tpu.memory_space<vmem>>[vector<16xi32>], vector<16xf32>, vector<16xi1>
        %convert_element_type3A_1155 = arith.extui %lt3A_1141 : vector<16xi1> to vector<16xi32>
        %reduce_sum3A_1156 = arith.constant true
        %reduce_sum3A_1157 = vector.broadcast %reduce_sum3A_1156 : i1 to vector<16xi1>
        %reduce_sum3A_1158 = tpu.scan <sum>, %convert_element_type3A_1155 masked %reduce_sum3A_1157 : vector<16xi32>, vector<16xi1> -> vector<16xi32>
        %reduce_sum3A_1159 = vector.extract %reduce_sum3A_1158[15] : i32 from vector<16xi32>
        %add3A_1160 = arith.addi %add3A_1137, %reduce_sum3A_1159 : i32
        scf.yield %add3A_1160 : i32
      }
      %scan3A_978 = arith.constant 128 : i32
      %jit3A_979 = arith.constant 128 : i32
      %div3A = arith.divsi %scan3A_977, %jit3A_979 : i32
      %sign3A = arith.constant 0 : i32
      %sign3A_980 = arith.cmpi sgt, %scan3A_977, %sign3A : i32
      %sign3A_981 = arith.extui %sign3A_980 : i1 to i32
      %sign3A_982 = arith.constant 0 : i32
      %sign3A_983 = arith.cmpi slt, %scan3A_977, %sign3A_982 : i32
      %sign3A_984 = arith.extui %sign3A_983 : i1 to i32
      %sign3A_985 = arith.subi %sign3A_981, %sign3A_984 : i32
      %sign3A_986 = arith.constant 0 : i32
      %sign3A_987 = arith.cmpi sgt, %jit3A_979, %sign3A_986 : i32
      %sign3A_988 = arith.extui %sign3A_987 : i1 to i32
      %sign3A_989 = arith.constant 0 : i32
      %sign3A_990 = arith.cmpi slt, %jit3A_979, %sign3A_989 : i32
      %sign3A_991 = arith.extui %sign3A_990 : i1 to i32
      %sign3A_992 = arith.subi %sign3A_988, %sign3A_991 : i32
      %ne3A = arith.cmpi ne, %sign3A_985, %sign3A_992 : i32
      %rem3A = arith.remsi %scan3A_977, %jit3A_979 : i32
      %ne3A_993 = arith.constant 0 : i32
      %ne3A_994 = arith.cmpi ne, %rem3A, %ne3A_993 : i32
      %and3A = arith.andi %ne3A, %ne3A_994 : i1
      %sub3A = arith.constant 1 : i32
      %sub3A_995 = arith.subi %div3A, %sub3A : i32
      %select_n3A_996 = arith.select %and3A, %sub3A_995, %div3A : i32
      %while3A = arith.constant 0 : i32
      %while3A_997 = arith.constant 0 : i32
      %while3A_998 = arith.subi %select_n3A_996, %while3A : i32
      %while3A_999 = arith.addi %while3A, %while3A_998 : i32
      %while3A_1000 = arith.constant 1 : i32
      %while3A_1001 = arith.divsi %while3A_998, %while3A_1000 : i32
      %while3A_1002 = arith.muli %while3A_1001, %while3A_1000 : i32
      %while3A_1003 = arith.addi %while3A, %while3A_1002 : i32
      %while3A_1004 = arith.constant 1 : i32
      %while3A_1005 = scf.for %while3A_1107 = %while3A to %while3A_1003 step %while3A_1004 iter_args(%while3A_1108 = %while3A_997) -> (i32)  : i32 {
        %mul3A_1109 = arith.constant 128 : i32
        %mul3A_1110 = arith.muli %while3A_1107, %mul3A_1109 : i32
        %add3A_1111 = arith.constant 0 : i32
        %add3A_1112 = arith.addi %mul3A_1110, %add3A_1111 : i32
        %get3A_1113 = arith.index_cast %add3A_1112 : i32 to index
        %get3A_1114 = tpu.vector_load %arg9[%get3A_1113] {strides = array<i32>} : memref<4256xi32, #tpu.memory_space<vmem>>, vector<16xi32>,
        %swap3A_1115 = arith.constant 0 : i32
        %swap3A_1116 = arith.index_cast %swap3A_1115 : i32 to index
        %swap3A_1117 = arith.constant 0 : index
        %swap3A_1118 = tpu.vector_load %arg11[%swap3A_1116, %swap3A_1117] {strides = array<i32>} : memref<1x128xi32, #tpu.memory_space<vmem>>, vector<16xi32>,
        tpu.vector_store %arg11[%swap3A_1116, %swap3A_1117], %get3A_1114 {strides = array<i32>} : memref<1x128xi32, #tpu.memory_space<vmem>>, vector<16xi32>,
        %get3A_1119 = arith.index_cast %add3A_1112 : i32 to index
        %get3A_1120 = tpu.vector_load %arg10[%get3A_1119] {strides = array<i32>} : memref<4256xf32, #tpu.memory_space<vmem>>, vector<16xf32>,
        %swap3A_1121 = arith.constant 0 : i32
        %swap3A_1122 = arith.index_cast %swap3A_1121 : i32 to index
        %swap3A_1123 = arith.constant 0 : index
        %swap3A_1124 = tpu.vector_load %arg12[%swap3A_1122, %swap3A_1123] {strides = array<i32>} : memref<1x128xf32, #tpu.memory_space<vmem>>, vector<16xf32>,
        tpu.vector_store %arg12[%swap3A_1122, %swap3A_1123], %get3A_1120 {strides = array<i32>} : memref<1x128xf32, #tpu.memory_space<vmem>>, vector<16xf32>,
        %add3A_1125 = arith.constant 16 : i32
        %add3A_1126 = arith.addi %mul3A_1110, %add3A_1125 : i32
        %get3A_1127 = arith.index_cast %add3A_1126 : i32 to index
        %get3A_1128 = tpu.vector_load %arg9[%get3A_1127] {strides = array<i32>} : memref<4256xi32, #tpu.memory_space<vmem>>, vector<16xi32>,
        %swap3A_1129 = arith.constant 0 : i32
        %swap3A_1130 = arith.index_cast %swap3A_1129 : i32 to index
        %swap3A_1131 = arith.constant 16 : index
        %swap3A_1132 = tpu.vector_load %arg11[%swap3A_1130, %swap3A_1131] {strides = array<i32>} : memref<1x128xi32, #tpu.memory_space<vmem>>, vector<16xi32>,
        tpu.vector_store %arg11[%swap3A_1130, %swap3A_1131], %get3A_1128 {strides = array<i32>} : memref<1x128xi32, #tpu.memory_space<vmem>>, vector<16xi32>,
        %get3A_1133 = arith.index_cast %add3A_1126 : i32 to index
        %get3A_1134 = tpu.vector_load %arg10[%get3A_1133] {strides = array<i32>} : memref<4256xf32, #tpu.memory_space<vmem>>, vector<16xf32>,
        %swap3A_1135 = arith.constant 0 : i32
        %swap3A_1136 = arith.index_cast %swap3A_1135 : i32 to index
        %swap3A_1137 = arith.constant 16 : index
        %swap3A_1138 = tpu.vector_load %arg12[%swap3A_1136, %swap3A_1137] {strides = array<i32>} : memref<1x128xf32, #tpu.memory_space<vmem>>, vector<16xf32>,
        tpu.vector_store %arg12[%swap3A_1136, %swap3A_1137], %get3A_1134 {strides = array<i32>} : memref<1x128xf32, #tpu.memory_space<vmem>>, vector<16xf32>,
        %add3A_1139 = arith.constant 32 : i32
        %add3A_1140 = arith.addi %mul3A_1110, %add3A_1139 : i32
        %get3A_1141 = arith.index_cast %add3A_1140 : i32 to index
        %get3A_1142 = tpu.vector_load %arg9[%get3A_1141] {strides = array<i32>} : memref<4256xi32, #tpu.memory_space<vmem>>, vector<16xi32>,
        %swap3A_1143 = arith.constant 0 : i32
        %swap3A_1144 = arith.index_cast %swap3A_1143 : i32 to index
        %swap3A_1145 = arith.constant 32 : index
        %swap3A_1146 = tpu.vector_load %arg11[%swap3A_1144, %swap3A_1145] {strides = array<i32>} : memref<1x128xi32, #tpu.memory_space<vmem>>, vector<16xi32>,
        tpu.vector_store %arg11[%swap3A_1144, %swap3A_1145], %get3A_1142 {strides = array<i32>} : memref<1x128xi32, #tpu.memory_space<vmem>>, vector<16xi32>,
        %get3A_1147 = arith.index_cast %add3A_1140 : i32 to index
        %get3A_1148 = tpu.vector_load %arg10[%get3A_1147] {strides = array<i32>} : memref<4256xf32, #tpu.memory_space<vmem>>, vector<16xf32>,
        %swap3A_1149 = arith.constant 0 : i32
        %swap3A_1150 = arith.index_cast %swap3A_1149 : i32 to index
        %swap3A_1151 = arith.constant 32 : index
        %swap3A_1152 = tpu.vector_load %arg12[%swap3A_1150, %swap3A_1151] {strides = array<i32>} : memref<1x128xf32, #tpu.memory_space<vmem>>, vector<16xf32>,
        tpu.vector_store %arg12[%swap3A_1150, %swap3A_1151], %get3A_1148 {strides = array<i32>} : memref<1x128xf32, #tpu.memory_space<vmem>>, vector<16xf32>,
        %add3A_1153 = arith.constant 48 : i32
        %add3A_1154 = arith.addi %mul3A_1110, %add3A_1153 : i32
        %get3A_1155 = arith.index_cast %add3A_1154 : i32 to index
        %get3A_1156 = tpu.vector_load %arg9[%get3A_1155] {strides = array<i32>} : memref<4256xi32, #tpu.memory_space<vmem>>, vector<16xi32>,
        %swap3A_1157 = arith.constant 0 : i32
        %swap3A_1158 = arith.index_cast %swap3A_1157 : i32 to index
        %swap3A_1159 = arith.constant 48 : index
        %swap3A_1160 = tpu.vector_load %arg11[%swap3A_1158, %swap3A_1159] {strides = array<i32>} : memref<1x128xi32, #tpu.memory_space<vmem>>, vector<16xi32>,
        tpu.vector_store %arg11[%swap3A_1158, %swap3A_1159], %get3A_1156 {strides = array<i32>} : memref<1x128xi32, #tpu.memory_space<vmem>>, vector<16xi32>,
        %get3A_1161 = arith.index_cast %add3A_1154 : i32 to index
        %get3A_1162 = tpu.vector_load %arg10[%get3A_1161] {strides = array<i32>} : memref<4256xf32, #tpu.memory_space<vmem>>, vector<16xf32>,
        %swap3A_1163 = arith.constant 0 : i32
        %swap3A_1164 = arith.index_cast %swap3A_1163 : i32 to index
        %swap3A_1165 = arith.constant 48 : index
        %swap3A_1166 = tpu.vector_load %arg12[%swap3A_1164, %swap3A_1165] {strides = array<i32>} : memref<1x128xf32, #tpu.memory_space<vmem>>, vector<16xf32>,
        tpu.vector_store %arg12[%swap3A_1164, %swap3A_1165], %get3A_1162 {strides = array<i32>} : memref<1x128xf32, #tpu.memory_space<vmem>>, vector<16xf32>,
        %add3A_1167 = arith.constant 64 : i32
        %add3A_1168 = arith.addi %mul3A_1110, %add3A_1167 : i32
        %get3A_1169 = arith.index_cast %add3A_1168 : i32 to index
        %get3A_1170 = tpu.vector_load %arg9[%get3A_1169] {strides = array<i32>} : memref<4256xi32, #tpu.memory_space<vmem>>, vector<16xi32>,
        %swap3A_1171 = arith.constant 0 : i32
        %swap3A_1172 = arith.index_cast %swap3A_1171 : i32 to index
        %swap3A_1173 = arith.constant 64 : index
        %swap3A_1174 = tpu.vector_load %arg11[%swap3A_1172, %swap3A_1173] {strides = array<i32>} : memref<1x128xi32, #tpu.memory_space<vmem>>, vector<16xi32>,
        tpu.vector_store %arg11[%swap3A_1172, %swap3A_1173], %get3A_1170 {strides = array<i32>} : memref<1x128xi32, #tpu.memory_space<vmem>>, vector<16xi32>,
        %get3A_1175 = arith.index_cast %add3A_1168 : i32 to index
        %get3A_1176 = tpu.vector_load %arg10[%get3A_1175] {strides = array<i32>} : memref<4256xf32, #tpu.memory_space<vmem>>, vector<16xf32>,
        %swap3A_1177 = arith.constant 0 : i32
        %swap3A_1178 = arith.index_cast %swap3A_1177 : i32 to index
        %swap3A_1179 = arith.constant 64 : index
        %swap3A_1180 = tpu.vector_load %arg12[%swap3A_1178, %swap3A_1179] {strides = array<i32>} : memref<1x128xf32, #tpu.memory_space<vmem>>, vector<16xf32>,
        tpu.vector_store %arg12[%swap3A_1178, %swap3A_1179], %get3A_1176 {strides = array<i32>} : memref<1x128xf32, #tpu.memory_space<vmem>>, vector<16xf32>,
        %add3A_1181 = arith.constant 80 : i32
        %add3A_1182 = arith.addi %mul3A_1110, %add3A_1181 : i32
        %get3A_1183 = arith.index_cast %add3A_1182 : i32 to index
        %get3A_1184 = tpu.vector_load %arg9[%get3A_1183] {strides = array<i32>} : memref<4256xi32, #tpu.memory_space<vmem>>, vector<16xi32>,
        %swap3A_1185 = arith.constant 0 : i32
        %swap3A_1186 = arith.index_cast %swap3A_1185 : i32 to index
        %swap3A_1187 = arith.constant 80 : index
        %swap3A_1188 = tpu.vector_load %arg11[%swap3A_1186, %swap3A_1187] {strides = array<i32>} : memref<1x128xi32, #tpu.memory_space<vmem>>, vector<16xi32>,
        tpu.vector_store %arg11[%swap3A_1186, %swap3A_1187], %get3A_1184 {strides = array<i32>} : memref<1x128xi32, #tpu.memory_space<vmem>>, vector<16xi32>,
        %get3A_1189 = arith.index_cast %add3A_1182 : i32 to index
        %get3A_1190 = tpu.vector_load %arg10[%get3A_1189] {strides = array<i32>} : memref<4256xf32, #tpu.memory_space<vmem>>, vector<16xf32>,
        %swap3A_1191 = arith.constant 0 : i32
        %swap3A_1192 = arith.index_cast %swap3A_1191 : i32 to index
        %swap3A_1193 = arith.constant 80 : index
        %swap3A_1194 = tpu.vector_load %arg12[%swap3A_1192, %swap3A_1193] {strides = array<i32>} : memref<1x128xf32, #tpu.memory_space<vmem>>, vector<16xf32>,
        tpu.vector_store %arg12[%swap3A_1192, %swap3A_1193], %get3A_1190 {strides = array<i32>} : memref<1x128xf32, #tpu.memory_space<vmem>>, vector<16xf32>,
        %add3A_1195 = arith.constant 96 : i32
        %add3A_1196 = arith.addi %mul3A_1110, %add3A_1195 : i32
        %get3A_1197 = arith.index_cast %add3A_1196 : i32 to index
        %get3A_1198 = tpu.vector_load %arg9[%get3A_1197] {strides = array<i32>} : memref<4256xi32, #tpu.memory_space<vmem>>, vector<16xi32>,
        %swap3A_1199 = arith.constant 0 : i32
        %swap3A_1200 = arith.index_cast %swap3A_1199 : i32 to index
        %swap3A_1201 = arith.constant 96 : index
        %swap3A_1202 = tpu.vector_load %arg11[%swap3A_1200, %swap3A_1201] {strides = array<i32>} : memref<1x128xi32, #tpu.memory_space<vmem>>, vector<16xi32>,
        tpu.vector_store %arg11[%swap3A_1200, %swap3A_1201], %get3A_1198 {strides = array<i32>} : memref<1x128xi32, #tpu.memory_space<vmem>>, vector<16xi32>,
        %get3A_1203 = arith.index_cast %add3A_1196 : i32 to index
        %get3A_1204 = tpu.vector_load %arg10[%get3A_1203] {strides = array<i32>} : memref<4256xf32, #tpu.memory_space<vmem>>, vector<16xf32>,
        %swap3A_1205 = arith.constant 0 : i32
        %swap3A_1206 = arith.index_cast %swap3A_1205 : i32 to index
        %swap3A_1207 = arith.constant 96 : index
        %swap3A_1208 = tpu.vector_load %arg12[%swap3A_1206, %swap3A_1207] {strides = array<i32>} : memref<1x128xf32, #tpu.memory_space<vmem>>, vector<16xf32>,
        tpu.vector_store %arg12[%swap3A_1206, %swap3A_1207], %get3A_1204 {strides = array<i32>} : memref<1x128xf32, #tpu.memory_space<vmem>>, vector<16xf32>,
        %add3A_1209 = arith.constant 112 : i32
        %add3A_1210 = arith.addi %mul3A_1110, %add3A_1209 : i32
        %get3A_1211 = arith.index_cast %add3A_1210 : i32 to index
        %get3A_1212 = tpu.vector_load %arg9[%get3A_1211] {strides = array<i32>} : memref<4256xi32, #tpu.memory_space<vmem>>, vector<16xi32>,
        %swap3A_1213 = arith.constant 0 : i32
        %swap3A_1214 = arith.index_cast %swap3A_1213 : i32 to index
        %swap3A_1215 = arith.constant 112 : index
        %swap3A_1216 = tpu.vector_load %arg11[%swap3A_1214, %swap3A_1215] {strides = array<i32>} : memref<1x128xi32, #tpu.memory_space<vmem>>, vector<16xi32>,
        tpu.vector_store %arg11[%swap3A_1214, %swap3A_1215], %get3A_1212 {strides = array<i32>} : memref<1x128xi32, #tpu.memory_space<vmem>>, vector<16xi32>,
        %get3A_1217 = arith.index_cast %add3A_1210 : i32 to index
        %get3A_1218 = tpu.vector_load %arg10[%get3A_1217] {strides = array<i32>} : memref<4256xf32, #tpu.memory_space<vmem>>, vector<16xf32>,
        %swap3A_1219 = arith.constant 0 : i32
        %swap3A_1220 = arith.index_cast %swap3A_1219 : i32 to index
        %swap3A_1221 = arith.constant 112 : index
        %swap3A_1222 = tpu.vector_load %arg12[%swap3A_1220, %swap3A_1221] {strides = array<i32>} : memref<1x128xf32, #tpu.memory_space<vmem>>, vector<16xf32>,
        tpu.vector_store %arg12[%swap3A_1220, %swap3A_1221], %get3A_1218 {strides = array<i32>} : memref<1x128xf32, #tpu.memory_space<vmem>>, vector<16xf32>,
        %run_scoped3A_1223 = arith.constant 0 : i32
        %run_scoped3A_1224 = arith.constant 0 : i32
        "tpu.region"() ({
          %run_scoped3A_1226 = tpu.sem_alloc : memref<!tpu.dma_semaphore, #tpu.memory_space<semaphore_mem>>
          %dma_start3A = arith.constant 0 : i32
          %dma_start3A_1227 = tpu.memref_slice %arg12[%run_scoped3A_1223, %dma_start3A] : memref<1x128xf32, #tpu.memory_space<vmem>> -> memref<1x128xf32, #tpu.memory_space<vmem>>
          %dma_start3A_1228 = tpu.memref_squeeze %dma_start3A_1227 : memref<1x128xf32, #tpu.memory_space<vmem>> -> memref<128xf32, #tpu.memory_space<vmem>>
          %dma_start3A_1229 = arith.constant 0 : i32
          %dma_start3A_1230 = tpu.memref_slice %arg11[%run_scoped3A_1224, %dma_start3A_1229] : memref<1x128xi32, #tpu.memory_space<vmem>> -> memref<1x128xi32, #tpu.memory_space<vmem>>
          %dma_start3A_1231 = tpu.memref_squeeze %dma_start3A_1230 : memref<1x128xi32, #tpu.memory_space<vmem>> -> memref<128xi32, #tpu.memory_space<vmem>>
          %dma_start3A_1232 = arith.constant 0 : i32
          %dma_start3A_1233 = tpu.memref_slice %arg14[%dma_start3A_1232] : memref<1802240xf32, #tpu.memory_space<vmem_shared>> -> memref<1802240xf32, #tpu.memory_space<vmem_shared>>
          tpu.enqueue_indirect_dma source(%dma_start3A_1228 : memref<128xf32, #tpu.memory_space<vmem>>) target(%dma_start3A_1233 : memref<1802240xf32, #tpu.memory_space<vmem_shared>>) offsets(%dma_start3A_1231 : memref<128xi32, #tpu.memory_space<vmem>>) semaphore(%run_scoped3A_1226 : memref<!tpu.dma_semaphore, #tpu.memory_space<semaphore_mem>>) {add = true}
          %dma_wait3A = arith.constant 0 : i32
          %dma_wait3A_1234 = tpu.memref_slice %arg12[%run_scoped3A_1223, %dma_wait3A] : memref<1x128xf32, #tpu.memory_space<vmem>> -> memref<1x128xf32, #tpu.memory_space<vmem>>
          %dma_wait3A_1235 = tpu.memref_squeeze %dma_wait3A_1234 : memref<1x128xf32, #tpu.memory_space<vmem>> -> memref<128xf32, #tpu.memory_space<vmem>>
          %dma_wait3A_1236 = arith.constant 0 : i32
          %dma_wait3A_1237 = tpu.memref_slice %arg11[%run_scoped3A_1224, %dma_wait3A_1236] : memref<1x128xi32, #tpu.memory_space<vmem>> -> memref<1x128xi32, #tpu.memory_space<vmem>>
          %dma_wait3A_1238 = tpu.memref_squeeze %dma_wait3A_1237 : memref<1x128xi32, #tpu.memory_space<vmem>> -> memref<128xi32, #tpu.memory_space<vmem>>
          %dma_wait3A_1239 = arith.constant 0 : i32
          %dma_wait3A_1240 = tpu.memref_slice %arg14[%dma_wait3A_1239] : memref<1802240xf32, #tpu.memory_space<vmem_shared>> -> memref<1802240xf32, #tpu.memory_space<vmem_shared>>
          tpu.wait_indirect_dma semaphore(%run_scoped3A_1226 : memref<!tpu.dma_semaphore, #tpu.memory_space<semaphore_mem>>) src(%dma_wait3A_1235 : memref<128xf32, #tpu.memory_space<vmem>>) dst(%dma_wait3A_1240 : memref<1802240xf32, #tpu.memory_space<vmem_shared>>)
          tpu.yield
        }) : () -> ()
        %while3A_1225 = arith.constant 0 : i32
        scf.yield %while3A_1225 : i32
      }
      %while3A_1006 = arith.constant 1 : i32
      %while3A_1007 = scf.for %while3A_1107 = %while3A_1003 to %while3A_999 step %while3A_1006 iter_args(%while3A_1108 = %while3A_1005) -> (i32)  : i32 {
        %mul3A_1109 = arith.constant 128 : i32
        %mul3A_1110 = arith.muli %while3A_1107, %mul3A_1109 : i32
        %add3A_1111 = arith.constant 0 : i32
        %add3A_1112 = arith.addi %mul3A_1110, %add3A_1111 : i32
        %get3A_1113 = arith.index_cast %add3A_1112 : i32 to index
        %get3A_1114 = tpu.vector_load %arg9[%get3A_1113] {strides = array<i32>} : memref<4256xi32, #tpu.memory_space<vmem>>, vector<16xi32>,
        %swap3A_1115 = arith.constant 0 : i32
        %swap3A_1116 = arith.index_cast %swap3A_1115 : i32 to index
        %swap3A_1117 = arith.constant 0 : index
        %swap3A_1118 = tpu.vector_load %arg11[%swap3A_1116, %swap3A_1117] {strides = array<i32>} : memref<1x128xi32, #tpu.memory_space<vmem>>, vector<16xi32>,
        tpu.vector_store %arg11[%swap3A_1116, %swap3A_1117], %get3A_1114 {strides = array<i32>} : memref<1x128xi32, #tpu.memory_space<vmem>>, vector<16xi32>,
        %get3A_1119 = arith.index_cast %add3A_1112 : i32 to index
        %get3A_1120 = tpu.vector_load %arg10[%get3A_1119] {strides = array<i32>} : memref<4256xf32, #tpu.memory_space<vmem>>, vector<16xf32>,
        %swap3A_1121 = arith.constant 0 : i32
        %swap3A_1122 = arith.index_cast %swap3A_1121 : i32 to index
        %swap3A_1123 = arith.constant 0 : index
        %swap3A_1124 = tpu.vector_load %arg12[%swap3A_1122, %swap3A_1123] {strides = array<i32>} : memref<1x128xf32, #tpu.memory_space<vmem>>, vector<16xf32>,
        tpu.vector_store %arg12[%swap3A_1122, %swap3A_1123], %get3A_1120 {strides = array<i32>} : memref<1x128xf32, #tpu.memory_space<vmem>>, vector<16xf32>,
        %add3A_1125 = arith.constant 16 : i32
        %add3A_1126 = arith.addi %mul3A_1110, %add3A_1125 : i32
        %get3A_1127 = arith.index_cast %add3A_1126 : i32 to index
        %get3A_1128 = tpu.vector_load %arg9[%get3A_1127] {strides = array<i32>} : memref<4256xi32, #tpu.memory_space<vmem>>, vector<16xi32>,
        %swap3A_1129 = arith.constant 0 : i32
        %swap3A_1130 = arith.index_cast %swap3A_1129 : i32 to index
        %swap3A_1131 = arith.constant 16 : index
        %swap3A_1132 = tpu.vector_load %arg11[%swap3A_1130, %swap3A_1131] {strides = array<i32>} : memref<1x128xi32, #tpu.memory_space<vmem>>, vector<16xi32>,
        tpu.vector_store %arg11[%swap3A_1130, %swap3A_1131], %get3A_1128 {strides = array<i32>} : memref<1x128xi32, #tpu.memory_space<vmem>>, vector<16xi32>,
        %get3A_1133 = arith.index_cast %add3A_1126 : i32 to index
        %get3A_1134 = tpu.vector_load %arg10[%get3A_1133] {strides = array<i32>} : memref<4256xf32, #tpu.memory_space<vmem>>, vector<16xf32>,
        %swap3A_1135 = arith.constant 0 : i32
        %swap3A_1136 = arith.index_cast %swap3A_1135 : i32 to index
        %swap3A_1137 = arith.constant 16 : index
        %swap3A_1138 = tpu.vector_load %arg12[%swap3A_1136, %swap3A_1137] {strides = array<i32>} : memref<1x128xf32, #tpu.memory_space<vmem>>, vector<16xf32>,
        tpu.vector_store %arg12[%swap3A_1136, %swap3A_1137], %get3A_1134 {strides = array<i32>} : memref<1x128xf32, #tpu.memory_space<vmem>>, vector<16xf32>,
        %add3A_1139 = arith.constant 32 : i32
        %add3A_1140 = arith.addi %mul3A_1110, %add3A_1139 : i32
        %get3A_1141 = arith.index_cast %add3A_1140 : i32 to index
        %get3A_1142 = tpu.vector_load %arg9[%get3A_1141] {strides = array<i32>} : memref<4256xi32, #tpu.memory_space<vmem>>, vector<16xi32>,
        %swap3A_1143 = arith.constant 0 : i32
        %swap3A_1144 = arith.index_cast %swap3A_1143 : i32 to index
        %swap3A_1145 = arith.constant 32 : index
        %swap3A_1146 = tpu.vector_load %arg11[%swap3A_1144, %swap3A_1145] {strides = array<i32>} : memref<1x128xi32, #tpu.memory_space<vmem>>, vector<16xi32>,
        tpu.vector_store %arg11[%swap3A_1144, %swap3A_1145], %get3A_1142 {strides = array<i32>} : memref<1x128xi32, #tpu.memory_space<vmem>>, vector<16xi32>,
        %get3A_1147 = arith.index_cast %add3A_1140 : i32 to index
        %get3A_1148 = tpu.vector_load %arg10[%get3A_1147] {strides = array<i32>} : memref<4256xf32, #tpu.memory_space<vmem>>, vector<16xf32>,
        %swap3A_1149 = arith.constant 0 : i32
        %swap3A_1150 = arith.index_cast %swap3A_1149 : i32 to index
        %swap3A_1151 = arith.constant 32 : index
        %swap3A_1152 = tpu.vector_load %arg12[%swap3A_1150, %swap3A_1151] {strides = array<i32>} : memref<1x128xf32, #tpu.memory_space<vmem>>, vector<16xf32>,
        tpu.vector_store %arg12[%swap3A_1150, %swap3A_1151], %get3A_1148 {strides = array<i32>} : memref<1x128xf32, #tpu.memory_space<vmem>>, vector<16xf32>,
        %add3A_1153 = arith.constant 48 : i32
        %add3A_1154 = arith.addi %mul3A_1110, %add3A_1153 : i32
        %get3A_1155 = arith.index_cast %add3A_1154 : i32 to index
        %get3A_1156 = tpu.vector_load %arg9[%get3A_1155] {strides = array<i32>} : memref<4256xi32, #tpu.memory_space<vmem>>, vector<16xi32>,
        %swap3A_1157 = arith.constant 0 : i32
        %swap3A_1158 = arith.index_cast %swap3A_1157 : i32 to index
        %swap3A_1159 = arith.constant 48 : index
        %swap3A_1160 = tpu.vector_load %arg11[%swap3A_1158, %swap3A_1159] {strides = array<i32>} : memref<1x128xi32, #tpu.memory_space<vmem>>, vector<16xi32>,
        tpu.vector_store %arg11[%swap3A_1158, %swap3A_1159], %get3A_1156 {strides = array<i32>} : memref<1x128xi32, #tpu.memory_space<vmem>>, vector<16xi32>,
        %get3A_1161 = arith.index_cast %add3A_1154 : i32 to index
        %get3A_1162 = tpu.vector_load %arg10[%get3A_1161] {strides = array<i32>} : memref<4256xf32, #tpu.memory_space<vmem>>, vector<16xf32>,
        %swap3A_1163 = arith.constant 0 : i32
        %swap3A_1164 = arith.index_cast %swap3A_1163 : i32 to index
        %swap3A_1165 = arith.constant 48 : index
        %swap3A_1166 = tpu.vector_load %arg12[%swap3A_1164, %swap3A_1165] {strides = array<i32>} : memref<1x128xf32, #tpu.memory_space<vmem>>, vector<16xf32>,
        tpu.vector_store %arg12[%swap3A_1164, %swap3A_1165], %get3A_1162 {strides = array<i32>} : memref<1x128xf32, #tpu.memory_space<vmem>>, vector<16xf32>,
        %add3A_1167 = arith.constant 64 : i32
        %add3A_1168 = arith.addi %mul3A_1110, %add3A_1167 : i32
        %get3A_1169 = arith.index_cast %add3A_1168 : i32 to index
        %get3A_1170 = tpu.vector_load %arg9[%get3A_1169] {strides = array<i32>} : memref<4256xi32, #tpu.memory_space<vmem>>, vector<16xi32>,
        %swap3A_1171 = arith.constant 0 : i32
        %swap3A_1172 = arith.index_cast %swap3A_1171 : i32 to index
        %swap3A_1173 = arith.constant 64 : index
        %swap3A_1174 = tpu.vector_load %arg11[%swap3A_1172, %swap3A_1173] {strides = array<i32>} : memref<1x128xi32, #tpu.memory_space<vmem>>, vector<16xi32>,
        tpu.vector_store %arg11[%swap3A_1172, %swap3A_1173], %get3A_1170 {strides = array<i32>} : memref<1x128xi32, #tpu.memory_space<vmem>>, vector<16xi32>,
        %get3A_1175 = arith.index_cast %add3A_1168 : i32 to index
        %get3A_1176 = tpu.vector_load %arg10[%get3A_1175] {strides = array<i32>} : memref<4256xf32, #tpu.memory_space<vmem>>, vector<16xf32>,
        %swap3A_1177 = arith.constant 0 : i32
        %swap3A_1178 = arith.index_cast %swap3A_1177 : i32 to index
        %swap3A_1179 = arith.constant 64 : index
        %swap3A_1180 = tpu.vector_load %arg12[%swap3A_1178, %swap3A_1179] {strides = array<i32>} : memref<1x128xf32, #tpu.memory_space<vmem>>, vector<16xf32>,
        tpu.vector_store %arg12[%swap3A_1178, %swap3A_1179], %get3A_1176 {strides = array<i32>} : memref<1x128xf32, #tpu.memory_space<vmem>>, vector<16xf32>,
        %add3A_1181 = arith.constant 80 : i32
        %add3A_1182 = arith.addi %mul3A_1110, %add3A_1181 : i32
        %get3A_1183 = arith.index_cast %add3A_1182 : i32 to index
        %get3A_1184 = tpu.vector_load %arg9[%get3A_1183] {strides = array<i32>} : memref<4256xi32, #tpu.memory_space<vmem>>, vector<16xi32>,
        %swap3A_1185 = arith.constant 0 : i32
        %swap3A_1186 = arith.index_cast %swap3A_1185 : i32 to index
        %swap3A_1187 = arith.constant 80 : index
        %swap3A_1188 = tpu.vector_load %arg11[%swap3A_1186, %swap3A_1187] {strides = array<i32>} : memref<1x128xi32, #tpu.memory_space<vmem>>, vector<16xi32>,
        tpu.vector_store %arg11[%swap3A_1186, %swap3A_1187], %get3A_1184 {strides = array<i32>} : memref<1x128xi32, #tpu.memory_space<vmem>>, vector<16xi32>,
        %get3A_1189 = arith.index_cast %add3A_1182 : i32 to index
        %get3A_1190 = tpu.vector_load %arg10[%get3A_1189] {strides = array<i32>} : memref<4256xf32, #tpu.memory_space<vmem>>, vector<16xf32>,
        %swap3A_1191 = arith.constant 0 : i32
        %swap3A_1192 = arith.index_cast %swap3A_1191 : i32 to index
        %swap3A_1193 = arith.constant 80 : index
        %swap3A_1194 = tpu.vector_load %arg12[%swap3A_1192, %swap3A_1193] {strides = array<i32>} : memref<1x128xf32, #tpu.memory_space<vmem>>, vector<16xf32>,
        tpu.vector_store %arg12[%swap3A_1192, %swap3A_1193], %get3A_1190 {strides = array<i32>} : memref<1x128xf32, #tpu.memory_space<vmem>>, vector<16xf32>,
        %add3A_1195 = arith.constant 96 : i32
        %add3A_1196 = arith.addi %mul3A_1110, %add3A_1195 : i32
        %get3A_1197 = arith.index_cast %add3A_1196 : i32 to index
        %get3A_1198 = tpu.vector_load %arg9[%get3A_1197] {strides = array<i32>} : memref<4256xi32, #tpu.memory_space<vmem>>, vector<16xi32>,
        %swap3A_1199 = arith.constant 0 : i32
        %swap3A_1200 = arith.index_cast %swap3A_1199 : i32 to index
        %swap3A_1201 = arith.constant 96 : index
        %swap3A_1202 = tpu.vector_load %arg11[%swap3A_1200, %swap3A_1201] {strides = array<i32>} : memref<1x128xi32, #tpu.memory_space<vmem>>, vector<16xi32>,
        tpu.vector_store %arg11[%swap3A_1200, %swap3A_1201], %get3A_1198 {strides = array<i32>} : memref<1x128xi32, #tpu.memory_space<vmem>>, vector<16xi32>,
        %get3A_1203 = arith.index_cast %add3A_1196 : i32 to index
        %get3A_1204 = tpu.vector_load %arg10[%get3A_1203] {strides = array<i32>} : memref<4256xf32, #tpu.memory_space<vmem>>, vector<16xf32>,
        %swap3A_1205 = arith.constant 0 : i32
        %swap3A_1206 = arith.index_cast %swap3A_1205 : i32 to index
        %swap3A_1207 = arith.constant 96 : index
        %swap3A_1208 = tpu.vector_load %arg12[%swap3A_1206, %swap3A_1207] {strides = array<i32>} : memref<1x128xf32, #tpu.memory_space<vmem>>, vector<16xf32>,
        tpu.vector_store %arg12[%swap3A_1206, %swap3A_1207], %get3A_1204 {strides = array<i32>} : memref<1x128xf32, #tpu.memory_space<vmem>>, vector<16xf32>,
        %add3A_1209 = arith.constant 112 : i32
        %add3A_1210 = arith.addi %mul3A_1110, %add3A_1209 : i32
        %get3A_1211 = arith.index_cast %add3A_1210 : i32 to index
        %get3A_1212 = tpu.vector_load %arg9[%get3A_1211] {strides = array<i32>} : memref<4256xi32, #tpu.memory_space<vmem>>, vector<16xi32>,
        %swap3A_1213 = arith.constant 0 : i32
        %swap3A_1214 = arith.index_cast %swap3A_1213 : i32 to index
        %swap3A_1215 = arith.constant 112 : index
        %swap3A_1216 = tpu.vector_load %arg11[%swap3A_1214, %swap3A_1215] {strides = array<i32>} : memref<1x128xi32, #tpu.memory_space<vmem>>, vector<16xi32>,
        tpu.vector_store %arg11[%swap3A_1214, %swap3A_1215], %get3A_1212 {strides = array<i32>} : memref<1x128xi32, #tpu.memory_space<vmem>>, vector<16xi32>,
        %get3A_1217 = arith.index_cast %add3A_1210 : i32 to index
        %get3A_1218 = tpu.vector_load %arg10[%get3A_1217] {strides = array<i32>} : memref<4256xf32, #tpu.memory_space<vmem>>, vector<16xf32>,
        %swap3A_1219 = arith.constant 0 : i32
        %swap3A_1220 = arith.index_cast %swap3A_1219 : i32 to index
        %swap3A_1221 = arith.constant 112 : index
        %swap3A_1222 = tpu.vector_load %arg12[%swap3A_1220, %swap3A_1221] {strides = array<i32>} : memref<1x128xf32, #tpu.memory_space<vmem>>, vector<16xf32>,
        tpu.vector_store %arg12[%swap3A_1220, %swap3A_1221], %get3A_1218 {strides = array<i32>} : memref<1x128xf32, #tpu.memory_space<vmem>>, vector<16xf32>,
        %run_scoped3A_1223 = arith.constant 0 : i32
        %run_scoped3A_1224 = arith.constant 0 : i32
        "tpu.region"() ({
          %run_scoped3A_1226 = tpu.sem_alloc : memref<!tpu.dma_semaphore, #tpu.memory_space<semaphore_mem>>
          %dma_start3A = arith.constant 0 : i32
          %dma_start3A_1227 = tpu.memref_slice %arg12[%run_scoped3A_1223, %dma_start3A] : memref<1x128xf32, #tpu.memory_space<vmem>> -> memref<1x128xf32, #tpu.memory_space<vmem>>
          %dma_start3A_1228 = tpu.memref_squeeze %dma_start3A_1227 : memref<1x128xf32, #tpu.memory_space<vmem>> -> memref<128xf32, #tpu.memory_space<vmem>>
          %dma_start3A_1229 = arith.constant 0 : i32
          %dma_start3A_1230 = tpu.memref_slice %arg11[%run_scoped3A_1224, %dma_start3A_1229] : memref<1x128xi32, #tpu.memory_space<vmem>> -> memref<1x128xi32, #tpu.memory_space<vmem>>
          %dma_start3A_1231 = tpu.memref_squeeze %dma_start3A_1230 : memref<1x128xi32, #tpu.memory_space<vmem>> -> memref<128xi32, #tpu.memory_space<vmem>>
          %dma_start3A_1232 = arith.constant 0 : i32
          %dma_start3A_1233 = tpu.memref_slice %arg14[%dma_start3A_1232] : memref<1802240xf32, #tpu.memory_space<vmem_shared>> -> memref<1802240xf32, #tpu.memory_space<vmem_shared>>
          tpu.enqueue_indirect_dma source(%dma_start3A_1228 : memref<128xf32, #tpu.memory_space<vmem>>) target(%dma_start3A_1233 : memref<1802240xf32, #tpu.memory_space<vmem_shared>>) offsets(%dma_start3A_1231 : memref<128xi32, #tpu.memory_space<vmem>>) semaphore(%run_scoped3A_1226 : memref<!tpu.dma_semaphore, #tpu.memory_space<semaphore_mem>>) {add = true}
          %dma_wait3A = arith.constant 0 : i32
          %dma_wait3A_1234 = tpu.memref_slice %arg12[%run_scoped3A_1223, %dma_wait3A] : memref<1x128xf32, #tpu.memory_space<vmem>> -> memref<1x128xf32, #tpu.memory_space<vmem>>
          %dma_wait3A_1235 = tpu.memref_squeeze %dma_wait3A_1234 : memref<1x128xf32, #tpu.memory_space<vmem>> -> memref<128xf32, #tpu.memory_space<vmem>>
          %dma_wait3A_1236 = arith.constant 0 : i32
          %dma_wait3A_1237 = tpu.memref_slice %arg11[%run_scoped3A_1224, %dma_wait3A_1236] : memref<1x128xi32, #tpu.memory_space<vmem>> -> memref<1x128xi32, #tpu.memory_space<vmem>>
          %dma_wait3A_1238 = tpu.memref_squeeze %dma_wait3A_1237 : memref<1x128xi32, #tpu.memory_space<vmem>> -> memref<128xi32, #tpu.memory_space<vmem>>
          %dma_wait3A_1239 = arith.constant 0 : i32
          %dma_wait3A_1240 = tpu.memref_slice %arg14[%dma_wait3A_1239] : memref<1802240xf32, #tpu.memory_space<vmem_shared>> -> memref<1802240xf32, #tpu.memory_space<vmem_shared>>
          tpu.wait_indirect_dma semaphore(%run_scoped3A_1226 : memref<!tpu.dma_semaphore, #tpu.memory_space<semaphore_mem>>) src(%dma_wait3A_1235 : memref<128xf32, #tpu.memory_space<vmem>>) dst(%dma_wait3A_1240 : memref<1802240xf32, #tpu.memory_space<vmem_shared>>)
          tpu.yield
        }) : () -> ()
        %while3A_1225 = arith.constant 0 : i32
        scf.yield %while3A_1225 : i32
      }
      %mul3A_1008 = arith.constant 128 : i32
      %mul3A_1009 = arith.muli %select_n3A_996, %mul3A_1008 : i32
      %add3A_1010 = arith.constant 0 : i32
      %add3A_1011 = arith.addi %mul3A_1009, %add3A_1010 : i32
      %get3A_1012 = arith.index_cast %add3A_1011 : i32 to index
      %get3A_1013 = tpu.vector_load %arg9[%get3A_1012] {strides = array<i32>} : memref<4256xi32, #tpu.memory_space<vmem>>, vector<16xi32>,
      %add3A_1014 = arith.constant 0 : i32
      %add3A_1015 = arith.addi %mul3A_1009, %add3A_1014 : i32
      %get3A_1016 = arith.index_cast %add3A_1015 : i32 to index
      %get3A_1017 = tpu.vector_load %arg10[%get3A_1016] {strides = array<i32>} : memref<4256xf32, #tpu.memory_space<vmem>>, vector<16xf32>,
      %swap3A_1018 = arith.constant 0 : index
      %swap3A_1019 = tpu.vector_load %arg9[%swap3A_1018] {strides = array<i32>} : memref<4256xi32, #tpu.memory_space<vmem>>, vector<16xi32>,
      tpu.vector_store %arg9[%swap3A_1018], %get3A_1013 {strides = array<i32>} : memref<4256xi32, #tpu.memory_space<vmem>>, vector<16xi32>,
      %swap3A_1020 = arith.constant 0 : index
      %swap3A_1021 = tpu.vector_load %arg10[%swap3A_1020] {strides = array<i32>} : memref<4256xf32, #tpu.memory_space<vmem>>, vector<16xf32>,
      tpu.vector_store %arg10[%swap3A_1020], %get3A_1017 {strides = array<i32>} : memref<4256xf32, #tpu.memory_space<vmem>>, vector<16xf32>,
      %add3A_1022 = arith.constant 16 : i32
      %add3A_1023 = arith.addi %mul3A_1009, %add3A_1022 : i32
      %get3A_1024 = arith.index_cast %add3A_1023 : i32 to index
      %get3A_1025 = tpu.vector_load %arg9[%get3A_1024] {strides = array<i32>} : memref<4256xi32, #tpu.memory_space<vmem>>, vector<16xi32>,
      %add3A_1026 = arith.constant 16 : i32
      %add3A_1027 = arith.addi %mul3A_1009, %add3A_1026 : i32
      %get3A_1028 = arith.index_cast %add3A_1027 : i32 to index
      %get3A_1029 = tpu.vector_load %arg10[%get3A_1028] {strides = array<i32>} : memref<4256xf32, #tpu.memory_space<vmem>>, vector<16xf32>,
      %swap3A_1030 = arith.constant 16 : index
      %swap3A_1031 = tpu.vector_load %arg9[%swap3A_1030] {strides = array<i32>} : memref<4256xi32, #tpu.memory_space<vmem>>, vector<16xi32>,
      tpu.vector_store %arg9[%swap3A_1030], %get3A_1025 {strides = array<i32>} : memref<4256xi32, #tpu.memory_space<vmem>>, vector<16xi32>,
      %swap3A_1032 = arith.constant 16 : index
      %swap3A_1033 = tpu.vector_load %arg10[%swap3A_1032] {strides = array<i32>} : memref<4256xf32, #tpu.memory_space<vmem>>, vector<16xf32>,
      tpu.vector_store %arg10[%swap3A_1032], %get3A_1029 {strides = array<i32>} : memref<4256xf32, #tpu.memory_space<vmem>>, vector<16xf32>,
      %add3A_1034 = arith.constant 32 : i32
      %add3A_1035 = arith.addi %mul3A_1009, %add3A_1034 : i32
      %get3A_1036 = arith.index_cast %add3A_1035 : i32 to index
      %get3A_1037 = tpu.vector_load %arg9[%get3A_1036] {strides = array<i32>} : memref<4256xi32, #tpu.memory_space<vmem>>, vector<16xi32>,
      %add3A_1038 = arith.constant 32 : i32
      %add3A_1039 = arith.addi %mul3A_1009, %add3A_1038 : i32
      %get3A_1040 = arith.index_cast %add3A_1039 : i32 to index
      %get3A_1041 = tpu.vector_load %arg10[%get3A_1040] {strides = array<i32>} : memref<4256xf32, #tpu.memory_space<vmem>>, vector<16xf32>,
      %swap3A_1042 = arith.constant 32 : index
      %swap3A_1043 = tpu.vector_load %arg9[%swap3A_1042] {strides = array<i32>} : memref<4256xi32, #tpu.memory_space<vmem>>, vector<16xi32>,
      tpu.vector_store %arg9[%swap3A_1042], %get3A_1037 {strides = array<i32>} : memref<4256xi32, #tpu.memory_space<vmem>>, vector<16xi32>,
      %swap3A_1044 = arith.constant 32 : index
      %swap3A_1045 = tpu.vector_load %arg10[%swap3A_1044] {strides = array<i32>} : memref<4256xf32, #tpu.memory_space<vmem>>, vector<16xf32>,
      tpu.vector_store %arg10[%swap3A_1044], %get3A_1041 {strides = array<i32>} : memref<4256xf32, #tpu.memory_space<vmem>>, vector<16xf32>,
      %add3A_1046 = arith.constant 48 : i32
      %add3A_1047 = arith.addi %mul3A_1009, %add3A_1046 : i32
      %get3A_1048 = arith.index_cast %add3A_1047 : i32 to index
      %get3A_1049 = tpu.vector_load %arg9[%get3A_1048] {strides = array<i32>} : memref<4256xi32, #tpu.memory_space<vmem>>, vector<16xi32>,
      %add3A_1050 = arith.constant 48 : i32
      %add3A_1051 = arith.addi %mul3A_1009, %add3A_1050 : i32
      %get3A_1052 = arith.index_cast %add3A_1051 : i32 to index
      %get3A_1053 = tpu.vector_load %arg10[%get3A_1052] {strides = array<i32>} : memref<4256xf32, #tpu.memory_space<vmem>>, vector<16xf32>,
      %swap3A_1054 = arith.constant 48 : index
      %swap3A_1055 = tpu.vector_load %arg9[%swap3A_1054] {strides = array<i32>} : memref<4256xi32, #tpu.memory_space<vmem>>, vector<16xi32>,
      tpu.vector_store %arg9[%swap3A_1054], %get3A_1049 {strides = array<i32>} : memref<4256xi32, #tpu.memory_space<vmem>>, vector<16xi32>,
      %swap3A_1056 = arith.constant 48 : index
      %swap3A_1057 = tpu.vector_load %arg10[%swap3A_1056] {strides = array<i32>} : memref<4256xf32, #tpu.memory_space<vmem>>, vector<16xf32>,
      tpu.vector_store %arg10[%swap3A_1056], %get3A_1053 {strides = array<i32>} : memref<4256xf32, #tpu.memory_space<vmem>>, vector<16xf32>,
      %add3A_1058 = arith.constant 64 : i32
      %add3A_1059 = arith.addi %mul3A_1009, %add3A_1058 : i32
      %get3A_1060 = arith.index_cast %add3A_1059 : i32 to index
      %get3A_1061 = tpu.vector_load %arg9[%get3A_1060] {strides = array<i32>} : memref<4256xi32, #tpu.memory_space<vmem>>, vector<16xi32>,
      %add3A_1062 = arith.constant 64 : i32
      %add3A_1063 = arith.addi %mul3A_1009, %add3A_1062 : i32
      %get3A_1064 = arith.index_cast %add3A_1063 : i32 to index
      %get3A_1065 = tpu.vector_load %arg10[%get3A_1064] {strides = array<i32>} : memref<4256xf32, #tpu.memory_space<vmem>>, vector<16xf32>,
      %swap3A_1066 = arith.constant 64 : index
      %swap3A_1067 = tpu.vector_load %arg9[%swap3A_1066] {strides = array<i32>} : memref<4256xi32, #tpu.memory_space<vmem>>, vector<16xi32>,
      tpu.vector_store %arg9[%swap3A_1066], %get3A_1061 {strides = array<i32>} : memref<4256xi32, #tpu.memory_space<vmem>>, vector<16xi32>,
      %swap3A_1068 = arith.constant 64 : index
      %swap3A_1069 = tpu.vector_load %arg10[%swap3A_1068] {strides = array<i32>} : memref<4256xf32, #tpu.memory_space<vmem>>, vector<16xf32>,
      tpu.vector_store %arg10[%swap3A_1068], %get3A_1065 {strides = array<i32>} : memref<4256xf32, #tpu.memory_space<vmem>>, vector<16xf32>,
      %add3A_1070 = arith.constant 80 : i32
      %add3A_1071 = arith.addi %mul3A_1009, %add3A_1070 : i32
      %get3A_1072 = arith.index_cast %add3A_1071 : i32 to index
      %get3A_1073 = tpu.vector_load %arg9[%get3A_1072] {strides = array<i32>} : memref<4256xi32, #tpu.memory_space<vmem>>, vector<16xi32>,
      %add3A_1074 = arith.constant 80 : i32
      %add3A_1075 = arith.addi %mul3A_1009, %add3A_1074 : i32
      %get3A_1076 = arith.index_cast %add3A_1075 : i32 to index
      %get3A_1077 = tpu.vector_load %arg10[%get3A_1076] {strides = array<i32>} : memref<4256xf32, #tpu.memory_space<vmem>>, vector<16xf32>,
      %swap3A_1078 = arith.constant 80 : index
      %swap3A_1079 = tpu.vector_load %arg9[%swap3A_1078] {strides = array<i32>} : memref<4256xi32, #tpu.memory_space<vmem>>, vector<16xi32>,
      tpu.vector_store %arg9[%swap3A_1078], %get3A_1073 {strides = array<i32>} : memref<4256xi32, #tpu.memory_space<vmem>>, vector<16xi32>,
      %swap3A_1080 = arith.constant 80 : index
      %swap3A_1081 = tpu.vector_load %arg10[%swap3A_1080] {strides = array<i32>} : memref<4256xf32, #tpu.memory_space<vmem>>, vector<16xf32>,
      tpu.vector_store %arg10[%swap3A_1080], %get3A_1077 {strides = array<i32>} : memref<4256xf32, #tpu.memory_space<vmem>>, vector<16xf32>,
      %add3A_1082 = arith.constant 96 : i32
      %add3A_1083 = arith.addi %mul3A_1009, %add3A_1082 : i32
      %get3A_1084 = arith.index_cast %add3A_1083 : i32 to index
      %get3A_1085 = tpu.vector_load %arg9[%get3A_1084] {strides = array<i32>} : memref<4256xi32, #tpu.memory_space<vmem>>, vector<16xi32>,
      %add3A_1086 = arith.constant 96 : i32
      %add3A_1087 = arith.addi %mul3A_1009, %add3A_1086 : i32
      %get3A_1088 = arith.index_cast %add3A_1087 : i32 to index
      %get3A_1089 = tpu.vector_load %arg10[%get3A_1088] {strides = array<i32>} : memref<4256xf32, #tpu.memory_space<vmem>>, vector<16xf32>,
      %swap3A_1090 = arith.constant 96 : index
      %swap3A_1091 = tpu.vector_load %arg9[%swap3A_1090] {strides = array<i32>} : memref<4256xi32, #tpu.memory_space<vmem>>, vector<16xi32>,
      tpu.vector_store %arg9[%swap3A_1090], %get3A_1085 {strides = array<i32>} : memref<4256xi32, #tpu.memory_space<vmem>>, vector<16xi32>,
      %swap3A_1092 = arith.constant 96 : index
      %swap3A_1093 = tpu.vector_load %arg10[%swap3A_1092] {strides = array<i32>} : memref<4256xf32, #tpu.memory_space<vmem>>, vector<16xf32>,
      tpu.vector_store %arg10[%swap3A_1092], %get3A_1089 {strides = array<i32>} : memref<4256xf32, #tpu.memory_space<vmem>>, vector<16xf32>,
      %add3A_1094 = arith.constant 112 : i32
      %add3A_1095 = arith.addi %mul3A_1009, %add3A_1094 : i32
      %get3A_1096 = arith.index_cast %add3A_1095 : i32 to index
      %get3A_1097 = tpu.vector_load %arg9[%get3A_1096] {strides = array<i32>} : memref<4256xi32, #tpu.memory_space<vmem>>, vector<16xi32>,
      %add3A_1098 = arith.constant 112 : i32
      %add3A_1099 = arith.addi %mul3A_1009, %add3A_1098 : i32
      %get3A_1100 = arith.index_cast %add3A_1099 : i32 to index
      %get3A_1101 = tpu.vector_load %arg10[%get3A_1100] {strides = array<i32>} : memref<4256xf32, #tpu.memory_space<vmem>>, vector<16xf32>,
      %swap3A_1102 = arith.constant 112 : index
      %swap3A_1103 = tpu.vector_load %arg9[%swap3A_1102] {strides = array<i32>} : memref<4256xi32, #tpu.memory_space<vmem>>, vector<16xi32>,
      tpu.vector_store %arg9[%swap3A_1102], %get3A_1097 {strides = array<i32>} : memref<4256xi32, #tpu.memory_space<vmem>>, vector<16xi32>,
      %swap3A_1104 = arith.constant 112 : index
      %swap3A_1105 = tpu.vector_load %arg10[%swap3A_1104] {strides = array<i32>} : memref<4256xf32, #tpu.memory_space<vmem>>, vector<16xf32>,
      tpu.vector_store %arg10[%swap3A_1104], %get3A_1101 {strides = array<i32>} : memref<4256xf32, #tpu.memory_space<vmem>>, vector<16xf32>,
      %sub3A_1106 = arith.subi %scan3A_977, %mul3A_1009 : i32
      scf.yield %sub3A_1106 : i32
    }
    %scan3A_797 = arith.constant 52 : i32
    %add3A_798 = arith.constant 0 : i32
    %add3A_799 = vector.broadcast %add3A_798 : i32 to vector<16xi32>
    %add3A_800 = arith.addi %iota3A, %add3A_799 : vector<16xi32>
    %lt3A_801 = vector.broadcast %scan3A_796 : i32 to vector<16xi32>
    %lt3A_802 = arith.cmpi slt, %add3A_800, %lt3A_801 : vector<16xi32>
    %get3A_803 = arith.constant 0 : index
    %get3A_804 = tpu.vector_load %arg9[%get3A_803] {strides = array<i32>} : memref<4256xi32, #tpu.memory_space<vmem>>, vector<16xi32>,
    %swap3A_805 = arith.constant 0 : i32
    %swap3A_806 = arith.index_cast %swap3A_805 : i32 to index
    %swap3A_807 = arith.constant 0 : index
    %swap3A_808 = tpu.vector_load %arg11[%swap3A_806, %swap3A_807] {strides = array<i32>} : memref<1x128xi32, #tpu.memory_space<vmem>>, vector<16xi32>,
    tpu.vector_store %arg11[%swap3A_806, %swap3A_807], %get3A_804 {strides = array<i32>} : memref<1x128xi32, #tpu.memory_space<vmem>>, vector<16xi32>,
    %get3A_809 = arith.constant 0 : index
    %get3A_810 = tpu.vector_load %arg10[%get3A_809] {strides = array<i32>} : memref<4256xf32, #tpu.memory_space<vmem>>, vector<16xf32>,
    %jit3A_811 = arith.constant 0.000000e+00 : f32
    %broadcast_in_dim3A_812 = vector.broadcast %jit3A_811 : f32 to vector<16xf32>
    %select_n3A_813 = arith.select %lt3A_802, %get3A_810, %broadcast_in_dim3A_812 : vector<16xi1>, vector<16xf32>
    %swap3A_814 = arith.constant 0 : i32
    %swap3A_815 = arith.index_cast %swap3A_814 : i32 to index
    %swap3A_816 = arith.constant 0 : index
    %swap3A_817 = tpu.vector_load %arg12[%swap3A_815, %swap3A_816] {strides = array<i32>} : memref<1x128xf32, #tpu.memory_space<vmem>>, vector<16xf32>,
    tpu.vector_store %arg12[%swap3A_815, %swap3A_816], %select_n3A_813 {strides = array<i32>} : memref<1x128xf32, #tpu.memory_space<vmem>>, vector<16xf32>,
    %add3A_818 = arith.constant 16 : i32
    %add3A_819 = vector.broadcast %add3A_818 : i32 to vector<16xi32>
    %add3A_820 = arith.addi %iota3A, %add3A_819 : vector<16xi32>
    %lt3A_821 = vector.broadcast %scan3A_796 : i32 to vector<16xi32>
    %lt3A_822 = arith.cmpi slt, %add3A_820, %lt3A_821 : vector<16xi32>
    %get3A_823 = arith.constant 16 : index
    %get3A_824 = tpu.vector_load %arg9[%get3A_823] {strides = array<i32>} : memref<4256xi32, #tpu.memory_space<vmem>>, vector<16xi32>,
    %swap3A_825 = arith.constant 0 : i32
    %swap3A_826 = arith.index_cast %swap3A_825 : i32 to index
    %swap3A_827 = arith.constant 16 : index
    %swap3A_828 = tpu.vector_load %arg11[%swap3A_826, %swap3A_827] {strides = array<i32>} : memref<1x128xi32, #tpu.memory_space<vmem>>, vector<16xi32>,
    tpu.vector_store %arg11[%swap3A_826, %swap3A_827], %get3A_824 {strides = array<i32>} : memref<1x128xi32, #tpu.memory_space<vmem>>, vector<16xi32>,
    %get3A_829 = arith.constant 16 : index
    %get3A_830 = tpu.vector_load %arg10[%get3A_829] {strides = array<i32>} : memref<4256xf32, #tpu.memory_space<vmem>>, vector<16xf32>,
    %jit3A_831 = arith.constant 0.000000e+00 : f32
    %broadcast_in_dim3A_832 = vector.broadcast %jit3A_831 : f32 to vector<16xf32>
    %select_n3A_833 = arith.select %lt3A_822, %get3A_830, %broadcast_in_dim3A_832 : vector<16xi1>, vector<16xf32>
    %swap3A_834 = arith.constant 0 : i32
    %swap3A_835 = arith.index_cast %swap3A_834 : i32 to index
    %swap3A_836 = arith.constant 16 : index
    %swap3A_837 = tpu.vector_load %arg12[%swap3A_835, %swap3A_836] {strides = array<i32>} : memref<1x128xf32, #tpu.memory_space<vmem>>, vector<16xf32>,
    tpu.vector_store %arg12[%swap3A_835, %swap3A_836], %select_n3A_833 {strides = array<i32>} : memref<1x128xf32, #tpu.memory_space<vmem>>, vector<16xf32>,
    %add3A_838 = arith.constant 32 : i32
    %add3A_839 = vector.broadcast %add3A_838 : i32 to vector<16xi32>
    %add3A_840 = arith.addi %iota3A, %add3A_839 : vector<16xi32>
    %lt3A_841 = vector.broadcast %scan3A_796 : i32 to vector<16xi32>
    %lt3A_842 = arith.cmpi slt, %add3A_840, %lt3A_841 : vector<16xi32>
    %get3A_843 = arith.constant 32 : index
    %get3A_844 = tpu.vector_load %arg9[%get3A_843] {strides = array<i32>} : memref<4256xi32, #tpu.memory_space<vmem>>, vector<16xi32>,
    %swap3A_845 = arith.constant 0 : i32
    %swap3A_846 = arith.index_cast %swap3A_845 : i32 to index
    %swap3A_847 = arith.constant 32 : index
    %swap3A_848 = tpu.vector_load %arg11[%swap3A_846, %swap3A_847] {strides = array<i32>} : memref<1x128xi32, #tpu.memory_space<vmem>>, vector<16xi32>,
    tpu.vector_store %arg11[%swap3A_846, %swap3A_847], %get3A_844 {strides = array<i32>} : memref<1x128xi32, #tpu.memory_space<vmem>>, vector<16xi32>,
    %get3A_849 = arith.constant 32 : index
    %get3A_850 = tpu.vector_load %arg10[%get3A_849] {strides = array<i32>} : memref<4256xf32, #tpu.memory_space<vmem>>, vector<16xf32>,
    %jit3A_851 = arith.constant 0.000000e+00 : f32
    %broadcast_in_dim3A_852 = vector.broadcast %jit3A_851 : f32 to vector<16xf32>
    %select_n3A_853 = arith.select %lt3A_842, %get3A_850, %broadcast_in_dim3A_852 : vector<16xi1>, vector<16xf32>
    %swap3A_854 = arith.constant 0 : i32
    %swap3A_855 = arith.index_cast %swap3A_854 : i32 to index
    %swap3A_856 = arith.constant 32 : index
    %swap3A_857 = tpu.vector_load %arg12[%swap3A_855, %swap3A_856] {strides = array<i32>} : memref<1x128xf32, #tpu.memory_space<vmem>>, vector<16xf32>,
    tpu.vector_store %arg12[%swap3A_855, %swap3A_856], %select_n3A_853 {strides = array<i32>} : memref<1x128xf32, #tpu.memory_space<vmem>>, vector<16xf32>,
    %add3A_858 = arith.constant 48 : i32
    %add3A_859 = vector.broadcast %add3A_858 : i32 to vector<16xi32>
    %add3A_860 = arith.addi %iota3A, %add3A_859 : vector<16xi32>
    %lt3A_861 = vector.broadcast %scan3A_796 : i32 to vector<16xi32>
    %lt3A_862 = arith.cmpi slt, %add3A_860, %lt3A_861 : vector<16xi32>
    %get3A_863 = arith.constant 48 : index
    %get3A_864 = tpu.vector_load %arg9[%get3A_863] {strides = array<i32>} : memref<4256xi32, #tpu.memory_space<vmem>>, vector<16xi32>,
    %swap3A_865 = arith.constant 0 : i32
    %swap3A_866 = arith.index_cast %swap3A_865 : i32 to index
    %swap3A_867 = arith.constant 48 : index
    %swap3A_868 = tpu.vector_load %arg11[%swap3A_866, %swap3A_867] {strides = array<i32>} : memref<1x128xi32, #tpu.memory_space<vmem>>, vector<16xi32>,
    tpu.vector_store %arg11[%swap3A_866, %swap3A_867], %get3A_864 {strides = array<i32>} : memref<1x128xi32, #tpu.memory_space<vmem>>, vector<16xi32>,
    %get3A_869 = arith.constant 48 : index
    %get3A_870 = tpu.vector_load %arg10[%get3A_869] {strides = array<i32>} : memref<4256xf32, #tpu.memory_space<vmem>>, vector<16xf32>,
    %jit3A_871 = arith.constant 0.000000e+00 : f32
    %broadcast_in_dim3A_872 = vector.broadcast %jit3A_871 : f32 to vector<16xf32>
    %select_n3A_873 = arith.select %lt3A_862, %get3A_870, %broadcast_in_dim3A_872 : vector<16xi1>, vector<16xf32>
    %swap3A_874 = arith.constant 0 : i32
    %swap3A_875 = arith.index_cast %swap3A_874 : i32 to index
    %swap3A_876 = arith.constant 48 : index
    %swap3A_877 = tpu.vector_load %arg12[%swap3A_875, %swap3A_876] {strides = array<i32>} : memref<1x128xf32, #tpu.memory_space<vmem>>, vector<16xf32>,
    tpu.vector_store %arg12[%swap3A_875, %swap3A_876], %select_n3A_873 {strides = array<i32>} : memref<1x128xf32, #tpu.memory_space<vmem>>, vector<16xf32>,
    %add3A_878 = arith.constant 64 : i32
    %add3A_879 = vector.broadcast %add3A_878 : i32 to vector<16xi32>
    %add3A_880 = arith.addi %iota3A, %add3A_879 : vector<16xi32>
    %lt3A_881 = vector.broadcast %scan3A_796 : i32 to vector<16xi32>
    %lt3A_882 = arith.cmpi slt, %add3A_880, %lt3A_881 : vector<16xi32>
    %get3A_883 = arith.constant 64 : index
    %get3A_884 = tpu.vector_load %arg9[%get3A_883] {strides = array<i32>} : memref<4256xi32, #tpu.memory_space<vmem>>, vector<16xi32>,
    %swap3A_885 = arith.constant 0 : i32
    %swap3A_886 = arith.index_cast %swap3A_885 : i32 to index
    %swap3A_887 = arith.constant 64 : index
    %swap3A_888 = tpu.vector_load %arg11[%swap3A_886, %swap3A_887] {strides = array<i32>} : memref<1x128xi32, #tpu.memory_space<vmem>>, vector<16xi32>,
    tpu.vector_store %arg11[%swap3A_886, %swap3A_887], %get3A_884 {strides = array<i32>} : memref<1x128xi32, #tpu.memory_space<vmem>>, vector<16xi32>,
    %get3A_889 = arith.constant 64 : index
    %get3A_890 = tpu.vector_load %arg10[%get3A_889] {strides = array<i32>} : memref<4256xf32, #tpu.memory_space<vmem>>, vector<16xf32>,
    %jit3A_891 = arith.constant 0.000000e+00 : f32
    %broadcast_in_dim3A_892 = vector.broadcast %jit3A_891 : f32 to vector<16xf32>
    %select_n3A_893 = arith.select %lt3A_882, %get3A_890, %broadcast_in_dim3A_892 : vector<16xi1>, vector<16xf32>
    %swap3A_894 = arith.constant 0 : i32
    %swap3A_895 = arith.index_cast %swap3A_894 : i32 to index
    %swap3A_896 = arith.constant 64 : index
    %swap3A_897 = tpu.vector_load %arg12[%swap3A_895, %swap3A_896] {strides = array<i32>} : memref<1x128xf32, #tpu.memory_space<vmem>>, vector<16xf32>,
    tpu.vector_store %arg12[%swap3A_895, %swap3A_896], %select_n3A_893 {strides = array<i32>} : memref<1x128xf32, #tpu.memory_space<vmem>>, vector<16xf32>,
    %add3A_898 = arith.constant 80 : i32
    %add3A_899 = vector.broadcast %add3A_898 : i32 to vector<16xi32>
    %add3A_900 = arith.addi %iota3A, %add3A_899 : vector<16xi32>
    %lt3A_901 = vector.broadcast %scan3A_796 : i32 to vector<16xi32>
    %lt3A_902 = arith.cmpi slt, %add3A_900, %lt3A_901 : vector<16xi32>
    %get3A_903 = arith.constant 80 : index
    %get3A_904 = tpu.vector_load %arg9[%get3A_903] {strides = array<i32>} : memref<4256xi32, #tpu.memory_space<vmem>>, vector<16xi32>,
    %swap3A_905 = arith.constant 0 : i32
    %swap3A_906 = arith.index_cast %swap3A_905 : i32 to index
    %swap3A_907 = arith.constant 80 : index
    %swap3A_908 = tpu.vector_load %arg11[%swap3A_906, %swap3A_907] {strides = array<i32>} : memref<1x128xi32, #tpu.memory_space<vmem>>, vector<16xi32>,
    tpu.vector_store %arg11[%swap3A_906, %swap3A_907], %get3A_904 {strides = array<i32>} : memref<1x128xi32, #tpu.memory_space<vmem>>, vector<16xi32>,
    %get3A_909 = arith.constant 80 : index
    %get3A_910 = tpu.vector_load %arg10[%get3A_909] {strides = array<i32>} : memref<4256xf32, #tpu.memory_space<vmem>>, vector<16xf32>,
    %jit3A_911 = arith.constant 0.000000e+00 : f32
    %broadcast_in_dim3A_912 = vector.broadcast %jit3A_911 : f32 to vector<16xf32>
    %select_n3A_913 = arith.select %lt3A_902, %get3A_910, %broadcast_in_dim3A_912 : vector<16xi1>, vector<16xf32>
    %swap3A_914 = arith.constant 0 : i32
    %swap3A_915 = arith.index_cast %swap3A_914 : i32 to index
    %swap3A_916 = arith.constant 80 : index
    %swap3A_917 = tpu.vector_load %arg12[%swap3A_915, %swap3A_916] {strides = array<i32>} : memref<1x128xf32, #tpu.memory_space<vmem>>, vector<16xf32>,
    tpu.vector_store %arg12[%swap3A_915, %swap3A_916], %select_n3A_913 {strides = array<i32>} : memref<1x128xf32, #tpu.memory_space<vmem>>, vector<16xf32>,
    %add3A_918 = arith.constant 96 : i32
    %add3A_919 = vector.broadcast %add3A_918 : i32 to vector<16xi32>
    %add3A_920 = arith.addi %iota3A, %add3A_919 : vector<16xi32>
    %lt3A_921 = vector.broadcast %scan3A_796 : i32 to vector<16xi32>
    %lt3A_922 = arith.cmpi slt, %add3A_920, %lt3A_921 : vector<16xi32>
    %get3A_923 = arith.constant 96 : index
    %get3A_924 = tpu.vector_load %arg9[%get3A_923] {strides = array<i32>} : memref<4256xi32, #tpu.memory_space<vmem>>, vector<16xi32>,
    %swap3A_925 = arith.constant 0 : i32
    %swap3A_926 = arith.index_cast %swap3A_925 : i32 to index
    %swap3A_927 = arith.constant 96 : index
    %swap3A_928 = tpu.vector_load %arg11[%swap3A_926, %swap3A_927] {strides = array<i32>} : memref<1x128xi32, #tpu.memory_space<vmem>>, vector<16xi32>,
    tpu.vector_store %arg11[%swap3A_926, %swap3A_927], %get3A_924 {strides = array<i32>} : memref<1x128xi32, #tpu.memory_space<vmem>>, vector<16xi32>,
    %get3A_929 = arith.constant 96 : index
    %get3A_930 = tpu.vector_load %arg10[%get3A_929] {strides = array<i32>} : memref<4256xf32, #tpu.memory_space<vmem>>, vector<16xf32>,
    %jit3A_931 = arith.constant 0.000000e+00 : f32
    %broadcast_in_dim3A_932 = vector.broadcast %jit3A_931 : f32 to vector<16xf32>
    %select_n3A_933 = arith.select %lt3A_922, %get3A_930, %broadcast_in_dim3A_932 : vector<16xi1>, vector<16xf32>
    %swap3A_934 = arith.constant 0 : i32
    %swap3A_935 = arith.index_cast %swap3A_934 : i32 to index
    %swap3A_936 = arith.constant 96 : index
    %swap3A_937 = tpu.vector_load %arg12[%swap3A_935, %swap3A_936] {strides = array<i32>} : memref<1x128xf32, #tpu.memory_space<vmem>>, vector<16xf32>,
    tpu.vector_store %arg12[%swap3A_935, %swap3A_936], %select_n3A_933 {strides = array<i32>} : memref<1x128xf32, #tpu.memory_space<vmem>>, vector<16xf32>,
    %add3A_938 = arith.constant 112 : i32
    %add3A_939 = vector.broadcast %add3A_938 : i32 to vector<16xi32>
    %add3A_940 = arith.addi %iota3A, %add3A_939 : vector<16xi32>
    %lt3A_941 = vector.broadcast %scan3A_796 : i32 to vector<16xi32>
    %lt3A_942 = arith.cmpi slt, %add3A_940, %lt3A_941 : vector<16xi32>
    %get3A_943 = arith.constant 112 : index
    %get3A_944 = tpu.vector_load %arg9[%get3A_943] {strides = array<i32>} : memref<4256xi32, #tpu.memory_space<vmem>>, vector<16xi32>,
    %swap3A_945 = arith.constant 0 : i32
    %swap3A_946 = arith.index_cast %swap3A_945 : i32 to index
    %swap3A_947 = arith.constant 112 : index
    %swap3A_948 = tpu.vector_load %arg11[%swap3A_946, %swap3A_947] {strides = array<i32>} : memref<1x128xi32, #tpu.memory_space<vmem>>, vector<16xi32>,
    tpu.vector_store %arg11[%swap3A_946, %swap3A_947], %get3A_944 {strides = array<i32>} : memref<1x128xi32, #tpu.memory_space<vmem>>, vector<16xi32>,
    %get3A_949 = arith.constant 112 : index
    %get3A_950 = tpu.vector_load %arg10[%get3A_949] {strides = array<i32>} : memref<4256xf32, #tpu.memory_space<vmem>>, vector<16xf32>,
    %jit3A_951 = arith.constant 0.000000e+00 : f32
    %broadcast_in_dim3A_952 = vector.broadcast %jit3A_951 : f32 to vector<16xf32>
    %select_n3A_953 = arith.select %lt3A_942, %get3A_950, %broadcast_in_dim3A_952 : vector<16xi1>, vector<16xf32>
    %swap3A_954 = arith.constant 0 : i32
    %swap3A_955 = arith.index_cast %swap3A_954 : i32 to index
    %swap3A_956 = arith.constant 112 : index
    %swap3A_957 = tpu.vector_load %arg12[%swap3A_955, %swap3A_956] {strides = array<i32>} : memref<1x128xf32, #tpu.memory_space<vmem>>, vector<16xf32>,
    tpu.vector_store %arg12[%swap3A_955, %swap3A_956], %select_n3A_953 {strides = array<i32>} : memref<1x128xf32, #tpu.memory_space<vmem>>, vector<16xf32>,
    %run_scoped3A_958 = arith.constant 0 : i32
    %run_scoped3A_959 = arith.constant 0 : i32
    "tpu.region"() ({
      %run_scoped3A_966 = tpu.sem_alloc : memref<!tpu.dma_semaphore, #tpu.memory_space<semaphore_mem>>
      %dma_start3A = arith.constant 0 : i32
      %dma_start3A_967 = tpu.memref_slice %arg12[%run_scoped3A_958, %dma_start3A] : memref<1x128xf32, #tpu.memory_space<vmem>> -> memref<1x128xf32, #tpu.memory_space<vmem>>
      %dma_start3A_968 = tpu.memref_squeeze %dma_start3A_967 : memref<1x128xf32, #tpu.memory_space<vmem>> -> memref<128xf32, #tpu.memory_space<vmem>>
      %dma_start3A_969 = arith.constant 0 : i32
      %dma_start3A_970 = tpu.memref_slice %arg11[%run_scoped3A_959, %dma_start3A_969] : memref<1x128xi32, #tpu.memory_space<vmem>> -> memref<1x128xi32, #tpu.memory_space<vmem>>
      %dma_start3A_971 = tpu.memref_squeeze %dma_start3A_970 : memref<1x128xi32, #tpu.memory_space<vmem>> -> memref<128xi32, #tpu.memory_space<vmem>>
      %dma_start3A_972 = arith.constant 0 : i32
      %dma_start3A_973 = tpu.memref_slice %arg14[%dma_start3A_972] : memref<1802240xf32, #tpu.memory_space<vmem_shared>> -> memref<1802240xf32, #tpu.memory_space<vmem_shared>>
      tpu.enqueue_indirect_dma source(%dma_start3A_968 : memref<128xf32, #tpu.memory_space<vmem>>) target(%dma_start3A_973 : memref<1802240xf32, #tpu.memory_space<vmem_shared>>) offsets(%dma_start3A_971 : memref<128xi32, #tpu.memory_space<vmem>>) semaphore(%run_scoped3A_966 : memref<!tpu.dma_semaphore, #tpu.memory_space<semaphore_mem>>) {add = true}
      %dma_wait3A = arith.constant 0 : i32
      %dma_wait3A_974 = tpu.memref_slice %arg12[%run_scoped3A_958, %dma_wait3A] : memref<1x128xf32, #tpu.memory_space<vmem>> -> memref<1x128xf32, #tpu.memory_space<vmem>>
      %dma_wait3A_975 = tpu.memref_squeeze %dma_wait3A_974 : memref<1x128xf32, #tpu.memory_space<vmem>> -> memref<128xf32, #tpu.memory_space<vmem>>
      %dma_wait3A_976 = arith.constant 0 : i32
      %dma_wait3A_977 = tpu.memref_slice %arg11[%run_scoped3A_959, %dma_wait3A_976] : memref<1x128xi32, #tpu.memory_space<vmem>> -> memref<1x128xi32, #tpu.memory_space<vmem>>
      %dma_wait3A_978 = tpu.memref_squeeze %dma_wait3A_977 : memref<1x128xi32, #tpu.memory_space<vmem>> -> memref<128xi32, #tpu.memory_space<vmem>>
      %dma_wait3A_979 = arith.constant 0 : i32
      %dma_wait3A_980 = tpu.memref_slice %arg14[%dma_wait3A_979] : memref<1802240xf32, #tpu.memory_space<vmem_shared>> -> memref<1802240xf32, #tpu.memory_space<vmem_shared>>
      tpu.wait_indirect_dma semaphore(%run_scoped3A_966 : memref<!tpu.dma_semaphore, #tpu.memory_space<semaphore_mem>>) src(%dma_wait3A_975 : memref<128xf32, #tpu.memory_space<vmem>>) dst(%dma_wait3A_980 : memref<1802240xf32, #tpu.memory_space<vmem_shared>>)
      tpu.yield
    }) : () -> ()
    %barrier3A_960 = arith.constant 0 : index
    tpu.barrier barrier_id(%barrier3A_960)
    %mul3A_961 = arith.constant 4096 : i32
    %mul3A_962 = arith.muli %add3A_789, %mul3A_961 : i32
    %mul3A_963 = arith.constant 73728 : i32
    %mul3A_964 = arith.muli %arg1, %mul3A_963 : i32
    %add3A_965 = arith.addi %mul3A_962, %mul3A_964 : i32
    "tpu.region"() ({
      %run_scoped3A_966 = tpu.sem_alloc : memref<!tpu.dma_semaphore, #tpu.memory_space<semaphore_mem>>
      %dma_start3A = tpu.memref_slice %arg5[%add3A_965] : memref<16777216xf32, #tpu.memory_space<hbm>> -> memref<73728xf32, #tpu.memory_space<hbm>>
      %dma_start3A_967 = tpu.memref_slice %arg14[%mul3A_777] : memref<1802240xf32, #tpu.memory_space<vmem_shared>> -> memref<73728xf32, #tpu.memory_space<vmem_shared>>
      tpu.enqueue_dma source(%dma_start3A_967 : memref<73728xf32, #tpu.memory_space<vmem_shared>>) target(%dma_start3A : memref<73728xf32, #tpu.memory_space<hbm>>) target_semaphore(%run_scoped3A_966 : memref<!tpu.dma_semaphore, #tpu.memory_space<semaphore_mem>>)
      %dma_wait3A = tpu.memref_slice %arg5[%add3A_965] : memref<16777216xf32, #tpu.memory_space<hbm>> -> memref<73728xf32, #tpu.memory_space<hbm>>
      %dma_wait3A_968 = tpu.memref_slice %arg14[%mul3A_777] : memref<1802240xf32, #tpu.memory_space<vmem_shared>> -> memref<73728xf32, #tpu.memory_space<vmem_shared>>
      tpu.wait_dma2 semaphore(%run_scoped3A_966 : memref<!tpu.dma_semaphore, #tpu.memory_space<semaphore_mem>>) src(%dma_wait3A_968 : memref<73728xf32, #tpu.memory_space<vmem_shared>>) dst(%dma_wait3A : memref<73728xf32, #tpu.memory_space<hbm>>)
      tpu.yield
    }) : () -> ()
    return
  }
}

</mosaic_0001>

<sc_bundles>
// kernel: kernel.3.cloned.1.call-start
scs
__scs_entry_jumppad:
0x0: {  	(pc) =	sbr.rel $0x88, $3  }
0x1: {  	(tag) =	ssettag $0x0;
	lr =	simm.s32 $0x1  }
0x2: {  	[smem:$0x3F9F] =	sst lr;
	_ =	strace $0xD0000000  }
0x3: {  	_ = 	snop  }
0x4: {  	_ = 	snop  }
0x5: {  	_ = 	snop  }
0x6: {  	_ = 	snop  }
0x7: {  	_ = 	snop  }
__scs_overlays_trampoline_lowered:
0x8: {  	[smem:$0x3FAE] =	sst s0  }
0x9: {  	[smem:$0x3FAF] =	sst s1  }
0xa: {  	[smem:$0x3FB0] =	sst s2  }
0xb: {  	[smem:$0x3FB1] =	sst s3  }
0xc: {  	[smem:$0x3FB2] =	sst s4  }
0xd: {  	[smem:$0x3FB3] =	sst s5  }
0xe: {  	[smem:$0x3FB4] =	sst s6  }
0xf: {  	[smem:$0x3FB5] =	sst s7  }
0x10: {  	[smem:$0x3FB6] =	sst s8  }
0x11: {  	[smem:$0x3FB7] =	sst s9;
	s0 =	simm.s32 @!p0 $0x0  }
0x12: {  	s1 =	sld [smem:$0x3F9D];
	s0 =	simm.s32 @p0 $0x1  }
0x13: {  	[smem:$0x3FB8] =	sst s0;
	s0 =	simm.s32 @!p1 $0x0  }
0x14: {  	s2 =	sld [smem:$0x3F9C];
	s0 =	simm.s32 @p1 $0x1  }
0x15: {  	[smem:$0x3FB9] =	sst s0;
	s0 =	simm.s32 @!p2 $0x0  }
0x16: {  	s3 =	sld [smem:$0x3FDB];
	s0 =	simm.s32 @p2 $0x1  }
0x17: {  	s4 =	simm.s32 $0x1BF5;
	[smem:$0x3FBB] =	sst s0  }
0x18: {  	s0 =	sld [smem:$0x3F9E];
	_ =	swait.ge [sflag:s4], $0x0  }
0x19: {  	s7 =	sld [smem:$0x3F9F]  }
0x1a: {  	s8 =	sadd.s32 $0xFFFFE003, lr  }
0x1b: {  	s9 =	sadd.s32 $0xFFFFFEF7, lr;
	s5 =	simm.s32 $0xFFFFFFFF;
	p2 =	slt.u32 s8, $0xFFFFF086  }
0x1c: {  	p1 =	slt.u32 s9, $0xF7A;
	s5 =	simm.s32 @!p2 $0x0  }
0x1d: {  	s5 =	simm.s32 @p1 $0x1;
	p0 =	seq.s32 s7, s2  }
0x1e: {  	s7 =	smul.u32 @!p0 $0xF7A, s2;
	p2 =	seq.s32 @!p0 s5, $0x0  }
0x1f: {  	s9 =	smul.u32 $0xF7A, s1;
	s8 =	simm.s32 @!p0 $0x1BF5;
	p2 =	por !p2, p0  }
0x20: {  	[sflag:s8] =	ssyncset.s32 @!p0 $0xFFFFF086;
	s6 =	sadd.s32 @!p0 s3, s7;
	s7 =	simm.s32 @!p0 $0x108  }
0x21: {  	s3 =	sadd.s32 s3, s9;
	s6 =	sadd.s32 @!p0 $0x88, s6;
	s7 =	simm.s32 @p2 $0x1082  }
0x22: {  	[simem:s7], [sflag:s8] =	dma.local @!p0 [hbm:s6], $0xF7A  }
0x23: {  	s9 =	sor.u32 $0xD0000000, s2;
	s6 =	simm.s32 $0x108;
	_ =	swait.ge @!p0 [sflag:s8], $0x0  }
0x24: {  	s3 =	sadd.s32 $0x88, s3;
	s6 =	simm.s32 @!p1 $0x1082;
	[sflag:s4] =	ssyncset.s32 $0xFFFFF086  }
0x25: {  	[simem:s6], [sflag:s4] =	dma.local [hbm:s3], $0xF7A  }
0x26: {  	[smem:$0x3F9F] =	sst s1;
	(tag) =	ssettag s2;
	_ =	strace s9  }
0x27: {  	s1 =	sld [smem:$0x3FAF]  }
0x28: {  	s2 =	sld [smem:$0x3FB0]  }
0x29: {  	s4 =	sld [smem:$0x3FB2]  }
0x2a: {  	p0 =	seq.s32 s5, $0x0;
	s5 =	sld [smem:$0x3FB3]  }
0x2b: {  	s6 =	sld [smem:$0x3FB4]  }
0x2c: {  	s7 =	sld [smem:$0x3FB5]  }
0x2d: {  	s3 =	simm.s32 $0x108;
	s8 =	sld [smem:$0x3FB6]  }
0x2e: {  	s3 =	simm.s32 @!p0 $0x1082;
	s9 =	sld [smem:$0x3FB7]  }
0x2f: {  	lr =	sadd.s32 s0, s3;
	s0 =	sld [smem:$0x3FAE]  }
0x30: {  	s3 =	sld [smem:$0x3FB1]  }
0x31: {  	[smem:$0x3FBA] =	sst s10  }
0x32: {  	s10 =	sld [smem:$0x3FB8];
	_ =	sdelay $0x3  }
0x33: {  	p0 =	seq.s32 s10, $0x1;
	s10 =	sld [smem:$0x3FBA];
	_ =	sdelay $0x3  }
0x34: {  	[smem:$0x3FBA] =	sst s10  }
0x35: {  	s10 =	sld [smem:$0x3FB9];
	_ =	sdelay $0x3  }
0x36: {  	p1 =	seq.s32 s10, $0x1;
	s10 =	sld [smem:$0x3FBA];
	_ =	sdelay $0x3  }
0x37: {  	[smem:$0x3FBA] =	sst s10  }
0x38: {  	s10 =	sld [smem:$0x3FBB]  }
0x39: {  	_ = 	snop;
	(pc) =	sbr.ind lr, $3  }
0x3a: {  	_ = 	snop  }
0x3b: {  	_ = 	snop  }
0x3c: {  	p2 =	seq.s32 s10, $0x1;
	s10 =	sld [smem:$0x3FBA]  }
0x3d: {  	_ =	shalt  }
0x3e: {  	_ =	shalt  }
0x3f: {  	_ =	shalt  }
0x40: {  	_ =	shalt  }
0x41: {  	_ =	shalt  }
0x42: {  	_ =	shalt  }
0x43: {  	_ =	shalt  }
0x44: {  	_ =	shalt  }
0x45: {  	_ =	shalt  }
0x46: {  	_ =	shalt  }
0x47: {  	_ =	shalt  }
0x48: {  	_ =	shalt  }
0x49: {  	_ =	shalt  }
0x4a: {  	_ =	shalt  }
0x4b: {  	_ =	shalt  }
0x4c: {  	_ =	shalt  }
0x4d: {  	_ =	shalt  }
0x4e: {  	_ =	shalt  }
0x4f: {  	_ =	shalt  }
0x50: {  	_ =	shalt  }
0x51: {  	_ =	shalt  }
0x52: {  	_ =	shalt  }
0x53: {  	_ =	shalt  }
0x54: {  	_ =	shalt  }
0x55: {  	_ =	shalt  }
0x56: {  	_ =	shalt  }
0x57: {  	_ =	shalt  }
0x58: {  	_ =	shalt  }
0x59: {  	_ =	shalt  }
0x5a: {  	_ =	shalt  }
0x5b: {  	_ =	shalt  }
0x5c: {  	_ =	shalt  }
0x5d: {  	_ =	shalt  }
0x5e: {  	_ =	shalt  }
0x5f: {  	_ =	shalt  }
0x60: {  	_ =	shalt  }
0x61: {  	_ =	shalt  }
0x62: {  	_ =	shalt  }
0x63: {  	_ =	shalt  }
0x64: {  	_ =	shalt  }
0x65: {  	_ =	shalt  }
0x66: {  	_ =	shalt  }
0x67: {  	_ =	shalt  }
0x68: {  	_ =	shalt  }
0x69: {  	_ =	shalt  }
0x6a: {  	_ =	shalt  }
0x6b: {  	_ =	shalt  }
0x6c: {  	_ =	shalt  }
0x6d: {  	_ =	shalt  }
0x6e: {  	_ =	shalt  }
0x6f: {  	_ =	shalt  }
0x70: {  	_ =	shalt  }
0x71: {  	_ =	shalt  }
0x72: {  	_ =	shalt  }
0x73: {  	_ =	shalt  }
0x74: {  	_ =	shalt  }
0x75: {  	_ =	shalt  }
0x76: {  	_ =	shalt  }
0x77: {  	_ =	shalt  }
0x78: {  	_ =	shalt  }
0x79: {  	_ =	shalt  }
0x7a: {  	_ =	shalt  }
0x7b: {  	_ =	shalt  }
0x7c: {  	_ =	shalt  }
0x7d: {  	_ =	shalt  }
0x7e: {  	_ =	shalt  }
0x7f: {  	_ =	shalt  }
0x80: {  	_ =	shalt  }
0x81: {  	_ =	shalt  }
0x82: {  	_ =	shalt  }
0x83: {  	_ =	shalt  }
0x84: {  	_ =	shalt  }
0x85: {  	_ =	shalt  }
0x86: {  	_ =	shalt  }
0x87: {  	_ =	shalt  }
.Lfunc_end0:
.L_simem_size_0:
called_computation_lowered:
.L_overlay_start_0:
0x88: {  	s2 =	sld [smem:$0x3FD9]  }
0x89: {  	s3 =	sld [smem:$0x3FFE];
	_ =	sdelay $0x1  }
0x8a: {  	s1 =	srdreg.scid  }
0x8b: {  	s0 =	sand.u32 $0x1, s1  }
0x8c: {  	s17 =	sshll.u32 s0, $0xA;
	s2 =	sadd.s32 s3, s2  }
0x8d: {  	s2 =	sadd.s32 s2, s17  }
0x8e: {  	[smem:$0x3FC6] =	sst s2  }
0x8f: {  	_ = 	snop  }
0x90: {  	s2 =	sld [smem:$0x3FD0];
	(tm) =	ssettm $0x1  }
0x91: {  	s18 =	sld [smem:$0x3FFB];
	_ =	sdelay $0x3  }
0x92: {  	_ =	strace s18  }
0x93: {  	s3 =	sld [smem:$0x3FFC];
	_ =	sdelay $0x3  }
0x94: {  	_ =	strace s3  }
0x95: {  	s3 =	sld [smem:$0x3FFD];
	_ =	sdelay $0x3  }
0x96: {  	_ =	strace s3  }
0x97: {  	_ =	strace $0x8FFFFFFF  }
0x98: {  	s19 =	sld [smem:$0x3FDB];
	_ =	sdelay $0x1  }
0x99: {  	s4 =	simm.s32 $_scs_section_size  }
0x9a: {  	s5 =	simm.s32 $_size__tile_overlayer_lowered;
	s6 =	simm.s32 $_tile_overlayer_lowered  }
0x9b: {  	s22 =	simm.s32 $0x1BFF;
	s21 =	sshll.u32 s6, $0x1;
	s3 =	sadd.s32 s4, s19  }
0x9c: {  	s7 =	simm.s32 $0x0;
	s20 =	sshll.u32 s5, $0x1;
	s5 =	sadd.s32 s21, s3  }
0x9d: {  	[timem:s7], [sflag:s22] =	dma.local [hbm:s5], s20  }
0x9e: {  	_ =	swait.ge [sflag:s22], s20  }
0x9f: {  	s4 =	ssub.s32 $0x0, s20;
	[sflag:s22] =	ssyncset.done $0x0  }
0xa0: {  	[sflag:s22] =	ssyncadd.s32 s4;
	_ =	sdelay $0x1  }
0xa1: {  	s23 =	simm.s32 $0x1B8B  }
0xa2: {  	_ =	swait.ge [sflag:s23], $0x1  }
0xa3: {  	[sflag:s23] =	ssyncset.done $0x0  }
0xa4: {  	s25 =	simm.s32 $0x1B8E;
	s24 =	sld [smem:$0x3FFE];
	[sflag:s23] =	ssyncadd.s32 $0xFFFFFFFF  }
0xa5: {  	s26 =	simm.s32 $execute0_lowered;
	[smem:$0x3FD2] =	sst s25  }
0xa6: {  	s5 =	sshll.u32 s26, $0x1;
	_ =	strace $0x80000046;
	[dreg:$0x1] =	wrdreg $0xFFFFFFFF  }
0xa7: {  	s28 =	simm.s32 $_size_execute0_lowered;
	s3 =	sadd.s32 s3, s5;
	[dreg:$0x0] =	wrdreg $0x0  }
0xa8: {  	s5 =	sshll.u32 s28, $0x1;
	[dreg:$0x2] =	wrdreg s3  }
0xa9: {  	[dreg:$0x3] =	wrdreg s5  }
0xaa: {  	[dreg:$0x4] =	wrdreg $0xC0  }
0xab: {  	_ =	task [dreg:s7], $0x5FFFF  }
0xac: {  	[dreg:$0x1] =	wrdreg $0xFFFFFFFF  }
0xad: {  	[dreg:$0x0] =	wrdreg $0x60  }
0xae: {  	[dreg:$0x2] =	wrdreg s24  }
0xaf: {  	[dreg:$0x3] =	wrdreg s2  }
0xb0: {  	[dreg:$0x4] =	wrdreg $0x43000  }
0xb1: {  	[dreg:$0x5] =	wrdreg $0x9  }
0xb2: {  	_ =	task.clear_ibuf [dreg:s7], $0x6FFFF;
	_ =	strace $0x90000046  }
0xb3: {  	s29 =	simm.s32 $0x9;
	_ =	strace $0x80000048  }
0xb4: {  	_ =	swait.ge [sflag:s29], $0x1  }
0xb5: {  	[sflag:s29] =	ssyncadd.s32 $0xFFFFFFFF  }
0xb6: {  	_ =	strace $0x90000048  }
0xb7: {  	_ =	sfence  }
0xb8: {  	s30 =	sld [smem:$0x0];
	_ =	sdelay $0x2  }
0xb9: {  	s31 =	sshll.u32 s1, $0xD;
	s1 =	sshrl.u32 s1, $0x2  }
0xba: {  	s3 =	sand.u32 $0x4000, s31;
	s1 =	sadd.s32 s1, s30  }
0xbb: {  	s0 =	sor.u32 s3, s0;
	s1 =	sshll.u32 s1, $0x11  }
0xbc: {  	s0 =	sor.u32 s1, s0  }
0xbd: {  	s0 =	sadd.s32 $0x8F2B, s0  }
0xbe: {  	[sflag:s0] =	ssyncadd.remote.s32 $0x1  }
0xbf: {  	_ =	sfence.sel $0xFFFF  }
0xc0: {  	[dreg:$0x0] =	wrdreg $0xFFFFFFFF;
	(pc) =	sbr.abs _section_cstart, $3  }
0xc1: {  	[dreg:$0x1] =	wrdreg $0xFFFFFFFF  }
0xc2: {  	_ =	task.clear_ibuf [dreg:s7], $0x2FFFF;
	_ =	strace $0x9FFFFFFF  }
0xc3: {  	(tm) =	ssettm $0x7FFFFFFF  }
tec
execute0_lowered:
.L_overlay_start_1:
0x0: {  	(tag) =	ssettag $0x1  }
0x1: {  	s1 =	rddreg [dreg:$0x0]  }
0x2: {  	s3 =	rddreg [dreg:$0x1]  }
0x3: {  	s4 =	rddreg [dreg:$0x2]  }
0x4: {  	s0 =	srdreg.scid;
	s18 =	stileid.u32;
	s5 =	simm.s32 $0x0  }
0x5: {  	s19 =	simm.s32 $0x1000;
	s20 =	simm.s32 $0x1800;
	s21 =	simm.s32 $0x2900  }
0x6: {  	s22 =	simm.s32 $0x80;
	s23 =	simm.s32 $0x3A00;
	s24 =	simm.s32 $0x3A80  }
0x7: {  	s0 =	sand.u32 $0x1, s0;
	s2 =	smul.u32 $0x1B800, s18;
	[smem:$0x7FF] =	sst s5  }
0x8: {  	s6 =	sadd.s32 $0x34000, s1;
	s9 =	smul.u32 $0x1B8, s0;
	s7 =	ssub.s32 $0x2, s0  }
0x9: {  	s14 =	sadd.s32 $0x68000, s1;
	s8 =	smul.u32 $0x1B8000, s0;
	s10 =	sshrl.u32 s7, $0x1  }
0xa: {  	_ =	strace $0x80000047;
	s0 =	smul.u32 $0x120, s0;
	s15 =	ssub.s32 s7, s10  }
0xb: {  	s8 =	sadd.s32 s2, s8;
	s11 =	sadd.s32 $0x370, s9;
	s7 =	sadd.s32 s2, s4  }
0xc: {  	s29 =	sadd.s32 $0x6E0, s9;
	s16 =	sadd.s32 $0xA50, s9;
	s0 =	sadd.s32 $0xDC0, s0  }
0xd: {  	s26 =	sshrl.u32 s8, $0x3;
	s12 =	sshll.u32 s11, $0xC;
	s8 =	smul.u32 $0x1A000, s18  }
0xe: {  	s13 =	sshll.u32 s29, $0xC;
	s17 =	sshll.u32 s16, $0xC;
	s18 =	smul.u32 $0x12000, s18  }
0xf: {  	s30 =	sshll.u32 s0, $0xC;
	v3 =	vmov s16;
	s15 =	smax.u32 s15, $0x1;
	s16 =	simm.s32 $0x3B00  }
0x10: {  	s10 =	sadd.s32 s14, s26;
	s28 =	sadd.s32 s2, s12;
	s13 =	sadd.s32 s2, s13  }
.Ltmp0:
0x11: {  	v5 =	vlaneseq.u32;
	v6 =	vimm.f32 $0.0e+00;
	s2 =	sadd.s32 s2, s17;
	[dreg:$0x4] =	wrdreg s10;
	(pc) =	sbr.rel .LBB2_1-.Ltmp0, $4  }
0x12: {  	v7 =	vimm.s32 $0x0;
	v8 =	vor.u32 $0x10, v5;
	v9 =	vor.u32 $0x20, v5;
	s10 =	sshrl.u32 s28, $0x3;
	s13 =	sshrl.u32 s13, $0x3;
	s2 =	sshrl.u32 s2, $0x3  }
0x13: {  	v10 =	vor.u32 $0x30, v5;
	v11 =	vor.u32 $0x40, v5;
	v1 =	vmov s11;
	s17 =	sadd.s32 s18, s30;
	s10 =	sadd.s32 s14, s10;
	s11 =	sadd.s32 s14, s13  }
0x14: {  	v12 =	vor.u32 $0x50, v5;
	v13 =	vor.u32 $0x60, v5;
	v14 =	vor.u32 $0x70, v5;
	s12 =	sadd.s32 s14, s2;
	s31 =	sshrl.u32 s17, $0x3;
	s13 =	sadd.s32 s18, s4  }
0x15: {  	v0 =	vmov s9;
	v2 =	vmov s29;
	v4 =	vmov s0;
	s17 =	simm.s32 $0x1;
	s18 =	simm.s32 $0x800;
	s14 =	sadd.s32 s14, s31  }
.LBB2_53:
0x16: {  	v15 =	vld [tilespmem:$0x1800]  }
0x17: {  	v16 =	vld [tilespmem:$0x2900]  }
0x18: {  	v17 =	vld [tilespmem:$0x1810]  }
0x19: {  	v20 =	vld [tilespmem:$0x1820]  }
0x1a: {  	v54 =	vld [tilespmem:$0x1830]  }
0x1b: {  	v19 =	vmov s0;
	v56 =	vld [tilespmem:$0x1840]  }
0x1c: {  	v59 =	vld [tilespmem:$0x1850];
	vm0 =	vgt.s32 v19, v5;
	[tilespmem:$0x3A00] =	vst v15  }
0x1d: {  	v61 =	vld [tilespmem:$0x1860];
	v15 =	vnsel vm0, $0x0, v16;
	[tilespmem:$0x3A10] =	vst v17  }
0x1e: {  	[tilespmem:$0x3A80] =	vst v15;
	v15 =	vld [tilespmem:$0x2930]  }
0x1f: {  	v18 =	vld [tilespmem:$0x2910];
	[tilespmem:$0x3A20] =	vst v20  }
0x20: {  	v62 =	vld [tilespmem:$0x1870];
	[tilespmem:$0x3A30] =	vst v54  }
0x21: {  	v21 =	vld [tilespmem:$0x2920];
	[tilespmem:$0x3A40] =	vst v56  }
0x22: {  	v57 =	vld [tilespmem:$0x2940];
	vm11 =	vgt.s32 v19, v10;
	[tilespmem:$0x3A50] =	vst v59  }
0x23: {  	v60 =	vld [tilespmem:$0x2950];
	[tilespmem:$0x3A60] =	vst v61;
	v15 =	vnsel vm11, $0x0, v15  }
0x24: {  	vm9 =	vgt.s32 v19, v8;
	[tilespmem:$0x3AB0] =	vst v15;
	v15 =	vld [tilespmem:$0x2960]  }
0x25: {  	v63 =	vld [tilespmem:$0x2970];
	vm10 =	vgt.s32 v19, v9;
	v55 =	vnsel vm9, $0x0, v18;
	[tilespmem:$0x3A70] =	vst v62  }
0x26: {  	vm12 =	vgt.s32 v19, v11;
	v58 =	vnsel vm10, $0x0, v21;
	[tilespmem:$0x3A90] =	vst v55  }
0x27: {  	vm13 =	vgt.s32 v19, v12;
	v17 =	vnsel vm12, $0x0, v57;
	[tilespmem:$0x3AA0] =	vst v58  }
0x28: {  	vm14 =	vgt.s32 v19, v13;
	v20 =	vnsel vm13, $0x0, v60;
	[tilespmem:$0x3AC0] =	vst v17  }
0x29: {  	vm15 =	vgt.s32 v19, v14;
	[tilespmem:$0x3AD0] =	vst v20;
	v15 =	vnsel vm14, $0x0, v15  }
0x2a: {  	[tilespmem:$0x3AE0] =	vst v15;
	v15 =	vnsel vm15, $0x0, v63  }
0x2b: {  	[tilespmem:$0x3AF0] =	vst v15  }
0x2c: {  	[spmem:s4] =	stream.indirect.scatter.add.f32 [tilespmem:s24], [sflag:$0x1], $0x1, s23, s22, $0xb8;
	[tilespmem:$0x1FB00] =	vst v63  }
0x2d: {  	_ =	swait.ge [sflag:s17], $0x80  }
0x2e: {  	s5 =	sadd.s32 $0x1, s5;
	[sflag:s17] =	ssyncset.done $0x0  }
0x2f: {  	p0 =	sne.s32 s5, s15;
	[sflag:s17] =	ssyncadd.s32 $0xFFFFFF80  }
.Ltmp1:
0x30: {  	s31 =	sshrl.u32 s13, $0x3;
	[bflag:$0x0] =	sbarrier.arrive $0xFFFF;
	(pc) =	sbr.rel @!p0 .LBB2_54-.Ltmp1, $4  }
0x31: {  	[hbm:s14], [sflag:s25] =	dma.local [spmem:s31], $0x2400  }
0x32: {  	_ =	swait.ge [sflag:s17], $0x2400  }
0x33: {  	[sflag:s17] =	ssyncset.done $0x0  }
0x34: {  	[sflag:s17] =	ssyncadd.s32 $0xFFFFDC00  }
.LBB2_1:
0x35: {  	s0 =	simm.s32 $0x40;
	s2 =	simm.s32 $0x0  }
.LBB2_2:
0x36: {  	p0 =	sne.s32 s0, $0x1FC0;
	[tilespmem:s2+$0x3B00] =	vst v6;
	s2 =	smov.u32 s0;
	s0 =	sadd.s32 $0x40, s0  }
.Ltmp2:
0x37: {  	(pc) =	sbr.rel @p0 .LBB2_2-.Ltmp2, $2  }
0x38: {  	_ =	sdelay $0x2  }
0x39: {  	s2 =	sshra.s32 s2, $0x2  }
0x3a: {  	[tilespmem:s2+$0x3B00] =	vst v6  }
0x3b: {  	[tilespmem:$0x1800] =	vst v7  }
0x3c: {  	[tilespmem:$0x1810] =	vst v7  }
0x3d: {  	[tilespmem:$0x1820] =	vst v7  }
0x3e: {  	[tilespmem:$0x1830] =	vst v7  }
0x3f: {  	[tilespmem:$0x1840] =	vst v7  }
0x40: {  	[tilespmem:$0x1850] =	vst v7  }
0x41: {  	[tilespmem:$0x1860] =	vst v7  }
0x42: {  	s0 =	sadd.s32 $0x0, s7;
	[tilespmem:$0x1870] =	vst v7  }
0x43: {  	[spmem:s0] =	stream.linear.scatter [tilespmem:s16], [sflag:$0x1], $0x800, $0x38;
	[tilespmem:$0x1FB00] =	vst v63  }
0x44: {  	s0 =	simm.s32 $0x2000;
	_ =	swait.ge [sflag:s17], $0x800  }
.LBB2_4:
0x45: {  	s2 =	sshra.s32 s0, $0x2;
	[sflag:s17] =	ssyncset.done $0x0;
	p0 =	sne.s32 s0, $0x6C000  }
.Ltmp3:
0x46: {  	s2 =	sadd.s32 s2, s7;
	[sflag:s17] =	ssyncadd.s32 $0xFFFFF800;
	(pc) =	sbr.rel @p0 .LBB2_4-.Ltmp3, $3  }
0x47: {  	[spmem:s2] =	stream.linear.scatter [tilespmem:s16], [sflag:$0x1], $0x800, $0x38;
	[tilespmem:$0x1FB00] =	vst v63  }
0x48: {  	s0 =	sadd.s32 $0x2000, s0;
	_ =	sdelay $0x1  }
0x49: {  	_ =	swait.ge [sflag:s17], $0x800  }
.Ltmp4:
0x4a: {  	(pc) =	sbr.rel .LBB2_6-.Ltmp4, $4  }
0x4b: {  	[sflag:s17] =	ssyncset.done $0x0  }
0x4c: {  	[sflag:s17] =	ssyncadd.s32 $0xFFFFF800  }
0x4d: {  	[bflag:$0x0] =	sbarrier.arrive $0xFFFF  }
0x4e: {  	s25 =	simm.s32 $0x0;
	s0 =	simm.s32 $0x0;
	s26 =	simm.s32 $0x0  }
.LBB2_11:
0x4f: {  	[sflag:s17] =	ssyncadd.s32 $0xFFFFFF80  }
.LBB2_12:
0x50: {  	s0 =	sshll.u32 s29, $0x7  }
0x51: {  	v15 =	vld [tilespmem:s0+$0x1800]  }
0x52: {  	v16 =	vld [tilespmem:s0+$0x2900];
	_ =	sdelay $0x3  }
0x53: {  	[tilespmem:$0x1800] =	vst v15  }
0x54: {  	[tilespmem:$0x2900] =	vst v16  }
0x55: {  	v15 =	vld [tilespmem:s0+$0x1810]  }
0x56: {  	v16 =	vld [tilespmem:s0+$0x2910];
	_ =	sdelay $0x3  }
0x57: {  	[tilespmem:$0x1810] =	vst v15  }
0x58: {  	[tilespmem:$0x2910] =	vst v16  }
0x59: {  	v15 =	vld [tilespmem:s0+$0x1820]  }
0x5a: {  	v16 =	vld [tilespmem:s0+$0x2920];
	_ =	sdelay $0x3  }
0x5b: {  	[tilespmem:$0x1820] =	vst v15  }
0x5c: {  	[tilespmem:$0x2920] =	vst v16  }
0x5d: {  	v15 =	vld [tilespmem:s0+$0x1830]  }
0x5e: {  	v16 =	vld [tilespmem:s0+$0x2930];
	_ =	sdelay $0x3  }
0x5f: {  	[tilespmem:$0x1830] =	vst v15  }
0x60: {  	[tilespmem:$0x2930] =	vst v16  }
0x61: {  	v15 =	vld [tilespmem:s0+$0x1840]  }
0x62: {  	v16 =	vld [tilespmem:s0+$0x2940];
	_ =	sdelay $0x3  }
0x63: {  	[tilespmem:$0x1840] =	vst v15  }
0x64: {  	[tilespmem:$0x2940] =	vst v16  }
0x65: {  	v15 =	vld [tilespmem:s0+$0x1850]  }
0x66: {  	v16 =	vld [tilespmem:s0+$0x2950];
	_ =	sdelay $0x3  }
0x67: {  	[tilespmem:$0x1850] =	vst v15  }
0x68: {  	[tilespmem:$0x2950] =	vst v16  }
0x69: {  	v15 =	vld [tilespmem:s0+$0x1860]  }
0x6a: {  	v16 =	vld [tilespmem:s0+$0x2960];
	_ =	sdelay $0x3  }
0x6b: {  	[tilespmem:$0x1860] =	vst v15  }
0x6c: {  	[tilespmem:$0x2960] =	vst v16  }
0x6d: {  	s26 =	sadd.s32 $0x1, s26;
	v15 =	vld [tilespmem:s0+$0x1870]  }
0x6e: {  	p0 =	sne.s32 s26, $0x34;
	v16 =	vld [tilespmem:s0+$0x2970]  }
.Ltmp5:
0x6f: {  	_ = 	snop;
	(pc) =	sbr.rel @!p0 .LBB2_13-.Ltmp5, $3  }
0x70: {  	_ =	sdelay $0x1  }
0x71: {  	[tilespmem:$0x1870] =	vst v15  }
0x72: {  	s0 =	ssub.s32 s28, s0;
	[tilespmem:$0x2970] =	vst v16  }
.LBB2_6:
0x73: {  	s2 =	sshll.u32 s26, $0xB  }
0x74: {  	s2 =	sadd.s32 s8, s2  }
0x75: {  	s2 =	sshrl.u32 s2, $0x3  }
0x76: {  	s9 =	sadd.s32 s6, s2  }
0x77: {  	[tilespmem:s25], [sflag:$0x1] =	stream.linear.gather [hbm4b:s9+s25], $0x800, $0x38;
	[tilespmem:$0x1FB00] =	vst v63  }
0x78: {  	_ =	swait.ge [sflag:s17], $0x800  }
0x79: {  	[sflag:s17] =	ssyncset.done $0x0  }
0x7a: {  	s31 =	sadd.s32 s3, s2;
	[sflag:s17] =	ssyncadd.s32 $0xFFFFF800  }
0x7b: {  	[tilespmem:s18], [sflag:$0x1] =	stream.linear.gather [hbm4b:s31+s25], $0x800, $0x38;
	[tilespmem:$0x1FB00] =	vst v63  }
0x7c: {  	_ =	swait.ge [sflag:s17], $0x800  }
0x7d: {  	[sflag:s17] =	ssyncset.done $0x0  }
0x7e: {  	s2 =	sadd.s32 s1, s2;
	[sflag:s17] =	ssyncadd.s32 $0xFFFFF800  }
0x7f: {  	[tilespmem:s19], [sflag:$0x1] =	stream.linear.gather [hbm4b:s2+s25], $0x800, $0x38;
	[tilespmem:$0x1FB00] =	vst v63  }
0x80: {  	_ =	swait.ge [sflag:s17], $0x800  }
0x81: {  	[sflag:s17] =	ssyncset.done $0x0  }
0x82: {  	s28 =	simm.s32 $0x0;
	[sflag:s17] =	ssyncadd.s32 $0xFFFFF800  }
0x83: {  	v15 =	vld [tilespmem:s28+$0x0];
	_ =	sdelay $0x4  }
0x84: {  	v16 =	vsub.s32 v15, v0  }
0x85: {  	vm1 =	vlt.u32 v16, $0x1B8  }
0x86: {  	v17 =	vsel vm1, $0x1, v7  }
0x87: {  	v18 =	vld [tilespmem:s28+$0x800];
	(xrf0) =	vadd.scan.msk.s32 $0xffff, v17;
	_ =	sdelay $0x4  }
0x88: {  	v19 =	vsub.s32 v18, v0  }
0x89: {  	vm0 =	vlt.u32 v19, $0x1B8;
	v17, _, _ =	vpop (xrf0)  }
0x8a: {  	v20 =	vsel vm0, $0x1, v7;
	(v2sf) =	vpush v17, $0xF  }
0x8b: {  	(xrf0) =	vadd.scan.msk.s32 $0xffff, v20;
	_ =	sdelay $0x5  }
0x8c: {  	v20, _, _ =	vpop (xrf0)  }
0x8d: {  	(v2sf) =	vpush v20, $0xF;
	_ =	sdelay $0x6  }
0x8e: {  	v21 =	vmov s0;
	s29 =	spop (v2sf)  }
0x8f: {  	v21 =	vadd.s32 $0xFFFFFFFF, v21;
	s30 =	sadd.s32 s0, s29  }
0x90: {  	v21 =	vbroadcast v21, $0x0;
	v22 =	vmov s30  }
0x91: {  	v23 =	vld [tilespmem:s28+$0x1000];
	v22 =	vadd.s32 $0xFFFFFFFF, v22  }
0x92: {  	v21 =	vadd.s32 v17, v21;
	v17 =	vbroadcast v22, $0x0;
	_ =	sdelay $0x1  }
0x93: {  	v17 =	vadd.s32 v20, v17  }
0x94: {  	v16 =	vshll.u32 v16, $0xC  }
0x95: {  	v18 =	vor.u32 v18, v16;
	v16 =	vmul.f32 $5.000000000e-01, v23;
	s31 =	spop (v2sf)  }
0x96: {  	v19 =	vshll.u32 v19, $0xC;
	[tilespmem:v21+s20+$0x0] =	vst.idx.msk vm1, v18;
	s0 =	sadd.s32 s31, s30  }
0x97: {  	v18 =	vor.u32 v15, v19;
	[tilespmem:v21+s21+$0x0] =	vst.idx.msk vm1, v16;
	v15 =	vmov s0  }
0x98: {  	s9 =	simm.s32 $0x80;
	s2 =	simm.s32 $0x40;
	v15 =	vadd.s32 $0xFFFFFFFF, v15;
	[tilespmem:v17+s20+$0x0] =	vst.idx.msk vm0, v18  }
.LBB2_7:
0x99: {  	p0 =	sne.s32 s9, $0x1FC0  }
0x9a: {  	s28 =	sshra.s32 s2, $0x2;
	[tilespmem:v17+s21+$0x0] =	vst.idx.msk vm0, v16;
	s2 =	smov.u32 s9;
	s9 =	sadd.s32 $0x40, s9  }
0x9b: {  	v16 =	vld [tilespmem:s28+$0x0]  }
0x9c: {  	v17 =	vld [tilespmem:s28+$0x800];
	_ =	sdelay $0x3  }
0x9d: {  	v18 =	vsub.s32 v16, v0  }
0x9e: {  	vm1 =	vlt.u32 v18, $0x1B8;
	v18 =	vshll.u32 v18, $0xC;
	v19 =	vsub.s32 v17, v0  }
0x9f: {  	v17 =	vor.u32 v17, v18;
	v18 =	vsel vm1, $0x1, v7;
	vm0 =	vlt.u32 v19, $0x1B8  }
0xa0: {  	v19 =	vshll.u32 v19, $0xC;
	v20 =	vsel vm0, $0x1, v7;
	(xrf0) =	vadd.scan.msk.s32 $0xffff, v18  }
0xa1: {  	v18 =	vor.u32 v16, v19;
	(xrf0) =	vadd.scan.msk.s32 $0xffff, v20;
	_ =	sdelay $0x3  }
0xa2: {  	v15 =	vbroadcast v15, $0x0  }
0xa3: {  	v16 =	vld [tilespmem:s28+$0x1000];
	v19, _, _ =	vpop (xrf0)  }
0xa4: {  	v15 =	vadd.s32 v19, v15;
	(v2sf) =	vpush v19, $0xF;
	v19, _, _ =	vpop (xrf0)  }
0xa5: {  	(v2sf) =	vpush v19, $0xF;
	_ =	sdelay $0x2  }
0xa6: {  	v16 =	vmul.f32 $5.000000000e-01, v16  }
0xa7: {  	[tilespmem:v15+s20+$0x0] =	vst.idx.msk vm1, v17  }
0xa8: {  	[tilespmem:v15+s21+$0x0] =	vst.idx.msk vm1, v16;
	_ =	sdelay $0x8  }
0xa9: {  	s28 =	spop (v2sf)  }
0xaa: {  	s0 =	sadd.s32 s0, s28;
	s28 =	spop (v2sf)  }
0xab: {  	v15 =	vmov s0;
	s0 =	sadd.s32 s28, s0  }
0xac: {  	v17 =	vmov s0;
	v20 =	vadd.s32 $0xFFFFFFFF, v15  }
0xad: {  	v15 =	vadd.s32 $0xFFFFFFFF, v17;
	v17 =	vbroadcast v20, $0x0;
	_ =	sdelay $0x1  }
0xae: {  	v17 =	vadd.s32 v19, v17  }
.Ltmp6:
0xaf: {  	(pc) =	sbr.rel @p0 .LBB2_7-.Ltmp6, $2  }
0xb0: {  	_ =	sdelay $0x2  }
0xb1: {  	[tilespmem:v17+s20+$0x0] =	vst.idx.msk vm0, v18  }
0xb2: {  	_ =	sdelay $0x4  }
0xb3: {  	s2 =	sshra.s32 s2, $0x2;
	[tilespmem:v17+s21+$0x0] =	vst.idx.msk vm0, v16  }
0xb4: {  	v16 =	vld [tilespmem:s2+$0x0]  }
0xb5: {  	v17 =	vld [tilespmem:s2+$0x800];
	_ =	sdelay $0x3  }
0xb6: {  	v18 =	vsub.s32 v16, v0  }
0xb7: {  	v20 =	vsub.s32 v17, v0;
	vm15 =	vlt.u32 v18, $0x1B8  }
0xb8: {  	vm1 =	vlt.u32 v20, $0x1B8;
	v19 =	vsel vm15, $0x1, v7  }
0xb9: {  	v60 =	vsel vm1, $0x1, v7;
	(xrf0) =	vadd.scan.msk.s32 $0xffff, v19  }
0xba: {  	(xrf0) =	vadd.scan.msk.s32 $0xffff, v60;
	_ =	sdelay $0x4  }
0xbb: {  	v61, _, _ =	vpop (xrf0)  }
0xbc: {  	(v2sf) =	vpush v61, $0xF;
	v21, _, _ =	vpop (xrf0)  }
0xbd: {  	(v2sf) =	vpush v21, $0xF;
	_ =	sdelay $0xd  }
0xbe: {  	s9 =	spop (v2sf)  }
0xbf: {  	s0 =	sadd.s32 s0, s9;
	s30 =	spop (v2sf)  }
0xc0: {  	s28 =	sadd.s32 s30, s0  }
0xc1: {  	v22 =	vmov s0;
	s0 =	sand.u32 $0x7F, s28  }
0xc2: {  	v15 =	vbroadcast v15, $0x0;
	v23 =	vld [tilespmem:s2+$0x1000];
	s2 =	sshra.s32 s28, $0x1F;
	p0 =	slt.s32 s28, $0x1;
	p1 =	sne.s32 s0, $0x0  }
0xc3: {  	v22 =	vadd.s32 $0xFFFFFFFF, v22;
	s31 =	sshrl.u32 s2, $0x19;
	p0 =	por !p0, !p1  }
0xc4: {  	v15 =	vadd.s32 v61, v15;
	v62 =	vbroadcast v22, $0x0;
	s2 =	simm.s32 $0x1;
	s0 =	sadd.s32 s31, s28;
	p0 =	por !p0, !p0  }
0xc5: {  	s0 =	sshra.s32 s0, $0x7;
	s2 =	simm.s32 @!p0 $0x0  }
0xc6: {  	v19 =	vadd.s32 v21, v62;
	s29 =	ssub.s32 s0, s2  }
0xc7: {  	v18 =	vshll.u32 v18, $0xC;
	p0 =	slt.s32 s29, $0x1  }
.Ltmp7:
0xc8: {  	v63 =	vmul.f32 $5.000000000e-01, v23;
	v17 =	vor.u32 v17, v18;
	(pc) =	sbr.rel @p0 .LBB2_12-.Ltmp7, $4  }
0xc9: {  	v20 =	vshll.u32 v20, $0xC;
	[tilespmem:v15+s20+$0x0] =	vst.idx.msk vm15, v17  }
0xca: {  	v16 =	vor.u32 v16, v20;
	[tilespmem:v15+s21+$0x0] =	vst.idx.msk vm15, v63  }
0xcb: {  	[tilespmem:v19+s20+$0x0] =	vst.idx.msk vm1, v16  }
0xcc: {  	[tilespmem:v19+s21+$0x0] =	vst.idx.msk vm1, v63  }
0xcd: {  	s30 =	simm.s32 $0x1840  }
0xce: {  	v15 =	vld [tilespmem:s30+$0xFFFFFFC0];
	_ =	sdelay $0x4  }
0xcf: {  	s0 =	simm.s32 $0x2940;
	[tilespmem:$0x3A00] =	vst v15  }
0xd0: {  	v15 =	vld [tilespmem:s0+$0xFFFFFFC0];
	_ =	sdelay $0x4  }
0xd1: {  	[tilespmem:$0x3A80] =	vst v15  }
0xd2: {  	v15 =	vld [tilespmem:s30+$0xFFFFFFD0];
	_ =	sdelay $0x4  }
0xd3: {  	[tilespmem:$0x3A10] =	vst v15  }
0xd4: {  	v15 =	vld [tilespmem:s0+$0xFFFFFFD0];
	_ =	sdelay $0x4  }
0xd5: {  	[tilespmem:$0x3A90] =	vst v15  }
0xd6: {  	v15 =	vld [tilespmem:s30+$0xFFFFFFE0];
	_ =	sdelay $0x4  }
0xd7: {  	[tilespmem:$0x3A20] =	vst v15  }
0xd8: {  	v15 =	vld [tilespmem:s0+$0xFFFFFFE0];
	_ =	sdelay $0x4  }
0xd9: {  	[tilespmem:$0x3AA0] =	vst v15  }
0xda: {  	v15 =	vld [tilespmem:s30+$0xFFFFFFF0];
	_ =	sdelay $0x4  }
0xdb: {  	[tilespmem:$0x3A30] =	vst v15  }
0xdc: {  	v15 =	vld [tilespmem:s0+$0xFFFFFFF0];
	_ =	sdelay $0x4  }
0xdd: {  	[tilespmem:$0x3AB0] =	vst v15  }
0xde: {  	v15 =	vld [tilespmem:s30+$0x0];
	_ =	sdelay $0x4  }
0xdf: {  	[tilespmem:$0x3A40] =	vst v15  }
0xe0: {  	v15 =	vld [tilespmem:s0+$0x0];
	_ =	sdelay $0x4  }
0xe1: {  	[tilespmem:$0x3AC0] =	vst v15  }
0xe2: {  	v15 =	vld [tilespmem:s30+$0x10];
	_ =	sdelay $0x4  }
0xe3: {  	[tilespmem:$0x3A50] =	vst v15  }
0xe4: {  	v15 =	vld [tilespmem:s0+$0x10];
	_ =	sdelay $0x4  }
0xe5: {  	[tilespmem:$0x3AD0] =	vst v15  }
0xe6: {  	v15 =	vld [tilespmem:s30+$0x20];
	_ =	sdelay $0x4  }
0xe7: {  	[tilespmem:$0x3A60] =	vst v15  }
0xe8: {  	v15 =	vld [tilespmem:s0+$0x20];
	_ =	sdelay $0x4  }
0xe9: {  	[tilespmem:$0x3AE0] =	vst v15  }
0xea: {  	v15 =	vld [tilespmem:s30+$0x30];
	_ =	sdelay $0x4  }
0xeb: {  	[tilespmem:$0x3A70] =	vst v15  }
0xec: {  	v15 =	vld [tilespmem:s0+$0x30];
	_ =	sdelay $0x2  }
0xed: {  	p0 =	sne.s32 s29, $0x1  }
.Ltmp8:
0xee: {  	_ = 	snop;
	(pc) =	sbr.rel @!p0 .LBB2_11-.Ltmp8, $4  }
0xef: {  	[tilespmem:$0x3AF0] =	vst v15  }
0xf0: {  	[spmem:s4] =	stream.indirect.scatter.add.f32 [tilespmem:s24], [sflag:$0x1], $0x1, s23, s22, $0xb8;
	[tilespmem:$0x1FB00] =	vst v63  }
0xf1: {  	_ =	swait.ge [sflag:s17], $0x80  }
0xf2: {  	s2 =	sadd.s32 $0xFFFFFFFF, s29;
	[sflag:s17] =	ssyncset.done $0x0  }
.LBB2_10:
0xf3: {  	[sflag:s17] =	ssyncadd.s32 $0xFFFFFF80;
	s30 =	sadd.s32 $0x80, s30;
	s0 =	sadd.s32 $0x80, s0  }
0xf4: {  	p0 =	sne.s32 s2, $0x1;
	s2 =	sadd.s32 $0xFFFFFFFF, s2;
	v15 =	vld [tilespmem:s30+$0xFFFFFFC0];
	_ =	sdelay $0x4  }
0xf5: {  	[tilespmem:$0x3A00] =	vst v15  }
0xf6: {  	v15 =	vld [tilespmem:s0+$0xFFFFFFC0];
	_ =	sdelay $0x4  }
0xf7: {  	[tilespmem:$0x3A80] =	vst v15  }
0xf8: {  	v15 =	vld [tilespmem:s30+$0xFFFFFFD0];
	_ =	sdelay $0x4  }
0xf9: {  	[tilespmem:$0x3A10] =	vst v15  }
0xfa: {  	v15 =	vld [tilespmem:s0+$0xFFFFFFD0];
	_ =	sdelay $0x4  }
0xfb: {  	[tilespmem:$0x3A90] =	vst v15  }
0xfc: {  	v15 =	vld [tilespmem:s30+$0xFFFFFFE0];
	_ =	sdelay $0x4  }
0xfd: {  	[tilespmem:$0x3A20] =	vst v15  }
0xfe: {  	v15 =	vld [tilespmem:s0+$0xFFFFFFE0];
	_ =	sdelay $0x4  }
0xff: {  	[tilespmem:$0x3AA0] =	vst v15  }
0x100: {  	v15 =	vld [tilespmem:s30+$0xFFFFFFF0];
	_ =	sdelay $0x4  }
0x101: {  	[tilespmem:$0x3A30] =	vst v15  }
0x102: {  	v15 =	vld [tilespmem:s0+$0xFFFFFFF0];
	_ =	sdelay $0x4  }
0x103: {  	[tilespmem:$0x3AB0] =	vst v15  }
0x104: {  	v15 =	vld [tilespmem:s30+$0x0];
	_ =	sdelay $0x4  }
0x105: {  	[tilespmem:$0x3A40] =	vst v15  }
0x106: {  	v15 =	vld [tilespmem:s0+$0x0];
	_ =	sdelay $0x4  }
0x107: {  	[tilespmem:$0x3AC0] =	vst v15  }
0x108: {  	v15 =	vld [tilespmem:s30+$0x10];
	_ =	sdelay $0x4  }
0x109: {  	[tilespmem:$0x3A50] =	vst v15  }
0x10a: {  	v15 =	vld [tilespmem:s0+$0x10];
	_ =	sdelay $0x4  }
0x10b: {  	[tilespmem:$0x3AD0] =	vst v15  }
0x10c: {  	v15 =	vld [tilespmem:s30+$0x20];
	_ =	sdelay $0x4  }
0x10d: {  	[tilespmem:$0x3A60] =	vst v15  }
0x10e: {  	v15 =	vld [tilespmem:s0+$0x20];
	_ =	sdelay $0x4  }
0x10f: {  	[tilespmem:$0x3AE0] =	vst v15  }
0x110: {  	v15 =	vld [tilespmem:s30+$0x30];
	_ =	sdelay $0x4  }
0x111: {  	[tilespmem:$0x3A70] =	vst v15  }
0x112: {  	v15 =	vld [tilespmem:s0+$0x30];
	_ =	sdelay $0x3  }
.Ltmp9:
0x113: {  	(pc) =	sbr.rel @p0 .LBB2_10-.Ltmp9, $4  }
0x114: {  	[tilespmem:$0x3AF0] =	vst v15  }
0x115: {  	[spmem:s4] =	stream.indirect.scatter.add.f32 [tilespmem:s24], [sflag:$0x1], $0x1, s23, s22, $0xb8;
	[tilespmem:$0x1FB00] =	vst v63  }
0x116: {  	_ =	swait.ge [sflag:s17], $0x80  }
0x117: {  	[sflag:s17] =	ssyncset.done $0x0  }
.Ltmp10:
0x118: {  	_ = 	snop;
	(pc) =	sbr.rel .LBB2_11-.Ltmp10, $1  }
0x119: {  	_ =	sdelay $0x3  }
.LBB2_13:
0x11a: {  	v15 =	vld [tilespmem:$0x1800]  }
0x11b: {  	v16 =	vld [tilespmem:$0x2900]  }
0x11c: {  	v17 =	vld [tilespmem:$0x1810]  }
0x11d: {  	v20 =	vld [tilespmem:$0x1820]  }
0x11e: {  	v54 =	vld [tilespmem:$0x1830]  }
0x11f: {  	v19 =	vmov s0;
	v56 =	vld [tilespmem:$0x1840]  }
0x120: {  	v59 =	vld [tilespmem:$0x1850];
	vm0 =	vgt.s32 v19, v5;
	[tilespmem:$0x3A00] =	vst v15  }
0x121: {  	v61 =	vld [tilespmem:$0x1860];
	v15 =	vnsel vm0, $0x0, v16;
	[tilespmem:$0x3A10] =	vst v17  }
0x122: {  	[tilespmem:$0x3A80] =	vst v15;
	v15 =	vld [tilespmem:$0x2930]  }
0x123: {  	v18 =	vld [tilespmem:$0x2910];
	[tilespmem:$0x3A20] =	vst v20  }
0x124: {  	v62 =	vld [tilespmem:$0x1870];
	[tilespmem:$0x3A30] =	vst v54  }
0x125: {  	v21 =	vld [tilespmem:$0x2920];
	[tilespmem:$0x3A40] =	vst v56  }
0x126: {  	v57 =	vld [tilespmem:$0x2940];
	vm11 =	vgt.s32 v19, v10;
	[tilespmem:$0x3A50] =	vst v59  }
0x127: {  	v60 =	vld [tilespmem:$0x2950];
	[tilespmem:$0x3A60] =	vst v61;
	v15 =	vnsel vm11, $0x0, v15  }
0x128: {  	vm9 =	vgt.s32 v19, v8;
	[tilespmem:$0x3AB0] =	vst v15;
	v15 =	vld [tilespmem:$0x2960]  }
0x129: {  	v63 =	vld [tilespmem:$0x2970];
	vm10 =	vgt.s32 v19, v9;
	v55 =	vnsel vm9, $0x0, v18;
	[tilespmem:$0x3A70] =	vst v62  }
0x12a: {  	vm12 =	vgt.s32 v19, v11;
	v58 =	vnsel vm10, $0x0, v21;
	[tilespmem:$0x3A90] =	vst v55  }
0x12b: {  	vm13 =	vgt.s32 v19, v12;
	v17 =	vnsel vm12, $0x0, v57;
	[tilespmem:$0x3AA0] =	vst v58  }
0x12c: {  	vm14 =	vgt.s32 v19, v13;
	v20 =	vnsel vm13, $0x0, v60;
	[tilespmem:$0x3AC0] =	vst v17  }
0x12d: {  	vm15 =	vgt.s32 v19, v14;
	[tilespmem:$0x3AD0] =	vst v20;
	v15 =	vnsel vm14, $0x0, v15  }
0x12e: {  	[tilespmem:$0x3AE0] =	vst v15;
	v15 =	vnsel vm15, $0x0, v63  }
0x12f: {  	[tilespmem:$0x3AF0] =	vst v15  }
0x130: {  	[spmem:s4] =	stream.indirect.scatter.add.f32 [tilespmem:s24], [sflag:$0x1], $0x1, s23, s22, $0xb8;
	[tilespmem:$0x1FB00] =	vst v63  }
0x131: {  	_ =	swait.ge [sflag:s17], $0x80  }
0x132: {  	[sflag:s17] =	ssyncset.done $0x0  }
0x133: {  	s29 =	stileid.u32;
	[sflag:s17] =	ssyncadd.s32 $0xFFFFFF80  }
0x134: {  	s0 =	sshll.u32 s29, $0x6;
	[bflag:$0x0] =	sbarrier.arrive $0xFFFF  }
0x135: {  	s26 =	sshrl.u32 s7, $0x3;
	s25 =	sor.u32 $0x1C01, s0;
	s30 =	rddreg [dreg:$0x4]  }
0x136: {  	[hbm:s30], [sflag:s25] =	dma.local [spmem:s26], $0x3700  }
0x137: {  	_ =	swait.ge [sflag:s17], $0x3700  }
0x138: {  	[sflag:s17] =	ssyncset.done $0x0  }
0x139: {  	s31 =	sadd.s32 $0x0, s7;
	[sflag:s17] =	ssyncadd.s32 $0xFFFFC900  }
0x13a: {  	[spmem:s31] =	stream.linear.scatter [tilespmem:s16], [sflag:$0x1], $0x800, $0x38;
	[tilespmem:$0x1FB00] =	vst v63  }
0x13b: {  	s0 =	simm.s32 $0x2000;
	_ =	swait.ge [sflag:s17], $0x800  }
.LBB2_14:
0x13c: {  	s2 =	sshra.s32 s0, $0x2;
	[sflag:s17] =	ssyncset.done $0x0;
	p0 =	sne.s32 s0, $0x6C000  }
.Ltmp11:
0x13d: {  	s2 =	sadd.s32 s2, s7;
	[sflag:s17] =	ssyncadd.s32 $0xFFFFF800;
	(pc) =	sbr.rel @p0 .LBB2_14-.Ltmp11, $3  }
0x13e: {  	[spmem:s2] =	stream.linear.scatter [tilespmem:s16], [sflag:$0x1], $0x800, $0x38;
	[tilespmem:$0x1FB00] =	vst v63  }
0x13f: {  	s0 =	sadd.s32 $0x2000, s0;
	_ =	sdelay $0x1  }
0x140: {  	_ =	swait.ge [sflag:s17], $0x800  }
.Ltmp12:
0x141: {  	(pc) =	sbr.rel .LBB2_16-.Ltmp12, $4  }
0x142: {  	[sflag:s17] =	ssyncset.done $0x0  }
0x143: {  	[sflag:s17] =	ssyncadd.s32 $0xFFFFF800  }
0x144: {  	[bflag:$0x0] =	sbarrier.arrive $0xFFFF  }
0x145: {  	s28 =	simm.s32 $0x0;
	s0 =	simm.s32 $0x0;
	s29 =	simm.s32 $0x0  }
.LBB2_21:
0x146: {  	[sflag:s17] =	ssyncadd.s32 $0xFFFFFF80  }
.LBB2_22:
0x147: {  	s0 =	sshll.u32 s31, $0x7  }
0x148: {  	v15 =	vld [tilespmem:s0+$0x1800]  }
0x149: {  	v16 =	vld [tilespmem:s0+$0x2900];
	_ =	sdelay $0x3  }
0x14a: {  	[tilespmem:$0x1800] =	vst v15  }
0x14b: {  	[tilespmem:$0x2900] =	vst v16  }
0x14c: {  	v15 =	vld [tilespmem:s0+$0x1810]  }
0x14d: {  	v16 =	vld [tilespmem:s0+$0x2910];
	_ =	sdelay $0x3  }
0x14e: {  	[tilespmem:$0x1810] =	vst v15  }
0x14f: {  	[tilespmem:$0x2910] =	vst v16  }
0x150: {  	v15 =	vld [tilespmem:s0+$0x1820]  }
0x151: {  	v16 =	vld [tilespmem:s0+$0x2920];
	_ =	sdelay $0x3  }
0x152: {  	[tilespmem:$0x1820] =	vst v15  }
0x153: {  	[tilespmem:$0x2920] =	vst v16  }
0x154: {  	v15 =	vld [tilespmem:s0+$0x1830]  }
0x155: {  	v16 =	vld [tilespmem:s0+$0x2930];
	_ =	sdelay $0x3  }
0x156: {  	[tilespmem:$0x1830] =	vst v15  }
0x157: {  	[tilespmem:$0x2930] =	vst v16  }
0x158: {  	v15 =	vld [tilespmem:s0+$0x1840]  }
0x159: {  	v16 =	vld [tilespmem:s0+$0x2940];
	_ =	sdelay $0x3  }
0x15a: {  	[tilespmem:$0x1840] =	vst v15  }
0x15b: {  	[tilespmem:$0x2940] =	vst v16  }
0x15c: {  	v15 =	vld [tilespmem:s0+$0x1850]  }
0x15d: {  	v16 =	vld [tilespmem:s0+$0x2950];
	_ =	sdelay $0x3  }
0x15e: {  	[tilespmem:$0x1850] =	vst v15  }
0x15f: {  	[tilespmem:$0x2950] =	vst v16  }
0x160: {  	v15 =	vld [tilespmem:s0+$0x1860]  }
0x161: {  	v16 =	vld [tilespmem:s0+$0x2960];
	_ =	sdelay $0x3  }
0x162: {  	[tilespmem:$0x1860] =	vst v15  }
0x163: {  	[tilespmem:$0x2960] =	vst v16  }
0x164: {  	s29 =	sadd.s32 $0x1, s29;
	v15 =	vld [tilespmem:s0+$0x1870]  }
0x165: {  	p0 =	sne.s32 s29, $0x34;
	v16 =	vld [tilespmem:s0+$0x2970]  }
.Ltmp13:
0x166: {  	_ = 	snop;
	(pc) =	sbr.rel @!p0 .LBB2_23-.Ltmp13, $3  }
0x167: {  	_ =	sdelay $0x1  }
0x168: {  	[tilespmem:$0x1870] =	vst v15  }
0x169: {  	s0 =	ssub.s32 s30, s0;
	[tilespmem:$0x2970] =	vst v16  }
.LBB2_16:
0x16a: {  	s2 =	sshll.u32 s29, $0xB  }
0x16b: {  	s2 =	sadd.s32 s8, s2  }
0x16c: {  	s2 =	sshrl.u32 s2, $0x3  }
0x16d: {  	s9 =	sadd.s32 s6, s2  }
0x16e: {  	[tilespmem:s28], [sflag:$0x1] =	stream.linear.gather [hbm4b:s9+s28], $0x800, $0x38;
	[tilespmem:$0x1FB00] =	vst v63  }
0x16f: {  	_ =	swait.ge [sflag:s17], $0x800  }
0x170: {  	[sflag:s17] =	ssyncset.done $0x0  }
0x171: {  	s30 =	sadd.s32 s3, s2;
	[sflag:s17] =	ssyncadd.s32 $0xFFFFF800  }
0x172: {  	[tilespmem:s18], [sflag:$0x1] =	stream.linear.gather [hbm4b:s30+s28], $0x800, $0x38;
	[tilespmem:$0x1FB00] =	vst v63  }
0x173: {  	_ =	swait.ge [sflag:s17], $0x800  }
0x174: {  	[sflag:s17] =	ssyncset.done $0x0  }
0x175: {  	s2 =	sadd.s32 s1, s2;
	[sflag:s17] =	ssyncadd.s32 $0xFFFFF800  }
0x176: {  	[tilespmem:s19], [sflag:$0x1] =	stream.linear.gather [hbm4b:s2+s28], $0x800, $0x38;
	[tilespmem:$0x1FB00] =	vst v63  }
0x177: {  	_ =	swait.ge [sflag:s17], $0x800  }
0x178: {  	[sflag:s17] =	ssyncset.done $0x0  }
0x179: {  	s2 =	simm.s32 $0x0;
	[sflag:s17] =	ssyncadd.s32 $0xFFFFF800  }
0x17a: {  	v15 =	vld [tilespmem:s2+$0x0];
	_ =	sdelay $0x4  }
0x17b: {  	v16 =	vsub.s32 v15, v1  }
0x17c: {  	vm1 =	vlt.u32 v16, $0x1B8  }
0x17d: {  	v17 =	vsel vm1, $0x1, v7  }
0x17e: {  	v18 =	vld [tilespmem:s2+$0x800];
	(xrf0) =	vadd.scan.msk.s32 $0xffff, v17;
	_ =	sdelay $0x4  }
0x17f: {  	v19 =	vsub.s32 v18, v1  }
0x180: {  	vm0 =	vlt.u32 v19, $0x1B8;
	v17, _, _ =	vpop (xrf0)  }
0x181: {  	v20 =	vsel vm0, $0x1, v7;
	(v2sf) =	vpush v17, $0xF  }
0x182: {  	(xrf0) =	vadd.scan.msk.s32 $0xffff, v20;
	_ =	sdelay $0x5  }
0x183: {  	v20, _, _ =	vpop (xrf0)  }
0x184: {  	(v2sf) =	vpush v20, $0xF;
	_ =	sdelay $0x6  }
0x185: {  	v21 =	vmov s0;
	s31 =	spop (v2sf)  }
0x186: {  	v21 =	vadd.s32 $0xFFFFFFFF, v21;
	s30 =	sadd.s32 s0, s31  }
0x187: {  	v21 =	vbroadcast v21, $0x0;
	v22 =	vmov s30  }
0x188: {  	v23 =	vld [tilespmem:s2+$0x1000];
	v22 =	vadd.s32 $0xFFFFFFFF, v22  }
0x189: {  	v21 =	vadd.s32 v17, v21;
	v17 =	vbroadcast v22, $0x0;
	_ =	sdelay $0x1  }
0x18a: {  	v17 =	vadd.s32 v20, v17  }
0x18b: {  	v16 =	vshll.u32 v16, $0xC  }
0x18c: {  	v18 =	vor.u32 v18, v16;
	v16 =	vmul.f32 $5.000000000e-01, v23;
	s31 =	spop (v2sf)  }
0x18d: {  	v19 =	vshll.u32 v19, $0xC;
	[tilespmem:v21+s20+$0x0] =	vst.idx.msk vm1, v18;
	s0 =	sadd.s32 s31, s30  }
0x18e: {  	v18 =	vor.u32 v15, v19;
	[tilespmem:v21+s21+$0x0] =	vst.idx.msk vm1, v16;
	v15 =	vmov s0  }
0x18f: {  	s9 =	simm.s32 $0x80;
	s2 =	simm.s32 $0x40;
	v15 =	vadd.s32 $0xFFFFFFFF, v15;
	[tilespmem:v17+s20+$0x0] =	vst.idx.msk vm0, v18  }
.LBB2_17:
0x190: {  	p0 =	sne.s32 s9, $0x1FC0  }
0x191: {  	s30 =	sshra.s32 s2, $0x2;
	[tilespmem:v17+s21+$0x0] =	vst.idx.msk vm0, v16;
	s2 =	smov.u32 s9;
	s9 =	sadd.s32 $0x40, s9  }
0x192: {  	v16 =	vld [tilespmem:s30+$0x0]  }
0x193: {  	v17 =	vld [tilespmem:s30+$0x800];
	_ =	sdelay $0x3  }
0x194: {  	v18 =	vsub.s32 v16, v1  }
0x195: {  	vm1 =	vlt.u32 v18, $0x1B8;
	v18 =	vshll.u32 v18, $0xC;
	v19 =	vsub.s32 v17, v1  }
0x196: {  	v17 =	vor.u32 v17, v18;
	v18 =	vsel vm1, $0x1, v7;
	vm0 =	vlt.u32 v19, $0x1B8  }
0x197: {  	v19 =	vshll.u32 v19, $0xC;
	v20 =	vsel vm0, $0x1, v7;
	(xrf0) =	vadd.scan.msk.s32 $0xffff, v18  }
0x198: {  	v18 =	vor.u32 v16, v19;
	(xrf0) =	vadd.scan.msk.s32 $0xffff, v20;
	_ =	sdelay $0x3  }
0x199: {  	v15 =	vbroadcast v15, $0x0  }
0x19a: {  	v16 =	vld [tilespmem:s30+$0x1000];
	v19, _, _ =	vpop (xrf0)  }
0x19b: {  	v15 =	vadd.s32 v19, v15;
	(v2sf) =	vpush v19, $0xF;
	v19, _, _ =	vpop (xrf0)  }
0x19c: {  	(v2sf) =	vpush v19, $0xF;
	_ =	sdelay $0x2  }
0x19d: {  	v16 =	vmul.f32 $5.000000000e-01, v16  }
0x19e: {  	[tilespmem:v15+s20+$0x0] =	vst.idx.msk vm1, v17  }
0x19f: {  	[tilespmem:v15+s21+$0x0] =	vst.idx.msk vm1, v16;
	_ =	sdelay $0x8  }
0x1a0: {  	s30 =	spop (v2sf)  }
0x1a1: {  	s0 =	sadd.s32 s0, s30;
	s30 =	spop (v2sf)  }
0x1a2: {  	v15 =	vmov s0;
	s0 =	sadd.s32 s30, s0  }
0x1a3: {  	v17 =	vmov s0;
	v20 =	vadd.s32 $0xFFFFFFFF, v15  }
0x1a4: {  	v15 =	vadd.s32 $0xFFFFFFFF, v17;
	v17 =	vbroadcast v20, $0x0;
	_ =	sdelay $0x1  }
0x1a5: {  	v17 =	vadd.s32 v19, v17  }
.Ltmp14:
0x1a6: {  	(pc) =	sbr.rel @p0 .LBB2_17-.Ltmp14, $2  }
0x1a7: {  	_ =	sdelay $0x2  }
0x1a8: {  	[tilespmem:v17+s20+$0x0] =	vst.idx.msk vm0, v18  }
0x1a9: {  	_ =	sdelay $0x4  }
0x1aa: {  	s2 =	sshra.s32 s2, $0x2;
	[tilespmem:v17+s21+$0x0] =	vst.idx.msk vm0, v16  }
0x1ab: {  	v16 =	vld [tilespmem:s2+$0x0]  }
0x1ac: {  	v17 =	vld [tilespmem:s2+$0x800];
	_ =	sdelay $0x3  }
0x1ad: {  	v18 =	vsub.s32 v16, v1  }
0x1ae: {  	v20 =	vsub.s32 v17, v1;
	vm15 =	vlt.u32 v18, $0x1B8  }
0x1af: {  	vm1 =	vlt.u32 v20, $0x1B8;
	v19 =	vsel vm15, $0x1, v7  }
0x1b0: {  	v60 =	vsel vm1, $0x1, v7;
	(xrf0) =	vadd.scan.msk.s32 $0xffff, v19  }
0x1b1: {  	(xrf0) =	vadd.scan.msk.s32 $0xffff, v60;
	_ =	sdelay $0x4  }
0x1b2: {  	v61, _, _ =	vpop (xrf0)  }
0x1b3: {  	(v2sf) =	vpush v61, $0xF;
	v21, _, _ =	vpop (xrf0)  }
0x1b4: {  	(v2sf) =	vpush v21, $0xF;
	_ =	sdelay $0xd  }
0x1b5: {  	s9 =	spop (v2sf)  }
0x1b6: {  	s0 =	sadd.s32 s0, s9;
	s9 =	spop (v2sf)  }
0x1b7: {  	s30 =	sadd.s32 s9, s0  }
0x1b8: {  	v22 =	vmov s0;
	s0 =	sand.u32 $0x7F, s30  }
0x1b9: {  	v15 =	vbroadcast v15, $0x0;
	v23 =	vld [tilespmem:s2+$0x1000];
	s2 =	sshra.s32 s30, $0x1F;
	p0 =	slt.s32 s30, $0x1;
	p1 =	sne.s32 s0, $0x0  }
0x1ba: {  	v22 =	vadd.s32 $0xFFFFFFFF, v22;
	s9 =	sshrl.u32 s2, $0x19;
	p0 =	por !p0, !p1  }
0x1bb: {  	v15 =	vadd.s32 v61, v15;
	v62 =	vbroadcast v22, $0x0;
	s2 =	simm.s32 $0x1;
	s0 =	sadd.s32 s9, s30;
	p0 =	por !p0, !p0  }
0x1bc: {  	s0 =	sshra.s32 s0, $0x7;
	s2 =	simm.s32 @!p0 $0x0  }
0x1bd: {  	v19 =	vadd.s32 v21, v62;
	s31 =	ssub.s32 s0, s2  }
0x1be: {  	v18 =	vshll.u32 v18, $0xC;
	p0 =	slt.s32 s31, $0x1  }
.Ltmp15:
0x1bf: {  	v63 =	vmul.f32 $5.000000000e-01, v23;
	v17 =	vor.u32 v17, v18;
	(pc) =	sbr.rel @p0 .LBB2_22-.Ltmp15, $4  }
0x1c0: {  	v20 =	vshll.u32 v20, $0xC;
	[tilespmem:v15+s20+$0x0] =	vst.idx.msk vm15, v17  }
0x1c1: {  	v16 =	vor.u32 v16, v20;
	[tilespmem:v15+s21+$0x0] =	vst.idx.msk vm15, v63  }
0x1c2: {  	[tilespmem:v19+s20+$0x0] =	vst.idx.msk vm1, v16  }
0x1c3: {  	[tilespmem:v19+s21+$0x0] =	vst.idx.msk vm1, v63  }
0x1c4: {  	s0 =	simm.s32 $0x1840  }
0x1c5: {  	v15 =	vld [tilespmem:s0+$0xFFFFFFC0];
	_ =	sdelay $0x4  }
0x1c6: {  	s2 =	simm.s32 $0x2940;
	[tilespmem:$0x3A00] =	vst v15  }
0x1c7: {  	v15 =	vld [tilespmem:s2+$0xFFFFFFC0];
	_ =	sdelay $0x4  }
0x1c8: {  	[tilespmem:$0x3A80] =	vst v15  }
0x1c9: {  	v15 =	vld [tilespmem:s0+$0xFFFFFFD0];
	_ =	sdelay $0x4  }
0x1ca: {  	[tilespmem:$0x3A10] =	vst v15  }
0x1cb: {  	v15 =	vld [tilespmem:s2+$0xFFFFFFD0];
	_ =	sdelay $0x4  }
0x1cc: {  	[tilespmem:$0x3A90] =	vst v15  }
0x1cd: {  	v15 =	vld [tilespmem:s0+$0xFFFFFFE0];
	_ =	sdelay $0x4  }
0x1ce: {  	[tilespmem:$0x3A20] =	vst v15  }
0x1cf: {  	v15 =	vld [tilespmem:s2+$0xFFFFFFE0];
	_ =	sdelay $0x4  }
0x1d0: {  	[tilespmem:$0x3AA0] =	vst v15  }
0x1d1: {  	v15 =	vld [tilespmem:s0+$0xFFFFFFF0];
	_ =	sdelay $0x4  }
0x1d2: {  	[tilespmem:$0x3A30] =	vst v15  }
0x1d3: {  	v15 =	vld [tilespmem:s2+$0xFFFFFFF0];
	_ =	sdelay $0x4  }
0x1d4: {  	[tilespmem:$0x3AB0] =	vst v15  }
0x1d5: {  	v15 =	vld [tilespmem:s0+$0x0];
	_ =	sdelay $0x4  }
0x1d6: {  	[tilespmem:$0x3A40] =	vst v15  }
0x1d7: {  	v15 =	vld [tilespmem:s2+$0x0];
	_ =	sdelay $0x4  }
0x1d8: {  	[tilespmem:$0x3AC0] =	vst v15  }
0x1d9: {  	v15 =	vld [tilespmem:s0+$0x10];
	_ =	sdelay $0x4  }
0x1da: {  	[tilespmem:$0x3A50] =	vst v15  }
0x1db: {  	v15 =	vld [tilespmem:s2+$0x10];
	_ =	sdelay $0x4  }
0x1dc: {  	[tilespmem:$0x3AD0] =	vst v15  }
0x1dd: {  	v15 =	vld [tilespmem:s0+$0x20];
	_ =	sdelay $0x4  }
0x1de: {  	[tilespmem:$0x3A60] =	vst v15  }
0x1df: {  	v15 =	vld [tilespmem:s2+$0x20];
	_ =	sdelay $0x4  }
0x1e0: {  	[tilespmem:$0x3AE0] =	vst v15  }
0x1e1: {  	v15 =	vld [tilespmem:s0+$0x30];
	_ =	sdelay $0x4  }
0x1e2: {  	[tilespmem:$0x3A70] =	vst v15  }
0x1e3: {  	v15 =	vld [tilespmem:s2+$0x30];
	_ =	sdelay $0x2  }
0x1e4: {  	p0 =	sne.s32 s31, $0x1  }
.Ltmp16:
0x1e5: {  	_ = 	snop;
	(pc) =	sbr.rel @!p0 .LBB2_21-.Ltmp16, $4  }
0x1e6: {  	[tilespmem:$0x3AF0] =	vst v15  }
0x1e7: {  	[spmem:s4] =	stream.indirect.scatter.add.f32 [tilespmem:s24], [sflag:$0x1], $0x1, s23, s22, $0xb8;
	[tilespmem:$0x1FB00] =	vst v63  }
0x1e8: {  	_ =	swait.ge [sflag:s17], $0x80  }
0x1e9: {  	s9 =	sadd.s32 $0xFFFFFFFF, s31;
	[sflag:s17] =	ssyncset.done $0x0  }
.LBB2_20:
0x1ea: {  	[sflag:s17] =	ssyncadd.s32 $0xFFFFFF80;
	s0 =	sadd.s32 $0x80, s0;
	s2 =	sadd.s32 $0x80, s2  }
0x1eb: {  	p0 =	sne.s32 s9, $0x1;
	s9 =	sadd.s32 $0xFFFFFFFF, s9;
	v15 =	vld [tilespmem:s0+$0xFFFFFFC0];
	_ =	sdelay $0x4  }
0x1ec: {  	[tilespmem:$0x3A00] =	vst v15  }
0x1ed: {  	v15 =	vld [tilespmem:s2+$0xFFFFFFC0];
	_ =	sdelay $0x4  }
0x1ee: {  	[tilespmem:$0x3A80] =	vst v15  }
0x1ef: {  	v15 =	vld [tilespmem:s0+$0xFFFFFFD0];
	_ =	sdelay $0x4  }
0x1f0: {  	[tilespmem:$0x3A10] =	vst v15  }
0x1f1: {  	v15 =	vld [tilespmem:s2+$0xFFFFFFD0];
	_ =	sdelay $0x4  }
0x1f2: {  	[tilespmem:$0x3A90] =	vst v15  }
0x1f3: {  	v15 =	vld [tilespmem:s0+$0xFFFFFFE0];
	_ =	sdelay $0x4  }
0x1f4: {  	[tilespmem:$0x3A20] =	vst v15  }
0x1f5: {  	v15 =	vld [tilespmem:s2+$0xFFFFFFE0];
	_ =	sdelay $0x4  }
0x1f6: {  	[tilespmem:$0x3AA0] =	vst v15  }
0x1f7: {  	v15 =	vld [tilespmem:s0+$0xFFFFFFF0];
	_ =	sdelay $0x4  }
0x1f8: {  	[tilespmem:$0x3A30] =	vst v15  }
0x1f9: {  	v15 =	vld [tilespmem:s2+$0xFFFFFFF0];
	_ =	sdelay $0x4  }
0x1fa: {  	[tilespmem:$0x3AB0] =	vst v15  }
0x1fb: {  	v15 =	vld [tilespmem:s0+$0x0];
	_ =	sdelay $0x4  }
0x1fc: {  	[tilespmem:$0x3A40] =	vst v15  }
0x1fd: {  	v15 =	vld [tilespmem:s2+$0x0];
	_ =	sdelay $0x4  }
0x1fe: {  	[tilespmem:$0x3AC0] =	vst v15  }
0x1ff: {  	v15 =	vld [tilespmem:s0+$0x10];
	_ =	sdelay $0x4  }
0x200: {  	[tilespmem:$0x3A50] =	vst v15  }
0x201: {  	v15 =	vld [tilespmem:s2+$0x10];
	_ =	sdelay $0x4  }
0x202: {  	[tilespmem:$0x3AD0] =	vst v15  }
0x203: {  	v15 =	vld [tilespmem:s0+$0x20];
	_ =	sdelay $0x4  }
0x204: {  	[tilespmem:$0x3A60] =	vst v15  }
0x205: {  	v15 =	vld [tilespmem:s2+$0x20];
	_ =	sdelay $0x4  }
0x206: {  	[tilespmem:$0x3AE0] =	vst v15  }
0x207: {  	v15 =	vld [tilespmem:s0+$0x30];
	_ =	sdelay $0x4  }
0x208: {  	[tilespmem:$0x3A70] =	vst v15  }
0x209: {  	v15 =	vld [tilespmem:s2+$0x30];
	_ =	sdelay $0x3  }
.Ltmp17:
0x20a: {  	(pc) =	sbr.rel @p0 .LBB2_20-.Ltmp17, $4  }
0x20b: {  	[tilespmem:$0x3AF0] =	vst v15  }
0x20c: {  	[spmem:s4] =	stream.indirect.scatter.add.f32 [tilespmem:s24], [sflag:$0x1], $0x1, s23, s22, $0xb8;
	[tilespmem:$0x1FB00] =	vst v63  }
0x20d: {  	_ =	swait.ge [sflag:s17], $0x80  }
0x20e: {  	[sflag:s17] =	ssyncset.done $0x0  }
.Ltmp18:
0x20f: {  	_ = 	snop;
	(pc) =	sbr.rel .LBB2_21-.Ltmp18, $1  }
0x210: {  	_ =	sdelay $0x3  }
.LBB2_23:
0x211: {  	v15 =	vld [tilespmem:$0x1800]  }
0x212: {  	v16 =	vld [tilespmem:$0x2900]  }
0x213: {  	v17 =	vld [tilespmem:$0x1810]  }
0x214: {  	v20 =	vld [tilespmem:$0x1820]  }
0x215: {  	v54 =	vld [tilespmem:$0x1830]  }
0x216: {  	v19 =	vmov s0;
	v56 =	vld [tilespmem:$0x1840]  }
0x217: {  	v59 =	vld [tilespmem:$0x1850];
	vm0 =	vgt.s32 v19, v5;
	[tilespmem:$0x3A00] =	vst v15  }
0x218: {  	v61 =	vld [tilespmem:$0x1860];
	v15 =	vnsel vm0, $0x0, v16;
	[tilespmem:$0x3A10] =	vst v17  }
0x219: {  	[tilespmem:$0x3A80] =	vst v15;
	v15 =	vld [tilespmem:$0x2930]  }
0x21a: {  	v18 =	vld [tilespmem:$0x2910];
	[tilespmem:$0x3A20] =	vst v20  }
0x21b: {  	v62 =	vld [tilespmem:$0x1870];
	[tilespmem:$0x3A30] =	vst v54  }
0x21c: {  	v21 =	vld [tilespmem:$0x2920];
	[tilespmem:$0x3A40] =	vst v56  }
0x21d: {  	v57 =	vld [tilespmem:$0x2940];
	vm11 =	vgt.s32 v19, v10;
	[tilespmem:$0x3A50] =	vst v59  }
0x21e: {  	v60 =	vld [tilespmem:$0x2950];
	[tilespmem:$0x3A60] =	vst v61;
	v15 =	vnsel vm11, $0x0, v15  }
0x21f: {  	vm9 =	vgt.s32 v19, v8;
	[tilespmem:$0x3AB0] =	vst v15;
	v15 =	vld [tilespmem:$0x2960]  }
0x220: {  	v63 =	vld [tilespmem:$0x2970];
	vm10 =	vgt.s32 v19, v9;
	v55 =	vnsel vm9, $0x0, v18;
	[tilespmem:$0x3A70] =	vst v62  }
0x221: {  	vm12 =	vgt.s32 v19, v11;
	v58 =	vnsel vm10, $0x0, v21;
	[tilespmem:$0x3A90] =	vst v55  }
0x222: {  	vm13 =	vgt.s32 v19, v12;
	v17 =	vnsel vm12, $0x0, v57;
	[tilespmem:$0x3AA0] =	vst v58  }
0x223: {  	vm14 =	vgt.s32 v19, v13;
	v20 =	vnsel vm13, $0x0, v60;
	[tilespmem:$0x3AC0] =	vst v17  }
0x224: {  	vm15 =	vgt.s32 v19, v14;
	[tilespmem:$0x3AD0] =	vst v20;
	v15 =	vnsel vm14, $0x0, v15  }
0x225: {  	[tilespmem:$0x3AE0] =	vst v15;
	v15 =	vnsel vm15, $0x0, v63  }
0x226: {  	[tilespmem:$0x3AF0] =	vst v15  }
0x227: {  	[spmem:s4] =	stream.indirect.scatter.add.f32 [tilespmem:s24], [sflag:$0x1], $0x1, s23, s22, $0xb8;
	[tilespmem:$0x1FB00] =	vst v63  }
0x228: {  	_ =	swait.ge [sflag:s17], $0x80  }
0x229: {  	[sflag:s17] =	ssyncset.done $0x0  }
0x22a: {  	[sflag:s17] =	ssyncadd.s32 $0xFFFFFF80  }
0x22b: {  	[bflag:$0x0] =	sbarrier.arrive $0xFFFF  }
0x22c: {  	[hbm:s10], [sflag:s25] =	dma.local [spmem:s26], $0x3700  }
0x22d: {  	_ =	swait.ge [sflag:s17], $0x3700  }
0x22e: {  	[sflag:s17] =	ssyncset.done $0x0  }
0x22f: {  	s31 =	sadd.s32 $0x0, s7;
	[sflag:s17] =	ssyncadd.s32 $0xFFFFC900  }
0x230: {  	[spmem:s31] =	stream.linear.scatter [tilespmem:s16], [sflag:$0x1], $0x800, $0x38;
	[tilespmem:$0x1FB00] =	vst v63  }
0x231: {  	s0 =	simm.s32 $0x2000;
	_ =	swait.ge [sflag:s17], $0x800  }
.LBB2_24:
0x232: {  	s2 =	sshra.s32 s0, $0x2;
	[sflag:s17] =	ssyncset.done $0x0;
	p0 =	sne.s32 s0, $0x6C000  }
.Ltmp19:
0x233: {  	s2 =	sadd.s32 s2, s7;
	[sflag:s17] =	ssyncadd.s32 $0xFFFFF800;
	(pc) =	sbr.rel @p0 .LBB2_24-.Ltmp19, $3  }
0x234: {  	[spmem:s2] =	stream.linear.scatter [tilespmem:s16], [sflag:$0x1], $0x800, $0x38;
	[tilespmem:$0x1FB00] =	vst v63  }
0x235: {  	s0 =	sadd.s32 $0x2000, s0;
	_ =	sdelay $0x1  }
0x236: {  	_ =	swait.ge [sflag:s17], $0x800  }
.Ltmp20:
0x237: {  	(pc) =	sbr.rel .LBB2_26-.Ltmp20, $4  }
0x238: {  	[sflag:s17] =	ssyncset.done $0x0  }
0x239: {  	[sflag:s17] =	ssyncadd.s32 $0xFFFFF800  }
0x23a: {  	[bflag:$0x0] =	sbarrier.arrive $0xFFFF  }
0x23b: {  	s28 =	simm.s32 $0x0;
	s0 =	simm.s32 $0x0;
	s29 =	simm.s32 $0x0  }
.LBB2_31:
0x23c: {  	[sflag:s17] =	ssyncadd.s32 $0xFFFFFF80  }
.LBB2_32:
0x23d: {  	s0 =	sshll.u32 s31, $0x7  }
0x23e: {  	v15 =	vld [tilespmem:s0+$0x1800]  }
0x23f: {  	v16 =	vld [tilespmem:s0+$0x2900];
	_ =	sdelay $0x3  }
0x240: {  	[tilespmem:$0x1800] =	vst v15  }
0x241: {  	[tilespmem:$0x2900] =	vst v16  }
0x242: {  	v15 =	vld [tilespmem:s0+$0x1810]  }
0x243: {  	v16 =	vld [tilespmem:s0+$0x2910];
	_ =	sdelay $0x3  }
0x244: {  	[tilespmem:$0x1810] =	vst v15  }
0x245: {  	[tilespmem:$0x2910] =	vst v16  }
0x246: {  	v15 =	vld [tilespmem:s0+$0x1820]  }
0x247: {  	v16 =	vld [tilespmem:s0+$0x2920];
	_ =	sdelay $0x3  }
0x248: {  	[tilespmem:$0x1820] =	vst v15  }
0x249: {  	[tilespmem:$0x2920] =	vst v16  }
0x24a: {  	v15 =	vld [tilespmem:s0+$0x1830]  }
0x24b: {  	v16 =	vld [tilespmem:s0+$0x2930];
	_ =	sdelay $0x3  }
0x24c: {  	[tilespmem:$0x1830] =	vst v15  }
0x24d: {  	[tilespmem:$0x2930] =	vst v16  }
0x24e: {  	v15 =	vld [tilespmem:s0+$0x1840]  }
0x24f: {  	v16 =	vld [tilespmem:s0+$0x2940];
	_ =	sdelay $0x3  }
0x250: {  	[tilespmem:$0x1840] =	vst v15  }
0x251: {  	[tilespmem:$0x2940] =	vst v16  }
0x252: {  	v15 =	vld [tilespmem:s0+$0x1850]  }
0x253: {  	v16 =	vld [tilespmem:s0+$0x2950];
	_ =	sdelay $0x3  }
0x254: {  	[tilespmem:$0x1850] =	vst v15  }
0x255: {  	[tilespmem:$0x2950] =	vst v16  }
0x256: {  	v15 =	vld [tilespmem:s0+$0x1860]  }
0x257: {  	v16 =	vld [tilespmem:s0+$0x2960];
	_ =	sdelay $0x3  }
0x258: {  	[tilespmem:$0x1860] =	vst v15  }
0x259: {  	[tilespmem:$0x2960] =	vst v16  }
0x25a: {  	s29 =	sadd.s32 $0x1, s29;
	v15 =	vld [tilespmem:s0+$0x1870]  }
0x25b: {  	p0 =	sne.s32 s29, $0x34;
	v16 =	vld [tilespmem:s0+$0x2970]  }
.Ltmp21:
0x25c: {  	_ = 	snop;
	(pc) =	sbr.rel @!p0 .LBB2_33-.Ltmp21, $3  }
0x25d: {  	_ =	sdelay $0x1  }
0x25e: {  	[tilespmem:$0x1870] =	vst v15  }
0x25f: {  	s0 =	ssub.s32 s30, s0;
	[tilespmem:$0x2970] =	vst v16  }
.LBB2_26:
0x260: {  	s2 =	sshll.u32 s29, $0xB  }
0x261: {  	s2 =	sadd.s32 s8, s2  }
0x262: {  	s2 =	sshrl.u32 s2, $0x3  }
0x263: {  	s9 =	sadd.s32 s6, s2  }
0x264: {  	[tilespmem:s28], [sflag:$0x1] =	stream.linear.gather [hbm4b:s9+s28], $0x800, $0x38;
	[tilespmem:$0x1FB00] =	vst v63  }
0x265: {  	_ =	swait.ge [sflag:s17], $0x800  }
0x266: {  	[sflag:s17] =	ssyncset.done $0x0  }
0x267: {  	s30 =	sadd.s32 s3, s2;
	[sflag:s17] =	ssyncadd.s32 $0xFFFFF800  }
0x268: {  	[tilespmem:s18], [sflag:$0x1] =	stream.linear.gather [hbm4b:s30+s28], $0x800, $0x38;
	[tilespmem:$0x1FB00] =	vst v63  }
0x269: {  	_ =	swait.ge [sflag:s17], $0x800  }
0x26a: {  	[sflag:s17] =	ssyncset.done $0x0  }
0x26b: {  	s2 =	sadd.s32 s1, s2;
	[sflag:s17] =	ssyncadd.s32 $0xFFFFF800  }
0x26c: {  	[tilespmem:s19], [sflag:$0x1] =	stream.linear.gather [hbm4b:s2+s28], $0x800, $0x38;
	[tilespmem:$0x1FB00] =	vst v63  }
0x26d: {  	_ =	swait.ge [sflag:s17], $0x800  }
0x26e: {  	[sflag:s17] =	ssyncset.done $0x0  }
0x26f: {  	s2 =	simm.s32 $0x0;
	[sflag:s17] =	ssyncadd.s32 $0xFFFFF800  }
0x270: {  	v15 =	vld [tilespmem:s2+$0x0];
	_ =	sdelay $0x4  }
0x271: {  	v16 =	vsub.s32 v15, v2  }
0x272: {  	vm1 =	vlt.u32 v16, $0x1B8  }
0x273: {  	v17 =	vsel vm1, $0x1, v7  }
0x274: {  	v18 =	vld [tilespmem:s2+$0x800];
	(xrf0) =	vadd.scan.msk.s32 $0xffff, v17;
	_ =	sdelay $0x4  }
0x275: {  	v19 =	vsub.s32 v18, v2  }
0x276: {  	vm0 =	vlt.u32 v19, $0x1B8;
	v17, _, _ =	vpop (xrf0)  }
0x277: {  	v20 =	vsel vm0, $0x1, v7;
	(v2sf) =	vpush v17, $0xF  }
0x278: {  	(xrf0) =	vadd.scan.msk.s32 $0xffff, v20;
	_ =	sdelay $0x5  }
0x279: {  	v20, _, _ =	vpop (xrf0)  }
0x27a: {  	(v2sf) =	vpush v20, $0xF;
	_ =	sdelay $0x6  }
0x27b: {  	v21 =	vmov s0;
	s31 =	spop (v2sf)  }
0x27c: {  	v21 =	vadd.s32 $0xFFFFFFFF, v21;
	s30 =	sadd.s32 s0, s31  }
0x27d: {  	v21 =	vbroadcast v21, $0x0;
	v22 =	vmov s30  }
0x27e: {  	v23 =	vld [tilespmem:s2+$0x1000];
	v22 =	vadd.s32 $0xFFFFFFFF, v22  }
0x27f: {  	v21 =	vadd.s32 v17, v21;
	v17 =	vbroadcast v22, $0x0;
	_ =	sdelay $0x1  }
0x280: {  	v17 =	vadd.s32 v20, v17  }
0x281: {  	v16 =	vshll.u32 v16, $0xC  }
0x282: {  	v18 =	vor.u32 v18, v16;
	v16 =	vmul.f32 $5.000000000e-01, v23;
	s31 =	spop (v2sf)  }
0x283: {  	v19 =	vshll.u32 v19, $0xC;
	[tilespmem:v21+s20+$0x0] =	vst.idx.msk vm1, v18;
	s0 =	sadd.s32 s31, s30  }
0x284: {  	v18 =	vor.u32 v15, v19;
	[tilespmem:v21+s21+$0x0] =	vst.idx.msk vm1, v16;
	v15 =	vmov s0  }
0x285: {  	s9 =	simm.s32 $0x80;
	s2 =	simm.s32 $0x40;
	v15 =	vadd.s32 $0xFFFFFFFF, v15;
	[tilespmem:v17+s20+$0x0] =	vst.idx.msk vm0, v18  }
.LBB2_27:
0x286: {  	p0 =	sne.s32 s9, $0x1FC0  }
0x287: {  	s30 =	sshra.s32 s2, $0x2;
	[tilespmem:v17+s21+$0x0] =	vst.idx.msk vm0, v16;
	s2 =	smov.u32 s9;
	s9 =	sadd.s32 $0x40, s9  }
0x288: {  	v16 =	vld [tilespmem:s30+$0x0]  }
0x289: {  	v17 =	vld [tilespmem:s30+$0x800];
	_ =	sdelay $0x3  }
0x28a: {  	v18 =	vsub.s32 v16, v2  }
0x28b: {  	vm1 =	vlt.u32 v18, $0x1B8;
	v18 =	vshll.u32 v18, $0xC;
	v19 =	vsub.s32 v17, v2  }
0x28c: {  	v17 =	vor.u32 v17, v18;
	v18 =	vsel vm1, $0x1, v7;
	vm0 =	vlt.u32 v19, $0x1B8  }
0x28d: {  	v19 =	vshll.u32 v19, $0xC;
	v20 =	vsel vm0, $0x1, v7;
	(xrf0) =	vadd.scan.msk.s32 $0xffff, v18  }
0x28e: {  	v18 =	vor.u32 v16, v19;
	(xrf0) =	vadd.scan.msk.s32 $0xffff, v20;
	_ =	sdelay $0x3  }
0x28f: {  	v15 =	vbroadcast v15, $0x0  }
0x290: {  	v16 =	vld [tilespmem:s30+$0x1000];
	v19, _, _ =	vpop (xrf0)  }
0x291: {  	v15 =	vadd.s32 v19, v15;
	(v2sf) =	vpush v19, $0xF;
	v19, _, _ =	vpop (xrf0)  }
0x292: {  	(v2sf) =	vpush v19, $0xF;
	_ =	sdelay $0x2  }
0x293: {  	v16 =	vmul.f32 $5.000000000e-01, v16  }
0x294: {  	[tilespmem:v15+s20+$0x0] =	vst.idx.msk vm1, v17  }
0x295: {  	[tilespmem:v15+s21+$0x0] =	vst.idx.msk vm1, v16;
	_ =	sdelay $0x8  }
0x296: {  	s30 =	spop (v2sf)  }
0x297: {  	s0 =	sadd.s32 s0, s30;
	s30 =	spop (v2sf)  }
0x298: {  	v15 =	vmov s0;
	s0 =	sadd.s32 s30, s0  }
0x299: {  	v17 =	vmov s0;
	v20 =	vadd.s32 $0xFFFFFFFF, v15  }
0x29a: {  	v15 =	vadd.s32 $0xFFFFFFFF, v17;
	v17 =	vbroadcast v20, $0x0;
	_ =	sdelay $0x1  }
0x29b: {  	v17 =	vadd.s32 v19, v17  }
.Ltmp22:
0x29c: {  	(pc) =	sbr.rel @p0 .LBB2_27-.Ltmp22, $2  }
0x29d: {  	_ =	sdelay $0x2  }
0x29e: {  	[tilespmem:v17+s20+$0x0] =	vst.idx.msk vm0, v18  }
0x29f: {  	_ =	sdelay $0x4  }
0x2a0: {  	s2 =	sshra.s32 s2, $0x2;
	[tilespmem:v17+s21+$0x0] =	vst.idx.msk vm0, v16  }
0x2a1: {  	v16 =	vld [tilespmem:s2+$0x0]  }
0x2a2: {  	v17 =	vld [tilespmem:s2+$0x800];
	_ =	sdelay $0x3  }
0x2a3: {  	v18 =	vsub.s32 v16, v2  }
0x2a4: {  	v20 =	vsub.s32 v17, v2;
	vm15 =	vlt.u32 v18, $0x1B8  }
0x2a5: {  	vm1 =	vlt.u32 v20, $0x1B8;
	v19 =	vsel vm15, $0x1, v7  }
0x2a6: {  	v60 =	vsel vm1, $0x1, v7;
	(xrf0) =	vadd.scan.msk.s32 $0xffff, v19  }
0x2a7: {  	(xrf0) =	vadd.scan.msk.s32 $0xffff, v60;
	_ =	sdelay $0x4  }
0x2a8: {  	v61, _, _ =	vpop (xrf0)  }
0x2a9: {  	(v2sf) =	vpush v61, $0xF;
	v21, _, _ =	vpop (xrf0)  }
0x2aa: {  	(v2sf) =	vpush v21, $0xF;
	_ =	sdelay $0xd  }
0x2ab: {  	s9 =	spop (v2sf)  }
0x2ac: {  	s0 =	sadd.s32 s0, s9;
	s9 =	spop (v2sf)  }
0x2ad: {  	s30 =	sadd.s32 s9, s0  }
0x2ae: {  	v22 =	vmov s0;
	s0 =	sand.u32 $0x7F, s30  }
0x2af: {  	v15 =	vbroadcast v15, $0x0;
	v23 =	vld [tilespmem:s2+$0x1000];
	s2 =	sshra.s32 s30, $0x1F;
	p0 =	slt.s32 s30, $0x1;
	p1 =	sne.s32 s0, $0x0  }
0x2b0: {  	v22 =	vadd.s32 $0xFFFFFFFF, v22;
	s9 =	sshrl.u32 s2, $0x19;
	p0 =	por !p0, !p1  }
0x2b1: {  	v15 =	vadd.s32 v61, v15;
	v62 =	vbroadcast v22, $0x0;
	s2 =	simm.s32 $0x1;
	s0 =	sadd.s32 s9, s30;
	p0 =	por !p0, !p0  }
0x2b2: {  	s0 =	sshra.s32 s0, $0x7;
	s2 =	simm.s32 @!p0 $0x0  }
0x2b3: {  	v19 =	vadd.s32 v21, v62;
	s31 =	ssub.s32 s0, s2  }
0x2b4: {  	v18 =	vshll.u32 v18, $0xC;
	p0 =	slt.s32 s31, $0x1  }
.Ltmp23:
0x2b5: {  	v63 =	vmul.f32 $5.000000000e-01, v23;
	v17 =	vor.u32 v17, v18;
	(pc) =	sbr.rel @p0 .LBB2_32-.Ltmp23, $4  }
0x2b6: {  	v20 =	vshll.u32 v20, $0xC;
	[tilespmem:v15+s20+$0x0] =	vst.idx.msk vm15, v17  }
0x2b7: {  	v16 =	vor.u32 v16, v20;
	[tilespmem:v15+s21+$0x0] =	vst.idx.msk vm15, v63  }
0x2b8: {  	[tilespmem:v19+s20+$0x0] =	vst.idx.msk vm1, v16  }
0x2b9: {  	[tilespmem:v19+s21+$0x0] =	vst.idx.msk vm1, v63  }
0x2ba: {  	s0 =	simm.s32 $0x1840  }
0x2bb: {  	v15 =	vld [tilespmem:s0+$0xFFFFFFC0];
	_ =	sdelay $0x4  }
0x2bc: {  	s2 =	simm.s32 $0x2940;
	[tilespmem:$0x3A00] =	vst v15  }
0x2bd: {  	v15 =	vld [tilespmem:s2+$0xFFFFFFC0];
	_ =	sdelay $0x4  }
0x2be: {  	[tilespmem:$0x3A80] =	vst v15  }
0x2bf: {  	v15 =	vld [tilespmem:s0+$0xFFFFFFD0];
	_ =	sdelay $0x4  }
0x2c0: {  	[tilespmem:$0x3A10] =	vst v15  }
0x2c1: {  	v15 =	vld [tilespmem:s2+$0xFFFFFFD0];
	_ =	sdelay $0x4  }
0x2c2: {  	[tilespmem:$0x3A90] =	vst v15  }
0x2c3: {  	v15 =	vld [tilespmem:s0+$0xFFFFFFE0];
	_ =	sdelay $0x4  }
0x2c4: {  	[tilespmem:$0x3A20] =	vst v15  }
0x2c5: {  	v15 =	vld [tilespmem:s2+$0xFFFFFFE0];
	_ =	sdelay $0x4  }
0x2c6: {  	[tilespmem:$0x3AA0] =	vst v15  }
0x2c7: {  	v15 =	vld [tilespmem:s0+$0xFFFFFFF0];
	_ =	sdelay $0x4  }
0x2c8: {  	[tilespmem:$0x3A30] =	vst v15  }
0x2c9: {  	v15 =	vld [tilespmem:s2+$0xFFFFFFF0];
	_ =	sdelay $0x4  }
0x2ca: {  	[tilespmem:$0x3AB0] =	vst v15  }
0x2cb: {  	v15 =	vld [tilespmem:s0+$0x0];
	_ =	sdelay $0x4  }
0x2cc: {  	[tilespmem:$0x3A40] =	vst v15  }
0x2cd: {  	v15 =	vld [tilespmem:s2+$0x0];
	_ =	sdelay $0x4  }
0x2ce: {  	[tilespmem:$0x3AC0] =	vst v15  }
0x2cf: {  	v15 =	vld [tilespmem:s0+$0x10];
	_ =	sdelay $0x4  }
0x2d0: {  	[tilespmem:$0x3A50] =	vst v15  }
0x2d1: {  	v15 =	vld [tilespmem:s2+$0x10];
	_ =	sdelay $0x4  }
0x2d2: {  	[tilespmem:$0x3AD0] =	vst v15  }
0x2d3: {  	v15 =	vld [tilespmem:s0+$0x20];
	_ =	sdelay $0x4  }
0x2d4: {  	[tilespmem:$0x3A60] =	vst v15  }
0x2d5: {  	v15 =	vld [tilespmem:s2+$0x20];
	_ =	sdelay $0x4  }
0x2d6: {  	[tilespmem:$0x3AE0] =	vst v15  }
0x2d7: {  	v15 =	vld [tilespmem:s0+$0x30];
	_ =	sdelay $0x4  }
0x2d8: {  	[tilespmem:$0x3A70] =	vst v15  }
0x2d9: {  	v15 =	vld [tilespmem:s2+$0x30];
	_ =	sdelay $0x2  }
0x2da: {  	p0 =	sne.s32 s31, $0x1  }
.Ltmp24:
0x2db: {  	_ = 	snop;
	(pc) =	sbr.rel @!p0 .LBB2_31-.Ltmp24, $4  }
0x2dc: {  	[tilespmem:$0x3AF0] =	vst v15  }
0x2dd: {  	[spmem:s4] =	stream.indirect.scatter.add.f32 [tilespmem:s24], [sflag:$0x1], $0x1, s23, s22, $0xb8;
	[tilespmem:$0x1FB00] =	vst v63  }
0x2de: {  	_ =	swait.ge [sflag:s17], $0x80  }
0x2df: {  	s9 =	sadd.s32 $0xFFFFFFFF, s31;
	[sflag:s17] =	ssyncset.done $0x0  }
.LBB2_30:
0x2e0: {  	[sflag:s17] =	ssyncadd.s32 $0xFFFFFF80;
	s0 =	sadd.s32 $0x80, s0;
	s2 =	sadd.s32 $0x80, s2  }
0x2e1: {  	p0 =	sne.s32 s9, $0x1;
	s9 =	sadd.s32 $0xFFFFFFFF, s9;
	v15 =	vld [tilespmem:s0+$0xFFFFFFC0];
	_ =	sdelay $0x4  }
0x2e2: {  	[tilespmem:$0x3A00] =	vst v15  }
0x2e3: {  	v15 =	vld [tilespmem:s2+$0xFFFFFFC0];
	_ =	sdelay $0x4  }
0x2e4: {  	[tilespmem:$0x3A80] =	vst v15  }
0x2e5: {  	v15 =	vld [tilespmem:s0+$0xFFFFFFD0];
	_ =	sdelay $0x4  }
0x2e6: {  	[tilespmem:$0x3A10] =	vst v15  }
0x2e7: {  	v15 =	vld [tilespmem:s2+$0xFFFFFFD0];
	_ =	sdelay $0x4  }
0x2e8: {  	[tilespmem:$0x3A90] =	vst v15  }
0x2e9: {  	v15 =	vld [tilespmem:s0+$0xFFFFFFE0];
	_ =	sdelay $0x4  }
0x2ea: {  	[tilespmem:$0x3A20] =	vst v15  }
0x2eb: {  	v15 =	vld [tilespmem:s2+$0xFFFFFFE0];
	_ =	sdelay $0x4  }
0x2ec: {  	[tilespmem:$0x3AA0] =	vst v15  }
0x2ed: {  	v15 =	vld [tilespmem:s0+$0xFFFFFFF0];
	_ =	sdelay $0x4  }
0x2ee: {  	[tilespmem:$0x3A30] =	vst v15  }
0x2ef: {  	v15 =	vld [tilespmem:s2+$0xFFFFFFF0];
	_ =	sdelay $0x4  }
0x2f0: {  	[tilespmem:$0x3AB0] =	vst v15  }
0x2f1: {  	v15 =	vld [tilespmem:s0+$0x0];
	_ =	sdelay $0x4  }
0x2f2: {  	[tilespmem:$0x3A40] =	vst v15  }
0x2f3: {  	v15 =	vld [tilespmem:s2+$0x0];
	_ =	sdelay $0x4  }
0x2f4: {  	[tilespmem:$0x3AC0] =	vst v15  }
0x2f5: {  	v15 =	vld [tilespmem:s0+$0x10];
	_ =	sdelay $0x4  }
0x2f6: {  	[tilespmem:$0x3A50] =	vst v15  }
0x2f7: {  	v15 =	vld [tilespmem:s2+$0x10];
	_ =	sdelay $0x4  }
0x2f8: {  	[tilespmem:$0x3AD0] =	vst v15  }
0x2f9: {  	v15 =	vld [tilespmem:s0+$0x20];
	_ =	sdelay $0x4  }
0x2fa: {  	[tilespmem:$0x3A60] =	vst v15  }
0x2fb: {  	v15 =	vld [tilespmem:s2+$0x20];
	_ =	sdelay $0x4  }
0x2fc: {  	[tilespmem:$0x3AE0] =	vst v15  }
0x2fd: {  	v15 =	vld [tilespmem:s0+$0x30];
	_ =	sdelay $0x4  }
0x2fe: {  	[tilespmem:$0x3A70] =	vst v15  }
0x2ff: {  	v15 =	vld [tilespmem:s2+$0x30];
	_ =	sdelay $0x3  }
.Ltmp25:
0x300: {  	(pc) =	sbr.rel @p0 .LBB2_30-.Ltmp25, $4  }
0x301: {  	[tilespmem:$0x3AF0] =	vst v15  }
0x302: {  	[spmem:s4] =	stream.indirect.scatter.add.f32 [tilespmem:s24], [sflag:$0x1], $0x1, s23, s22, $0xb8;
	[tilespmem:$0x1FB00] =	vst v63  }
0x303: {  	_ =	swait.ge [sflag:s17], $0x80  }
0x304: {  	[sflag:s17] =	ssyncset.done $0x0  }
.Ltmp26:
0x305: {  	_ = 	snop;
	(pc) =	sbr.rel .LBB2_31-.Ltmp26, $1  }
0x306: {  	_ =	sdelay $0x3  }
.LBB2_33:
0x307: {  	v15 =	vld [tilespmem:$0x1800]  }
0x308: {  	v16 =	vld [tilespmem:$0x2900]  }
0x309: {  	v17 =	vld [tilespmem:$0x1810]  }
0x30a: {  	v20 =	vld [tilespmem:$0x1820]  }
0x30b: {  	v54 =	vld [tilespmem:$0x1830]  }
0x30c: {  	v19 =	vmov s0;
	v56 =	vld [tilespmem:$0x1840]  }
0x30d: {  	v59 =	vld [tilespmem:$0x1850];
	vm0 =	vgt.s32 v19, v5;
	[tilespmem:$0x3A00] =	vst v15  }
0x30e: {  	v61 =	vld [tilespmem:$0x1860];
	v15 =	vnsel vm0, $0x0, v16;
	[tilespmem:$0x3A10] =	vst v17  }
0x30f: {  	[tilespmem:$0x3A80] =	vst v15;
	v15 =	vld [tilespmem:$0x2930]  }
0x310: {  	v18 =	vld [tilespmem:$0x2910];
	[tilespmem:$0x3A20] =	vst v20  }
0x311: {  	v62 =	vld [tilespmem:$0x1870];
	[tilespmem:$0x3A30] =	vst v54  }
0x312: {  	v21 =	vld [tilespmem:$0x2920];
	[tilespmem:$0x3A40] =	vst v56  }
0x313: {  	v57 =	vld [tilespmem:$0x2940];
	vm11 =	vgt.s32 v19, v10;
	[tilespmem:$0x3A50] =	vst v59  }
0x314: {  	v60 =	vld [tilespmem:$0x2950];
	[tilespmem:$0x3A60] =	vst v61;
	v15 =	vnsel vm11, $0x0, v15  }
0x315: {  	vm9 =	vgt.s32 v19, v8;
	[tilespmem:$0x3AB0] =	vst v15;
	v15 =	vld [tilespmem:$0x2960]  }
0x316: {  	v63 =	vld [tilespmem:$0x2970];
	vm10 =	vgt.s32 v19, v9;
	v55 =	vnsel vm9, $0x0, v18;
	[tilespmem:$0x3A70] =	vst v62  }
0x317: {  	vm12 =	vgt.s32 v19, v11;
	v58 =	vnsel vm10, $0x0, v21;
	[tilespmem:$0x3A90] =	vst v55  }
0x318: {  	vm13 =	vgt.s32 v19, v12;
	v17 =	vnsel vm12, $0x0, v57;
	[tilespmem:$0x3AA0] =	vst v58  }
0x319: {  	vm14 =	vgt.s32 v19, v13;
	v20 =	vnsel vm13, $0x0, v60;
	[tilespmem:$0x3AC0] =	vst v17  }
0x31a: {  	vm15 =	vgt.s32 v19, v14;
	[tilespmem:$0x3AD0] =	vst v20;
	v15 =	vnsel vm14, $0x0, v15  }
0x31b: {  	[tilespmem:$0x3AE0] =	vst v15;
	v15 =	vnsel vm15, $0x0, v63  }
0x31c: {  	[tilespmem:$0x3AF0] =	vst v15  }
0x31d: {  	[spmem:s4] =	stream.indirect.scatter.add.f32 [tilespmem:s24], [sflag:$0x1], $0x1, s23, s22, $0xb8;
	[tilespmem:$0x1FB00] =	vst v63  }
0x31e: {  	_ =	swait.ge [sflag:s17], $0x80  }
0x31f: {  	[sflag:s17] =	ssyncset.done $0x0  }
0x320: {  	[sflag:s17] =	ssyncadd.s32 $0xFFFFFF80  }
0x321: {  	[bflag:$0x0] =	sbarrier.arrive $0xFFFF  }
0x322: {  	[hbm:s11], [sflag:s25] =	dma.local [spmem:s26], $0x3700  }
0x323: {  	_ =	swait.ge [sflag:s17], $0x3700  }
0x324: {  	[sflag:s17] =	ssyncset.done $0x0  }
0x325: {  	s31 =	sadd.s32 $0x0, s7;
	[sflag:s17] =	ssyncadd.s32 $0xFFFFC900  }
0x326: {  	[spmem:s31] =	stream.linear.scatter [tilespmem:s16], [sflag:$0x1], $0x800, $0x38;
	[tilespmem:$0x1FB00] =	vst v63  }
0x327: {  	s0 =	simm.s32 $0x2000;
	_ =	swait.ge [sflag:s17], $0x800  }
.LBB2_34:
0x328: {  	s2 =	sshra.s32 s0, $0x2;
	[sflag:s17] =	ssyncset.done $0x0;
	p0 =	sne.s32 s0, $0x6C000  }
.Ltmp27:
0x329: {  	s2 =	sadd.s32 s2, s7;
	[sflag:s17] =	ssyncadd.s32 $0xFFFFF800;
	(pc) =	sbr.rel @p0 .LBB2_34-.Ltmp27, $3  }
0x32a: {  	[spmem:s2] =	stream.linear.scatter [tilespmem:s16], [sflag:$0x1], $0x800, $0x38;
	[tilespmem:$0x1FB00] =	vst v63  }
0x32b: {  	s0 =	sadd.s32 $0x2000, s0;
	_ =	sdelay $0x1  }
0x32c: {  	_ =	swait.ge [sflag:s17], $0x800  }
.Ltmp28:
0x32d: {  	(pc) =	sbr.rel .LBB2_36-.Ltmp28, $4  }
0x32e: {  	[sflag:s17] =	ssyncset.done $0x0  }
0x32f: {  	[sflag:s17] =	ssyncadd.s32 $0xFFFFF800  }
0x330: {  	[bflag:$0x0] =	sbarrier.arrive $0xFFFF  }
0x331: {  	s28 =	simm.s32 $0x0;
	s0 =	simm.s32 $0x0;
	s29 =	simm.s32 $0x0  }
.LBB2_41:
0x332: {  	[sflag:s17] =	ssyncadd.s32 $0xFFFFFF80  }
.LBB2_42:
0x333: {  	s0 =	sshll.u32 s31, $0x7  }
0x334: {  	v15 =	vld [tilespmem:s0+$0x1800]  }
0x335: {  	v16 =	vld [tilespmem:s0+$0x2900];
	_ =	sdelay $0x3  }
0x336: {  	[tilespmem:$0x1800] =	vst v15  }
0x337: {  	[tilespmem:$0x2900] =	vst v16  }
0x338: {  	v15 =	vld [tilespmem:s0+$0x1810]  }
0x339: {  	v16 =	vld [tilespmem:s0+$0x2910];
	_ =	sdelay $0x3  }
0x33a: {  	[tilespmem:$0x1810] =	vst v15  }
0x33b: {  	[tilespmem:$0x2910] =	vst v16  }
0x33c: {  	v15 =	vld [tilespmem:s0+$0x1820]  }
0x33d: {  	v16 =	vld [tilespmem:s0+$0x2920];
	_ =	sdelay $0x3  }
0x33e: {  	[tilespmem:$0x1820] =	vst v15  }
0x33f: {  	[tilespmem:$0x2920] =	vst v16  }
0x340: {  	v15 =	vld [tilespmem:s0+$0x1830]  }
0x341: {  	v16 =	vld [tilespmem:s0+$0x2930];
	_ =	sdelay $0x3  }
0x342: {  	[tilespmem:$0x1830] =	vst v15  }
0x343: {  	[tilespmem:$0x2930] =	vst v16  }
0x344: {  	v15 =	vld [tilespmem:s0+$0x1840]  }
0x345: {  	v16 =	vld [tilespmem:s0+$0x2940];
	_ =	sdelay $0x3  }
0x346: {  	[tilespmem:$0x1840] =	vst v15  }
0x347: {  	[tilespmem:$0x2940] =	vst v16  }
0x348: {  	v15 =	vld [tilespmem:s0+$0x1850]  }
0x349: {  	v16 =	vld [tilespmem:s0+$0x2950];
	_ =	sdelay $0x3  }
0x34a: {  	[tilespmem:$0x1850] =	vst v15  }
0x34b: {  	[tilespmem:$0x2950] =	vst v16  }
0x34c: {  	v15 =	vld [tilespmem:s0+$0x1860]  }
0x34d: {  	v16 =	vld [tilespmem:s0+$0x2960];
	_ =	sdelay $0x3  }
0x34e: {  	[tilespmem:$0x1860] =	vst v15  }
0x34f: {  	[tilespmem:$0x2960] =	vst v16  }
0x350: {  	s29 =	sadd.s32 $0x1, s29;
	v15 =	vld [tilespmem:s0+$0x1870]  }
0x351: {  	p0 =	sne.s32 s29, $0x34;
	v16 =	vld [tilespmem:s0+$0x2970]  }
.Ltmp29:
0x352: {  	_ = 	snop;
	(pc) =	sbr.rel @!p0 .LBB2_43-.Ltmp29, $3  }
0x353: {  	_ =	sdelay $0x1  }
0x354: {  	[tilespmem:$0x1870] =	vst v15  }
0x355: {  	s0 =	ssub.s32 s30, s0;
	[tilespmem:$0x2970] =	vst v16  }
.LBB2_36:
0x356: {  	s2 =	sshll.u32 s29, $0xB  }
0x357: {  	s2 =	sadd.s32 s8, s2  }
0x358: {  	s2 =	sshrl.u32 s2, $0x3  }
0x359: {  	s9 =	sadd.s32 s6, s2  }
0x35a: {  	[tilespmem:s28], [sflag:$0x1] =	stream.linear.gather [hbm4b:s9+s28], $0x800, $0x38;
	[tilespmem:$0x1FB00] =	vst v63  }
0x35b: {  	_ =	swait.ge [sflag:s17], $0x800  }
0x35c: {  	[sflag:s17] =	ssyncset.done $0x0  }
0x35d: {  	s30 =	sadd.s32 s3, s2;
	[sflag:s17] =	ssyncadd.s32 $0xFFFFF800  }
0x35e: {  	[tilespmem:s18], [sflag:$0x1] =	stream.linear.gather [hbm4b:s30+s28], $0x800, $0x38;
	[tilespmem:$0x1FB00] =	vst v63  }
0x35f: {  	_ =	swait.ge [sflag:s17], $0x800  }
0x360: {  	[sflag:s17] =	ssyncset.done $0x0  }
0x361: {  	s2 =	sadd.s32 s1, s2;
	[sflag:s17] =	ssyncadd.s32 $0xFFFFF800  }
0x362: {  	[tilespmem:s19], [sflag:$0x1] =	stream.linear.gather [hbm4b:s2+s28], $0x800, $0x38;
	[tilespmem:$0x1FB00] =	vst v63  }
0x363: {  	_ =	swait.ge [sflag:s17], $0x800  }
0x364: {  	[sflag:s17] =	ssyncset.done $0x0  }
0x365: {  	s2 =	simm.s32 $0x0;
	[sflag:s17] =	ssyncadd.s32 $0xFFFFF800  }
0x366: {  	v15 =	vld [tilespmem:s2+$0x0];
	_ =	sdelay $0x4  }
0x367: {  	v16 =	vsub.s32 v15, v3  }
0x368: {  	vm1 =	vlt.u32 v16, $0x1B8  }
0x369: {  	v17 =	vsel vm1, $0x1, v7  }
0x36a: {  	v18 =	vld [tilespmem:s2+$0x800];
	(xrf0) =	vadd.scan.msk.s32 $0xffff, v17;
	_ =	sdelay $0x4  }
0x36b: {  	v19 =	vsub.s32 v18, v3  }
0x36c: {  	vm0 =	vlt.u32 v19, $0x1B8;
	v17, _, _ =	vpop (xrf0)  }
0x36d: {  	v20 =	vsel vm0, $0x1, v7;
	(v2sf) =	vpush v17, $0xF  }
0x36e: {  	(xrf0) =	vadd.scan.msk.s32 $0xffff, v20;
	_ =	sdelay $0x5  }
0x36f: {  	v20, _, _ =	vpop (xrf0)  }
0x370: {  	(v2sf) =	vpush v20, $0xF;
	_ =	sdelay $0x6  }
0x371: {  	v21 =	vmov s0;
	s31 =	spop (v2sf)  }
0x372: {  	v21 =	vadd.s32 $0xFFFFFFFF, v21;
	s30 =	sadd.s32 s0, s31  }
0x373: {  	v21 =	vbroadcast v21, $0x0;
	v22 =	vmov s30  }
0x374: {  	v23 =	vld [tilespmem:s2+$0x1000];
	v22 =	vadd.s32 $0xFFFFFFFF, v22  }
0x375: {  	v21 =	vadd.s32 v17, v21;
	v17 =	vbroadcast v22, $0x0;
	_ =	sdelay $0x1  }
0x376: {  	v17 =	vadd.s32 v20, v17  }
0x377: {  	v16 =	vshll.u32 v16, $0xC  }
0x378: {  	v18 =	vor.u32 v18, v16;
	v16 =	vmul.f32 $5.000000000e-01, v23;
	s31 =	spop (v2sf)  }
0x379: {  	v19 =	vshll.u32 v19, $0xC;
	[tilespmem:v21+s20+$0x0] =	vst.idx.msk vm1, v18;
	s0 =	sadd.s32 s31, s30  }
0x37a: {  	v18 =	vor.u32 v15, v19;
	[tilespmem:v21+s21+$0x0] =	vst.idx.msk vm1, v16;
	v15 =	vmov s0  }
0x37b: {  	s9 =	simm.s32 $0x80;
	s2 =	simm.s32 $0x40;
	v15 =	vadd.s32 $0xFFFFFFFF, v15;
	[tilespmem:v17+s20+$0x0] =	vst.idx.msk vm0, v18  }
.LBB2_37:
0x37c: {  	p0 =	sne.s32 s9, $0x1FC0  }
0x37d: {  	s30 =	sshra.s32 s2, $0x2;
	[tilespmem:v17+s21+$0x0] =	vst.idx.msk vm0, v16;
	s2 =	smov.u32 s9;
	s9 =	sadd.s32 $0x40, s9  }
0x37e: {  	v16 =	vld [tilespmem:s30+$0x0]  }
0x37f: {  	v17 =	vld [tilespmem:s30+$0x800];
	_ =	sdelay $0x3  }
0x380: {  	v18 =	vsub.s32 v16, v3  }
0x381: {  	vm1 =	vlt.u32 v18, $0x1B8;
	v18 =	vshll.u32 v18, $0xC;
	v19 =	vsub.s32 v17, v3  }
0x382: {  	v17 =	vor.u32 v17, v18;
	v18 =	vsel vm1, $0x1, v7;
	vm0 =	vlt.u32 v19, $0x1B8  }
0x383: {  	v19 =	vshll.u32 v19, $0xC;
	v20 =	vsel vm0, $0x1, v7;
	(xrf0) =	vadd.scan.msk.s32 $0xffff, v18  }
0x384: {  	v18 =	vor.u32 v16, v19;
	(xrf0) =	vadd.scan.msk.s32 $0xffff, v20;
	_ =	sdelay $0x3  }
0x385: {  	v15 =	vbroadcast v15, $0x0  }
0x386: {  	v16 =	vld [tilespmem:s30+$0x1000];
	v19, _, _ =	vpop (xrf0)  }
0x387: {  	v15 =	vadd.s32 v19, v15;
	(v2sf) =	vpush v19, $0xF;
	v19, _, _ =	vpop (xrf0)  }
0x388: {  	(v2sf) =	vpush v19, $0xF;
	_ =	sdelay $0x2  }
0x389: {  	v16 =	vmul.f32 $5.000000000e-01, v16  }
0x38a: {  	[tilespmem:v15+s20+$0x0] =	vst.idx.msk vm1, v17  }
0x38b: {  	[tilespmem:v15+s21+$0x0] =	vst.idx.msk vm1, v16;
	_ =	sdelay $0x8  }
0x38c: {  	s30 =	spop (v2sf)  }
0x38d: {  	s0 =	sadd.s32 s0, s30;
	s30 =	spop (v2sf)  }
0x38e: {  	v15 =	vmov s0;
	s0 =	sadd.s32 s30, s0  }
0x38f: {  	v17 =	vmov s0;
	v20 =	vadd.s32 $0xFFFFFFFF, v15  }
0x390: {  	v15 =	vadd.s32 $0xFFFFFFFF, v17;
	v17 =	vbroadcast v20, $0x0;
	_ =	sdelay $0x1  }
0x391: {  	v17 =	vadd.s32 v19, v17  }
.Ltmp30:
0x392: {  	(pc) =	sbr.rel @p0 .LBB2_37-.Ltmp30, $2  }
0x393: {  	_ =	sdelay $0x2  }
0x394: {  	[tilespmem:v17+s20+$0x0] =	vst.idx.msk vm0, v18  }
0x395: {  	_ =	sdelay $0x4  }
0x396: {  	s2 =	sshra.s32 s2, $0x2;
	[tilespmem:v17+s21+$0x0] =	vst.idx.msk vm0, v16  }
0x397: {  	v16 =	vld [tilespmem:s2+$0x0]  }
0x398: {  	v17 =	vld [tilespmem:s2+$0x800];
	_ =	sdelay $0x3  }
0x399: {  	v18 =	vsub.s32 v16, v3  }
0x39a: {  	v20 =	vsub.s32 v17, v3;
	vm15 =	vlt.u32 v18, $0x1B8  }
0x39b: {  	vm1 =	vlt.u32 v20, $0x1B8;
	v19 =	vsel vm15, $0x1, v7  }
0x39c: {  	v60 =	vsel vm1, $0x1, v7;
	(xrf0) =	vadd.scan.msk.s32 $0xffff, v19  }
0x39d: {  	(xrf0) =	vadd.scan.msk.s32 $0xffff, v60;
	_ =	sdelay $0x4  }
0x39e: {  	v61, _, _ =	vpop (xrf0)  }
0x39f: {  	(v2sf) =	vpush v61, $0xF;
	v21, _, _ =	vpop (xrf0)  }
0x3a0: {  	(v2sf) =	vpush v21, $0xF;
	_ =	sdelay $0xd  }
0x3a1: {  	s9 =	spop (v2sf)  }
0x3a2: {  	s0 =	sadd.s32 s0, s9;
	s9 =	spop (v2sf)  }
0x3a3: {  	s30 =	sadd.s32 s9, s0  }
0x3a4: {  	v22 =	vmov s0;
	s0 =	sand.u32 $0x7F, s30  }
0x3a5: {  	v15 =	vbroadcast v15, $0x0;
	v23 =	vld [tilespmem:s2+$0x1000];
	s2 =	sshra.s32 s30, $0x1F;
	p0 =	slt.s32 s30, $0x1;
	p1 =	sne.s32 s0, $0x0  }
0x3a6: {  	v22 =	vadd.s32 $0xFFFFFFFF, v22;
	s9 =	sshrl.u32 s2, $0x19;
	p0 =	por !p0, !p1  }
0x3a7: {  	v15 =	vadd.s32 v61, v15;
	v62 =	vbroadcast v22, $0x0;
	s2 =	simm.s32 $0x1;
	s0 =	sadd.s32 s9, s30;
	p0 =	por !p0, !p0  }
0x3a8: {  	s0 =	sshra.s32 s0, $0x7;
	s2 =	simm.s32 @!p0 $0x0  }
0x3a9: {  	v19 =	vadd.s32 v21, v62;
	s31 =	ssub.s32 s0, s2  }
0x3aa: {  	v18 =	vshll.u32 v18, $0xC;
	p0 =	slt.s32 s31, $0x1  }
.Ltmp31:
0x3ab: {  	v63 =	vmul.f32 $5.000000000e-01, v23;
	v17 =	vor.u32 v17, v18;
	(pc) =	sbr.rel @p0 .LBB2_42-.Ltmp31, $4  }
0x3ac: {  	v20 =	vshll.u32 v20, $0xC;
	[tilespmem:v15+s20+$0x0] =	vst.idx.msk vm15, v17  }
0x3ad: {  	v16 =	vor.u32 v16, v20;
	[tilespmem:v15+s21+$0x0] =	vst.idx.msk vm15, v63  }
0x3ae: {  	[tilespmem:v19+s20+$0x0] =	vst.idx.msk vm1, v16  }
0x3af: {  	[tilespmem:v19+s21+$0x0] =	vst.idx.msk vm1, v63  }
0x3b0: {  	s0 =	simm.s32 $0x1840  }
0x3b1: {  	v15 =	vld [tilespmem:s0+$0xFFFFFFC0];
	_ =	sdelay $0x4  }
0x3b2: {  	s2 =	simm.s32 $0x2940;
	[tilespmem:$0x3A00] =	vst v15  }
0x3b3: {  	v15 =	vld [tilespmem:s2+$0xFFFFFFC0];
	_ =	sdelay $0x4  }
0x3b4: {  	[tilespmem:$0x3A80] =	vst v15  }
0x3b5: {  	v15 =	vld [tilespmem:s0+$0xFFFFFFD0];
	_ =	sdelay $0x4  }
0x3b6: {  	[tilespmem:$0x3A10] =	vst v15  }
0x3b7: {  	v15 =	vld [tilespmem:s2+$0xFFFFFFD0];
	_ =	sdelay $0x4  }
0x3b8: {  	[tilespmem:$0x3A90] =	vst v15  }
0x3b9: {  	v15 =	vld [tilespmem:s0+$0xFFFFFFE0];
	_ =	sdelay $0x4  }
0x3ba: {  	[tilespmem:$0x3A20] =	vst v15  }
0x3bb: {  	v15 =	vld [tilespmem:s2+$0xFFFFFFE0];
	_ =	sdelay $0x4  }
0x3bc: {  	[tilespmem:$0x3AA0] =	vst v15  }
0x3bd: {  	v15 =	vld [tilespmem:s0+$0xFFFFFFF0];
	_ =	sdelay $0x4  }
0x3be: {  	[tilespmem:$0x3A30] =	vst v15  }
0x3bf: {  	v15 =	vld [tilespmem:s2+$0xFFFFFFF0];
	_ =	sdelay $0x4  }
0x3c0: {  	[tilespmem:$0x3AB0] =	vst v15  }
0x3c1: {  	v15 =	vld [tilespmem:s0+$0x0];
	_ =	sdelay $0x4  }
0x3c2: {  	[tilespmem:$0x3A40] =	vst v15  }
0x3c3: {  	v15 =	vld [tilespmem:s2+$0x0];
	_ =	sdelay $0x4  }
0x3c4: {  	[tilespmem:$0x3AC0] =	vst v15  }
0x3c5: {  	v15 =	vld [tilespmem:s0+$0x10];
	_ =	sdelay $0x4  }
0x3c6: {  	[tilespmem:$0x3A50] =	vst v15  }
0x3c7: {  	v15 =	vld [tilespmem:s2+$0x10];
	_ =	sdelay $0x4  }
0x3c8: {  	[tilespmem:$0x3AD0] =	vst v15  }
0x3c9: {  	v15 =	vld [tilespmem:s0+$0x20];
	_ =	sdelay $0x4  }
0x3ca: {  	[tilespmem:$0x3A60] =	vst v15  }
0x3cb: {  	v15 =	vld [tilespmem:s2+$0x20];
	_ =	sdelay $0x4  }
0x3cc: {  	[tilespmem:$0x3AE0] =	vst v15  }
0x3cd: {  	v15 =	vld [tilespmem:s0+$0x30];
	_ =	sdelay $0x4  }
0x3ce: {  	[tilespmem:$0x3A70] =	vst v15  }
0x3cf: {  	v15 =	vld [tilespmem:s2+$0x30];
	_ =	sdelay $0x2  }
0x3d0: {  	p0 =	sne.s32 s31, $0x1  }
.Ltmp32:
0x3d1: {  	_ = 	snop;
	(pc) =	sbr.rel @!p0 .LBB2_41-.Ltmp32, $4  }
0x3d2: {  	[tilespmem:$0x3AF0] =	vst v15  }
0x3d3: {  	[spmem:s4] =	stream.indirect.scatter.add.f32 [tilespmem:s24], [sflag:$0x1], $0x1, s23, s22, $0xb8;
	[tilespmem:$0x1FB00] =	vst v63  }
0x3d4: {  	_ =	swait.ge [sflag:s17], $0x80  }
0x3d5: {  	s9 =	sadd.s32 $0xFFFFFFFF, s31;
	[sflag:s17] =	ssyncset.done $0x0  }
.LBB2_40:
0x3d6: {  	[sflag:s17] =	ssyncadd.s32 $0xFFFFFF80;
	s0 =	sadd.s32 $0x80, s0;
	s2 =	sadd.s32 $0x80, s2  }
0x3d7: {  	p0 =	sne.s32 s9, $0x1;
	s9 =	sadd.s32 $0xFFFFFFFF, s9;
	v15 =	vld [tilespmem:s0+$0xFFFFFFC0];
	_ =	sdelay $0x4  }
0x3d8: {  	[tilespmem:$0x3A00] =	vst v15  }
0x3d9: {  	v15 =	vld [tilespmem:s2+$0xFFFFFFC0];
	_ =	sdelay $0x4  }
0x3da: {  	[tilespmem:$0x3A80] =	vst v15  }
0x3db: {  	v15 =	vld [tilespmem:s0+$0xFFFFFFD0];
	_ =	sdelay $0x4  }
0x3dc: {  	[tilespmem:$0x3A10] =	vst v15  }
0x3dd: {  	v15 =	vld [tilespmem:s2+$0xFFFFFFD0];
	_ =	sdelay $0x4  }
0x3de: {  	[tilespmem:$0x3A90] =	vst v15  }
0x3df: {  	v15 =	vld [tilespmem:s0+$0xFFFFFFE0];
	_ =	sdelay $0x4  }
0x3e0: {  	[tilespmem:$0x3A20] =	vst v15  }
0x3e1: {  	v15 =	vld [tilespmem:s2+$0xFFFFFFE0];
	_ =	sdelay $0x4  }
0x3e2: {  	[tilespmem:$0x3AA0] =	vst v15  }
0x3e3: {  	v15 =	vld [tilespmem:s0+$0xFFFFFFF0];
	_ =	sdelay $0x4  }
0x3e4: {  	[tilespmem:$0x3A30] =	vst v15  }
0x3e5: {  	v15 =	vld [tilespmem:s2+$0xFFFFFFF0];
	_ =	sdelay $0x4  }
0x3e6: {  	[tilespmem:$0x3AB0] =	vst v15  }
0x3e7: {  	v15 =	vld [tilespmem:s0+$0x0];
	_ =	sdelay $0x4  }
0x3e8: {  	[tilespmem:$0x3A40] =	vst v15  }
0x3e9: {  	v15 =	vld [tilespmem:s2+$0x0];
	_ =	sdelay $0x4  }
0x3ea: {  	[tilespmem:$0x3AC0] =	vst v15  }
0x3eb: {  	v15 =	vld [tilespmem:s0+$0x10];
	_ =	sdelay $0x4  }
0x3ec: {  	[tilespmem:$0x3A50] =	vst v15  }
0x3ed: {  	v15 =	vld [tilespmem:s2+$0x10];
	_ =	sdelay $0x4  }
0x3ee: {  	[tilespmem:$0x3AD0] =	vst v15  }
0x3ef: {  	v15 =	vld [tilespmem:s0+$0x20];
	_ =	sdelay $0x4  }
0x3f0: {  	[tilespmem:$0x3A60] =	vst v15  }
0x3f1: {  	v15 =	vld [tilespmem:s2+$0x20];
	_ =	sdelay $0x4  }
0x3f2: {  	[tilespmem:$0x3AE0] =	vst v15  }
0x3f3: {  	v15 =	vld [tilespmem:s0+$0x30];
	_ =	sdelay $0x4  }
0x3f4: {  	[tilespmem:$0x3A70] =	vst v15  }
0x3f5: {  	v15 =	vld [tilespmem:s2+$0x30];
	_ =	sdelay $0x3  }
.Ltmp33:
0x3f6: {  	(pc) =	sbr.rel @p0 .LBB2_40-.Ltmp33, $4  }
0x3f7: {  	[tilespmem:$0x3AF0] =	vst v15  }
0x3f8: {  	[spmem:s4] =	stream.indirect.scatter.add.f32 [tilespmem:s24], [sflag:$0x1], $0x1, s23, s22, $0xb8;
	[tilespmem:$0x1FB00] =	vst v63  }
0x3f9: {  	_ =	swait.ge [sflag:s17], $0x80  }
0x3fa: {  	[sflag:s17] =	ssyncset.done $0x0  }
.Ltmp34:
0x3fb: {  	_ = 	snop;
	(pc) =	sbr.rel .LBB2_41-.Ltmp34, $1  }
0x3fc: {  	_ =	sdelay $0x3  }
.LBB2_43:
0x3fd: {  	v15 =	vld [tilespmem:$0x1800]  }
0x3fe: {  	v16 =	vld [tilespmem:$0x2900]  }
0x3ff: {  	v17 =	vld [tilespmem:$0x1810]  }
0x400: {  	v20 =	vld [tilespmem:$0x1820]  }
0x401: {  	v54 =	vld [tilespmem:$0x1830]  }
0x402: {  	v19 =	vmov s0;
	v56 =	vld [tilespmem:$0x1840]  }
0x403: {  	v59 =	vld [tilespmem:$0x1850];
	vm0 =	vgt.s32 v19, v5;
	[tilespmem:$0x3A00] =	vst v15  }
0x404: {  	v61 =	vld [tilespmem:$0x1860];
	v15 =	vnsel vm0, $0x0, v16;
	[tilespmem:$0x3A10] =	vst v17  }
0x405: {  	[tilespmem:$0x3A80] =	vst v15;
	v15 =	vld [tilespmem:$0x2930]  }
0x406: {  	v18 =	vld [tilespmem:$0x2910];
	[tilespmem:$0x3A20] =	vst v20  }
0x407: {  	v62 =	vld [tilespmem:$0x1870];
	[tilespmem:$0x3A30] =	vst v54  }
0x408: {  	v21 =	vld [tilespmem:$0x2920];
	[tilespmem:$0x3A40] =	vst v56  }
0x409: {  	v57 =	vld [tilespmem:$0x2940];
	vm11 =	vgt.s32 v19, v10;
	[tilespmem:$0x3A50] =	vst v59  }
0x40a: {  	v60 =	vld [tilespmem:$0x2950];
	[tilespmem:$0x3A60] =	vst v61;
	v15 =	vnsel vm11, $0x0, v15  }
0x40b: {  	vm9 =	vgt.s32 v19, v8;
	[tilespmem:$0x3AB0] =	vst v15;
	v15 =	vld [tilespmem:$0x2960]  }
0x40c: {  	v63 =	vld [tilespmem:$0x2970];
	vm10 =	vgt.s32 v19, v9;
	v55 =	vnsel vm9, $0x0, v18;
	[tilespmem:$0x3A70] =	vst v62  }
0x40d: {  	vm12 =	vgt.s32 v19, v11;
	v58 =	vnsel vm10, $0x0, v21;
	[tilespmem:$0x3A90] =	vst v55  }
0x40e: {  	vm13 =	vgt.s32 v19, v12;
	v17 =	vnsel vm12, $0x0, v57;
	[tilespmem:$0x3AA0] =	vst v58  }
0x40f: {  	vm14 =	vgt.s32 v19, v13;
	v20 =	vnsel vm13, $0x0, v60;
	[tilespmem:$0x3AC0] =	vst v17  }
0x410: {  	vm15 =	vgt.s32 v19, v14;
	[tilespmem:$0x3AD0] =	vst v20;
	v15 =	vnsel vm14, $0x0, v15  }
0x411: {  	[tilespmem:$0x3AE0] =	vst v15;
	v15 =	vnsel vm15, $0x0, v63  }
0x412: {  	[tilespmem:$0x3AF0] =	vst v15  }
0x413: {  	[spmem:s4] =	stream.indirect.scatter.add.f32 [tilespmem:s24], [sflag:$0x1], $0x1, s23, s22, $0xb8;
	[tilespmem:$0x1FB00] =	vst v63  }
0x414: {  	_ =	swait.ge [sflag:s17], $0x80  }
0x415: {  	[sflag:s17] =	ssyncset.done $0x0  }
0x416: {  	[sflag:s17] =	ssyncadd.s32 $0xFFFFFF80  }
0x417: {  	[bflag:$0x0] =	sbarrier.arrive $0xFFFF  }
0x418: {  	[hbm:s12], [sflag:s25] =	dma.local [spmem:s26], $0x3700  }
0x419: {  	_ =	swait.ge [sflag:s17], $0x3700  }
0x41a: {  	[sflag:s17] =	ssyncset.done $0x0  }
0x41b: {  	s31 =	sadd.s32 $0x0, s13;
	[sflag:s17] =	ssyncadd.s32 $0xFFFFC900  }
0x41c: {  	[spmem:s31] =	stream.linear.scatter [tilespmem:s16], [sflag:$0x1], $0x800, $0x38;
	[tilespmem:$0x1FB00] =	vst v63  }
0x41d: {  	s0 =	simm.s32 $0x2000;
	_ =	swait.ge [sflag:s17], $0x800  }
.LBB2_44:
0x41e: {  	s2 =	sshra.s32 s0, $0x2;
	[sflag:s17] =	ssyncset.done $0x0;
	p0 =	sne.s32 s0, $0x46000  }
.Ltmp35:
0x41f: {  	s2 =	sadd.s32 s2, s13;
	[sflag:s17] =	ssyncadd.s32 $0xFFFFF800;
	(pc) =	sbr.rel @p0 .LBB2_44-.Ltmp35, $3  }
0x420: {  	[spmem:s2] =	stream.linear.scatter [tilespmem:s16], [sflag:$0x1], $0x800, $0x38;
	[tilespmem:$0x1FB00] =	vst v63  }
0x421: {  	s0 =	sadd.s32 $0x2000, s0;
	_ =	sdelay $0x1  }
0x422: {  	_ =	swait.ge [sflag:s17], $0x800  }
.Ltmp36:
0x423: {  	(pc) =	sbr.rel .LBB2_46-.Ltmp36, $4  }
0x424: {  	[sflag:s17] =	ssyncset.done $0x0  }
0x425: {  	[sflag:s17] =	ssyncadd.s32 $0xFFFFF800  }
0x426: {  	[bflag:$0x0] =	sbarrier.arrive $0xFFFF  }
0x427: {  	s26 =	simm.s32 $0x0;
	s0 =	simm.s32 $0x0;
	s28 =	simm.s32 $0x0  }
.LBB2_51:
0x428: {  	[sflag:s17] =	ssyncadd.s32 $0xFFFFFF80  }
.LBB2_52:
0x429: {  	s0 =	sshll.u32 s30, $0x7  }
0x42a: {  	v15 =	vld [tilespmem:s0+$0x1800]  }
0x42b: {  	v16 =	vld [tilespmem:s0+$0x2900];
	_ =	sdelay $0x3  }
0x42c: {  	[tilespmem:$0x1800] =	vst v15  }
0x42d: {  	[tilespmem:$0x2900] =	vst v16  }
0x42e: {  	v15 =	vld [tilespmem:s0+$0x1810]  }
0x42f: {  	v16 =	vld [tilespmem:s0+$0x2910];
	_ =	sdelay $0x3  }
0x430: {  	[tilespmem:$0x1810] =	vst v15  }
0x431: {  	[tilespmem:$0x2910] =	vst v16  }
0x432: {  	v15 =	vld [tilespmem:s0+$0x1820]  }
0x433: {  	v16 =	vld [tilespmem:s0+$0x2920];
	_ =	sdelay $0x3  }
0x434: {  	[tilespmem:$0x1820] =	vst v15  }
0x435: {  	[tilespmem:$0x2920] =	vst v16  }
0x436: {  	v15 =	vld [tilespmem:s0+$0x1830]  }
0x437: {  	v16 =	vld [tilespmem:s0+$0x2930];
	_ =	sdelay $0x3  }
0x438: {  	[tilespmem:$0x1830] =	vst v15  }
0x439: {  	[tilespmem:$0x2930] =	vst v16  }
0x43a: {  	v15 =	vld [tilespmem:s0+$0x1840]  }
0x43b: {  	v16 =	vld [tilespmem:s0+$0x2940];
	_ =	sdelay $0x3  }
0x43c: {  	[tilespmem:$0x1840] =	vst v15  }
0x43d: {  	[tilespmem:$0x2940] =	vst v16  }
0x43e: {  	v15 =	vld [tilespmem:s0+$0x1850]  }
0x43f: {  	v16 =	vld [tilespmem:s0+$0x2950];
	_ =	sdelay $0x3  }
0x440: {  	[tilespmem:$0x1850] =	vst v15  }
0x441: {  	[tilespmem:$0x2950] =	vst v16  }
0x442: {  	v15 =	vld [tilespmem:s0+$0x1860]  }
0x443: {  	v16 =	vld [tilespmem:s0+$0x2960];
	_ =	sdelay $0x3  }
0x444: {  	[tilespmem:$0x1860] =	vst v15  }
0x445: {  	[tilespmem:$0x2960] =	vst v16  }
0x446: {  	s28 =	sadd.s32 $0x1, s28;
	v15 =	vld [tilespmem:s0+$0x1870]  }
0x447: {  	p0 =	sne.s32 s28, $0x34;
	v16 =	vld [tilespmem:s0+$0x2970]  }
.Ltmp37:
0x448: {  	_ = 	snop;
	(pc) =	sbr.rel @!p0 .LBB2_53-.Ltmp37, $3  }
0x449: {  	_ =	sdelay $0x1  }
0x44a: {  	[tilespmem:$0x1870] =	vst v15  }
0x44b: {  	s0 =	ssub.s32 s29, s0;
	[tilespmem:$0x2970] =	vst v16  }
.LBB2_46:
0x44c: {  	s2 =	sshll.u32 s28, $0xB  }
0x44d: {  	s2 =	sadd.s32 s8, s2  }
0x44e: {  	s2 =	sshrl.u32 s2, $0x3  }
0x44f: {  	s9 =	sadd.s32 s6, s2  }
0x450: {  	[tilespmem:s26], [sflag:$0x1] =	stream.linear.gather [hbm4b:s9+s26], $0x800, $0x38;
	[tilespmem:$0x1FB00] =	vst v63  }
0x451: {  	_ =	swait.ge [sflag:s17], $0x800  }
0x452: {  	[sflag:s17] =	ssyncset.done $0x0  }
0x453: {  	s30 =	sadd.s32 s3, s2;
	[sflag:s17] =	ssyncadd.s32 $0xFFFFF800  }
0x454: {  	[tilespmem:s18], [sflag:$0x1] =	stream.linear.gather [hbm4b:s30+s26], $0x800, $0x38;
	[tilespmem:$0x1FB00] =	vst v63  }
0x455: {  	_ =	swait.ge [sflag:s17], $0x800  }
0x456: {  	[sflag:s17] =	ssyncset.done $0x0  }
0x457: {  	s2 =	sadd.s32 s1, s2;
	[sflag:s17] =	ssyncadd.s32 $0xFFFFF800  }
0x458: {  	[tilespmem:s19], [sflag:$0x1] =	stream.linear.gather [hbm4b:s2+s26], $0x800, $0x38;
	[tilespmem:$0x1FB00] =	vst v63  }
0x459: {  	_ =	swait.ge [sflag:s17], $0x800  }
0x45a: {  	[sflag:s17] =	ssyncset.done $0x0  }
0x45b: {  	s31 =	simm.s32 $0x0;
	[sflag:s17] =	ssyncadd.s32 $0xFFFFF800  }
0x45c: {  	v15 =	vld [tilespmem:s31+$0x0];
	_ =	sdelay $0x4  }
0x45d: {  	v16 =	vsub.s32 v15, v4  }
0x45e: {  	vm1 =	vlt.u32 v16, $0x120  }
0x45f: {  	v17 =	vsel vm1, $0x1, v7  }
0x460: {  	v18 =	vld [tilespmem:s31+$0x800];
	(xrf0) =	vadd.scan.msk.s32 $0xffff, v17;
	_ =	sdelay $0x4  }
0x461: {  	v19 =	vsub.s32 v18, v4  }
0x462: {  	vm0 =	vlt.u32 v19, $0x120;
	v17, _, _ =	vpop (xrf0)  }
0x463: {  	v20 =	vsel vm0, $0x1, v7;
	(v2sf) =	vpush v17, $0xF  }
0x464: {  	(xrf0) =	vadd.scan.msk.s32 $0xffff, v20;
	_ =	sdelay $0x5  }
0x465: {  	v20, _, _ =	vpop (xrf0)  }
0x466: {  	(v2sf) =	vpush v20, $0xF;
	_ =	sdelay $0x6  }
0x467: {  	v21 =	vmov s0;
	s29 =	spop (v2sf)  }
0x468: {  	v21 =	vadd.s32 $0xFFFFFFFF, v21;
	s30 =	sadd.s32 s0, s29  }
0x469: {  	v21 =	vbroadcast v21, $0x0;
	v22 =	vmov s30  }
0x46a: {  	v23 =	vld [tilespmem:s31+$0x1000];
	v22 =	vadd.s32 $0xFFFFFFFF, v22  }
0x46b: {  	v21 =	vadd.s32 v17, v21;
	v17 =	vbroadcast v22, $0x0;
	_ =	sdelay $0x1  }
0x46c: {  	v17 =	vadd.s32 v20, v17  }
0x46d: {  	v16 =	vshll.u32 v16, $0xC  }
0x46e: {  	v18 =	vor.u32 v18, v16;
	v16 =	vmul.f32 $5.000000000e-01, v23;
	s31 =	spop (v2sf)  }
0x46f: {  	v19 =	vshll.u32 v19, $0xC;
	[tilespmem:v21+s20+$0x0] =	vst.idx.msk vm1, v18;
	s0 =	sadd.s32 s31, s30  }
0x470: {  	v18 =	vor.u32 v15, v19;
	[tilespmem:v21+s21+$0x0] =	vst.idx.msk vm1, v16;
	v15 =	vmov s0  }
0x471: {  	s9 =	simm.s32 $0x80;
	s2 =	simm.s32 $0x40;
	v15 =	vadd.s32 $0xFFFFFFFF, v15;
	[tilespmem:v17+s20+$0x0] =	vst.idx.msk vm0, v18  }
.LBB2_47:
0x472: {  	p0 =	sne.s32 s9, $0x1FC0  }
0x473: {  	s29 =	sshra.s32 s2, $0x2;
	[tilespmem:v17+s21+$0x0] =	vst.idx.msk vm0, v16;
	s2 =	smov.u32 s9;
	s9 =	sadd.s32 $0x40, s9  }
0x474: {  	v16 =	vld [tilespmem:s29+$0x0]  }
0x475: {  	v17 =	vld [tilespmem:s29+$0x800];
	_ =	sdelay $0x3  }
0x476: {  	v18 =	vsub.s32 v16, v4  }
0x477: {  	vm1 =	vlt.u32 v18, $0x120;
	v18 =	vshll.u32 v18, $0xC;
	v19 =	vsub.s32 v17, v4  }
0x478: {  	v17 =	vor.u32 v17, v18;
	v18 =	vsel vm1, $0x1, v7;
	vm0 =	vlt.u32 v19, $0x120  }
0x479: {  	v19 =	vshll.u32 v19, $0xC;
	v20 =	vsel vm0, $0x1, v7;
	(xrf0) =	vadd.scan.msk.s32 $0xffff, v18  }
0x47a: {  	v18 =	vor.u32 v16, v19;
	(xrf0) =	vadd.scan.msk.s32 $0xffff, v20;
	_ =	sdelay $0x3  }
0x47b: {  	v15 =	vbroadcast v15, $0x0  }
0x47c: {  	v16 =	vld [tilespmem:s29+$0x1000];
	v19, _, _ =	vpop (xrf0)  }
0x47d: {  	v15 =	vadd.s32 v19, v15;
	(v2sf) =	vpush v19, $0xF;
	v19, _, _ =	vpop (xrf0)  }
0x47e: {  	(v2sf) =	vpush v19, $0xF;
	_ =	sdelay $0x2  }
0x47f: {  	v16 =	vmul.f32 $5.000000000e-01, v16  }
0x480: {  	[tilespmem:v15+s20+$0x0] =	vst.idx.msk vm1, v17  }
0x481: {  	[tilespmem:v15+s21+$0x0] =	vst.idx.msk vm1, v16;
	_ =	sdelay $0x8  }
0x482: {  	s29 =	spop (v2sf)  }
0x483: {  	s0 =	sadd.s32 s0, s29;
	s29 =	spop (v2sf)  }
0x484: {  	v15 =	vmov s0;
	s0 =	sadd.s32 s29, s0  }
0x485: {  	v17 =	vmov s0;
	v20 =	vadd.s32 $0xFFFFFFFF, v15  }
0x486: {  	v15 =	vadd.s32 $0xFFFFFFFF, v17;
	v17 =	vbroadcast v20, $0x0;
	_ =	sdelay $0x1  }
0x487: {  	v17 =	vadd.s32 v19, v17  }
.Ltmp38:
0x488: {  	(pc) =	sbr.rel @p0 .LBB2_47-.Ltmp38, $2  }
0x489: {  	_ =	sdelay $0x2  }
0x48a: {  	[tilespmem:v17+s20+$0x0] =	vst.idx.msk vm0, v18  }
0x48b: {  	_ =	sdelay $0x4  }
0x48c: {  	s2 =	sshra.s32 s2, $0x2;
	[tilespmem:v17+s21+$0x0] =	vst.idx.msk vm0, v16  }
0x48d: {  	v16 =	vld [tilespmem:s2+$0x0]  }
0x48e: {  	v17 =	vld [tilespmem:s2+$0x800];
	_ =	sdelay $0x3  }
0x48f: {  	v18 =	vsub.s32 v16, v4  }
0x490: {  	v20 =	vsub.s32 v17, v4;
	vm15 =	vlt.u32 v18, $0x120  }
0x491: {  	vm1 =	vlt.u32 v20, $0x120;
	v19 =	vsel vm15, $0x1, v7  }
0x492: {  	v60 =	vsel vm1, $0x1, v7;
	(xrf0) =	vadd.scan.msk.s32 $0xffff, v19  }
0x493: {  	(xrf0) =	vadd.scan.msk.s32 $0xffff, v60;
	_ =	sdelay $0x4  }
0x494: {  	v61, _, _ =	vpop (xrf0)  }
0x495: {  	(v2sf) =	vpush v61, $0xF;
	v21, _, _ =	vpop (xrf0)  }
0x496: {  	(v2sf) =	vpush v21, $0xF;
	_ =	sdelay $0xd  }
0x497: {  	s9 =	spop (v2sf)  }
0x498: {  	s0 =	sadd.s32 s0, s9;
	s9 =	spop (v2sf)  }
0x499: {  	s29 =	sadd.s32 s9, s0  }
0x49a: {  	v22 =	vmov s0;
	s0 =	sand.u32 $0x7F, s29  }
0x49b: {  	v15 =	vbroadcast v15, $0x0;
	v23 =	vld [tilespmem:s2+$0x1000];
	s2 =	sshra.s32 s29, $0x1F;
	p0 =	slt.s32 s29, $0x1;
	p1 =	sne.s32 s0, $0x0  }
0x49c: {  	v22 =	vadd.s32 $0xFFFFFFFF, v22;
	s31 =	sshrl.u32 s2, $0x19;
	p0 =	por !p0, !p1  }
0x49d: {  	v15 =	vadd.s32 v61, v15;
	v62 =	vbroadcast v22, $0x0;
	s2 =	simm.s32 $0x1;
	s0 =	sadd.s32 s31, s29;
	p0 =	por !p0, !p0  }
0x49e: {  	s0 =	sshra.s32 s0, $0x7;
	s2 =	simm.s32 @!p0 $0x0  }
0x49f: {  	v19 =	vadd.s32 v21, v62;
	s30 =	ssub.s32 s0, s2  }
0x4a0: {  	v18 =	vshll.u32 v18, $0xC;
	p0 =	slt.s32 s30, $0x1  }
.Ltmp39:
0x4a1: {  	v63 =	vmul.f32 $5.000000000e-01, v23;
	v17 =	vor.u32 v17, v18;
	(pc) =	sbr.rel @p0 .LBB2_52-.Ltmp39, $4  }
0x4a2: {  	v20 =	vshll.u32 v20, $0xC;
	[tilespmem:v15+s20+$0x0] =	vst.idx.msk vm15, v17  }
0x4a3: {  	v16 =	vor.u32 v16, v20;
	[tilespmem:v15+s21+$0x0] =	vst.idx.msk vm15, v63  }
0x4a4: {  	[tilespmem:v19+s20+$0x0] =	vst.idx.msk vm1, v16  }
0x4a5: {  	[tilespmem:v19+s21+$0x0] =	vst.idx.msk vm1, v63  }
0x4a6: {  	s0 =	simm.s32 $0x1840  }
0x4a7: {  	v15 =	vld [tilespmem:s0+$0xFFFFFFC0];
	_ =	sdelay $0x4  }
0x4a8: {  	s2 =	simm.s32 $0x2940;
	[tilespmem:$0x3A00] =	vst v15  }
0x4a9: {  	v15 =	vld [tilespmem:s2+$0xFFFFFFC0];
	_ =	sdelay $0x4  }
0x4aa: {  	[tilespmem:$0x3A80] =	vst v15  }
0x4ab: {  	v15 =	vld [tilespmem:s0+$0xFFFFFFD0];
	_ =	sdelay $0x4  }
0x4ac: {  	[tilespmem:$0x3A10] =	vst v15  }
0x4ad: {  	v15 =	vld [tilespmem:s2+$0xFFFFFFD0];
	_ =	sdelay $0x4  }
0x4ae: {  	[tilespmem:$0x3A90] =	vst v15  }
0x4af: {  	v15 =	vld [tilespmem:s0+$0xFFFFFFE0];
	_ =	sdelay $0x4  }
0x4b0: {  	[tilespmem:$0x3A20] =	vst v15  }
0x4b1: {  	v15 =	vld [tilespmem:s2+$0xFFFFFFE0];
	_ =	sdelay $0x4  }
0x4b2: {  	[tilespmem:$0x3AA0] =	vst v15  }
0x4b3: {  	v15 =	vld [tilespmem:s0+$0xFFFFFFF0];
	_ =	sdelay $0x4  }
0x4b4: {  	[tilespmem:$0x3A30] =	vst v15  }
0x4b5: {  	v15 =	vld [tilespmem:s2+$0xFFFFFFF0];
	_ =	sdelay $0x4  }
0x4b6: {  	[tilespmem:$0x3AB0] =	vst v15  }
0x4b7: {  	v15 =	vld [tilespmem:s0+$0x0];
	_ =	sdelay $0x4  }
0x4b8: {  	[tilespmem:$0x3A40] =	vst v15  }
0x4b9: {  	v15 =	vld [tilespmem:s2+$0x0];
	_ =	sdelay $0x4  }
0x4ba: {  	[tilespmem:$0x3AC0] =	vst v15  }
0x4bb: {  	v15 =	vld [tilespmem:s0+$0x10];
	_ =	sdelay $0x4  }
0x4bc: {  	[tilespmem:$0x3A50] =	vst v15  }
0x4bd: {  	v15 =	vld [tilespmem:s2+$0x10];
	_ =	sdelay $0x4  }
0x4be: {  	[tilespmem:$0x3AD0] =	vst v15  }
0x4bf: {  	v15 =	vld [tilespmem:s0+$0x20];
	_ =	sdelay $0x4  }
0x4c0: {  	[tilespmem:$0x3A60] =	vst v15  }
0x4c1: {  	v15 =	vld [tilespmem:s2+$0x20];
	_ =	sdelay $0x4  }
0x4c2: {  	[tilespmem:$0x3AE0] =	vst v15  }
0x4c3: {  	v15 =	vld [tilespmem:s0+$0x30];
	_ =	sdelay $0x4  }
0x4c4: {  	[tilespmem:$0x3A70] =	vst v15  }
0x4c5: {  	v15 =	vld [tilespmem:s2+$0x30];
	_ =	sdelay $0x2  }
0x4c6: {  	p0 =	sne.s32 s30, $0x1  }
.Ltmp40:
0x4c7: {  	_ = 	snop;
	(pc) =	sbr.rel @!p0 .LBB2_51-.Ltmp40, $4  }
0x4c8: {  	[tilespmem:$0x3AF0] =	vst v15  }
0x4c9: {  	[spmem:s4] =	stream.indirect.scatter.add.f32 [tilespmem:s24], [sflag:$0x1], $0x1, s23, s22, $0xb8;
	[tilespmem:$0x1FB00] =	vst v63  }
0x4ca: {  	_ =	swait.ge [sflag:s17], $0x80  }
0x4cb: {  	s9 =	sadd.s32 $0xFFFFFFFF, s30;
	[sflag:s17] =	ssyncset.done $0x0  }
.LBB2_50:
0x4cc: {  	[sflag:s17] =	ssyncadd.s32 $0xFFFFFF80;
	s0 =	sadd.s32 $0x80, s0;
	s2 =	sadd.s32 $0x80, s2  }
0x4cd: {  	p0 =	sne.s32 s9, $0x1;
	s9 =	sadd.s32 $0xFFFFFFFF, s9;
	v15 =	vld [tilespmem:s0+$0xFFFFFFC0];
	_ =	sdelay $0x4  }
0x4ce: {  	[tilespmem:$0x3A00] =	vst v15  }
0x4cf: {  	v15 =	vld [tilespmem:s2+$0xFFFFFFC0];
	_ =	sdelay $0x4  }
0x4d0: {  	[tilespmem:$0x3A80] =	vst v15  }
0x4d1: {  	v15 =	vld [tilespmem:s0+$0xFFFFFFD0];
	_ =	sdelay $0x4  }
0x4d2: {  	[tilespmem:$0x3A10] =	vst v15  }
0x4d3: {  	v15 =	vld [tilespmem:s2+$0xFFFFFFD0];
	_ =	sdelay $0x4  }
0x4d4: {  	[tilespmem:$0x3A90] =	vst v15  }
0x4d5: {  	v15 =	vld [tilespmem:s0+$0xFFFFFFE0];
	_ =	sdelay $0x4  }
0x4d6: {  	[tilespmem:$0x3A20] =	vst v15  }
0x4d7: {  	v15 =	vld [tilespmem:s2+$0xFFFFFFE0];
	_ =	sdelay $0x4  }
0x4d8: {  	[tilespmem:$0x3AA0] =	vst v15  }
0x4d9: {  	v15 =	vld [tilespmem:s0+$0xFFFFFFF0];
	_ =	sdelay $0x4  }
0x4da: {  	[tilespmem:$0x3A30] =	vst v15  }
0x4db: {  	v15 =	vld [tilespmem:s2+$0xFFFFFFF0];
	_ =	sdelay $0x4  }
0x4dc: {  	[tilespmem:$0x3AB0] =	vst v15  }
0x4dd: {  	v15 =	vld [tilespmem:s0+$0x0];
	_ =	sdelay $0x4  }
0x4de: {  	[tilespmem:$0x3A40] =	vst v15  }
0x4df: {  	v15 =	vld [tilespmem:s2+$0x0];
	_ =	sdelay $0x4  }
0x4e0: {  	[tilespmem:$0x3AC0] =	vst v15  }
0x4e1: {  	v15 =	vld [tilespmem:s0+$0x10];
	_ =	sdelay $0x4  }
0x4e2: {  	[tilespmem:$0x3A50] =	vst v15  }
0x4e3: {  	v15 =	vld [tilespmem:s2+$0x10];
	_ =	sdelay $0x4  }
0x4e4: {  	[tilespmem:$0x3AD0] =	vst v15  }
0x4e5: {  	v15 =	vld [tilespmem:s0+$0x20];
	_ =	sdelay $0x4  }
0x4e6: {  	[tilespmem:$0x3A60] =	vst v15  }
0x4e7: {  	v15 =	vld [tilespmem:s2+$0x20];
	_ =	sdelay $0x4  }
0x4e8: {  	[tilespmem:$0x3AE0] =	vst v15  }
0x4e9: {  	v15 =	vld [tilespmem:s0+$0x30];
	_ =	sdelay $0x4  }
0x4ea: {  	[tilespmem:$0x3A70] =	vst v15  }
0x4eb: {  	v15 =	vld [tilespmem:s2+$0x30];
	_ =	sdelay $0x3  }
.Ltmp41:
0x4ec: {  	(pc) =	sbr.rel @p0 .LBB2_50-.Ltmp41, $4  }
0x4ed: {  	[tilespmem:$0x3AF0] =	vst v15  }
0x4ee: {  	[spmem:s4] =	stream.indirect.scatter.add.f32 [tilespmem:s24], [sflag:$0x1], $0x1, s23, s22, $0xb8;
	[tilespmem:$0x1FB00] =	vst v63  }
0x4ef: {  	_ =	swait.ge [sflag:s17], $0x80  }
0x4f0: {  	[sflag:s17] =	ssyncset.done $0x0  }
.Ltmp42:
0x4f1: {  	_ = 	snop;
	(pc) =	sbr.rel .LBB2_51-.Ltmp42, $1  }
0x4f2: {  	_ =	sdelay $0x3  }
.LBB2_54:
0x4f3: {  	_ =	sfence.sel $0x180000  }
0x4f4: {  	[bflag:$0x0] =	sbarrier.arrive $0xFFFF  }
0x4f5: {  	_ =	strace $0x90000047  }
0x4f6: {  	s0 =	stileid.u32;
	[bflag:$0x2] =	sbarrier.arrive $0xFFFF  }
0x4f7: {  	p0 =	sne.s32 s0, $0x0;
	s0 =	rddreg [dreg:$0x3]  }
0x4f8: {  	s0 =	sadd.s32 @!p0 $0x100000, s0  }
0x4f9: {  	[sflag:s0] =	ssyncadd.tile.s32 @!p0 $0x1;
	_ =	shalt  }
.Lfunc_end2:
_tile_overlayer_lowered:
.L_overlay_start_2:
0x4fa: {  	(tag) =	ssettag $0x2  }
0x4fb: {  	s0 =	rddreg [dreg:$0x0];
	s2 =	stileid.u32  }
0x4fc: {  	s1 =	rddreg [dreg:$0x1];
	p0 =	sne.s32 s2, $0x0  }
0x4fd: {  	s3 =	rddreg [dreg:$0x2];
	[bflag:$0x3] =	sbarrier.arrive $0xFFFF;
	s2 =	simm.s32 @!p0 $0x1C01  }
0x4fe: {  	[timem:s3], [sflag:s2] =	dma.local @!p0 [hbm:s0], s1  }
0x4ff: {  	s0 =	simm.s32 @!p0 $0x1  }
0x500: {  	_ =	swait.ge @!p0 [sflag:s0], s1  }
0x501: {  	s1 =	ssub.s32 @!p0 $0x0, s1;
	[sflag:s0] =	ssyncset.done @!p0 $0x0  }
0x502: {  	[sflag:s0] =	ssyncadd.s32 @!p0 s1  }
0x503: {  	[bflag:$0x3] =	sbarrier.arrive $0xFFFF  }
0x504: {  	_ =	shalt  }

</sc_bundles>
